<compile_context>
chip_gen: v7x
topology: tpu7x:2x2x1
jax: 0.10.2.dev20260603
libtpu: 0.0.44.dev20260713+nightly
codegen_flags: <defaults>
</compile_context>

<pallas_src>
import functools
import jax
import jax.numpy as jnp
from jax import lax
from jax.experimental import pallas as pl
from jax.experimental.pallas import tpu as pltpu
from jax.experimental.pallas import tpu_sc as plsc

_MAXW = 500.0


def _sc_coalesce(src, idxs, zeros, n_rows, n_points, half):
    NC, NS = 2, 16
    per_tile = n_points // NS
    n_chunks = per_tile // 128
    wchunk = half // NS
    mesh = plsc.VectorSubcoreMesh(core_axis_name="c", subcore_axis_name="s")

    @functools.partial(
        pl.kernel,
        mesh=mesh,
        out_type=jax.ShapeDtypeStruct((n_rows * 2 * half,), jnp.float32),
        scratch_types=[
            pltpu.VMEM_SHARED((half + 8,), jnp.float32),
            pltpu.VMEM((128,), jnp.int32),
            pltpu.VMEM((128,), jnp.float32),
        ],
    )
    def k(src_hbm, idxs_hbm, zeros_hbm, out_hbm, acc, idx_v, src_v):
        cid = lax.axis_index("c")
        sid = lax.axis_index("s")
        base = sid * per_tile
        for p in range(n_rows):
            row = cid * n_rows + p

            @pl.when(sid == 0)
            def _():
                pltpu.sync_copy(zeros_hbm, acc)

            plsc.subcore_barrier()

            def body(j, carry):
                off = base + j * 128
                pltpu.sync_copy(
                    idxs_hbm.at[pl.ds(row * n_points + off, 128)], idx_v)
                pltpu.sync_copy(
                    src_hbm.at[pl.ds(p * n_points + off, 128)], src_v)
                pltpu.sync_copy(src_v, acc.at[idx_v], add=True)
                return carry

            lax.fori_loop(0, n_chunks, body, 0)
            plsc.subcore_barrier()
            pltpu.sync_copy(
                acc.at[pl.ds(sid * wchunk, wchunk)],
                out_hbm.at[pl.ds(p * 2 * half + cid * half + sid * wchunk,
                                 wchunk)],
            )
            plsc.subcore_barrier()

    out = k(src.reshape(-1), idxs.reshape(-1), zeros)
    return out.reshape(n_rows, 2 * half)


def _dense_body(v_ref, w_ref, fw_ref, ft_ref, c_ref,
                nv_ref, nw_ref, nfw_ref, nft_ref):
    v = v_ref[...]
    w = w_ref[...]
    fw = fw_ref[...]
    ft = ft_ref[...]
    cc = c_ref[...]
    occ = cc[0]
    upd = cc[1]
    wc = cc[2]
    occe = cc[3]
    wec = cc[4]
    occf = cc[5]
    wfc = cc[6]
    fs = cc[7:]

    denom = w + wc
    vu = (w * v + upd) / denom
    wu = jnp.clip(w + wc, 0.0, _MAXW)
    denome = w + wec
    vue = (w * v + 0.1 * wec) / denome
    wue = jnp.clip(w + wec, 0.0, _MAXW)
    nv_ref[...] = jnp.where(occ > 0, vu, jnp.where(occe > 0, vue, v))
    nw_ref[...] = jnp.where(occ > 0, wu, jnp.where(occe > 0, wue, w))

    denomf = w + wfc
    fu = (w[None] * ft + fs) / denomf[None]
    nft_ref[...] = jnp.where(occf[None] > 0, fu, ft)
    nfw_ref[...] = jnp.where(occf > 0, jnp.clip(w + wfc, 0.0, _MAXW), fw)


def _dense_update(vflat, wflat, fwflat, feat_t, coal, rows, cols, f4, n_rows):
    BR = 32
    grid = rows // BR
    v2 = vflat.reshape(rows, cols)
    w2 = wflat.reshape(rows, cols)
    fw2 = fwflat.reshape(rows, cols)
    ft3 = feat_t.reshape(f4, rows, cols)
    c3 = coal.reshape(n_rows, rows, cols)
    out_shapes = (
        jax.ShapeDtypeStruct((rows, cols), jnp.float32),
        jax.ShapeDtypeStruct((rows, cols), jnp.float32),
        jax.ShapeDtypeStruct((rows, cols), jnp.float32),
        jax.ShapeDtypeStruct((f4, rows, cols), jnp.float32),
    )
    s2 = pl.BlockSpec((BR, cols), lambda i: (i, 0))
    s3f = pl.BlockSpec((f4, BR, cols), lambda i: (0, i, 0))
    s3c = pl.BlockSpec((n_rows, BR, cols), lambda i: (0, i, 0))
    return pl.pallas_call(
        _dense_body,
        grid=(grid,),
        in_specs=[s2, s2, s2, s3f, s3c],
        out_specs=(s2, s2, s2, s3f),
        out_shape=out_shapes,
    )(v2, w2, fw2, ft3, c3)


def kernel(update_values, update_features, update_indices,
           update_feature_indices, filter_indices, update_weights,
           update_indices_empty, update_weights_empty, values_volume,
           features_volume, weights_volume, feature_weights_volume):
    xs, ys, zs = values_volume.shape
    f4 = update_features.shape[-1]
    M = xs * ys * zs
    H = M // 2
    n = update_weights.size

    values = update_values.reshape(-1).astype(jnp.float32)
    feat = update_features.reshape(-1, f4).astype(jnp.float32)
    w = update_weights.reshape(-1).astype(jnp.float32)
    we = update_weights_empty.reshape(-1).astype(jnp.float32)
    ia = update_indices.reshape(-1, 3).astype(jnp.int32)
    ifa = update_feature_indices.reshape(-1, 3).astype(jnp.int32)
    iea = update_indices_empty.reshape(-1, 3).astype(jnp.int32)

    def lin(ix):
        return ys * zs * ix[:, 0] + zs * ix[:, 1] + ix[:, 2]

    idx = lin(ia)
    idx_e = lin(iea)
    idx_f = lin(ifa)

    ones = jnp.ones((n,), jnp.float32)
    wf_feat = (w[:, None] * feat).T
    src = jnp.concatenate([
        jnp.stack([ones, w * values, w, ones, we, ones, w]),
        wf_feat,
    ], axis=0)
    n_rows = src.shape[0]

    idx_rows = jnp.stack([idx, idx, idx, idx_e, idx_e, idx_f, idx_f]
                         + [idx_f] * f4)
    halves = []
    for h in range(2):
        local = idx_rows - h * H
        ok = (local >= 0) & (local < H)
        halves.append(jnp.where(ok, local, H))
    idxs = jnp.concatenate(halves, axis=0).astype(jnp.int32)
    zeros = jnp.zeros((H + 8,), jnp.float32)

    coal = _sc_coalesce(src, idxs, zeros, n_rows, n, H)

    fvol_t = features_volume.reshape(M, f4).T.reshape(f4, M)

    rows, cols = 2048, M // 2048
    nv, nw, nfw, nft = _dense_update(
        values_volume.reshape(-1), weights_volume.reshape(-1),
        feature_weights_volume.reshape(-1), fvol_t, coal,
        rows, cols, f4, n_rows)

    new_values = nv.reshape(xs, ys, zs)
    new_weights = nw.reshape(xs, ys, zs)
    new_features = nft.reshape(f4, M).T.reshape(xs, ys, zs, f4)
    new_feature_weights = nfw.reshape(xs, ys, zs)
    return (new_values, new_weights, new_features, new_feature_weights)

# --- scband reference (transcript-rebuilt; emitter-appended) ---
"""Pipeline reference for scband-integrator-84310208020600 (READ-ONLY COPY).

The authoritative reference and input builder live on the scoring server;
editing this copy changes nothing except your own understanding.
"""

import jax, jax.numpy as jnp
import numpy as np

MAX_WEIGHT = 500.0
D = 128
F4 = 16
N = 4 * 256 * 256


def setup_inputs(seed: int = 0):
    key = jax.random.key(seed)
    ks = jax.random.split(key, 12)
    inp = {}
    inp['update_values'] = jax.random.normal(ks[0], (4, 256, 256), dtype=jnp.float32)
    inp['update_features'] = jax.random.normal(ks[1], (4, 256, 256, F4), dtype=jnp.float32)
    inp['update_indices'] = jax.random.randint(ks[2], (N, 3), 0, D)
    inp['update_feature_indices'] = jax.random.randint(ks[3], (N, 3), 0, D)
    inp['filter_indices'] = jax.random.randint(ks[4], (N, 3), 0, D)
    inp['update_weights'] = jax.random.uniform(ks[5], (N,), dtype=jnp.float32)
    inp['update_indices_empty'] = jax.random.randint(ks[6], (N, 3), 0, D)
    inp['update_weights_empty'] = jax.random.uniform(ks[7], (N,), dtype=jnp.float32)
    inp['values_volume'] = jax.random.normal(ks[8], (D, D, D), dtype=jnp.float32)
    inp['features_volume'] = jax.random.normal(ks[9], (D, D, D, F4), dtype=jnp.float32)
    inp['weights_volume'] = jax.random.uniform(ks[10], (D, D, D), dtype=jnp.float32)
    inp['feature_weights_volume'] = jax.random.uniform(ks[11], (D, D, D), dtype=jnp.float32)
    return inp


def _valid(idx, xs, ys, zs):
    return (idx[:, 0] >= 0) & (idx[:, 0] < xs) & (idx[:, 1] >= 0) & (idx[:, 1] < ys) & (idx[:, 2] >= 0) & (idx[:, 2] < zs)


def _lin(idx, ys, zs):
    return ys * zs * idx[:, 0] + zs * idx[:, 1] + idx[:, 2]


def reference(update_values, update_features, update_indices, update_feature_indices, filter_indices, update_weights, update_indices_empty, update_weights_empty, values_volume, features_volume, weights_volume, feature_weights_volume):
    xs, ys, zs = values_volume.shape
    f4 = update_features.shape[-1]
    M = xs * ys * zs
    values = update_values.reshape(-1).astype(jnp.float32)
    features = update_features.reshape(-1, f4).astype(jnp.float32)
    weights = update_weights.reshape(-1).astype(jnp.float32)
    weights_empty = update_weights_empty.reshape(-1).astype(jnp.float32)
    indices = update_indices.reshape(-1, 3)
    feature_indices = update_feature_indices.reshape(-1, 3)
    indices_empty = update_indices_empty.reshape(-1, 3)
    m = _valid(indices, xs, ys, zs)
    me = _valid(indices_empty, xs, ys, zs)
    mf = _valid(feature_indices, xs, ys, zs)
    mF = m & mf
    idx = jnp.where(m, _lin(indices, ys, zs), 0)
    idx_e = jnp.where(me, _lin(indices_empty, ys, zs), 0)
    idx_f = jnp.where(mf, _lin(feature_indices, ys, zs), 0)
    w_m = jnp.where(m, weights, 0.0)
    v_m = jnp.where(m, values, 0.0)
    we_m = jnp.where(me, weights_empty, 0.0)
    w_f = jnp.where(mF, weights, 0.0)
    f_m = jnp.where(mF[:, None], features, 0.0)
    # weighted updates (update = w * v, update_feat = w * f)
    update = w_m * v_m
    update_feat = w_f[:, None] * f_m
    # coalesce duplicates via full-volume segment-sum (fixed-shape equivalent of unique+add)
    occ = jnp.zeros((M,), jnp.float32).at[idx].add(m.astype(jnp.float32))
    update_c = jnp.zeros((M,), jnp.float32).at[idx].add(update)
    weights_c = jnp.zeros((M,), jnp.float32).at[idx].add(w_m)
    occ_e = jnp.zeros((M,), jnp.float32).at[idx_e].add(me.astype(jnp.float32))
    weights_ec = jnp.zeros((M,), jnp.float32).at[idx_e].add(we_m)
    occ_f = jnp.zeros((M,), jnp.float32).at[idx_f].add(mf.astype(jnp.float32))
    update_feat_c = jnp.zeros((M, f4), jnp.float32).at[idx_f].add(update_feat)
    weights_fc = jnp.zeros((M,), jnp.float32).at[idx_f].add(w_f)
    vflat = values_volume.reshape(-1)
    wflat = weights_volume.reshape(-1)
    # running weighted-average TSDF update
    value_update = (wflat * vflat + update_c) / (wflat + weights_c)
    weight_update = jnp.clip(wflat + weights_c, 0.0, MAX_WEIGHT)
    value_update_e = (wflat * vflat + 0.1 * weights_ec) / (wflat + weights_ec)
    weight_update_e = jnp.clip(wflat + weights_ec, 0.0, MAX_WEIGHT)
    fflat = features_volume.reshape(-1, f4)
    feature_update = (wflat[:, None] * fflat + update_feat_c) / (wflat + weights_fc)[:, None]
    feature_weight_update = jnp.clip(wflat + weights_fc, 0.0, MAX_WEIGHT)
    # insert_values: overwrite back into volumes (empty-space updates first, then surface updates)
    new_values = jnp.where(occ > 0, value_update, jnp.where(occ_e > 0, value_update_e, vflat)).reshape(xs, ys, zs)
    new_weights = jnp.where(occ > 0, weight_update, jnp.where(occ_e > 0, weight_update_e, wflat)).reshape(xs, ys, zs)
    new_features = jnp.where(occ_f[:, None] > 0, feature_update, fflat).reshape(xs, ys, zs, f4)
    new_feature_weights = jnp.where(occ_f > 0, feature_weight_update, feature_weights_volume.reshape(-1)).reshape(xs, ys, zs)
    return (new_values, new_weights, new_features, new_feature_weights)

if __name__ == "__main__":
    import jax
    _d = setup_inputs()
    print(jax.jit(kernel)(*tuple(_d.values())))

</pallas_src>

<mosaic_0001>
#map = affine_map<(d0, d1) -> (0)>
module attributes {stable_mosaic.version = 14 : i64} {
  func.func @k(%arg0: i32, %arg1: i32, %arg2: memref<6029312xf32, #tpu.memory_space<hbm>>, %arg3: memref<12058624xi32, #tpu.memory_space<hbm>>, %arg4: memref<1048584xf32, #tpu.memory_space<hbm>>, %arg5: memref<48234496xf32, #tpu.memory_space<hbm>>, %arg6: memref<1048584xf32, #tpu.memory_space<vmem_shared>>, %arg7: memref<128xi32, #tpu.memory_space<vmem>>, %arg8: memref<128xf32, #tpu.memory_space<vmem>>) attributes {dimension_semantics = [#tpu.dimension_semantics<core_parallel>, #tpu.dimension_semantics<subcore_parallel>], iteration_bounds = array<i64: 2, 16>, scalar_prefetch = 0 : i64, scratch_operands = 3 : i64, tpu.core_type = #tpu.core_type<sc_vector_subcore>, window_params = [{transform_indices = #map}, {transform_indices = #map}, {transform_indices = #map}, {transform_indices = #map}]} {
    %mul3A = arith.constant 16384 : i32
    %mul3A_0 = arith.muli %arg1, %mul3A : i32
    %mul3A_1 = arith.constant 23 : i32
    %mul3A_2 = arith.muli %arg0, %mul3A_1 : i32
    %add3A = arith.constant 0 : i32
    %add3A_3 = arith.addi %mul3A_2, %add3A : i32
    %eq3A = arith.constant 0 : i32
    %eq3A_4 = arith.cmpi eq, %arg1, %eq3A : i32
    %convert_element_type3A = arith.extui %eq3A_4 : i1 to i32
    %cond3A = arith.constant 0 : i32
    %cond3A_5 = arith.cmpi ne, %convert_element_type3A, %cond3A : i32
    scf.if %cond3A_5 {
      "tpu.region"() ({
        %run_scoped3A = tpu.sem_alloc : memref<!tpu.dma_semaphore, #tpu.memory_space<semaphore_mem>>
        tpu.enqueue_dma source(%arg4 : memref<1048584xf32, #tpu.memory_space<hbm>>) target(%arg6 : memref<1048584xf32, #tpu.memory_space<vmem_shared>>) target_semaphore(%run_scoped3A : memref<!tpu.dma_semaphore, #tpu.memory_space<semaphore_mem>>)
        tpu.wait_dma2 semaphore(%run_scoped3A : memref<!tpu.dma_semaphore, #tpu.memory_space<semaphore_mem>>) src(%arg4 : memref<1048584xf32, #tpu.memory_space<hbm>>) dst(%arg6 : memref<1048584xf32, #tpu.memory_space<vmem_shared>>)
        tpu.yield
      }) : () -> ()
    } else {
    }
    %barrier3A = arith.constant 0 : index
    tpu.barrier barrier_id(%barrier3A)
    %scan3A = arith.constant 0 : i32
    %scan3A_6 = arith.constant 0 : i32
    %scan3A_7 = arith.constant 128 : i32
    %scan3A_8 = arith.addi %scan3A_6, %scan3A_7 : i32
    %scan3A_9 = arith.constant 1 : i32
    scf.for %scan3A_616 = %scan3A_6 to %scan3A_8 step %scan3A_9  : i32 {
      %mul3A_617 = arith.constant 128 : i32
      %mul3A_618 = arith.muli %scan3A_616, %mul3A_617 : i32
      %add3A_619 = arith.addi %mul3A_0, %mul3A_618 : i32
      %mul3A_620 = arith.constant 262144 : i32
      %mul3A_621 = arith.muli %add3A_3, %mul3A_620 : i32
      %add3A_622 = arith.addi %mul3A_621, %add3A_619 : i32
      "tpu.region"() ({
        %run_scoped3A = tpu.sem_alloc : memref<!tpu.dma_semaphore, #tpu.memory_space<semaphore_mem>>
        %dma_start3A = tpu.memref_slice %arg3[%add3A_622] : memref<12058624xi32, #tpu.memory_space<hbm>> -> memref<128xi32, #tpu.memory_space<hbm>>
        %dma_start3A_625 = tpu.memref_slice %arg3[%add3A_622] : memref<12058624xi32, #tpu.memory_space<hbm>> -> memref<128xi32, #tpu.memory_space<hbm>>
        tpu.enqueue_dma source(%dma_start3A_625 : memref<128xi32, #tpu.memory_space<hbm>>) target(%arg7 : memref<128xi32, #tpu.memory_space<vmem>>) target_semaphore(%run_scoped3A : memref<!tpu.dma_semaphore, #tpu.memory_space<semaphore_mem>>)
        %dma_wait3A = tpu.memref_slice %arg3[%add3A_622] : memref<12058624xi32, #tpu.memory_space<hbm>> -> memref<128xi32, #tpu.memory_space<hbm>>
        %dma_wait3A_626 = tpu.memref_slice %arg3[%add3A_622] : memref<12058624xi32, #tpu.memory_space<hbm>> -> memref<128xi32, #tpu.memory_space<hbm>>
        tpu.wait_dma2 semaphore(%run_scoped3A : memref<!tpu.dma_semaphore, #tpu.memory_space<semaphore_mem>>) src(%dma_wait3A_626 : memref<128xi32, #tpu.memory_space<hbm>>) dst(%arg7 : memref<128xi32, #tpu.memory_space<vmem>>)
        tpu.yield
      }) : () -> ()
      %add3A_623 = arith.constant 0 : i32
      %add3A_624 = arith.addi %add3A_623, %add3A_619 : i32
      "tpu.region"() ({
        %run_scoped3A = tpu.sem_alloc : memref<!tpu.dma_semaphore, #tpu.memory_space<semaphore_mem>>
        %dma_start3A = tpu.memref_slice %arg2[%add3A_624] : memref<6029312xf32, #tpu.memory_space<hbm>> -> memref<128xf32, #tpu.memory_space<hbm>>
        %dma_start3A_625 = tpu.memref_slice %arg2[%add3A_624] : memref<6029312xf32, #tpu.memory_space<hbm>> -> memref<128xf32, #tpu.memory_space<hbm>>
        tpu.enqueue_dma source(%dma_start3A_625 : memref<128xf32, #tpu.memory_space<hbm>>) target(%arg8 : memref<128xf32, #tpu.memory_space<vmem>>) target_semaphore(%run_scoped3A : memref<!tpu.dma_semaphore, #tpu.memory_space<semaphore_mem>>)
        %dma_wait3A = tpu.memref_slice %arg2[%add3A_624] : memref<6029312xf32, #tpu.memory_space<hbm>> -> memref<128xf32, #tpu.memory_space<hbm>>
        %dma_wait3A_626 = tpu.memref_slice %arg2[%add3A_624] : memref<6029312xf32, #tpu.memory_space<hbm>> -> memref<128xf32, #tpu.memory_space<hbm>>
        tpu.wait_dma2 semaphore(%run_scoped3A : memref<!tpu.dma_semaphore, #tpu.memory_space<semaphore_mem>>) src(%dma_wait3A_626 : memref<128xf32, #tpu.memory_space<hbm>>) dst(%arg8 : memref<128xf32, #tpu.memory_space<vmem>>)
        tpu.yield
      }) : () -> ()
      "tpu.region"() ({
        %run_scoped3A = tpu.sem_alloc : memref<!tpu.dma_semaphore, #tpu.memory_space<semaphore_mem>>
        %dma_start3A = arith.constant 0 : i32
        %dma_start3A_625 = tpu.memref_slice %arg6[%dma_start3A] : memref<1048584xf32, #tpu.memory_space<vmem_shared>> -> memref<1048584xf32, #tpu.memory_space<vmem_shared>>
        tpu.enqueue_indirect_dma source(%arg8 : memref<128xf32, #tpu.memory_space<vmem>>) target(%dma_start3A_625 : memref<1048584xf32, #tpu.memory_space<vmem_shared>>) offsets(%arg7 : memref<128xi32, #tpu.memory_space<vmem>>) semaphore(%run_scoped3A : memref<!tpu.dma_semaphore, #tpu.memory_space<semaphore_mem>>) {add = true}
        %dma_wait3A = arith.constant 0 : i32
        %dma_wait3A_626 = tpu.memref_slice %arg6[%dma_wait3A] : memref<1048584xf32, #tpu.memory_space<vmem_shared>> -> memref<1048584xf32, #tpu.memory_space<vmem_shared>>
        tpu.wait_indirect_dma semaphore(%run_scoped3A : memref<!tpu.dma_semaphore, #tpu.memory_space<semaphore_mem>>) src(%arg8 : memref<128xf32, #tpu.memory_space<vmem>>) dst(%dma_wait3A_626 : memref<1048584xf32, #tpu.memory_space<vmem_shared>>)
        tpu.yield
      }) : () -> ()
    }
    %scan3A_10 = arith.constant 128 : i32
    %barrier3A_11 = arith.constant 0 : index
    tpu.barrier barrier_id(%barrier3A_11)
    %mul3A_12 = arith.constant 65536 : i32
    %mul3A_13 = arith.muli %arg1, %mul3A_12 : i32
    %mul3A_14 = arith.constant 1048576 : i32
    %mul3A_15 = arith.muli %arg0, %mul3A_14 : i32
    %add3A_16 = arith.constant 0 : i32
    %add3A_17 = arith.addi %add3A_16, %mul3A_15 : i32
    %mul3A_18 = arith.constant 65536 : i32
    %mul3A_19 = arith.muli %arg1, %mul3A_18 : i32
    %add3A_20 = arith.addi %add3A_17, %mul3A_19 : i32
    "tpu.region"() ({
      %run_scoped3A = tpu.sem_alloc : memref<!tpu.dma_semaphore, #tpu.memory_space<semaphore_mem>>
      %dma_start3A = tpu.memref_slice %arg5[%add3A_20] : memref<48234496xf32, #tpu.memory_space<hbm>> -> memref<65536xf32, #tpu.memory_space<hbm>>
      %dma_start3A_616 = tpu.memref_slice %arg6[%mul3A_13] : memref<1048584xf32, #tpu.memory_space<vmem_shared>> -> memref<65536xf32, #tpu.memory_space<vmem_shared>>
      tpu.enqueue_dma source(%dma_start3A_616 : memref<65536xf32, #tpu.memory_space<vmem_shared>>) target(%dma_start3A : memref<65536xf32, #tpu.memory_space<hbm>>) target_semaphore(%run_scoped3A : memref<!tpu.dma_semaphore, #tpu.memory_space<semaphore_mem>>)
      %dma_wait3A = tpu.memref_slice %arg5[%add3A_20] : memref<48234496xf32, #tpu.memory_space<hbm>> -> memref<65536xf32, #tpu.memory_space<hbm>>
      %dma_wait3A_617 = tpu.memref_slice %arg6[%mul3A_13] : memref<1048584xf32, #tpu.memory_space<vmem_shared>> -> memref<65536xf32, #tpu.memory_space<vmem_shared>>
      tpu.wait_dma2 semaphore(%run_scoped3A : memref<!tpu.dma_semaphore, #tpu.memory_space<semaphore_mem>>) src(%dma_wait3A_617 : memref<65536xf32, #tpu.memory_space<vmem_shared>>) dst(%dma_wait3A : memref<65536xf32, #tpu.memory_space<hbm>>)
      tpu.yield
    }) : () -> ()
    %barrier3A_21 = arith.constant 0 : index
    tpu.barrier barrier_id(%barrier3A_21)
    %mul3A_22 = arith.constant 23 : i32
    %mul3A_23 = arith.muli %arg0, %mul3A_22 : i32
    %add3A_24 = arith.constant 1 : i32
    %add3A_25 = arith.addi %mul3A_23, %add3A_24 : i32
    %eq3A_26 = arith.constant 0 : i32
    %eq3A_27 = arith.cmpi eq, %arg1, %eq3A_26 : i32
    %convert_element_type3A_28 = arith.extui %eq3A_27 : i1 to i32
    %cond3A_29 = arith.constant 0 : i32
    %cond3A_30 = arith.cmpi ne, %convert_element_type3A_28, %cond3A_29 : i32
    scf.if %cond3A_30 {
      "tpu.region"() ({
        %run_scoped3A = tpu.sem_alloc : memref<!tpu.dma_semaphore, #tpu.memory_space<semaphore_mem>>
        tpu.enqueue_dma source(%arg4 : memref<1048584xf32, #tpu.memory_space<hbm>>) target(%arg6 : memref<1048584xf32, #tpu.memory_space<vmem_shared>>) target_semaphore(%run_scoped3A : memref<!tpu.dma_semaphore, #tpu.memory_space<semaphore_mem>>)
        tpu.wait_dma2 semaphore(%run_scoped3A : memref<!tpu.dma_semaphore, #tpu.memory_space<semaphore_mem>>) src(%arg4 : memref<1048584xf32, #tpu.memory_space<hbm>>) dst(%arg6 : memref<1048584xf32, #tpu.memory_space<vmem_shared>>)
        tpu.yield
      }) : () -> ()
    } else {
    }
    %barrier3A_31 = arith.constant 0 : index
    tpu.barrier barrier_id(%barrier3A_31)
    %scan3A_32 = arith.constant 0 : i32
    %scan3A_33 = arith.constant 0 : i32
    %scan3A_34 = arith.constant 128 : i32
    %scan3A_35 = arith.addi %scan3A_33, %scan3A_34 : i32
    %scan3A_36 = arith.constant 1 : i32
    scf.for %scan3A_616 = %scan3A_33 to %scan3A_35 step %scan3A_36  : i32 {
      %mul3A_617 = arith.constant 128 : i32
      %mul3A_618 = arith.muli %scan3A_616, %mul3A_617 : i32
      %add3A_619 = arith.addi %mul3A_0, %mul3A_618 : i32
      %mul3A_620 = arith.constant 262144 : i32
      %mul3A_621 = arith.muli %add3A_25, %mul3A_620 : i32
      %add3A_622 = arith.addi %mul3A_621, %add3A_619 : i32
      "tpu.region"() ({
        %run_scoped3A = tpu.sem_alloc : memref<!tpu.dma_semaphore, #tpu.memory_space<semaphore_mem>>
        %dma_start3A = tpu.memref_slice %arg3[%add3A_622] : memref<12058624xi32, #tpu.memory_space<hbm>> -> memref<128xi32, #tpu.memory_space<hbm>>
        %dma_start3A_625 = tpu.memref_slice %arg3[%add3A_622] : memref<12058624xi32, #tpu.memory_space<hbm>> -> memref<128xi32, #tpu.memory_space<hbm>>
        tpu.enqueue_dma source(%dma_start3A_625 : memref<128xi32, #tpu.memory_space<hbm>>) target(%arg7 : memref<128xi32, #tpu.memory_space<vmem>>) target_semaphore(%run_scoped3A : memref<!tpu.dma_semaphore, #tpu.memory_space<semaphore_mem>>)
        %dma_wait3A = tpu.memref_slice %arg3[%add3A_622] : memref<12058624xi32, #tpu.memory_space<hbm>> -> memref<128xi32, #tpu.memory_space<hbm>>
        %dma_wait3A_626 = tpu.memref_slice %arg3[%add3A_622] : memref<12058624xi32, #tpu.memory_space<hbm>> -> memref<128xi32, #tpu.memory_space<hbm>>
        tpu.wait_dma2 semaphore(%run_scoped3A : memref<!tpu.dma_semaphore, #tpu.memory_space<semaphore_mem>>) src(%dma_wait3A_626 : memref<128xi32, #tpu.memory_space<hbm>>) dst(%arg7 : memref<128xi32, #tpu.memory_space<vmem>>)
        tpu.yield
      }) : () -> ()
      %add3A_623 = arith.constant 262144 : i32
      %add3A_624 = arith.addi %add3A_623, %add3A_619 : i32
      "tpu.region"() ({
        %run_scoped3A = tpu.sem_alloc : memref<!tpu.dma_semaphore, #tpu.memory_space<semaphore_mem>>
        %dma_start3A = tpu.memref_slice %arg2[%add3A_624] : memref<6029312xf32, #tpu.memory_space<hbm>> -> memref<128xf32, #tpu.memory_space<hbm>>
        %dma_start3A_625 = tpu.memref_slice %arg2[%add3A_624] : memref<6029312xf32, #tpu.memory_space<hbm>> -> memref<128xf32, #tpu.memory_space<hbm>>
        tpu.enqueue_dma source(%dma_start3A_625 : memref<128xf32, #tpu.memory_space<hbm>>) target(%arg8 : memref<128xf32, #tpu.memory_space<vmem>>) target_semaphore(%run_scoped3A : memref<!tpu.dma_semaphore, #tpu.memory_space<semaphore_mem>>)
        %dma_wait3A = tpu.memref_slice %arg2[%add3A_624] : memref<6029312xf32, #tpu.memory_space<hbm>> -> memref<128xf32, #tpu.memory_space<hbm>>
        %dma_wait3A_626 = tpu.memref_slice %arg2[%add3A_624] : memref<6029312xf32, #tpu.memory_space<hbm>> -> memref<128xf32, #tpu.memory_space<hbm>>
        tpu.wait_dma2 semaphore(%run_scoped3A : memref<!tpu.dma_semaphore, #tpu.memory_space<semaphore_mem>>) src(%dma_wait3A_626 : memref<128xf32, #tpu.memory_space<hbm>>) dst(%arg8 : memref<128xf32, #tpu.memory_space<vmem>>)
        tpu.yield
      }) : () -> ()
      "tpu.region"() ({
        %run_scoped3A = tpu.sem_alloc : memref<!tpu.dma_semaphore, #tpu.memory_space<semaphore_mem>>
        %dma_start3A = arith.constant 0 : i32
        %dma_start3A_625 = tpu.memref_slice %arg6[%dma_start3A] : memref<1048584xf32, #tpu.memory_space<vmem_shared>> -> memref<1048584xf32, #tpu.memory_space<vmem_shared>>
        tpu.enqueue_indirect_dma source(%arg8 : memref<128xf32, #tpu.memory_space<vmem>>) target(%dma_start3A_625 : memref<1048584xf32, #tpu.memory_space<vmem_shared>>) offsets(%arg7 : memref<128xi32, #tpu.memory_space<vmem>>) semaphore(%run_scoped3A : memref<!tpu.dma_semaphore, #tpu.memory_space<semaphore_mem>>) {add = true}
        %dma_wait3A = arith.constant 0 : i32
        %dma_wait3A_626 = tpu.memref_slice %arg6[%dma_wait3A] : memref<1048584xf32, #tpu.memory_space<vmem_shared>> -> memref<1048584xf32, #tpu.memory_space<vmem_shared>>
        tpu.wait_indirect_dma semaphore(%run_scoped3A : memref<!tpu.dma_semaphore, #tpu.memory_space<semaphore_mem>>) src(%arg8 : memref<128xf32, #tpu.memory_space<vmem>>) dst(%dma_wait3A_626 : memref<1048584xf32, #tpu.memory_space<vmem_shared>>)
        tpu.yield
      }) : () -> ()
    }
    %scan3A_37 = arith.constant 128 : i32
    %barrier3A_38 = arith.constant 0 : index
    tpu.barrier barrier_id(%barrier3A_38)
    %mul3A_39 = arith.constant 65536 : i32
    %mul3A_40 = arith.muli %arg1, %mul3A_39 : i32
    %mul3A_41 = arith.constant 1048576 : i32
    %mul3A_42 = arith.muli %arg0, %mul3A_41 : i32
    %add3A_43 = arith.constant 2097152 : i32
    %add3A_44 = arith.addi %add3A_43, %mul3A_42 : i32
    %mul3A_45 = arith.constant 65536 : i32
    %mul3A_46 = arith.muli %arg1, %mul3A_45 : i32
    %add3A_47 = arith.addi %add3A_44, %mul3A_46 : i32
    "tpu.region"() ({
      %run_scoped3A = tpu.sem_alloc : memref<!tpu.dma_semaphore, #tpu.memory_space<semaphore_mem>>
      %dma_start3A = tpu.memref_slice %arg5[%add3A_47] : memref<48234496xf32, #tpu.memory_space<hbm>> -> memref<65536xf32, #tpu.memory_space<hbm>>
      %dma_start3A_616 = tpu.memref_slice %arg6[%mul3A_40] : memref<1048584xf32, #tpu.memory_space<vmem_shared>> -> memref<65536xf32, #tpu.memory_space<vmem_shared>>
      tpu.enqueue_dma source(%dma_start3A_616 : memref<65536xf32, #tpu.memory_space<vmem_shared>>) target(%dma_start3A : memref<65536xf32, #tpu.memory_space<hbm>>) target_semaphore(%run_scoped3A : memref<!tpu.dma_semaphore, #tpu.memory_space<semaphore_mem>>)
      %dma_wait3A = tpu.memref_slice %arg5[%add3A_47] : memref<48234496xf32, #tpu.memory_space<hbm>> -> memref<65536xf32, #tpu.memory_space<hbm>>
      %dma_wait3A_617 = tpu.memref_slice %arg6[%mul3A_40] : memref<1048584xf32, #tpu.memory_space<vmem_shared>> -> memref<65536xf32, #tpu.memory_space<vmem_shared>>
      tpu.wait_dma2 semaphore(%run_scoped3A : memref<!tpu.dma_semaphore, #tpu.memory_space<semaphore_mem>>) src(%dma_wait3A_617 : memref<65536xf32, #tpu.memory_space<vmem_shared>>) dst(%dma_wait3A : memref<65536xf32, #tpu.memory_space<hbm>>)
      tpu.yield
    }) : () -> ()
    %barrier3A_48 = arith.constant 0 : index
    tpu.barrier barrier_id(%barrier3A_48)
    %mul3A_49 = arith.constant 23 : i32
    %mul3A_50 = arith.muli %arg0, %mul3A_49 : i32
    %add3A_51 = arith.constant 2 : i32
    %add3A_52 = arith.addi %mul3A_50, %add3A_51 : i32
    %eq3A_53 = arith.constant 0 : i32
    %eq3A_54 = arith.cmpi eq, %arg1, %eq3A_53 : i32
    %convert_element_type3A_55 = arith.extui %eq3A_54 : i1 to i32
    %cond3A_56 = arith.constant 0 : i32
    %cond3A_57 = arith.cmpi ne, %convert_element_type3A_55, %cond3A_56 : i32
    scf.if %cond3A_57 {
      "tpu.region"() ({
        %run_scoped3A = tpu.sem_alloc : memref<!tpu.dma_semaphore, #tpu.memory_space<semaphore_mem>>
        tpu.enqueue_dma source(%arg4 : memref<1048584xf32, #tpu.memory_space<hbm>>) target(%arg6 : memref<1048584xf32, #tpu.memory_space<vmem_shared>>) target_semaphore(%run_scoped3A : memref<!tpu.dma_semaphore, #tpu.memory_space<semaphore_mem>>)
        tpu.wait_dma2 semaphore(%run_scoped3A : memref<!tpu.dma_semaphore, #tpu.memory_space<semaphore_mem>>) src(%arg4 : memref<1048584xf32, #tpu.memory_space<hbm>>) dst(%arg6 : memref<1048584xf32, #tpu.memory_space<vmem_shared>>)
        tpu.yield
      }) : () -> ()
    } else {
    }
    %barrier3A_58 = arith.constant 0 : index
    tpu.barrier barrier_id(%barrier3A_58)
    %scan3A_59 = arith.constant 0 : i32
    %scan3A_60 = arith.constant 0 : i32
    %scan3A_61 = arith.constant 128 : i32
    %scan3A_62 = arith.addi %scan3A_60, %scan3A_61 : i32
    %scan3A_63 = arith.constant 1 : i32
    scf.for %scan3A_616 = %scan3A_60 to %scan3A_62 step %scan3A_63  : i32 {
      %mul3A_617 = arith.constant 128 : i32
      %mul3A_618 = arith.muli %scan3A_616, %mul3A_617 : i32
      %add3A_619 = arith.addi %mul3A_0, %mul3A_618 : i32
      %mul3A_620 = arith.constant 262144 : i32
      %mul3A_621 = arith.muli %add3A_52, %mul3A_620 : i32
      %add3A_622 = arith.addi %mul3A_621, %add3A_619 : i32
      "tpu.region"() ({
        %run_scoped3A = tpu.sem_alloc : memref<!tpu.dma_semaphore, #tpu.memory_space<semaphore_mem>>
        %dma_start3A = tpu.memref_slice %arg3[%add3A_622] : memref<12058624xi32, #tpu.memory_space<hbm>> -> memref<128xi32, #tpu.memory_space<hbm>>
        %dma_start3A_625 = tpu.memref_slice %arg3[%add3A_622] : memref<12058624xi32, #tpu.memory_space<hbm>> -> memref<128xi32, #tpu.memory_space<hbm>>
        tpu.enqueue_dma source(%dma_start3A_625 : memref<128xi32, #tpu.memory_space<hbm>>) target(%arg7 : memref<128xi32, #tpu.memory_space<vmem>>) target_semaphore(%run_scoped3A : memref<!tpu.dma_semaphore, #tpu.memory_space<semaphore_mem>>)
        %dma_wait3A = tpu.memref_slice %arg3[%add3A_622] : memref<12058624xi32, #tpu.memory_space<hbm>> -> memref<128xi32, #tpu.memory_space<hbm>>
        %dma_wait3A_626 = tpu.memref_slice %arg3[%add3A_622] : memref<12058624xi32, #tpu.memory_space<hbm>> -> memref<128xi32, #tpu.memory_space<hbm>>
        tpu.wait_dma2 semaphore(%run_scoped3A : memref<!tpu.dma_semaphore, #tpu.memory_space<semaphore_mem>>) src(%dma_wait3A_626 : memref<128xi32, #tpu.memory_space<hbm>>) dst(%arg7 : memref<128xi32, #tpu.memory_space<vmem>>)
        tpu.yield
      }) : () -> ()
      %add3A_623 = arith.constant 524288 : i32
      %add3A_624 = arith.addi %add3A_623, %add3A_619 : i32
      "tpu.region"() ({
        %run_scoped3A = tpu.sem_alloc : memref<!tpu.dma_semaphore, #tpu.memory_space<semaphore_mem>>
        %dma_start3A = tpu.memref_slice %arg2[%add3A_624] : memref<6029312xf32, #tpu.memory_space<hbm>> -> memref<128xf32, #tpu.memory_space<hbm>>
        %dma_start3A_625 = tpu.memref_slice %arg2[%add3A_624] : memref<6029312xf32, #tpu.memory_space<hbm>> -> memref<128xf32, #tpu.memory_space<hbm>>
        tpu.enqueue_dma source(%dma_start3A_625 : memref<128xf32, #tpu.memory_space<hbm>>) target(%arg8 : memref<128xf32, #tpu.memory_space<vmem>>) target_semaphore(%run_scoped3A : memref<!tpu.dma_semaphore, #tpu.memory_space<semaphore_mem>>)
        %dma_wait3A = tpu.memref_slice %arg2[%add3A_624] : memref<6029312xf32, #tpu.memory_space<hbm>> -> memref<128xf32, #tpu.memory_space<hbm>>
        %dma_wait3A_626 = tpu.memref_slice %arg2[%add3A_624] : memref<6029312xf32, #tpu.memory_space<hbm>> -> memref<128xf32, #tpu.memory_space<hbm>>
        tpu.wait_dma2 semaphore(%run_scoped3A : memref<!tpu.dma_semaphore, #tpu.memory_space<semaphore_mem>>) src(%dma_wait3A_626 : memref<128xf32, #tpu.memory_space<hbm>>) dst(%arg8 : memref<128xf32, #tpu.memory_space<vmem>>)
        tpu.yield
      }) : () -> ()
      "tpu.region"() ({
        %run_scoped3A = tpu.sem_alloc : memref<!tpu.dma_semaphore, #tpu.memory_space<semaphore_mem>>
        %dma_start3A = arith.constant 0 : i32
        %dma_start3A_625 = tpu.memref_slice %arg6[%dma_start3A] : memref<1048584xf32, #tpu.memory_space<vmem_shared>> -> memref<1048584xf32, #tpu.memory_space<vmem_shared>>
        tpu.enqueue_indirect_dma source(%arg8 : memref<128xf32, #tpu.memory_space<vmem>>) target(%dma_start3A_625 : memref<1048584xf32, #tpu.memory_space<vmem_shared>>) offsets(%arg7 : memref<128xi32, #tpu.memory_space<vmem>>) semaphore(%run_scoped3A : memref<!tpu.dma_semaphore, #tpu.memory_space<semaphore_mem>>) {add = true}
        %dma_wait3A = arith.constant 0 : i32
        %dma_wait3A_626 = tpu.memref_slice %arg6[%dma_wait3A] : memref<1048584xf32, #tpu.memory_space<vmem_shared>> -> memref<1048584xf32, #tpu.memory_space<vmem_shared>>
        tpu.wait_indirect_dma semaphore(%run_scoped3A : memref<!tpu.dma_semaphore, #tpu.memory_space<semaphore_mem>>) src(%arg8 : memref<128xf32, #tpu.memory_space<vmem>>) dst(%dma_wait3A_626 : memref<1048584xf32, #tpu.memory_space<vmem_shared>>)
        tpu.yield
      }) : () -> ()
    }
    %scan3A_64 = arith.constant 128 : i32
    %barrier3A_65 = arith.constant 0 : index
    tpu.barrier barrier_id(%barrier3A_65)
    %mul3A_66 = arith.constant 65536 : i32
    %mul3A_67 = arith.muli %arg1, %mul3A_66 : i32
    %mul3A_68 = arith.constant 1048576 : i32
    %mul3A_69 = arith.muli %arg0, %mul3A_68 : i32
    %add3A_70 = arith.constant 4194304 : i32
    %add3A_71 = arith.addi %add3A_70, %mul3A_69 : i32
    %mul3A_72 = arith.constant 65536 : i32
    %mul3A_73 = arith.muli %arg1, %mul3A_72 : i32
    %add3A_74 = arith.addi %add3A_71, %mul3A_73 : i32
    "tpu.region"() ({
      %run_scoped3A = tpu.sem_alloc : memref<!tpu.dma_semaphore, #tpu.memory_space<semaphore_mem>>
      %dma_start3A = tpu.memref_slice %arg5[%add3A_74] : memref<48234496xf32, #tpu.memory_space<hbm>> -> memref<65536xf32, #tpu.memory_space<hbm>>
      %dma_start3A_616 = tpu.memref_slice %arg6[%mul3A_67] : memref<1048584xf32, #tpu.memory_space<vmem_shared>> -> memref<65536xf32, #tpu.memory_space<vmem_shared>>
      tpu.enqueue_dma source(%dma_start3A_616 : memref<65536xf32, #tpu.memory_space<vmem_shared>>) target(%dma_start3A : memref<65536xf32, #tpu.memory_space<hbm>>) target_semaphore(%run_scoped3A : memref<!tpu.dma_semaphore, #tpu.memory_space<semaphore_mem>>)
      %dma_wait3A = tpu.memref_slice %arg5[%add3A_74] : memref<48234496xf32, #tpu.memory_space<hbm>> -> memref<65536xf32, #tpu.memory_space<hbm>>
      %dma_wait3A_617 = tpu.memref_slice %arg6[%mul3A_67] : memref<1048584xf32, #tpu.memory_space<vmem_shared>> -> memref<65536xf32, #tpu.memory_space<vmem_shared>>
      tpu.wait_dma2 semaphore(%run_scoped3A : memref<!tpu.dma_semaphore, #tpu.memory_space<semaphore_mem>>) src(%dma_wait3A_617 : memref<65536xf32, #tpu.memory_space<vmem_shared>>) dst(%dma_wait3A : memref<65536xf32, #tpu.memory_space<hbm>>)
      tpu.yield
    }) : () -> ()
    %barrier3A_75 = arith.constant 0 : index
    tpu.barrier barrier_id(%barrier3A_75)
    %mul3A_76 = arith.constant 23 : i32
    %mul3A_77 = arith.muli %arg0, %mul3A_76 : i32
    %add3A_78 = arith.constant 3 : i32
    %add3A_79 = arith.addi %mul3A_77, %add3A_78 : i32
    %eq3A_80 = arith.constant 0 : i32
    %eq3A_81 = arith.cmpi eq, %arg1, %eq3A_80 : i32
    %convert_element_type3A_82 = arith.extui %eq3A_81 : i1 to i32
    %cond3A_83 = arith.constant 0 : i32
    %cond3A_84 = arith.cmpi ne, %convert_element_type3A_82, %cond3A_83 : i32
    scf.if %cond3A_84 {
      "tpu.region"() ({
        %run_scoped3A = tpu.sem_alloc : memref<!tpu.dma_semaphore, #tpu.memory_space<semaphore_mem>>
        tpu.enqueue_dma source(%arg4 : memref<1048584xf32, #tpu.memory_space<hbm>>) target(%arg6 : memref<1048584xf32, #tpu.memory_space<vmem_shared>>) target_semaphore(%run_scoped3A : memref<!tpu.dma_semaphore, #tpu.memory_space<semaphore_mem>>)
        tpu.wait_dma2 semaphore(%run_scoped3A : memref<!tpu.dma_semaphore, #tpu.memory_space<semaphore_mem>>) src(%arg4 : memref<1048584xf32, #tpu.memory_space<hbm>>) dst(%arg6 : memref<1048584xf32, #tpu.memory_space<vmem_shared>>)
        tpu.yield
      }) : () -> ()
    } else {
    }
    %barrier3A_85 = arith.constant 0 : index
    tpu.barrier barrier_id(%barrier3A_85)
    %scan3A_86 = arith.constant 0 : i32
    %scan3A_87 = arith.constant 0 : i32
    %scan3A_88 = arith.constant 128 : i32
    %scan3A_89 = arith.addi %scan3A_87, %scan3A_88 : i32
    %scan3A_90 = arith.constant 1 : i32
    scf.for %scan3A_616 = %scan3A_87 to %scan3A_89 step %scan3A_90  : i32 {
      %mul3A_617 = arith.constant 128 : i32
      %mul3A_618 = arith.muli %scan3A_616, %mul3A_617 : i32
      %add3A_619 = arith.addi %mul3A_0, %mul3A_618 : i32
      %mul3A_620 = arith.constant 262144 : i32
      %mul3A_621 = arith.muli %add3A_79, %mul3A_620 : i32
      %add3A_622 = arith.addi %mul3A_621, %add3A_619 : i32
      "tpu.region"() ({
        %run_scoped3A = tpu.sem_alloc : memref<!tpu.dma_semaphore, #tpu.memory_space<semaphore_mem>>
        %dma_start3A = tpu.memref_slice %arg3[%add3A_622] : memref<12058624xi32, #tpu.memory_space<hbm>> -> memref<128xi32, #tpu.memory_space<hbm>>
        %dma_start3A_625 = tpu.memref_slice %arg3[%add3A_622] : memref<12058624xi32, #tpu.memory_space<hbm>> -> memref<128xi32, #tpu.memory_space<hbm>>
        tpu.enqueue_dma source(%dma_start3A_625 : memref<128xi32, #tpu.memory_space<hbm>>) target(%arg7 : memref<128xi32, #tpu.memory_space<vmem>>) target_semaphore(%run_scoped3A : memref<!tpu.dma_semaphore, #tpu.memory_space<semaphore_mem>>)
        %dma_wait3A = tpu.memref_slice %arg3[%add3A_622] : memref<12058624xi32, #tpu.memory_space<hbm>> -> memref<128xi32, #tpu.memory_space<hbm>>
        %dma_wait3A_626 = tpu.memref_slice %arg3[%add3A_622] : memref<12058624xi32, #tpu.memory_space<hbm>> -> memref<128xi32, #tpu.memory_space<hbm>>
        tpu.wait_dma2 semaphore(%run_scoped3A : memref<!tpu.dma_semaphore, #tpu.memory_space<semaphore_mem>>) src(%dma_wait3A_626 : memref<128xi32, #tpu.memory_space<hbm>>) dst(%arg7 : memref<128xi32, #tpu.memory_space<vmem>>)
        tpu.yield
      }) : () -> ()
      %add3A_623 = arith.constant 786432 : i32
      %add3A_624 = arith.addi %add3A_623, %add3A_619 : i32
      "tpu.region"() ({
        %run_scoped3A = tpu.sem_alloc : memref<!tpu.dma_semaphore, #tpu.memory_space<semaphore_mem>>
        %dma_start3A = tpu.memref_slice %arg2[%add3A_624] : memref<6029312xf32, #tpu.memory_space<hbm>> -> memref<128xf32, #tpu.memory_space<hbm>>
        %dma_start3A_625 = tpu.memref_slice %arg2[%add3A_624] : memref<6029312xf32, #tpu.memory_space<hbm>> -> memref<128xf32, #tpu.memory_space<hbm>>
        tpu.enqueue_dma source(%dma_start3A_625 : memref<128xf32, #tpu.memory_space<hbm>>) target(%arg8 : memref<128xf32, #tpu.memory_space<vmem>>) target_semaphore(%run_scoped3A : memref<!tpu.dma_semaphore, #tpu.memory_space<semaphore_mem>>)
        %dma_wait3A = tpu.memref_slice %arg2[%add3A_624] : memref<6029312xf32, #tpu.memory_space<hbm>> -> memref<128xf32, #tpu.memory_space<hbm>>
        %dma_wait3A_626 = tpu.memref_slice %arg2[%add3A_624] : memref<6029312xf32, #tpu.memory_space<hbm>> -> memref<128xf32, #tpu.memory_space<hbm>>
        tpu.wait_dma2 semaphore(%run_scoped3A : memref<!tpu.dma_semaphore, #tpu.memory_space<semaphore_mem>>) src(%dma_wait3A_626 : memref<128xf32, #tpu.memory_space<hbm>>) dst(%arg8 : memref<128xf32, #tpu.memory_space<vmem>>)
        tpu.yield
      }) : () -> ()
      "tpu.region"() ({
        %run_scoped3A = tpu.sem_alloc : memref<!tpu.dma_semaphore, #tpu.memory_space<semaphore_mem>>
        %dma_start3A = arith.constant 0 : i32
        %dma_start3A_625 = tpu.memref_slice %arg6[%dma_start3A] : memref<1048584xf32, #tpu.memory_space<vmem_shared>> -> memref<1048584xf32, #tpu.memory_space<vmem_shared>>
        tpu.enqueue_indirect_dma source(%arg8 : memref<128xf32, #tpu.memory_space<vmem>>) target(%dma_start3A_625 : memref<1048584xf32, #tpu.memory_space<vmem_shared>>) offsets(%arg7 : memref<128xi32, #tpu.memory_space<vmem>>) semaphore(%run_scoped3A : memref<!tpu.dma_semaphore, #tpu.memory_space<semaphore_mem>>) {add = true}
        %dma_wait3A = arith.constant 0 : i32
        %dma_wait3A_626 = tpu.memref_slice %arg6[%dma_wait3A] : memref<1048584xf32, #tpu.memory_space<vmem_shared>> -> memref<1048584xf32, #tpu.memory_space<vmem_shared>>
        tpu.wait_indirect_dma semaphore(%run_scoped3A : memref<!tpu.dma_semaphore, #tpu.memory_space<semaphore_mem>>) src(%arg8 : memref<128xf32, #tpu.memory_space<vmem>>) dst(%dma_wait3A_626 : memref<1048584xf32, #tpu.memory_space<vmem_shared>>)
        tpu.yield
      }) : () -> ()
    }
    %scan3A_91 = arith.constant 128 : i32
    %barrier3A_92 = arith.constant 0 : index
    tpu.barrier barrier_id(%barrier3A_92)
    %mul3A_93 = arith.constant 65536 : i32
    %mul3A_94 = arith.muli %arg1, %mul3A_93 : i32
    %mul3A_95 = arith.constant 1048576 : i32
    %mul3A_96 = arith.muli %arg0, %mul3A_95 : i32
    %add3A_97 = arith.constant 6291456 : i32
    %add3A_98 = arith.addi %add3A_97, %mul3A_96 : i32
    %mul3A_99 = arith.constant 65536 : i32
    %mul3A_100 = arith.muli %arg1, %mul3A_99 : i32
    %add3A_101 = arith.addi %add3A_98, %mul3A_100 : i32
    "tpu.region"() ({
      %run_scoped3A = tpu.sem_alloc : memref<!tpu.dma_semaphore, #tpu.memory_space<semaphore_mem>>
      %dma_start3A = tpu.memref_slice %arg5[%add3A_101] : memref<48234496xf32, #tpu.memory_space<hbm>> -> memref<65536xf32, #tpu.memory_space<hbm>>
      %dma_start3A_616 = tpu.memref_slice %arg6[%mul3A_94] : memref<1048584xf32, #tpu.memory_space<vmem_shared>> -> memref<65536xf32, #tpu.memory_space<vmem_shared>>
      tpu.enqueue_dma source(%dma_start3A_616 : memref<65536xf32, #tpu.memory_space<vmem_shared>>) target(%dma_start3A : memref<65536xf32, #tpu.memory_space<hbm>>) target_semaphore(%run_scoped3A : memref<!tpu.dma_semaphore, #tpu.memory_space<semaphore_mem>>)
      %dma_wait3A = tpu.memref_slice %arg5[%add3A_101] : memref<48234496xf32, #tpu.memory_space<hbm>> -> memref<65536xf32, #tpu.memory_space<hbm>>
      %dma_wait3A_617 = tpu.memref_slice %arg6[%mul3A_94] : memref<1048584xf32, #tpu.memory_space<vmem_shared>> -> memref<65536xf32, #tpu.memory_space<vmem_shared>>
      tpu.wait_dma2 semaphore(%run_scoped3A : memref<!tpu.dma_semaphore, #tpu.memory_space<semaphore_mem>>) src(%dma_wait3A_617 : memref<65536xf32, #tpu.memory_space<vmem_shared>>) dst(%dma_wait3A : memref<65536xf32, #tpu.memory_space<hbm>>)
      tpu.yield
    }) : () -> ()
    %barrier3A_102 = arith.constant 0 : index
    tpu.barrier barrier_id(%barrier3A_102)
    %mul3A_103 = arith.constant 23 : i32
    %mul3A_104 = arith.muli %arg0, %mul3A_103 : i32
    %add3A_105 = arith.constant 4 : i32
    %add3A_106 = arith.addi %mul3A_104, %add3A_105 : i32
    %eq3A_107 = arith.constant 0 : i32
    %eq3A_108 = arith.cmpi eq, %arg1, %eq3A_107 : i32
    %convert_element_type3A_109 = arith.extui %eq3A_108 : i1 to i32
    %cond3A_110 = arith.constant 0 : i32
    %cond3A_111 = arith.cmpi ne, %convert_element_type3A_109, %cond3A_110 : i32
    scf.if %cond3A_111 {
      "tpu.region"() ({
        %run_scoped3A = tpu.sem_alloc : memref<!tpu.dma_semaphore, #tpu.memory_space<semaphore_mem>>
        tpu.enqueue_dma source(%arg4 : memref<1048584xf32, #tpu.memory_space<hbm>>) target(%arg6 : memref<1048584xf32, #tpu.memory_space<vmem_shared>>) target_semaphore(%run_scoped3A : memref<!tpu.dma_semaphore, #tpu.memory_space<semaphore_mem>>)
        tpu.wait_dma2 semaphore(%run_scoped3A : memref<!tpu.dma_semaphore, #tpu.memory_space<semaphore_mem>>) src(%arg4 : memref<1048584xf32, #tpu.memory_space<hbm>>) dst(%arg6 : memref<1048584xf32, #tpu.memory_space<vmem_shared>>)
        tpu.yield
      }) : () -> ()
    } else {
    }
    %barrier3A_112 = arith.constant 0 : index
    tpu.barrier barrier_id(%barrier3A_112)
    %scan3A_113 = arith.constant 0 : i32
    %scan3A_114 = arith.constant 0 : i32
    %scan3A_115 = arith.constant 128 : i32
    %scan3A_116 = arith.addi %scan3A_114, %scan3A_115 : i32
    %scan3A_117 = arith.constant 1 : i32
    scf.for %scan3A_616 = %scan3A_114 to %scan3A_116 step %scan3A_117  : i32 {
      %mul3A_617 = arith.constant 128 : i32
      %mul3A_618 = arith.muli %scan3A_616, %mul3A_617 : i32
      %add3A_619 = arith.addi %mul3A_0, %mul3A_618 : i32
      %mul3A_620 = arith.constant 262144 : i32
      %mul3A_621 = arith.muli %add3A_106, %mul3A_620 : i32
      %add3A_622 = arith.addi %mul3A_621, %add3A_619 : i32
      "tpu.region"() ({
        %run_scoped3A = tpu.sem_alloc : memref<!tpu.dma_semaphore, #tpu.memory_space<semaphore_mem>>
        %dma_start3A = tpu.memref_slice %arg3[%add3A_622] : memref<12058624xi32, #tpu.memory_space<hbm>> -> memref<128xi32, #tpu.memory_space<hbm>>
        %dma_start3A_625 = tpu.memref_slice %arg3[%add3A_622] : memref<12058624xi32, #tpu.memory_space<hbm>> -> memref<128xi32, #tpu.memory_space<hbm>>
        tpu.enqueue_dma source(%dma_start3A_625 : memref<128xi32, #tpu.memory_space<hbm>>) target(%arg7 : memref<128xi32, #tpu.memory_space<vmem>>) target_semaphore(%run_scoped3A : memref<!tpu.dma_semaphore, #tpu.memory_space<semaphore_mem>>)
        %dma_wait3A = tpu.memref_slice %arg3[%add3A_622] : memref<12058624xi32, #tpu.memory_space<hbm>> -> memref<128xi32, #tpu.memory_space<hbm>>
        %dma_wait3A_626 = tpu.memref_slice %arg3[%add3A_622] : memref<12058624xi32, #tpu.memory_space<hbm>> -> memref<128xi32, #tpu.memory_space<hbm>>
        tpu.wait_dma2 semaphore(%run_scoped3A : memref<!tpu.dma_semaphore, #tpu.memory_space<semaphore_mem>>) src(%dma_wait3A_626 : memref<128xi32, #tpu.memory_space<hbm>>) dst(%arg7 : memref<128xi32, #tpu.memory_space<vmem>>)
        tpu.yield
      }) : () -> ()
      %add3A_623 = arith.constant 1048576 : i32
      %add3A_624 = arith.addi %add3A_623, %add3A_619 : i32
      "tpu.region"() ({
        %run_scoped3A = tpu.sem_alloc : memref<!tpu.dma_semaphore, #tpu.memory_space<semaphore_mem>>
        %dma_start3A = tpu.memref_slice %arg2[%add3A_624] : memref<6029312xf32, #tpu.memory_space<hbm>> -> memref<128xf32, #tpu.memory_space<hbm>>
        %dma_start3A_625 = tpu.memref_slice %arg2[%add3A_624] : memref<6029312xf32, #tpu.memory_space<hbm>> -> memref<128xf32, #tpu.memory_space<hbm>>
        tpu.enqueue_dma source(%dma_start3A_625 : memref<128xf32, #tpu.memory_space<hbm>>) target(%arg8 : memref<128xf32, #tpu.memory_space<vmem>>) target_semaphore(%run_scoped3A : memref<!tpu.dma_semaphore, #tpu.memory_space<semaphore_mem>>)
        %dma_wait3A = tpu.memref_slice %arg2[%add3A_624] : memref<6029312xf32, #tpu.memory_space<hbm>> -> memref<128xf32, #tpu.memory_space<hbm>>
        %dma_wait3A_626 = tpu.memref_slice %arg2[%add3A_624] : memref<6029312xf32, #tpu.memory_space<hbm>> -> memref<128xf32, #tpu.memory_space<hbm>>
        tpu.wait_dma2 semaphore(%run_scoped3A : memref<!tpu.dma_semaphore, #tpu.memory_space<semaphore_mem>>) src(%dma_wait3A_626 : memref<128xf32, #tpu.memory_space<hbm>>) dst(%arg8 : memref<128xf32, #tpu.memory_space<vmem>>)
        tpu.yield
      }) : () -> ()
      "tpu.region"() ({
        %run_scoped3A = tpu.sem_alloc : memref<!tpu.dma_semaphore, #tpu.memory_space<semaphore_mem>>
        %dma_start3A = arith.constant 0 : i32
        %dma_start3A_625 = tpu.memref_slice %arg6[%dma_start3A] : memref<1048584xf32, #tpu.memory_space<vmem_shared>> -> memref<1048584xf32, #tpu.memory_space<vmem_shared>>
        tpu.enqueue_indirect_dma source(%arg8 : memref<128xf32, #tpu.memory_space<vmem>>) target(%dma_start3A_625 : memref<1048584xf32, #tpu.memory_space<vmem_shared>>) offsets(%arg7 : memref<128xi32, #tpu.memory_space<vmem>>) semaphore(%run_scoped3A : memref<!tpu.dma_semaphore, #tpu.memory_space<semaphore_mem>>) {add = true}
        %dma_wait3A = arith.constant 0 : i32
        %dma_wait3A_626 = tpu.memref_slice %arg6[%dma_wait3A] : memref<1048584xf32, #tpu.memory_space<vmem_shared>> -> memref<1048584xf32, #tpu.memory_space<vmem_shared>>
        tpu.wait_indirect_dma semaphore(%run_scoped3A : memref<!tpu.dma_semaphore, #tpu.memory_space<semaphore_mem>>) src(%arg8 : memref<128xf32, #tpu.memory_space<vmem>>) dst(%dma_wait3A_626 : memref<1048584xf32, #tpu.memory_space<vmem_shared>>)
        tpu.yield
      }) : () -> ()
    }
    %scan3A_118 = arith.constant 128 : i32
    %barrier3A_119 = arith.constant 0 : index
    tpu.barrier barrier_id(%barrier3A_119)
    %mul3A_120 = arith.constant 65536 : i32
    %mul3A_121 = arith.muli %arg1, %mul3A_120 : i32
    %mul3A_122 = arith.constant 1048576 : i32
    %mul3A_123 = arith.muli %arg0, %mul3A_122 : i32
    %add3A_124 = arith.constant 8388608 : i32
    %add3A_125 = arith.addi %add3A_124, %mul3A_123 : i32
    %mul3A_126 = arith.constant 65536 : i32
    %mul3A_127 = arith.muli %arg1, %mul3A_126 : i32
    %add3A_128 = arith.addi %add3A_125, %mul3A_127 : i32
    "tpu.region"() ({
      %run_scoped3A = tpu.sem_alloc : memref<!tpu.dma_semaphore, #tpu.memory_space<semaphore_mem>>
      %dma_start3A = tpu.memref_slice %arg5[%add3A_128] : memref<48234496xf32, #tpu.memory_space<hbm>> -> memref<65536xf32, #tpu.memory_space<hbm>>
      %dma_start3A_616 = tpu.memref_slice %arg6[%mul3A_121] : memref<1048584xf32, #tpu.memory_space<vmem_shared>> -> memref<65536xf32, #tpu.memory_space<vmem_shared>>
      tpu.enqueue_dma source(%dma_start3A_616 : memref<65536xf32, #tpu.memory_space<vmem_shared>>) target(%dma_start3A : memref<65536xf32, #tpu.memory_space<hbm>>) target_semaphore(%run_scoped3A : memref<!tpu.dma_semaphore, #tpu.memory_space<semaphore_mem>>)
      %dma_wait3A = tpu.memref_slice %arg5[%add3A_128] : memref<48234496xf32, #tpu.memory_space<hbm>> -> memref<65536xf32, #tpu.memory_space<hbm>>
      %dma_wait3A_617 = tpu.memref_slice %arg6[%mul3A_121] : memref<1048584xf32, #tpu.memory_space<vmem_shared>> -> memref<65536xf32, #tpu.memory_space<vmem_shared>>
      tpu.wait_dma2 semaphore(%run_scoped3A : memref<!tpu.dma_semaphore, #tpu.memory_space<semaphore_mem>>) src(%dma_wait3A_617 : memref<65536xf32, #tpu.memory_space<vmem_shared>>) dst(%dma_wait3A : memref<65536xf32, #tpu.memory_space<hbm>>)
      tpu.yield
    }) : () -> ()
    %barrier3A_129 = arith.constant 0 : index
    tpu.barrier barrier_id(%barrier3A_129)
    %mul3A_130 = arith.constant 23 : i32
    %mul3A_131 = arith.muli %arg0, %mul3A_130 : i32
    %add3A_132 = arith.constant 5 : i32
    %add3A_133 = arith.addi %mul3A_131, %add3A_132 : i32
    %eq3A_134 = arith.constant 0 : i32
    %eq3A_135 = arith.cmpi eq, %arg1, %eq3A_134 : i32
    %convert_element_type3A_136 = arith.extui %eq3A_135 : i1 to i32
    %cond3A_137 = arith.constant 0 : i32
    %cond3A_138 = arith.cmpi ne, %convert_element_type3A_136, %cond3A_137 : i32
    scf.if %cond3A_138 {
      "tpu.region"() ({
        %run_scoped3A = tpu.sem_alloc : memref<!tpu.dma_semaphore, #tpu.memory_space<semaphore_mem>>
        tpu.enqueue_dma source(%arg4 : memref<1048584xf32, #tpu.memory_space<hbm>>) target(%arg6 : memref<1048584xf32, #tpu.memory_space<vmem_shared>>) target_semaphore(%run_scoped3A : memref<!tpu.dma_semaphore, #tpu.memory_space<semaphore_mem>>)
        tpu.wait_dma2 semaphore(%run_scoped3A : memref<!tpu.dma_semaphore, #tpu.memory_space<semaphore_mem>>) src(%arg4 : memref<1048584xf32, #tpu.memory_space<hbm>>) dst(%arg6 : memref<1048584xf32, #tpu.memory_space<vmem_shared>>)
        tpu.yield
      }) : () -> ()
    } else {
    }
    %barrier3A_139 = arith.constant 0 : index
    tpu.barrier barrier_id(%barrier3A_139)
    %scan3A_140 = arith.constant 0 : i32
    %scan3A_141 = arith.constant 0 : i32
    %scan3A_142 = arith.constant 128 : i32
    %scan3A_143 = arith.addi %scan3A_141, %scan3A_142 : i32
    %scan3A_144 = arith.constant 1 : i32
    scf.for %scan3A_616 = %scan3A_141 to %scan3A_143 step %scan3A_144  : i32 {
      %mul3A_617 = arith.constant 128 : i32
      %mul3A_618 = arith.muli %scan3A_616, %mul3A_617 : i32
      %add3A_619 = arith.addi %mul3A_0, %mul3A_618 : i32
      %mul3A_620 = arith.constant 262144 : i32
      %mul3A_621 = arith.muli %add3A_133, %mul3A_620 : i32
      %add3A_622 = arith.addi %mul3A_621, %add3A_619 : i32
      "tpu.region"() ({
        %run_scoped3A = tpu.sem_alloc : memref<!tpu.dma_semaphore, #tpu.memory_space<semaphore_mem>>
        %dma_start3A = tpu.memref_slice %arg3[%add3A_622] : memref<12058624xi32, #tpu.memory_space<hbm>> -> memref<128xi32, #tpu.memory_space<hbm>>
        %dma_start3A_625 = tpu.memref_slice %arg3[%add3A_622] : memref<12058624xi32, #tpu.memory_space<hbm>> -> memref<128xi32, #tpu.memory_space<hbm>>
        tpu.enqueue_dma source(%dma_start3A_625 : memref<128xi32, #tpu.memory_space<hbm>>) target(%arg7 : memref<128xi32, #tpu.memory_space<vmem>>) target_semaphore(%run_scoped3A : memref<!tpu.dma_semaphore, #tpu.memory_space<semaphore_mem>>)
        %dma_wait3A = tpu.memref_slice %arg3[%add3A_622] : memref<12058624xi32, #tpu.memory_space<hbm>> -> memref<128xi32, #tpu.memory_space<hbm>>
        %dma_wait3A_626 = tpu.memref_slice %arg3[%add3A_622] : memref<12058624xi32, #tpu.memory_space<hbm>> -> memref<128xi32, #tpu.memory_space<hbm>>
        tpu.wait_dma2 semaphore(%run_scoped3A : memref<!tpu.dma_semaphore, #tpu.memory_space<semaphore_mem>>) src(%dma_wait3A_626 : memref<128xi32, #tpu.memory_space<hbm>>) dst(%arg7 : memref<128xi32, #tpu.memory_space<vmem>>)
        tpu.yield
      }) : () -> ()
      %add3A_623 = arith.constant 1310720 : i32
      %add3A_624 = arith.addi %add3A_623, %add3A_619 : i32
      "tpu.region"() ({
        %run_scoped3A = tpu.sem_alloc : memref<!tpu.dma_semaphore, #tpu.memory_space<semaphore_mem>>
        %dma_start3A = tpu.memref_slice %arg2[%add3A_624] : memref<6029312xf32, #tpu.memory_space<hbm>> -> memref<128xf32, #tpu.memory_space<hbm>>
        %dma_start3A_625 = tpu.memref_slice %arg2[%add3A_624] : memref<6029312xf32, #tpu.memory_space<hbm>> -> memref<128xf32, #tpu.memory_space<hbm>>
        tpu.enqueue_dma source(%dma_start3A_625 : memref<128xf32, #tpu.memory_space<hbm>>) target(%arg8 : memref<128xf32, #tpu.memory_space<vmem>>) target_semaphore(%run_scoped3A : memref<!tpu.dma_semaphore, #tpu.memory_space<semaphore_mem>>)
        %dma_wait3A = tpu.memref_slice %arg2[%add3A_624] : memref<6029312xf32, #tpu.memory_space<hbm>> -> memref<128xf32, #tpu.memory_space<hbm>>
        %dma_wait3A_626 = tpu.memref_slice %arg2[%add3A_624] : memref<6029312xf32, #tpu.memory_space<hbm>> -> memref<128xf32, #tpu.memory_space<hbm>>
        tpu.wait_dma2 semaphore(%run_scoped3A : memref<!tpu.dma_semaphore, #tpu.memory_space<semaphore_mem>>) src(%dma_wait3A_626 : memref<128xf32, #tpu.memory_space<hbm>>) dst(%arg8 : memref<128xf32, #tpu.memory_space<vmem>>)
        tpu.yield
      }) : () -> ()
      "tpu.region"() ({
        %run_scoped3A = tpu.sem_alloc : memref<!tpu.dma_semaphore, #tpu.memory_space<semaphore_mem>>
        %dma_start3A = arith.constant 0 : i32
        %dma_start3A_625 = tpu.memref_slice %arg6[%dma_start3A] : memref<1048584xf32, #tpu.memory_space<vmem_shared>> -> memref<1048584xf32, #tpu.memory_space<vmem_shared>>
        tpu.enqueue_indirect_dma source(%arg8 : memref<128xf32, #tpu.memory_space<vmem>>) target(%dma_start3A_625 : memref<1048584xf32, #tpu.memory_space<vmem_shared>>) offsets(%arg7 : memref<128xi32, #tpu.memory_space<vmem>>) semaphore(%run_scoped3A : memref<!tpu.dma_semaphore, #tpu.memory_space<semaphore_mem>>) {add = true}
        %dma_wait3A = arith.constant 0 : i32
        %dma_wait3A_626 = tpu.memref_slice %arg6[%dma_wait3A] : memref<1048584xf32, #tpu.memory_space<vmem_shared>> -> memref<1048584xf32, #tpu.memory_space<vmem_shared>>
        tpu.wait_indirect_dma semaphore(%run_scoped3A : memref<!tpu.dma_semaphore, #tpu.memory_space<semaphore_mem>>) src(%arg8 : memref<128xf32, #tpu.memory_space<vmem>>) dst(%dma_wait3A_626 : memref<1048584xf32, #tpu.memory_space<vmem_shared>>)
        tpu.yield
      }) : () -> ()
    }
    %scan3A_145 = arith.constant 128 : i32
    %barrier3A_146 = arith.constant 0 : index
    tpu.barrier barrier_id(%barrier3A_146)
    %mul3A_147 = arith.constant 65536 : i32
    %mul3A_148 = arith.muli %arg1, %mul3A_147 : i32
    %mul3A_149 = arith.constant 1048576 : i32
    %mul3A_150 = arith.muli %arg0, %mul3A_149 : i32
    %add3A_151 = arith.constant 10485760 : i32
    %add3A_152 = arith.addi %add3A_151, %mul3A_150 : i32
    %mul3A_153 = arith.constant 65536 : i32
    %mul3A_154 = arith.muli %arg1, %mul3A_153 : i32
    %add3A_155 = arith.addi %add3A_152, %mul3A_154 : i32
    "tpu.region"() ({
      %run_scoped3A = tpu.sem_alloc : memref<!tpu.dma_semaphore, #tpu.memory_space<semaphore_mem>>
      %dma_start3A = tpu.memref_slice %arg5[%add3A_155] : memref<48234496xf32, #tpu.memory_space<hbm>> -> memref<65536xf32, #tpu.memory_space<hbm>>
      %dma_start3A_616 = tpu.memref_slice %arg6[%mul3A_148] : memref<1048584xf32, #tpu.memory_space<vmem_shared>> -> memref<65536xf32, #tpu.memory_space<vmem_shared>>
      tpu.enqueue_dma source(%dma_start3A_616 : memref<65536xf32, #tpu.memory_space<vmem_shared>>) target(%dma_start3A : memref<65536xf32, #tpu.memory_space<hbm>>) target_semaphore(%run_scoped3A : memref<!tpu.dma_semaphore, #tpu.memory_space<semaphore_mem>>)
      %dma_wait3A = tpu.memref_slice %arg5[%add3A_155] : memref<48234496xf32, #tpu.memory_space<hbm>> -> memref<65536xf32, #tpu.memory_space<hbm>>
      %dma_wait3A_617 = tpu.memref_slice %arg6[%mul3A_148] : memref<1048584xf32, #tpu.memory_space<vmem_shared>> -> memref<65536xf32, #tpu.memory_space<vmem_shared>>
      tpu.wait_dma2 semaphore(%run_scoped3A : memref<!tpu.dma_semaphore, #tpu.memory_space<semaphore_mem>>) src(%dma_wait3A_617 : memref<65536xf32, #tpu.memory_space<vmem_shared>>) dst(%dma_wait3A : memref<65536xf32, #tpu.memory_space<hbm>>)
      tpu.yield
    }) : () -> ()
    %barrier3A_156 = arith.constant 0 : index
    tpu.barrier barrier_id(%barrier3A_156)
    %mul3A_157 = arith.constant 23 : i32
    %mul3A_158 = arith.muli %arg0, %mul3A_157 : i32
    %add3A_159 = arith.constant 6 : i32
    %add3A_160 = arith.addi %mul3A_158, %add3A_159 : i32
    %eq3A_161 = arith.constant 0 : i32
    %eq3A_162 = arith.cmpi eq, %arg1, %eq3A_161 : i32
    %convert_element_type3A_163 = arith.extui %eq3A_162 : i1 to i32
    %cond3A_164 = arith.constant 0 : i32
    %cond3A_165 = arith.cmpi ne, %convert_element_type3A_163, %cond3A_164 : i32
    scf.if %cond3A_165 {
      "tpu.region"() ({
        %run_scoped3A = tpu.sem_alloc : memref<!tpu.dma_semaphore, #tpu.memory_space<semaphore_mem>>
        tpu.enqueue_dma source(%arg4 : memref<1048584xf32, #tpu.memory_space<hbm>>) target(%arg6 : memref<1048584xf32, #tpu.memory_space<vmem_shared>>) target_semaphore(%run_scoped3A : memref<!tpu.dma_semaphore, #tpu.memory_space<semaphore_mem>>)
        tpu.wait_dma2 semaphore(%run_scoped3A : memref<!tpu.dma_semaphore, #tpu.memory_space<semaphore_mem>>) src(%arg4 : memref<1048584xf32, #tpu.memory_space<hbm>>) dst(%arg6 : memref<1048584xf32, #tpu.memory_space<vmem_shared>>)
        tpu.yield
      }) : () -> ()
    } else {
    }
    %barrier3A_166 = arith.constant 0 : index
    tpu.barrier barrier_id(%barrier3A_166)
    %scan3A_167 = arith.constant 0 : i32
    %scan3A_168 = arith.constant 0 : i32
    %scan3A_169 = arith.constant 128 : i32
    %scan3A_170 = arith.addi %scan3A_168, %scan3A_169 : i32
    %scan3A_171 = arith.constant 1 : i32
    scf.for %scan3A_616 = %scan3A_168 to %scan3A_170 step %scan3A_171  : i32 {
      %mul3A_617 = arith.constant 128 : i32
      %mul3A_618 = arith.muli %scan3A_616, %mul3A_617 : i32
      %add3A_619 = arith.addi %mul3A_0, %mul3A_618 : i32
      %mul3A_620 = arith.constant 262144 : i32
      %mul3A_621 = arith.muli %add3A_160, %mul3A_620 : i32
      %add3A_622 = arith.addi %mul3A_621, %add3A_619 : i32
      "tpu.region"() ({
        %run_scoped3A = tpu.sem_alloc : memref<!tpu.dma_semaphore, #tpu.memory_space<semaphore_mem>>
        %dma_start3A = tpu.memref_slice %arg3[%add3A_622] : memref<12058624xi32, #tpu.memory_space<hbm>> -> memref<128xi32, #tpu.memory_space<hbm>>
        %dma_start3A_625 = tpu.memref_slice %arg3[%add3A_622] : memref<12058624xi32, #tpu.memory_space<hbm>> -> memref<128xi32, #tpu.memory_space<hbm>>
        tpu.enqueue_dma source(%dma_start3A_625 : memref<128xi32, #tpu.memory_space<hbm>>) target(%arg7 : memref<128xi32, #tpu.memory_space<vmem>>) target_semaphore(%run_scoped3A : memref<!tpu.dma_semaphore, #tpu.memory_space<semaphore_mem>>)
        %dma_wait3A = tpu.memref_slice %arg3[%add3A_622] : memref<12058624xi32, #tpu.memory_space<hbm>> -> memref<128xi32, #tpu.memory_space<hbm>>
        %dma_wait3A_626 = tpu.memref_slice %arg3[%add3A_622] : memref<12058624xi32, #tpu.memory_space<hbm>> -> memref<128xi32, #tpu.memory_space<hbm>>
        tpu.wait_dma2 semaphore(%run_scoped3A : memref<!tpu.dma_semaphore, #tpu.memory_space<semaphore_mem>>) src(%dma_wait3A_626 : memref<128xi32, #tpu.memory_space<hbm>>) dst(%arg7 : memref<128xi32, #tpu.memory_space<vmem>>)
        tpu.yield
      }) : () -> ()
      %add3A_623 = arith.constant 1572864 : i32
      %add3A_624 = arith.addi %add3A_623, %add3A_619 : i32
      "tpu.region"() ({
        %run_scoped3A = tpu.sem_alloc : memref<!tpu.dma_semaphore, #tpu.memory_space<semaphore_mem>>
        %dma_start3A = tpu.memref_slice %arg2[%add3A_624] : memref<6029312xf32, #tpu.memory_space<hbm>> -> memref<128xf32, #tpu.memory_space<hbm>>
        %dma_start3A_625 = tpu.memref_slice %arg2[%add3A_624] : memref<6029312xf32, #tpu.memory_space<hbm>> -> memref<128xf32, #tpu.memory_space<hbm>>
        tpu.enqueue_dma source(%dma_start3A_625 : memref<128xf32, #tpu.memory_space<hbm>>) target(%arg8 : memref<128xf32, #tpu.memory_space<vmem>>) target_semaphore(%run_scoped3A : memref<!tpu.dma_semaphore, #tpu.memory_space<semaphore_mem>>)
        %dma_wait3A = tpu.memref_slice %arg2[%add3A_624] : memref<6029312xf32, #tpu.memory_space<hbm>> -> memref<128xf32, #tpu.memory_space<hbm>>
        %dma_wait3A_626 = tpu.memref_slice %arg2[%add3A_624] : memref<6029312xf32, #tpu.memory_space<hbm>> -> memref<128xf32, #tpu.memory_space<hbm>>
        tpu.wait_dma2 semaphore(%run_scoped3A : memref<!tpu.dma_semaphore, #tpu.memory_space<semaphore_mem>>) src(%dma_wait3A_626 : memref<128xf32, #tpu.memory_space<hbm>>) dst(%arg8 : memref<128xf32, #tpu.memory_space<vmem>>)
        tpu.yield
      }) : () -> ()
      "tpu.region"() ({
        %run_scoped3A = tpu.sem_alloc : memref<!tpu.dma_semaphore, #tpu.memory_space<semaphore_mem>>
        %dma_start3A = arith.constant 0 : i32
        %dma_start3A_625 = tpu.memref_slice %arg6[%dma_start3A] : memref<1048584xf32, #tpu.memory_space<vmem_shared>> -> memref<1048584xf32, #tpu.memory_space<vmem_shared>>
        tpu.enqueue_indirect_dma source(%arg8 : memref<128xf32, #tpu.memory_space<vmem>>) target(%dma_start3A_625 : memref<1048584xf32, #tpu.memory_space<vmem_shared>>) offsets(%arg7 : memref<128xi32, #tpu.memory_space<vmem>>) semaphore(%run_scoped3A : memref<!tpu.dma_semaphore, #tpu.memory_space<semaphore_mem>>) {add = true}
        %dma_wait3A = arith.constant 0 : i32
        %dma_wait3A_626 = tpu.memref_slice %arg6[%dma_wait3A] : memref<1048584xf32, #tpu.memory_space<vmem_shared>> -> memref<1048584xf32, #tpu.memory_space<vmem_shared>>
        tpu.wait_indirect_dma semaphore(%run_scoped3A : memref<!tpu.dma_semaphore, #tpu.memory_space<semaphore_mem>>) src(%arg8 : memref<128xf32, #tpu.memory_space<vmem>>) dst(%dma_wait3A_626 : memref<1048584xf32, #tpu.memory_space<vmem_shared>>)
        tpu.yield
      }) : () -> ()
    }
    %scan3A_172 = arith.constant 128 : i32
    %barrier3A_173 = arith.constant 0 : index
    tpu.barrier barrier_id(%barrier3A_173)
    %mul3A_174 = arith.constant 65536 : i32
    %mul3A_175 = arith.muli %arg1, %mul3A_174 : i32
    %mul3A_176 = arith.constant 1048576 : i32
    %mul3A_177 = arith.muli %arg0, %mul3A_176 : i32
    %add3A_178 = arith.constant 12582912 : i32
    %add3A_179 = arith.addi %add3A_178, %mul3A_177 : i32
    %mul3A_180 = arith.constant 65536 : i32
    %mul3A_181 = arith.muli %arg1, %mul3A_180 : i32
    %add3A_182 = arith.addi %add3A_179, %mul3A_181 : i32
    "tpu.region"() ({
      %run_scoped3A = tpu.sem_alloc : memref<!tpu.dma_semaphore, #tpu.memory_space<semaphore_mem>>
      %dma_start3A = tpu.memref_slice %arg5[%add3A_182] : memref<48234496xf32, #tpu.memory_space<hbm>> -> memref<65536xf32, #tpu.memory_space<hbm>>
      %dma_start3A_616 = tpu.memref_slice %arg6[%mul3A_175] : memref<1048584xf32, #tpu.memory_space<vmem_shared>> -> memref<65536xf32, #tpu.memory_space<vmem_shared>>
      tpu.enqueue_dma source(%dma_start3A_616 : memref<65536xf32, #tpu.memory_space<vmem_shared>>) target(%dma_start3A : memref<65536xf32, #tpu.memory_space<hbm>>) target_semaphore(%run_scoped3A : memref<!tpu.dma_semaphore, #tpu.memory_space<semaphore_mem>>)
      %dma_wait3A = tpu.memref_slice %arg5[%add3A_182] : memref<48234496xf32, #tpu.memory_space<hbm>> -> memref<65536xf32, #tpu.memory_space<hbm>>
      %dma_wait3A_617 = tpu.memref_slice %arg6[%mul3A_175] : memref<1048584xf32, #tpu.memory_space<vmem_shared>> -> memref<65536xf32, #tpu.memory_space<vmem_shared>>
      tpu.wait_dma2 semaphore(%run_scoped3A : memref<!tpu.dma_semaphore, #tpu.memory_space<semaphore_mem>>) src(%dma_wait3A_617 : memref<65536xf32, #tpu.memory_space<vmem_shared>>) dst(%dma_wait3A : memref<65536xf32, #tpu.memory_space<hbm>>)
      tpu.yield
    }) : () -> ()
    %barrier3A_183 = arith.constant 0 : index
    tpu.barrier barrier_id(%barrier3A_183)
    %mul3A_184 = arith.constant 23 : i32
    %mul3A_185 = arith.muli %arg0, %mul3A_184 : i32
    %add3A_186 = arith.constant 7 : i32
    %add3A_187 = arith.addi %mul3A_185, %add3A_186 : i32
    %eq3A_188 = arith.constant 0 : i32
    %eq3A_189 = arith.cmpi eq, %arg1, %eq3A_188 : i32
    %convert_element_type3A_190 = arith.extui %eq3A_189 : i1 to i32
    %cond3A_191 = arith.constant 0 : i32
    %cond3A_192 = arith.cmpi ne, %convert_element_type3A_190, %cond3A_191 : i32
    scf.if %cond3A_192 {
      "tpu.region"() ({
        %run_scoped3A = tpu.sem_alloc : memref<!tpu.dma_semaphore, #tpu.memory_space<semaphore_mem>>
        tpu.enqueue_dma source(%arg4 : memref<1048584xf32, #tpu.memory_space<hbm>>) target(%arg6 : memref<1048584xf32, #tpu.memory_space<vmem_shared>>) target_semaphore(%run_scoped3A : memref<!tpu.dma_semaphore, #tpu.memory_space<semaphore_mem>>)
        tpu.wait_dma2 semaphore(%run_scoped3A : memref<!tpu.dma_semaphore, #tpu.memory_space<semaphore_mem>>) src(%arg4 : memref<1048584xf32, #tpu.memory_space<hbm>>) dst(%arg6 : memref<1048584xf32, #tpu.memory_space<vmem_shared>>)
        tpu.yield
      }) : () -> ()
    } else {
    }
    %barrier3A_193 = arith.constant 0 : index
    tpu.barrier barrier_id(%barrier3A_193)
    %scan3A_194 = arith.constant 0 : i32
    %scan3A_195 = arith.constant 0 : i32
    %scan3A_196 = arith.constant 128 : i32
    %scan3A_197 = arith.addi %scan3A_195, %scan3A_196 : i32
    %scan3A_198 = arith.constant 1 : i32
    scf.for %scan3A_616 = %scan3A_195 to %scan3A_197 step %scan3A_198  : i32 {
      %mul3A_617 = arith.constant 128 : i32
      %mul3A_618 = arith.muli %scan3A_616, %mul3A_617 : i32
      %add3A_619 = arith.addi %mul3A_0, %mul3A_618 : i32
      %mul3A_620 = arith.constant 262144 : i32
      %mul3A_621 = arith.muli %add3A_187, %mul3A_620 : i32
      %add3A_622 = arith.addi %mul3A_621, %add3A_619 : i32
      "tpu.region"() ({
        %run_scoped3A = tpu.sem_alloc : memref<!tpu.dma_semaphore, #tpu.memory_space<semaphore_mem>>
        %dma_start3A = tpu.memref_slice %arg3[%add3A_622] : memref<12058624xi32, #tpu.memory_space<hbm>> -> memref<128xi32, #tpu.memory_space<hbm>>
        %dma_start3A_625 = tpu.memref_slice %arg3[%add3A_622] : memref<12058624xi32, #tpu.memory_space<hbm>> -> memref<128xi32, #tpu.memory_space<hbm>>
        tpu.enqueue_dma source(%dma_start3A_625 : memref<128xi32, #tpu.memory_space<hbm>>) target(%arg7 : memref<128xi32, #tpu.memory_space<vmem>>) target_semaphore(%run_scoped3A : memref<!tpu.dma_semaphore, #tpu.memory_space<semaphore_mem>>)
        %dma_wait3A = tpu.memref_slice %arg3[%add3A_622] : memref<12058624xi32, #tpu.memory_space<hbm>> -> memref<128xi32, #tpu.memory_space<hbm>>
        %dma_wait3A_626 = tpu.memref_slice %arg3[%add3A_622] : memref<12058624xi32, #tpu.memory_space<hbm>> -> memref<128xi32, #tpu.memory_space<hbm>>
        tpu.wait_dma2 semaphore(%run_scoped3A : memref<!tpu.dma_semaphore, #tpu.memory_space<semaphore_mem>>) src(%dma_wait3A_626 : memref<128xi32, #tpu.memory_space<hbm>>) dst(%arg7 : memref<128xi32, #tpu.memory_space<vmem>>)
        tpu.yield
      }) : () -> ()
      %add3A_623 = arith.constant 1835008 : i32
      %add3A_624 = arith.addi %add3A_623, %add3A_619 : i32
      "tpu.region"() ({
        %run_scoped3A = tpu.sem_alloc : memref<!tpu.dma_semaphore, #tpu.memory_space<semaphore_mem>>
        %dma_start3A = tpu.memref_slice %arg2[%add3A_624] : memref<6029312xf32, #tpu.memory_space<hbm>> -> memref<128xf32, #tpu.memory_space<hbm>>
        %dma_start3A_625 = tpu.memref_slice %arg2[%add3A_624] : memref<6029312xf32, #tpu.memory_space<hbm>> -> memref<128xf32, #tpu.memory_space<hbm>>
        tpu.enqueue_dma source(%dma_start3A_625 : memref<128xf32, #tpu.memory_space<hbm>>) target(%arg8 : memref<128xf32, #tpu.memory_space<vmem>>) target_semaphore(%run_scoped3A : memref<!tpu.dma_semaphore, #tpu.memory_space<semaphore_mem>>)
        %dma_wait3A = tpu.memref_slice %arg2[%add3A_624] : memref<6029312xf32, #tpu.memory_space<hbm>> -> memref<128xf32, #tpu.memory_space<hbm>>
        %dma_wait3A_626 = tpu.memref_slice %arg2[%add3A_624] : memref<6029312xf32, #tpu.memory_space<hbm>> -> memref<128xf32, #tpu.memory_space<hbm>>
        tpu.wait_dma2 semaphore(%run_scoped3A : memref<!tpu.dma_semaphore, #tpu.memory_space<semaphore_mem>>) src(%dma_wait3A_626 : memref<128xf32, #tpu.memory_space<hbm>>) dst(%arg8 : memref<128xf32, #tpu.memory_space<vmem>>)
        tpu.yield
      }) : () -> ()
      "tpu.region"() ({
        %run_scoped3A = tpu.sem_alloc : memref<!tpu.dma_semaphore, #tpu.memory_space<semaphore_mem>>
        %dma_start3A = arith.constant 0 : i32
        %dma_start3A_625 = tpu.memref_slice %arg6[%dma_start3A] : memref<1048584xf32, #tpu.memory_space<vmem_shared>> -> memref<1048584xf32, #tpu.memory_space<vmem_shared>>
        tpu.enqueue_indirect_dma source(%arg8 : memref<128xf32, #tpu.memory_space<vmem>>) target(%dma_start3A_625 : memref<1048584xf32, #tpu.memory_space<vmem_shared>>) offsets(%arg7 : memref<128xi32, #tpu.memory_space<vmem>>) semaphore(%run_scoped3A : memref<!tpu.dma_semaphore, #tpu.memory_space<semaphore_mem>>) {add = true}
        %dma_wait3A = arith.constant 0 : i32
        %dma_wait3A_626 = tpu.memref_slice %arg6[%dma_wait3A] : memref<1048584xf32, #tpu.memory_space<vmem_shared>> -> memref<1048584xf32, #tpu.memory_space<vmem_shared>>
        tpu.wait_indirect_dma semaphore(%run_scoped3A : memref<!tpu.dma_semaphore, #tpu.memory_space<semaphore_mem>>) src(%arg8 : memref<128xf32, #tpu.memory_space<vmem>>) dst(%dma_wait3A_626 : memref<1048584xf32, #tpu.memory_space<vmem_shared>>)
        tpu.yield
      }) : () -> ()
    }
    %scan3A_199 = arith.constant 128 : i32
    %barrier3A_200 = arith.constant 0 : index
    tpu.barrier barrier_id(%barrier3A_200)
    %mul3A_201 = arith.constant 65536 : i32
    %mul3A_202 = arith.muli %arg1, %mul3A_201 : i32
    %mul3A_203 = arith.constant 1048576 : i32
    %mul3A_204 = arith.muli %arg0, %mul3A_203 : i32
    %add3A_205 = arith.constant 14680064 : i32
    %add3A_206 = arith.addi %add3A_205, %mul3A_204 : i32
    %mul3A_207 = arith.constant 65536 : i32
    %mul3A_208 = arith.muli %arg1, %mul3A_207 : i32
    %add3A_209 = arith.addi %add3A_206, %mul3A_208 : i32
    "tpu.region"() ({
      %run_scoped3A = tpu.sem_alloc : memref<!tpu.dma_semaphore, #tpu.memory_space<semaphore_mem>>
      %dma_start3A = tpu.memref_slice %arg5[%add3A_209] : memref<48234496xf32, #tpu.memory_space<hbm>> -> memref<65536xf32, #tpu.memory_space<hbm>>
      %dma_start3A_616 = tpu.memref_slice %arg6[%mul3A_202] : memref<1048584xf32, #tpu.memory_space<vmem_shared>> -> memref<65536xf32, #tpu.memory_space<vmem_shared>>
      tpu.enqueue_dma source(%dma_start3A_616 : memref<65536xf32, #tpu.memory_space<vmem_shared>>) target(%dma_start3A : memref<65536xf32, #tpu.memory_space<hbm>>) target_semaphore(%run_scoped3A : memref<!tpu.dma_semaphore, #tpu.memory_space<semaphore_mem>>)
      %dma_wait3A = tpu.memref_slice %arg5[%add3A_209] : memref<48234496xf32, #tpu.memory_space<hbm>> -> memref<65536xf32, #tpu.memory_space<hbm>>
      %dma_wait3A_617 = tpu.memref_slice %arg6[%mul3A_202] : memref<1048584xf32, #tpu.memory_space<vmem_shared>> -> memref<65536xf32, #tpu.memory_space<vmem_shared>>
      tpu.wait_dma2 semaphore(%run_scoped3A : memref<!tpu.dma_semaphore, #tpu.memory_space<semaphore_mem>>) src(%dma_wait3A_617 : memref<65536xf32, #tpu.memory_space<vmem_shared>>) dst(%dma_wait3A : memref<65536xf32, #tpu.memory_space<hbm>>)
      tpu.yield
    }) : () -> ()
    %barrier3A_210 = arith.constant 0 : index
    tpu.barrier barrier_id(%barrier3A_210)
    %mul3A_211 = arith.constant 23 : i32
    %mul3A_212 = arith.muli %arg0, %mul3A_211 : i32
    %add3A_213 = arith.constant 8 : i32
    %add3A_214 = arith.addi %mul3A_212, %add3A_213 : i32
    %eq3A_215 = arith.constant 0 : i32
    %eq3A_216 = arith.cmpi eq, %arg1, %eq3A_215 : i32
    %convert_element_type3A_217 = arith.extui %eq3A_216 : i1 to i32
    %cond3A_218 = arith.constant 0 : i32
    %cond3A_219 = arith.cmpi ne, %convert_element_type3A_217, %cond3A_218 : i32
    scf.if %cond3A_219 {
      "tpu.region"() ({
        %run_scoped3A = tpu.sem_alloc : memref<!tpu.dma_semaphore, #tpu.memory_space<semaphore_mem>>
        tpu.enqueue_dma source(%arg4 : memref<1048584xf32, #tpu.memory_space<hbm>>) target(%arg6 : memref<1048584xf32, #tpu.memory_space<vmem_shared>>) target_semaphore(%run_scoped3A : memref<!tpu.dma_semaphore, #tpu.memory_space<semaphore_mem>>)
        tpu.wait_dma2 semaphore(%run_scoped3A : memref<!tpu.dma_semaphore, #tpu.memory_space<semaphore_mem>>) src(%arg4 : memref<1048584xf32, #tpu.memory_space<hbm>>) dst(%arg6 : memref<1048584xf32, #tpu.memory_space<vmem_shared>>)
        tpu.yield
      }) : () -> ()
    } else {
    }
    %barrier3A_220 = arith.constant 0 : index
    tpu.barrier barrier_id(%barrier3A_220)
    %scan3A_221 = arith.constant 0 : i32
    %scan3A_222 = arith.constant 0 : i32
    %scan3A_223 = arith.constant 128 : i32
    %scan3A_224 = arith.addi %scan3A_222, %scan3A_223 : i32
    %scan3A_225 = arith.constant 1 : i32
    scf.for %scan3A_616 = %scan3A_222 to %scan3A_224 step %scan3A_225  : i32 {
      %mul3A_617 = arith.constant 128 : i32
      %mul3A_618 = arith.muli %scan3A_616, %mul3A_617 : i32
      %add3A_619 = arith.addi %mul3A_0, %mul3A_618 : i32
      %mul3A_620 = arith.constant 262144 : i32
      %mul3A_621 = arith.muli %add3A_214, %mul3A_620 : i32
      %add3A_622 = arith.addi %mul3A_621, %add3A_619 : i32
      "tpu.region"() ({
        %run_scoped3A = tpu.sem_alloc : memref<!tpu.dma_semaphore, #tpu.memory_space<semaphore_mem>>
        %dma_start3A = tpu.memref_slice %arg3[%add3A_622] : memref<12058624xi32, #tpu.memory_space<hbm>> -> memref<128xi32, #tpu.memory_space<hbm>>
        %dma_start3A_625 = tpu.memref_slice %arg3[%add3A_622] : memref<12058624xi32, #tpu.memory_space<hbm>> -> memref<128xi32, #tpu.memory_space<hbm>>
        tpu.enqueue_dma source(%dma_start3A_625 : memref<128xi32, #tpu.memory_space<hbm>>) target(%arg7 : memref<128xi32, #tpu.memory_space<vmem>>) target_semaphore(%run_scoped3A : memref<!tpu.dma_semaphore, #tpu.memory_space<semaphore_mem>>)
        %dma_wait3A = tpu.memref_slice %arg3[%add3A_622] : memref<12058624xi32, #tpu.memory_space<hbm>> -> memref<128xi32, #tpu.memory_space<hbm>>
        %dma_wait3A_626 = tpu.memref_slice %arg3[%add3A_622] : memref<12058624xi32, #tpu.memory_space<hbm>> -> memref<128xi32, #tpu.memory_space<hbm>>
        tpu.wait_dma2 semaphore(%run_scoped3A : memref<!tpu.dma_semaphore, #tpu.memory_space<semaphore_mem>>) src(%dma_wait3A_626 : memref<128xi32, #tpu.memory_space<hbm>>) dst(%arg7 : memref<128xi32, #tpu.memory_space<vmem>>)
        tpu.yield
      }) : () -> ()
      %add3A_623 = arith.constant 2097152 : i32
      %add3A_624 = arith.addi %add3A_623, %add3A_619 : i32
      "tpu.region"() ({
        %run_scoped3A = tpu.sem_alloc : memref<!tpu.dma_semaphore, #tpu.memory_space<semaphore_mem>>
        %dma_start3A = tpu.memref_slice %arg2[%add3A_624] : memref<6029312xf32, #tpu.memory_space<hbm>> -> memref<128xf32, #tpu.memory_space<hbm>>
        %dma_start3A_625 = tpu.memref_slice %arg2[%add3A_624] : memref<6029312xf32, #tpu.memory_space<hbm>> -> memref<128xf32, #tpu.memory_space<hbm>>
        tpu.enqueue_dma source(%dma_start3A_625 : memref<128xf32, #tpu.memory_space<hbm>>) target(%arg8 : memref<128xf32, #tpu.memory_space<vmem>>) target_semaphore(%run_scoped3A : memref<!tpu.dma_semaphore, #tpu.memory_space<semaphore_mem>>)
        %dma_wait3A = tpu.memref_slice %arg2[%add3A_624] : memref<6029312xf32, #tpu.memory_space<hbm>> -> memref<128xf32, #tpu.memory_space<hbm>>
        %dma_wait3A_626 = tpu.memref_slice %arg2[%add3A_624] : memref<6029312xf32, #tpu.memory_space<hbm>> -> memref<128xf32, #tpu.memory_space<hbm>>
        tpu.wait_dma2 semaphore(%run_scoped3A : memref<!tpu.dma_semaphore, #tpu.memory_space<semaphore_mem>>) src(%dma_wait3A_626 : memref<128xf32, #tpu.memory_space<hbm>>) dst(%arg8 : memref<128xf32, #tpu.memory_space<vmem>>)
        tpu.yield
      }) : () -> ()
      "tpu.region"() ({
        %run_scoped3A = tpu.sem_alloc : memref<!tpu.dma_semaphore, #tpu.memory_space<semaphore_mem>>
        %dma_start3A = arith.constant 0 : i32
        %dma_start3A_625 = tpu.memref_slice %arg6[%dma_start3A] : memref<1048584xf32, #tpu.memory_space<vmem_shared>> -> memref<1048584xf32, #tpu.memory_space<vmem_shared>>
        tpu.enqueue_indirect_dma source(%arg8 : memref<128xf32, #tpu.memory_space<vmem>>) target(%dma_start3A_625 : memref<1048584xf32, #tpu.memory_space<vmem_shared>>) offsets(%arg7 : memref<128xi32, #tpu.memory_space<vmem>>) semaphore(%run_scoped3A : memref<!tpu.dma_semaphore, #tpu.memory_space<semaphore_mem>>) {add = true}
        %dma_wait3A = arith.constant 0 : i32
        %dma_wait3A_626 = tpu.memref_slice %arg6[%dma_wait3A] : memref<1048584xf32, #tpu.memory_space<vmem_shared>> -> memref<1048584xf32, #tpu.memory_space<vmem_shared>>
        tpu.wait_indirect_dma semaphore(%run_scoped3A : memref<!tpu.dma_semaphore, #tpu.memory_space<semaphore_mem>>) src(%arg8 : memref<128xf32, #tpu.memory_space<vmem>>) dst(%dma_wait3A_626 : memref<1048584xf32, #tpu.memory_space<vmem_shared>>)
        tpu.yield
      }) : () -> ()
    }
    %scan3A_226 = arith.constant 128 : i32
    %barrier3A_227 = arith.constant 0 : index
    tpu.barrier barrier_id(%barrier3A_227)
    %mul3A_228 = arith.constant 65536 : i32
    %mul3A_229 = arith.muli %arg1, %mul3A_228 : i32
    %mul3A_230 = arith.constant 1048576 : i32
    %mul3A_231 = arith.muli %arg0, %mul3A_230 : i32
    %add3A_232 = arith.constant 16777216 : i32
    %add3A_233 = arith.addi %add3A_232, %mul3A_231 : i32
    %mul3A_234 = arith.constant 65536 : i32
    %mul3A_235 = arith.muli %arg1, %mul3A_234 : i32
    %add3A_236 = arith.addi %add3A_233, %mul3A_235 : i32
    "tpu.region"() ({
      %run_scoped3A = tpu.sem_alloc : memref<!tpu.dma_semaphore, #tpu.memory_space<semaphore_mem>>
      %dma_start3A = tpu.memref_slice %arg5[%add3A_236] : memref<48234496xf32, #tpu.memory_space<hbm>> -> memref<65536xf32, #tpu.memory_space<hbm>>
      %dma_start3A_616 = tpu.memref_slice %arg6[%mul3A_229] : memref<1048584xf32, #tpu.memory_space<vmem_shared>> -> memref<65536xf32, #tpu.memory_space<vmem_shared>>
      tpu.enqueue_dma source(%dma_start3A_616 : memref<65536xf32, #tpu.memory_space<vmem_shared>>) target(%dma_start3A : memref<65536xf32, #tpu.memory_space<hbm>>) target_semaphore(%run_scoped3A : memref<!tpu.dma_semaphore, #tpu.memory_space<semaphore_mem>>)
      %dma_wait3A = tpu.memref_slice %arg5[%add3A_236] : memref<48234496xf32, #tpu.memory_space<hbm>> -> memref<65536xf32, #tpu.memory_space<hbm>>
      %dma_wait3A_617 = tpu.memref_slice %arg6[%mul3A_229] : memref<1048584xf32, #tpu.memory_space<vmem_shared>> -> memref<65536xf32, #tpu.memory_space<vmem_shared>>
      tpu.wait_dma2 semaphore(%run_scoped3A : memref<!tpu.dma_semaphore, #tpu.memory_space<semaphore_mem>>) src(%dma_wait3A_617 : memref<65536xf32, #tpu.memory_space<vmem_shared>>) dst(%dma_wait3A : memref<65536xf32, #tpu.memory_space<hbm>>)
      tpu.yield
    }) : () -> ()
    %barrier3A_237 = arith.constant 0 : index
    tpu.barrier barrier_id(%barrier3A_237)
    %mul3A_238 = arith.constant 23 : i32
    %mul3A_239 = arith.muli %arg0, %mul3A_238 : i32
    %add3A_240 = arith.constant 9 : i32
    %add3A_241 = arith.addi %mul3A_239, %add3A_240 : i32
    %eq3A_242 = arith.constant 0 : i32
    %eq3A_243 = arith.cmpi eq, %arg1, %eq3A_242 : i32
    %convert_element_type3A_244 = arith.extui %eq3A_243 : i1 to i32
    %cond3A_245 = arith.constant 0 : i32
    %cond3A_246 = arith.cmpi ne, %convert_element_type3A_244, %cond3A_245 : i32
    scf.if %cond3A_246 {
      "tpu.region"() ({
        %run_scoped3A = tpu.sem_alloc : memref<!tpu.dma_semaphore, #tpu.memory_space<semaphore_mem>>
        tpu.enqueue_dma source(%arg4 : memref<1048584xf32, #tpu.memory_space<hbm>>) target(%arg6 : memref<1048584xf32, #tpu.memory_space<vmem_shared>>) target_semaphore(%run_scoped3A : memref<!tpu.dma_semaphore, #tpu.memory_space<semaphore_mem>>)
        tpu.wait_dma2 semaphore(%run_scoped3A : memref<!tpu.dma_semaphore, #tpu.memory_space<semaphore_mem>>) src(%arg4 : memref<1048584xf32, #tpu.memory_space<hbm>>) dst(%arg6 : memref<1048584xf32, #tpu.memory_space<vmem_shared>>)
        tpu.yield
      }) : () -> ()
    } else {
    }
    %barrier3A_247 = arith.constant 0 : index
    tpu.barrier barrier_id(%barrier3A_247)
    %scan3A_248 = arith.constant 0 : i32
    %scan3A_249 = arith.constant 0 : i32
    %scan3A_250 = arith.constant 128 : i32
    %scan3A_251 = arith.addi %scan3A_249, %scan3A_250 : i32
    %scan3A_252 = arith.constant 1 : i32
    scf.for %scan3A_616 = %scan3A_249 to %scan3A_251 step %scan3A_252  : i32 {
      %mul3A_617 = arith.constant 128 : i32
      %mul3A_618 = arith.muli %scan3A_616, %mul3A_617 : i32
      %add3A_619 = arith.addi %mul3A_0, %mul3A_618 : i32
      %mul3A_620 = arith.constant 262144 : i32
      %mul3A_621 = arith.muli %add3A_241, %mul3A_620 : i32
      %add3A_622 = arith.addi %mul3A_621, %add3A_619 : i32
      "tpu.region"() ({
        %run_scoped3A = tpu.sem_alloc : memref<!tpu.dma_semaphore, #tpu.memory_space<semaphore_mem>>
        %dma_start3A = tpu.memref_slice %arg3[%add3A_622] : memref<12058624xi32, #tpu.memory_space<hbm>> -> memref<128xi32, #tpu.memory_space<hbm>>
        %dma_start3A_625 = tpu.memref_slice %arg3[%add3A_622] : memref<12058624xi32, #tpu.memory_space<hbm>> -> memref<128xi32, #tpu.memory_space<hbm>>
        tpu.enqueue_dma source(%dma_start3A_625 : memref<128xi32, #tpu.memory_space<hbm>>) target(%arg7 : memref<128xi32, #tpu.memory_space<vmem>>) target_semaphore(%run_scoped3A : memref<!tpu.dma_semaphore, #tpu.memory_space<semaphore_mem>>)
        %dma_wait3A = tpu.memref_slice %arg3[%add3A_622] : memref<12058624xi32, #tpu.memory_space<hbm>> -> memref<128xi32, #tpu.memory_space<hbm>>
        %dma_wait3A_626 = tpu.memref_slice %arg3[%add3A_622] : memref<12058624xi32, #tpu.memory_space<hbm>> -> memref<128xi32, #tpu.memory_space<hbm>>
        tpu.wait_dma2 semaphore(%run_scoped3A : memref<!tpu.dma_semaphore, #tpu.memory_space<semaphore_mem>>) src(%dma_wait3A_626 : memref<128xi32, #tpu.memory_space<hbm>>) dst(%arg7 : memref<128xi32, #tpu.memory_space<vmem>>)
        tpu.yield
      }) : () -> ()
      %add3A_623 = arith.constant 2359296 : i32
      %add3A_624 = arith.addi %add3A_623, %add3A_619 : i32
      "tpu.region"() ({
        %run_scoped3A = tpu.sem_alloc : memref<!tpu.dma_semaphore, #tpu.memory_space<semaphore_mem>>
        %dma_start3A = tpu.memref_slice %arg2[%add3A_624] : memref<6029312xf32, #tpu.memory_space<hbm>> -> memref<128xf32, #tpu.memory_space<hbm>>
        %dma_start3A_625 = tpu.memref_slice %arg2[%add3A_624] : memref<6029312xf32, #tpu.memory_space<hbm>> -> memref<128xf32, #tpu.memory_space<hbm>>
        tpu.enqueue_dma source(%dma_start3A_625 : memref<128xf32, #tpu.memory_space<hbm>>) target(%arg8 : memref<128xf32, #tpu.memory_space<vmem>>) target_semaphore(%run_scoped3A : memref<!tpu.dma_semaphore, #tpu.memory_space<semaphore_mem>>)
        %dma_wait3A = tpu.memref_slice %arg2[%add3A_624] : memref<6029312xf32, #tpu.memory_space<hbm>> -> memref<128xf32, #tpu.memory_space<hbm>>
        %dma_wait3A_626 = tpu.memref_slice %arg2[%add3A_624] : memref<6029312xf32, #tpu.memory_space<hbm>> -> memref<128xf32, #tpu.memory_space<hbm>>
        tpu.wait_dma2 semaphore(%run_scoped3A : memref<!tpu.dma_semaphore, #tpu.memory_space<semaphore_mem>>) src(%dma_wait3A_626 : memref<128xf32, #tpu.memory_space<hbm>>) dst(%arg8 : memref<128xf32, #tpu.memory_space<vmem>>)
        tpu.yield
      }) : () -> ()
      "tpu.region"() ({
        %run_scoped3A = tpu.sem_alloc : memref<!tpu.dma_semaphore, #tpu.memory_space<semaphore_mem>>
        %dma_start3A = arith.constant 0 : i32
        %dma_start3A_625 = tpu.memref_slice %arg6[%dma_start3A] : memref<1048584xf32, #tpu.memory_space<vmem_shared>> -> memref<1048584xf32, #tpu.memory_space<vmem_shared>>
        tpu.enqueue_indirect_dma source(%arg8 : memref<128xf32, #tpu.memory_space<vmem>>) target(%dma_start3A_625 : memref<1048584xf32, #tpu.memory_space<vmem_shared>>) offsets(%arg7 : memref<128xi32, #tpu.memory_space<vmem>>) semaphore(%run_scoped3A : memref<!tpu.dma_semaphore, #tpu.memory_space<semaphore_mem>>) {add = true}
        %dma_wait3A = arith.constant 0 : i32
        %dma_wait3A_626 = tpu.memref_slice %arg6[%dma_wait3A] : memref<1048584xf32, #tpu.memory_space<vmem_shared>> -> memref<1048584xf32, #tpu.memory_space<vmem_shared>>
        tpu.wait_indirect_dma semaphore(%run_scoped3A : memref<!tpu.dma_semaphore, #tpu.memory_space<semaphore_mem>>) src(%arg8 : memref<128xf32, #tpu.memory_space<vmem>>) dst(%dma_wait3A_626 : memref<1048584xf32, #tpu.memory_space<vmem_shared>>)
        tpu.yield
      }) : () -> ()
    }
    %scan3A_253 = arith.constant 128 : i32
    %barrier3A_254 = arith.constant 0 : index
    tpu.barrier barrier_id(%barrier3A_254)
    %mul3A_255 = arith.constant 65536 : i32
    %mul3A_256 = arith.muli %arg1, %mul3A_255 : i32
    %mul3A_257 = arith.constant 1048576 : i32
    %mul3A_258 = arith.muli %arg0, %mul3A_257 : i32
    %add3A_259 = arith.constant 18874368 : i32
    %add3A_260 = arith.addi %add3A_259, %mul3A_258 : i32
    %mul3A_261 = arith.constant 65536 : i32
    %mul3A_262 = arith.muli %arg1, %mul3A_261 : i32
    %add3A_263 = arith.addi %add3A_260, %mul3A_262 : i32
    "tpu.region"() ({
      %run_scoped3A = tpu.sem_alloc : memref<!tpu.dma_semaphore, #tpu.memory_space<semaphore_mem>>
      %dma_start3A = tpu.memref_slice %arg5[%add3A_263] : memref<48234496xf32, #tpu.memory_space<hbm>> -> memref<65536xf32, #tpu.memory_space<hbm>>
      %dma_start3A_616 = tpu.memref_slice %arg6[%mul3A_256] : memref<1048584xf32, #tpu.memory_space<vmem_shared>> -> memref<65536xf32, #tpu.memory_space<vmem_shared>>
      tpu.enqueue_dma source(%dma_start3A_616 : memref<65536xf32, #tpu.memory_space<vmem_shared>>) target(%dma_start3A : memref<65536xf32, #tpu.memory_space<hbm>>) target_semaphore(%run_scoped3A : memref<!tpu.dma_semaphore, #tpu.memory_space<semaphore_mem>>)
      %dma_wait3A = tpu.memref_slice %arg5[%add3A_263] : memref<48234496xf32, #tpu.memory_space<hbm>> -> memref<65536xf32, #tpu.memory_space<hbm>>
      %dma_wait3A_617 = tpu.memref_slice %arg6[%mul3A_256] : memref<1048584xf32, #tpu.memory_space<vmem_shared>> -> memref<65536xf32, #tpu.memory_space<vmem_shared>>
      tpu.wait_dma2 semaphore(%run_scoped3A : memref<!tpu.dma_semaphore, #tpu.memory_space<semaphore_mem>>) src(%dma_wait3A_617 : memref<65536xf32, #tpu.memory_space<vmem_shared>>) dst(%dma_wait3A : memref<65536xf32, #tpu.memory_space<hbm>>)
      tpu.yield
    }) : () -> ()
    %barrier3A_264 = arith.constant 0 : index
    tpu.barrier barrier_id(%barrier3A_264)
    %mul3A_265 = arith.constant 23 : i32
    %mul3A_266 = arith.muli %arg0, %mul3A_265 : i32
    %add3A_267 = arith.constant 10 : i32
    %add3A_268 = arith.addi %mul3A_266, %add3A_267 : i32
    %eq3A_269 = arith.constant 0 : i32
    %eq3A_270 = arith.cmpi eq, %arg1, %eq3A_269 : i32
    %convert_element_type3A_271 = arith.extui %eq3A_270 : i1 to i32
    %cond3A_272 = arith.constant 0 : i32
    %cond3A_273 = arith.cmpi ne, %convert_element_type3A_271, %cond3A_272 : i32
    scf.if %cond3A_273 {
      "tpu.region"() ({
        %run_scoped3A = tpu.sem_alloc : memref<!tpu.dma_semaphore, #tpu.memory_space<semaphore_mem>>
        tpu.enqueue_dma source(%arg4 : memref<1048584xf32, #tpu.memory_space<hbm>>) target(%arg6 : memref<1048584xf32, #tpu.memory_space<vmem_shared>>) target_semaphore(%run_scoped3A : memref<!tpu.dma_semaphore, #tpu.memory_space<semaphore_mem>>)
        tpu.wait_dma2 semaphore(%run_scoped3A : memref<!tpu.dma_semaphore, #tpu.memory_space<semaphore_mem>>) src(%arg4 : memref<1048584xf32, #tpu.memory_space<hbm>>) dst(%arg6 : memref<1048584xf32, #tpu.memory_space<vmem_shared>>)
        tpu.yield
      }) : () -> ()
    } else {
    }
    %barrier3A_274 = arith.constant 0 : index
    tpu.barrier barrier_id(%barrier3A_274)
    %scan3A_275 = arith.constant 0 : i32
    %scan3A_276 = arith.constant 0 : i32
    %scan3A_277 = arith.constant 128 : i32
    %scan3A_278 = arith.addi %scan3A_276, %scan3A_277 : i32
    %scan3A_279 = arith.constant 1 : i32
    scf.for %scan3A_616 = %scan3A_276 to %scan3A_278 step %scan3A_279  : i32 {
      %mul3A_617 = arith.constant 128 : i32
      %mul3A_618 = arith.muli %scan3A_616, %mul3A_617 : i32
      %add3A_619 = arith.addi %mul3A_0, %mul3A_618 : i32
      %mul3A_620 = arith.constant 262144 : i32
      %mul3A_621 = arith.muli %add3A_268, %mul3A_620 : i32
      %add3A_622 = arith.addi %mul3A_621, %add3A_619 : i32
      "tpu.region"() ({
        %run_scoped3A = tpu.sem_alloc : memref<!tpu.dma_semaphore, #tpu.memory_space<semaphore_mem>>
        %dma_start3A = tpu.memref_slice %arg3[%add3A_622] : memref<12058624xi32, #tpu.memory_space<hbm>> -> memref<128xi32, #tpu.memory_space<hbm>>
        %dma_start3A_625 = tpu.memref_slice %arg3[%add3A_622] : memref<12058624xi32, #tpu.memory_space<hbm>> -> memref<128xi32, #tpu.memory_space<hbm>>
        tpu.enqueue_dma source(%dma_start3A_625 : memref<128xi32, #tpu.memory_space<hbm>>) target(%arg7 : memref<128xi32, #tpu.memory_space<vmem>>) target_semaphore(%run_scoped3A : memref<!tpu.dma_semaphore, #tpu.memory_space<semaphore_mem>>)
        %dma_wait3A = tpu.memref_slice %arg3[%add3A_622] : memref<12058624xi32, #tpu.memory_space<hbm>> -> memref<128xi32, #tpu.memory_space<hbm>>
        %dma_wait3A_626 = tpu.memref_slice %arg3[%add3A_622] : memref<12058624xi32, #tpu.memory_space<hbm>> -> memref<128xi32, #tpu.memory_space<hbm>>
        tpu.wait_dma2 semaphore(%run_scoped3A : memref<!tpu.dma_semaphore, #tpu.memory_space<semaphore_mem>>) src(%dma_wait3A_626 : memref<128xi32, #tpu.memory_space<hbm>>) dst(%arg7 : memref<128xi32, #tpu.memory_space<vmem>>)
        tpu.yield
      }) : () -> ()
      %add3A_623 = arith.constant 2621440 : i32
      %add3A_624 = arith.addi %add3A_623, %add3A_619 : i32
      "tpu.region"() ({
        %run_scoped3A = tpu.sem_alloc : memref<!tpu.dma_semaphore, #tpu.memory_space<semaphore_mem>>
        %dma_start3A = tpu.memref_slice %arg2[%add3A_624] : memref<6029312xf32, #tpu.memory_space<hbm>> -> memref<128xf32, #tpu.memory_space<hbm>>
        %dma_start3A_625 = tpu.memref_slice %arg2[%add3A_624] : memref<6029312xf32, #tpu.memory_space<hbm>> -> memref<128xf32, #tpu.memory_space<hbm>>
        tpu.enqueue_dma source(%dma_start3A_625 : memref<128xf32, #tpu.memory_space<hbm>>) target(%arg8 : memref<128xf32, #tpu.memory_space<vmem>>) target_semaphore(%run_scoped3A : memref<!tpu.dma_semaphore, #tpu.memory_space<semaphore_mem>>)
        %dma_wait3A = tpu.memref_slice %arg2[%add3A_624] : memref<6029312xf32, #tpu.memory_space<hbm>> -> memref<128xf32, #tpu.memory_space<hbm>>
        %dma_wait3A_626 = tpu.memref_slice %arg2[%add3A_624] : memref<6029312xf32, #tpu.memory_space<hbm>> -> memref<128xf32, #tpu.memory_space<hbm>>
        tpu.wait_dma2 semaphore(%run_scoped3A : memref<!tpu.dma_semaphore, #tpu.memory_space<semaphore_mem>>) src(%dma_wait3A_626 : memref<128xf32, #tpu.memory_space<hbm>>) dst(%arg8 : memref<128xf32, #tpu.memory_space<vmem>>)
        tpu.yield
      }) : () -> ()
      "tpu.region"() ({
        %run_scoped3A = tpu.sem_alloc : memref<!tpu.dma_semaphore, #tpu.memory_space<semaphore_mem>>
        %dma_start3A = arith.constant 0 : i32
        %dma_start3A_625 = tpu.memref_slice %arg6[%dma_start3A] : memref<1048584xf32, #tpu.memory_space<vmem_shared>> -> memref<1048584xf32, #tpu.memory_space<vmem_shared>>
        tpu.enqueue_indirect_dma source(%arg8 : memref<128xf32, #tpu.memory_space<vmem>>) target(%dma_start3A_625 : memref<1048584xf32, #tpu.memory_space<vmem_shared>>) offsets(%arg7 : memref<128xi32, #tpu.memory_space<vmem>>) semaphore(%run_scoped3A : memref<!tpu.dma_semaphore, #tpu.memory_space<semaphore_mem>>) {add = true}
        %dma_wait3A = arith.constant 0 : i32
        %dma_wait3A_626 = tpu.memref_slice %arg6[%dma_wait3A] : memref<1048584xf32, #tpu.memory_space<vmem_shared>> -> memref<1048584xf32, #tpu.memory_space<vmem_shared>>
        tpu.wait_indirect_dma semaphore(%run_scoped3A : memref<!tpu.dma_semaphore, #tpu.memory_space<semaphore_mem>>) src(%arg8 : memref<128xf32, #tpu.memory_space<vmem>>) dst(%dma_wait3A_626 : memref<1048584xf32, #tpu.memory_space<vmem_shared>>)
        tpu.yield
      }) : () -> ()
    }
    %scan3A_280 = arith.constant 128 : i32
    %barrier3A_281 = arith.constant 0 : index
    tpu.barrier barrier_id(%barrier3A_281)
    %mul3A_282 = arith.constant 65536 : i32
    %mul3A_283 = arith.muli %arg1, %mul3A_282 : i32
    %mul3A_284 = arith.constant 1048576 : i32
    %mul3A_285 = arith.muli %arg0, %mul3A_284 : i32
    %add3A_286 = arith.constant 20971520 : i32
    %add3A_287 = arith.addi %add3A_286, %mul3A_285 : i32
    %mul3A_288 = arith.constant 65536 : i32
    %mul3A_289 = arith.muli %arg1, %mul3A_288 : i32
    %add3A_290 = arith.addi %add3A_287, %mul3A_289 : i32
    "tpu.region"() ({
      %run_scoped3A = tpu.sem_alloc : memref<!tpu.dma_semaphore, #tpu.memory_space<semaphore_mem>>
      %dma_start3A = tpu.memref_slice %arg5[%add3A_290] : memref<48234496xf32, #tpu.memory_space<hbm>> -> memref<65536xf32, #tpu.memory_space<hbm>>
      %dma_start3A_616 = tpu.memref_slice %arg6[%mul3A_283] : memref<1048584xf32, #tpu.memory_space<vmem_shared>> -> memref<65536xf32, #tpu.memory_space<vmem_shared>>
      tpu.enqueue_dma source(%dma_start3A_616 : memref<65536xf32, #tpu.memory_space<vmem_shared>>) target(%dma_start3A : memref<65536xf32, #tpu.memory_space<hbm>>) target_semaphore(%run_scoped3A : memref<!tpu.dma_semaphore, #tpu.memory_space<semaphore_mem>>)
      %dma_wait3A = tpu.memref_slice %arg5[%add3A_290] : memref<48234496xf32, #tpu.memory_space<hbm>> -> memref<65536xf32, #tpu.memory_space<hbm>>
      %dma_wait3A_617 = tpu.memref_slice %arg6[%mul3A_283] : memref<1048584xf32, #tpu.memory_space<vmem_shared>> -> memref<65536xf32, #tpu.memory_space<vmem_shared>>
      tpu.wait_dma2 semaphore(%run_scoped3A : memref<!tpu.dma_semaphore, #tpu.memory_space<semaphore_mem>>) src(%dma_wait3A_617 : memref<65536xf32, #tpu.memory_space<vmem_shared>>) dst(%dma_wait3A : memref<65536xf32, #tpu.memory_space<hbm>>)
      tpu.yield
    }) : () -> ()
    %barrier3A_291 = arith.constant 0 : index
    tpu.barrier barrier_id(%barrier3A_291)
    %mul3A_292 = arith.constant 23 : i32
    %mul3A_293 = arith.muli %arg0, %mul3A_292 : i32
    %add3A_294 = arith.constant 11 : i32
    %add3A_295 = arith.addi %mul3A_293, %add3A_294 : i32
    %eq3A_296 = arith.constant 0 : i32
    %eq3A_297 = arith.cmpi eq, %arg1, %eq3A_296 : i32
    %convert_element_type3A_298 = arith.extui %eq3A_297 : i1 to i32
    %cond3A_299 = arith.constant 0 : i32
    %cond3A_300 = arith.cmpi ne, %convert_element_type3A_298, %cond3A_299 : i32
    scf.if %cond3A_300 {
      "tpu.region"() ({
        %run_scoped3A = tpu.sem_alloc : memref<!tpu.dma_semaphore, #tpu.memory_space<semaphore_mem>>
        tpu.enqueue_dma source(%arg4 : memref<1048584xf32, #tpu.memory_space<hbm>>) target(%arg6 : memref<1048584xf32, #tpu.memory_space<vmem_shared>>) target_semaphore(%run_scoped3A : memref<!tpu.dma_semaphore, #tpu.memory_space<semaphore_mem>>)
        tpu.wait_dma2 semaphore(%run_scoped3A : memref<!tpu.dma_semaphore, #tpu.memory_space<semaphore_mem>>) src(%arg4 : memref<1048584xf32, #tpu.memory_space<hbm>>) dst(%arg6 : memref<1048584xf32, #tpu.memory_space<vmem_shared>>)
        tpu.yield
      }) : () -> ()
    } else {
    }
    %barrier3A_301 = arith.constant 0 : index
    tpu.barrier barrier_id(%barrier3A_301)
    %scan3A_302 = arith.constant 0 : i32
    %scan3A_303 = arith.constant 0 : i32
    %scan3A_304 = arith.constant 128 : i32
    %scan3A_305 = arith.addi %scan3A_303, %scan3A_304 : i32
    %scan3A_306 = arith.constant 1 : i32
    scf.for %scan3A_616 = %scan3A_303 to %scan3A_305 step %scan3A_306  : i32 {
      %mul3A_617 = arith.constant 128 : i32
      %mul3A_618 = arith.muli %scan3A_616, %mul3A_617 : i32
      %add3A_619 = arith.addi %mul3A_0, %mul3A_618 : i32
      %mul3A_620 = arith.constant 262144 : i32
      %mul3A_621 = arith.muli %add3A_295, %mul3A_620 : i32
      %add3A_622 = arith.addi %mul3A_621, %add3A_619 : i32
      "tpu.region"() ({
        %run_scoped3A = tpu.sem_alloc : memref<!tpu.dma_semaphore, #tpu.memory_space<semaphore_mem>>
        %dma_start3A = tpu.memref_slice %arg3[%add3A_622] : memref<12058624xi32, #tpu.memory_space<hbm>> -> memref<128xi32, #tpu.memory_space<hbm>>
        %dma_start3A_625 = tpu.memref_slice %arg3[%add3A_622] : memref<12058624xi32, #tpu.memory_space<hbm>> -> memref<128xi32, #tpu.memory_space<hbm>>
        tpu.enqueue_dma source(%dma_start3A_625 : memref<128xi32, #tpu.memory_space<hbm>>) target(%arg7 : memref<128xi32, #tpu.memory_space<vmem>>) target_semaphore(%run_scoped3A : memref<!tpu.dma_semaphore, #tpu.memory_space<semaphore_mem>>)
        %dma_wait3A = tpu.memref_slice %arg3[%add3A_622] : memref<12058624xi32, #tpu.memory_space<hbm>> -> memref<128xi32, #tpu.memory_space<hbm>>
        %dma_wait3A_626 = tpu.memref_slice %arg3[%add3A_622] : memref<12058624xi32, #tpu.memory_space<hbm>> -> memref<128xi32, #tpu.memory_space<hbm>>
        tpu.wait_dma2 semaphore(%run_scoped3A : memref<!tpu.dma_semaphore, #tpu.memory_space<semaphore_mem>>) src(%dma_wait3A_626 : memref<128xi32, #tpu.memory_space<hbm>>) dst(%arg7 : memref<128xi32, #tpu.memory_space<vmem>>)
        tpu.yield
      }) : () -> ()
      %add3A_623 = arith.constant 2883584 : i32
      %add3A_624 = arith.addi %add3A_623, %add3A_619 : i32
      "tpu.region"() ({
        %run_scoped3A = tpu.sem_alloc : memref<!tpu.dma_semaphore, #tpu.memory_space<semaphore_mem>>
        %dma_start3A = tpu.memref_slice %arg2[%add3A_624] : memref<6029312xf32, #tpu.memory_space<hbm>> -> memref<128xf32, #tpu.memory_space<hbm>>
        %dma_start3A_625 = tpu.memref_slice %arg2[%add3A_624] : memref<6029312xf32, #tpu.memory_space<hbm>> -> memref<128xf32, #tpu.memory_space<hbm>>
        tpu.enqueue_dma source(%dma_start3A_625 : memref<128xf32, #tpu.memory_space<hbm>>) target(%arg8 : memref<128xf32, #tpu.memory_space<vmem>>) target_semaphore(%run_scoped3A : memref<!tpu.dma_semaphore, #tpu.memory_space<semaphore_mem>>)
        %dma_wait3A = tpu.memref_slice %arg2[%add3A_624] : memref<6029312xf32, #tpu.memory_space<hbm>> -> memref<128xf32, #tpu.memory_space<hbm>>
        %dma_wait3A_626 = tpu.memref_slice %arg2[%add3A_624] : memref<6029312xf32, #tpu.memory_space<hbm>> -> memref<128xf32, #tpu.memory_space<hbm>>
        tpu.wait_dma2 semaphore(%run_scoped3A : memref<!tpu.dma_semaphore, #tpu.memory_space<semaphore_mem>>) src(%dma_wait3A_626 : memref<128xf32, #tpu.memory_space<hbm>>) dst(%arg8 : memref<128xf32, #tpu.memory_space<vmem>>)
        tpu.yield
      }) : () -> ()
      "tpu.region"() ({
        %run_scoped3A = tpu.sem_alloc : memref<!tpu.dma_semaphore, #tpu.memory_space<semaphore_mem>>
        %dma_start3A = arith.constant 0 : i32
        %dma_start3A_625 = tpu.memref_slice %arg6[%dma_start3A] : memref<1048584xf32, #tpu.memory_space<vmem_shared>> -> memref<1048584xf32, #tpu.memory_space<vmem_shared>>
        tpu.enqueue_indirect_dma source(%arg8 : memref<128xf32, #tpu.memory_space<vmem>>) target(%dma_start3A_625 : memref<1048584xf32, #tpu.memory_space<vmem_shared>>) offsets(%arg7 : memref<128xi32, #tpu.memory_space<vmem>>) semaphore(%run_scoped3A : memref<!tpu.dma_semaphore, #tpu.memory_space<semaphore_mem>>) {add = true}
        %dma_wait3A = arith.constant 0 : i32
        %dma_wait3A_626 = tpu.memref_slice %arg6[%dma_wait3A] : memref<1048584xf32, #tpu.memory_space<vmem_shared>> -> memref<1048584xf32, #tpu.memory_space<vmem_shared>>
        tpu.wait_indirect_dma semaphore(%run_scoped3A : memref<!tpu.dma_semaphore, #tpu.memory_space<semaphore_mem>>) src(%arg8 : memref<128xf32, #tpu.memory_space<vmem>>) dst(%dma_wait3A_626 : memref<1048584xf32, #tpu.memory_space<vmem_shared>>)
        tpu.yield
      }) : () -> ()
    }
    %scan3A_307 = arith.constant 128 : i32
    %barrier3A_308 = arith.constant 0 : index
    tpu.barrier barrier_id(%barrier3A_308)
    %mul3A_309 = arith.constant 65536 : i32
    %mul3A_310 = arith.muli %arg1, %mul3A_309 : i32
    %mul3A_311 = arith.constant 1048576 : i32
    %mul3A_312 = arith.muli %arg0, %mul3A_311 : i32
    %add3A_313 = arith.constant 23068672 : i32
    %add3A_314 = arith.addi %add3A_313, %mul3A_312 : i32
    %mul3A_315 = arith.constant 65536 : i32
    %mul3A_316 = arith.muli %arg1, %mul3A_315 : i32
    %add3A_317 = arith.addi %add3A_314, %mul3A_316 : i32
    "tpu.region"() ({
      %run_scoped3A = tpu.sem_alloc : memref<!tpu.dma_semaphore, #tpu.memory_space<semaphore_mem>>
      %dma_start3A = tpu.memref_slice %arg5[%add3A_317] : memref<48234496xf32, #tpu.memory_space<hbm>> -> memref<65536xf32, #tpu.memory_space<hbm>>
      %dma_start3A_616 = tpu.memref_slice %arg6[%mul3A_310] : memref<1048584xf32, #tpu.memory_space<vmem_shared>> -> memref<65536xf32, #tpu.memory_space<vmem_shared>>
      tpu.enqueue_dma source(%dma_start3A_616 : memref<65536xf32, #tpu.memory_space<vmem_shared>>) target(%dma_start3A : memref<65536xf32, #tpu.memory_space<hbm>>) target_semaphore(%run_scoped3A : memref<!tpu.dma_semaphore, #tpu.memory_space<semaphore_mem>>)
      %dma_wait3A = tpu.memref_slice %arg5[%add3A_317] : memref<48234496xf32, #tpu.memory_space<hbm>> -> memref<65536xf32, #tpu.memory_space<hbm>>
      %dma_wait3A_617 = tpu.memref_slice %arg6[%mul3A_310] : memref<1048584xf32, #tpu.memory_space<vmem_shared>> -> memref<65536xf32, #tpu.memory_space<vmem_shared>>
      tpu.wait_dma2 semaphore(%run_scoped3A : memref<!tpu.dma_semaphore, #tpu.memory_space<semaphore_mem>>) src(%dma_wait3A_617 : memref<65536xf32, #tpu.memory_space<vmem_shared>>) dst(%dma_wait3A : memref<65536xf32, #tpu.memory_space<hbm>>)
      tpu.yield
    }) : () -> ()
    %barrier3A_318 = arith.constant 0 : index
    tpu.barrier barrier_id(%barrier3A_318)
    %mul3A_319 = arith.constant 23 : i32
    %mul3A_320 = arith.muli %arg0, %mul3A_319 : i32
    %add3A_321 = arith.constant 12 : i32
    %add3A_322 = arith.addi %mul3A_320, %add3A_321 : i32
    %eq3A_323 = arith.constant 0 : i32
    %eq3A_324 = arith.cmpi eq, %arg1, %eq3A_323 : i32
    %convert_element_type3A_325 = arith.extui %eq3A_324 : i1 to i32
    %cond3A_326 = arith.constant 0 : i32
    %cond3A_327 = arith.cmpi ne, %convert_element_type3A_325, %cond3A_326 : i32
    scf.if %cond3A_327 {
      "tpu.region"() ({
        %run_scoped3A = tpu.sem_alloc : memref<!tpu.dma_semaphore, #tpu.memory_space<semaphore_mem>>
        tpu.enqueue_dma source(%arg4 : memref<1048584xf32, #tpu.memory_space<hbm>>) target(%arg6 : memref<1048584xf32, #tpu.memory_space<vmem_shared>>) target_semaphore(%run_scoped3A : memref<!tpu.dma_semaphore, #tpu.memory_space<semaphore_mem>>)
        tpu.wait_dma2 semaphore(%run_scoped3A : memref<!tpu.dma_semaphore, #tpu.memory_space<semaphore_mem>>) src(%arg4 : memref<1048584xf32, #tpu.memory_space<hbm>>) dst(%arg6 : memref<1048584xf32, #tpu.memory_space<vmem_shared>>)
        tpu.yield
      }) : () -> ()
    } else {
    }
    %barrier3A_328 = arith.constant 0 : index
    tpu.barrier barrier_id(%barrier3A_328)
    %scan3A_329 = arith.constant 0 : i32
    %scan3A_330 = arith.constant 0 : i32
    %scan3A_331 = arith.constant 128 : i32
    %scan3A_332 = arith.addi %scan3A_330, %scan3A_331 : i32
    %scan3A_333 = arith.constant 1 : i32
    scf.for %scan3A_616 = %scan3A_330 to %scan3A_332 step %scan3A_333  : i32 {
      %mul3A_617 = arith.constant 128 : i32
      %mul3A_618 = arith.muli %scan3A_616, %mul3A_617 : i32
      %add3A_619 = arith.addi %mul3A_0, %mul3A_618 : i32
      %mul3A_620 = arith.constant 262144 : i32
      %mul3A_621 = arith.muli %add3A_322, %mul3A_620 : i32
      %add3A_622 = arith.addi %mul3A_621, %add3A_619 : i32
      "tpu.region"() ({
        %run_scoped3A = tpu.sem_alloc : memref<!tpu.dma_semaphore, #tpu.memory_space<semaphore_mem>>
        %dma_start3A = tpu.memref_slice %arg3[%add3A_622] : memref<12058624xi32, #tpu.memory_space<hbm>> -> memref<128xi32, #tpu.memory_space<hbm>>
        %dma_start3A_625 = tpu.memref_slice %arg3[%add3A_622] : memref<12058624xi32, #tpu.memory_space<hbm>> -> memref<128xi32, #tpu.memory_space<hbm>>
        tpu.enqueue_dma source(%dma_start3A_625 : memref<128xi32, #tpu.memory_space<hbm>>) target(%arg7 : memref<128xi32, #tpu.memory_space<vmem>>) target_semaphore(%run_scoped3A : memref<!tpu.dma_semaphore, #tpu.memory_space<semaphore_mem>>)
        %dma_wait3A = tpu.memref_slice %arg3[%add3A_622] : memref<12058624xi32, #tpu.memory_space<hbm>> -> memref<128xi32, #tpu.memory_space<hbm>>
        %dma_wait3A_626 = tpu.memref_slice %arg3[%add3A_622] : memref<12058624xi32, #tpu.memory_space<hbm>> -> memref<128xi32, #tpu.memory_space<hbm>>
        tpu.wait_dma2 semaphore(%run_scoped3A : memref<!tpu.dma_semaphore, #tpu.memory_space<semaphore_mem>>) src(%dma_wait3A_626 : memref<128xi32, #tpu.memory_space<hbm>>) dst(%arg7 : memref<128xi32, #tpu.memory_space<vmem>>)
        tpu.yield
      }) : () -> ()
      %add3A_623 = arith.constant 3145728 : i32
      %add3A_624 = arith.addi %add3A_623, %add3A_619 : i32
      "tpu.region"() ({
        %run_scoped3A = tpu.sem_alloc : memref<!tpu.dma_semaphore, #tpu.memory_space<semaphore_mem>>
        %dma_start3A = tpu.memref_slice %arg2[%add3A_624] : memref<6029312xf32, #tpu.memory_space<hbm>> -> memref<128xf32, #tpu.memory_space<hbm>>
        %dma_start3A_625 = tpu.memref_slice %arg2[%add3A_624] : memref<6029312xf32, #tpu.memory_space<hbm>> -> memref<128xf32, #tpu.memory_space<hbm>>
        tpu.enqueue_dma source(%dma_start3A_625 : memref<128xf32, #tpu.memory_space<hbm>>) target(%arg8 : memref<128xf32, #tpu.memory_space<vmem>>) target_semaphore(%run_scoped3A : memref<!tpu.dma_semaphore, #tpu.memory_space<semaphore_mem>>)
        %dma_wait3A = tpu.memref_slice %arg2[%add3A_624] : memref<6029312xf32, #tpu.memory_space<hbm>> -> memref<128xf32, #tpu.memory_space<hbm>>
        %dma_wait3A_626 = tpu.memref_slice %arg2[%add3A_624] : memref<6029312xf32, #tpu.memory_space<hbm>> -> memref<128xf32, #tpu.memory_space<hbm>>
        tpu.wait_dma2 semaphore(%run_scoped3A : memref<!tpu.dma_semaphore, #tpu.memory_space<semaphore_mem>>) src(%dma_wait3A_626 : memref<128xf32, #tpu.memory_space<hbm>>) dst(%arg8 : memref<128xf32, #tpu.memory_space<vmem>>)
        tpu.yield
      }) : () -> ()
      "tpu.region"() ({
        %run_scoped3A = tpu.sem_alloc : memref<!tpu.dma_semaphore, #tpu.memory_space<semaphore_mem>>
        %dma_start3A = arith.constant 0 : i32
        %dma_start3A_625 = tpu.memref_slice %arg6[%dma_start3A] : memref<1048584xf32, #tpu.memory_space<vmem_shared>> -> memref<1048584xf32, #tpu.memory_space<vmem_shared>>
        tpu.enqueue_indirect_dma source(%arg8 : memref<128xf32, #tpu.memory_space<vmem>>) target(%dma_start3A_625 : memref<1048584xf32, #tpu.memory_space<vmem_shared>>) offsets(%arg7 : memref<128xi32, #tpu.memory_space<vmem>>) semaphore(%run_scoped3A : memref<!tpu.dma_semaphore, #tpu.memory_space<semaphore_mem>>) {add = true}
        %dma_wait3A = arith.constant 0 : i32
        %dma_wait3A_626 = tpu.memref_slice %arg6[%dma_wait3A] : memref<1048584xf32, #tpu.memory_space<vmem_shared>> -> memref<1048584xf32, #tpu.memory_space<vmem_shared>>
        tpu.wait_indirect_dma semaphore(%run_scoped3A : memref<!tpu.dma_semaphore, #tpu.memory_space<semaphore_mem>>) src(%arg8 : memref<128xf32, #tpu.memory_space<vmem>>) dst(%dma_wait3A_626 : memref<1048584xf32, #tpu.memory_space<vmem_shared>>)
        tpu.yield
      }) : () -> ()
    }
    %scan3A_334 = arith.constant 128 : i32
    %barrier3A_335 = arith.constant 0 : index
    tpu.barrier barrier_id(%barrier3A_335)
    %mul3A_336 = arith.constant 65536 : i32
    %mul3A_337 = arith.muli %arg1, %mul3A_336 : i32
    %mul3A_338 = arith.constant 1048576 : i32
    %mul3A_339 = arith.muli %arg0, %mul3A_338 : i32
    %add3A_340 = arith.constant 25165824 : i32
    %add3A_341 = arith.addi %add3A_340, %mul3A_339 : i32
    %mul3A_342 = arith.constant 65536 : i32
    %mul3A_343 = arith.muli %arg1, %mul3A_342 : i32
    %add3A_344 = arith.addi %add3A_341, %mul3A_343 : i32
    "tpu.region"() ({
      %run_scoped3A = tpu.sem_alloc : memref<!tpu.dma_semaphore, #tpu.memory_space<semaphore_mem>>
      %dma_start3A = tpu.memref_slice %arg5[%add3A_344] : memref<48234496xf32, #tpu.memory_space<hbm>> -> memref<65536xf32, #tpu.memory_space<hbm>>
      %dma_start3A_616 = tpu.memref_slice %arg6[%mul3A_337] : memref<1048584xf32, #tpu.memory_space<vmem_shared>> -> memref<65536xf32, #tpu.memory_space<vmem_shared>>
      tpu.enqueue_dma source(%dma_start3A_616 : memref<65536xf32, #tpu.memory_space<vmem_shared>>) target(%dma_start3A : memref<65536xf32, #tpu.memory_space<hbm>>) target_semaphore(%run_scoped3A : memref<!tpu.dma_semaphore, #tpu.memory_space<semaphore_mem>>)
      %dma_wait3A = tpu.memref_slice %arg5[%add3A_344] : memref<48234496xf32, #tpu.memory_space<hbm>> -> memref<65536xf32, #tpu.memory_space<hbm>>
      %dma_wait3A_617 = tpu.memref_slice %arg6[%mul3A_337] : memref<1048584xf32, #tpu.memory_space<vmem_shared>> -> memref<65536xf32, #tpu.memory_space<vmem_shared>>
      tpu.wait_dma2 semaphore(%run_scoped3A : memref<!tpu.dma_semaphore, #tpu.memory_space<semaphore_mem>>) src(%dma_wait3A_617 : memref<65536xf32, #tpu.memory_space<vmem_shared>>) dst(%dma_wait3A : memref<65536xf32, #tpu.memory_space<hbm>>)
      tpu.yield
    }) : () -> ()
    %barrier3A_345 = arith.constant 0 : index
    tpu.barrier barrier_id(%barrier3A_345)
    %mul3A_346 = arith.constant 23 : i32
    %mul3A_347 = arith.muli %arg0, %mul3A_346 : i32
    %add3A_348 = arith.constant 13 : i32
    %add3A_349 = arith.addi %mul3A_347, %add3A_348 : i32
    %eq3A_350 = arith.constant 0 : i32
    %eq3A_351 = arith.cmpi eq, %arg1, %eq3A_350 : i32
    %convert_element_type3A_352 = arith.extui %eq3A_351 : i1 to i32
    %cond3A_353 = arith.constant 0 : i32
    %cond3A_354 = arith.cmpi ne, %convert_element_type3A_352, %cond3A_353 : i32
    scf.if %cond3A_354 {
      "tpu.region"() ({
        %run_scoped3A = tpu.sem_alloc : memref<!tpu.dma_semaphore, #tpu.memory_space<semaphore_mem>>
        tpu.enqueue_dma source(%arg4 : memref<1048584xf32, #tpu.memory_space<hbm>>) target(%arg6 : memref<1048584xf32, #tpu.memory_space<vmem_shared>>) target_semaphore(%run_scoped3A : memref<!tpu.dma_semaphore, #tpu.memory_space<semaphore_mem>>)
        tpu.wait_dma2 semaphore(%run_scoped3A : memref<!tpu.dma_semaphore, #tpu.memory_space<semaphore_mem>>) src(%arg4 : memref<1048584xf32, #tpu.memory_space<hbm>>) dst(%arg6 : memref<1048584xf32, #tpu.memory_space<vmem_shared>>)
        tpu.yield
      }) : () -> ()
    } else {
    }
    %barrier3A_355 = arith.constant 0 : index
    tpu.barrier barrier_id(%barrier3A_355)
    %scan3A_356 = arith.constant 0 : i32
    %scan3A_357 = arith.constant 0 : i32
    %scan3A_358 = arith.constant 128 : i32
    %scan3A_359 = arith.addi %scan3A_357, %scan3A_358 : i32
    %scan3A_360 = arith.constant 1 : i32
    scf.for %scan3A_616 = %scan3A_357 to %scan3A_359 step %scan3A_360  : i32 {
      %mul3A_617 = arith.constant 128 : i32
      %mul3A_618 = arith.muli %scan3A_616, %mul3A_617 : i32
      %add3A_619 = arith.addi %mul3A_0, %mul3A_618 : i32
      %mul3A_620 = arith.constant 262144 : i32
      %mul3A_621 = arith.muli %add3A_349, %mul3A_620 : i32
      %add3A_622 = arith.addi %mul3A_621, %add3A_619 : i32
      "tpu.region"() ({
        %run_scoped3A = tpu.sem_alloc : memref<!tpu.dma_semaphore, #tpu.memory_space<semaphore_mem>>
        %dma_start3A = tpu.memref_slice %arg3[%add3A_622] : memref<12058624xi32, #tpu.memory_space<hbm>> -> memref<128xi32, #tpu.memory_space<hbm>>
        %dma_start3A_625 = tpu.memref_slice %arg3[%add3A_622] : memref<12058624xi32, #tpu.memory_space<hbm>> -> memref<128xi32, #tpu.memory_space<hbm>>
        tpu.enqueue_dma source(%dma_start3A_625 : memref<128xi32, #tpu.memory_space<hbm>>) target(%arg7 : memref<128xi32, #tpu.memory_space<vmem>>) target_semaphore(%run_scoped3A : memref<!tpu.dma_semaphore, #tpu.memory_space<semaphore_mem>>)
        %dma_wait3A = tpu.memref_slice %arg3[%add3A_622] : memref<12058624xi32, #tpu.memory_space<hbm>> -> memref<128xi32, #tpu.memory_space<hbm>>
        %dma_wait3A_626 = tpu.memref_slice %arg3[%add3A_622] : memref<12058624xi32, #tpu.memory_space<hbm>> -> memref<128xi32, #tpu.memory_space<hbm>>
        tpu.wait_dma2 semaphore(%run_scoped3A : memref<!tpu.dma_semaphore, #tpu.memory_space<semaphore_mem>>) src(%dma_wait3A_626 : memref<128xi32, #tpu.memory_space<hbm>>) dst(%arg7 : memref<128xi32, #tpu.memory_space<vmem>>)
        tpu.yield
      }) : () -> ()
      %add3A_623 = arith.constant 3407872 : i32
      %add3A_624 = arith.addi %add3A_623, %add3A_619 : i32
      "tpu.region"() ({
        %run_scoped3A = tpu.sem_alloc : memref<!tpu.dma_semaphore, #tpu.memory_space<semaphore_mem>>
        %dma_start3A = tpu.memref_slice %arg2[%add3A_624] : memref<6029312xf32, #tpu.memory_space<hbm>> -> memref<128xf32, #tpu.memory_space<hbm>>
        %dma_start3A_625 = tpu.memref_slice %arg2[%add3A_624] : memref<6029312xf32, #tpu.memory_space<hbm>> -> memref<128xf32, #tpu.memory_space<hbm>>
        tpu.enqueue_dma source(%dma_start3A_625 : memref<128xf32, #tpu.memory_space<hbm>>) target(%arg8 : memref<128xf32, #tpu.memory_space<vmem>>) target_semaphore(%run_scoped3A : memref<!tpu.dma_semaphore, #tpu.memory_space<semaphore_mem>>)
        %dma_wait3A = tpu.memref_slice %arg2[%add3A_624] : memref<6029312xf32, #tpu.memory_space<hbm>> -> memref<128xf32, #tpu.memory_space<hbm>>
        %dma_wait3A_626 = tpu.memref_slice %arg2[%add3A_624] : memref<6029312xf32, #tpu.memory_space<hbm>> -> memref<128xf32, #tpu.memory_space<hbm>>
        tpu.wait_dma2 semaphore(%run_scoped3A : memref<!tpu.dma_semaphore, #tpu.memory_space<semaphore_mem>>) src(%dma_wait3A_626 : memref<128xf32, #tpu.memory_space<hbm>>) dst(%arg8 : memref<128xf32, #tpu.memory_space<vmem>>)
        tpu.yield
      }) : () -> ()
      "tpu.region"() ({
        %run_scoped3A = tpu.sem_alloc : memref<!tpu.dma_semaphore, #tpu.memory_space<semaphore_mem>>
        %dma_start3A = arith.constant 0 : i32
        %dma_start3A_625 = tpu.memref_slice %arg6[%dma_start3A] : memref<1048584xf32, #tpu.memory_space<vmem_shared>> -> memref<1048584xf32, #tpu.memory_space<vmem_shared>>
        tpu.enqueue_indirect_dma source(%arg8 : memref<128xf32, #tpu.memory_space<vmem>>) target(%dma_start3A_625 : memref<1048584xf32, #tpu.memory_space<vmem_shared>>) offsets(%arg7 : memref<128xi32, #tpu.memory_space<vmem>>) semaphore(%run_scoped3A : memref<!tpu.dma_semaphore, #tpu.memory_space<semaphore_mem>>) {add = true}
        %dma_wait3A = arith.constant 0 : i32
        %dma_wait3A_626 = tpu.memref_slice %arg6[%dma_wait3A] : memref<1048584xf32, #tpu.memory_space<vmem_shared>> -> memref<1048584xf32, #tpu.memory_space<vmem_shared>>
        tpu.wait_indirect_dma semaphore(%run_scoped3A : memref<!tpu.dma_semaphore, #tpu.memory_space<semaphore_mem>>) src(%arg8 : memref<128xf32, #tpu.memory_space<vmem>>) dst(%dma_wait3A_626 : memref<1048584xf32, #tpu.memory_space<vmem_shared>>)
        tpu.yield
      }) : () -> ()
    }
    %scan3A_361 = arith.constant 128 : i32
    %barrier3A_362 = arith.constant 0 : index
    tpu.barrier barrier_id(%barrier3A_362)
    %mul3A_363 = arith.constant 65536 : i32
    %mul3A_364 = arith.muli %arg1, %mul3A_363 : i32
    %mul3A_365 = arith.constant 1048576 : i32
    %mul3A_366 = arith.muli %arg0, %mul3A_365 : i32
    %add3A_367 = arith.constant 27262976 : i32
    %add3A_368 = arith.addi %add3A_367, %mul3A_366 : i32
    %mul3A_369 = arith.constant 65536 : i32
    %mul3A_370 = arith.muli %arg1, %mul3A_369 : i32
    %add3A_371 = arith.addi %add3A_368, %mul3A_370 : i32
    "tpu.region"() ({
      %run_scoped3A = tpu.sem_alloc : memref<!tpu.dma_semaphore, #tpu.memory_space<semaphore_mem>>
      %dma_start3A = tpu.memref_slice %arg5[%add3A_371] : memref<48234496xf32, #tpu.memory_space<hbm>> -> memref<65536xf32, #tpu.memory_space<hbm>>
      %dma_start3A_616 = tpu.memref_slice %arg6[%mul3A_364] : memref<1048584xf32, #tpu.memory_space<vmem_shared>> -> memref<65536xf32, #tpu.memory_space<vmem_shared>>
      tpu.enqueue_dma source(%dma_start3A_616 : memref<65536xf32, #tpu.memory_space<vmem_shared>>) target(%dma_start3A : memref<65536xf32, #tpu.memory_space<hbm>>) target_semaphore(%run_scoped3A : memref<!tpu.dma_semaphore, #tpu.memory_space<semaphore_mem>>)
      %dma_wait3A = tpu.memref_slice %arg5[%add3A_371] : memref<48234496xf32, #tpu.memory_space<hbm>> -> memref<65536xf32, #tpu.memory_space<hbm>>
      %dma_wait3A_617 = tpu.memref_slice %arg6[%mul3A_364] : memref<1048584xf32, #tpu.memory_space<vmem_shared>> -> memref<65536xf32, #tpu.memory_space<vmem_shared>>
      tpu.wait_dma2 semaphore(%run_scoped3A : memref<!tpu.dma_semaphore, #tpu.memory_space<semaphore_mem>>) src(%dma_wait3A_617 : memref<65536xf32, #tpu.memory_space<vmem_shared>>) dst(%dma_wait3A : memref<65536xf32, #tpu.memory_space<hbm>>)
      tpu.yield
    }) : () -> ()
    %barrier3A_372 = arith.constant 0 : index
    tpu.barrier barrier_id(%barrier3A_372)
    %mul3A_373 = arith.constant 23 : i32
    %mul3A_374 = arith.muli %arg0, %mul3A_373 : i32
    %add3A_375 = arith.constant 14 : i32
    %add3A_376 = arith.addi %mul3A_374, %add3A_375 : i32
    %eq3A_377 = arith.constant 0 : i32
    %eq3A_378 = arith.cmpi eq, %arg1, %eq3A_377 : i32
    %convert_element_type3A_379 = arith.extui %eq3A_378 : i1 to i32
    %cond3A_380 = arith.constant 0 : i32
    %cond3A_381 = arith.cmpi ne, %convert_element_type3A_379, %cond3A_380 : i32
    scf.if %cond3A_381 {
      "tpu.region"() ({
        %run_scoped3A = tpu.sem_alloc : memref<!tpu.dma_semaphore, #tpu.memory_space<semaphore_mem>>
        tpu.enqueue_dma source(%arg4 : memref<1048584xf32, #tpu.memory_space<hbm>>) target(%arg6 : memref<1048584xf32, #tpu.memory_space<vmem_shared>>) target_semaphore(%run_scoped3A : memref<!tpu.dma_semaphore, #tpu.memory_space<semaphore_mem>>)
        tpu.wait_dma2 semaphore(%run_scoped3A : memref<!tpu.dma_semaphore, #tpu.memory_space<semaphore_mem>>) src(%arg4 : memref<1048584xf32, #tpu.memory_space<hbm>>) dst(%arg6 : memref<1048584xf32, #tpu.memory_space<vmem_shared>>)
        tpu.yield
      }) : () -> ()
    } else {
    }
    %barrier3A_382 = arith.constant 0 : index
    tpu.barrier barrier_id(%barrier3A_382)
    %scan3A_383 = arith.constant 0 : i32
    %scan3A_384 = arith.constant 0 : i32
    %scan3A_385 = arith.constant 128 : i32
    %scan3A_386 = arith.addi %scan3A_384, %scan3A_385 : i32
    %scan3A_387 = arith.constant 1 : i32
    scf.for %scan3A_616 = %scan3A_384 to %scan3A_386 step %scan3A_387  : i32 {
      %mul3A_617 = arith.constant 128 : i32
      %mul3A_618 = arith.muli %scan3A_616, %mul3A_617 : i32
      %add3A_619 = arith.addi %mul3A_0, %mul3A_618 : i32
      %mul3A_620 = arith.constant 262144 : i32
      %mul3A_621 = arith.muli %add3A_376, %mul3A_620 : i32
      %add3A_622 = arith.addi %mul3A_621, %add3A_619 : i32
      "tpu.region"() ({
        %run_scoped3A = tpu.sem_alloc : memref<!tpu.dma_semaphore, #tpu.memory_space<semaphore_mem>>
        %dma_start3A = tpu.memref_slice %arg3[%add3A_622] : memref<12058624xi32, #tpu.memory_space<hbm>> -> memref<128xi32, #tpu.memory_space<hbm>>
        %dma_start3A_625 = tpu.memref_slice %arg3[%add3A_622] : memref<12058624xi32, #tpu.memory_space<hbm>> -> memref<128xi32, #tpu.memory_space<hbm>>
        tpu.enqueue_dma source(%dma_start3A_625 : memref<128xi32, #tpu.memory_space<hbm>>) target(%arg7 : memref<128xi32, #tpu.memory_space<vmem>>) target_semaphore(%run_scoped3A : memref<!tpu.dma_semaphore, #tpu.memory_space<semaphore_mem>>)
        %dma_wait3A = tpu.memref_slice %arg3[%add3A_622] : memref<12058624xi32, #tpu.memory_space<hbm>> -> memref<128xi32, #tpu.memory_space<hbm>>
        %dma_wait3A_626 = tpu.memref_slice %arg3[%add3A_622] : memref<12058624xi32, #tpu.memory_space<hbm>> -> memref<128xi32, #tpu.memory_space<hbm>>
        tpu.wait_dma2 semaphore(%run_scoped3A : memref<!tpu.dma_semaphore, #tpu.memory_space<semaphore_mem>>) src(%dma_wait3A_626 : memref<128xi32, #tpu.memory_space<hbm>>) dst(%arg7 : memref<128xi32, #tpu.memory_space<vmem>>)
        tpu.yield
      }) : () -> ()
      %add3A_623 = arith.constant 3670016 : i32
      %add3A_624 = arith.addi %add3A_623, %add3A_619 : i32
      "tpu.region"() ({
        %run_scoped3A = tpu.sem_alloc : memref<!tpu.dma_semaphore, #tpu.memory_space<semaphore_mem>>
        %dma_start3A = tpu.memref_slice %arg2[%add3A_624] : memref<6029312xf32, #tpu.memory_space<hbm>> -> memref<128xf32, #tpu.memory_space<hbm>>
        %dma_start3A_625 = tpu.memref_slice %arg2[%add3A_624] : memref<6029312xf32, #tpu.memory_space<hbm>> -> memref<128xf32, #tpu.memory_space<hbm>>
        tpu.enqueue_dma source(%dma_start3A_625 : memref<128xf32, #tpu.memory_space<hbm>>) target(%arg8 : memref<128xf32, #tpu.memory_space<vmem>>) target_semaphore(%run_scoped3A : memref<!tpu.dma_semaphore, #tpu.memory_space<semaphore_mem>>)
        %dma_wait3A = tpu.memref_slice %arg2[%add3A_624] : memref<6029312xf32, #tpu.memory_space<hbm>> -> memref<128xf32, #tpu.memory_space<hbm>>
        %dma_wait3A_626 = tpu.memref_slice %arg2[%add3A_624] : memref<6029312xf32, #tpu.memory_space<hbm>> -> memref<128xf32, #tpu.memory_space<hbm>>
        tpu.wait_dma2 semaphore(%run_scoped3A : memref<!tpu.dma_semaphore, #tpu.memory_space<semaphore_mem>>) src(%dma_wait3A_626 : memref<128xf32, #tpu.memory_space<hbm>>) dst(%arg8 : memref<128xf32, #tpu.memory_space<vmem>>)
        tpu.yield
      }) : () -> ()
      "tpu.region"() ({
        %run_scoped3A = tpu.sem_alloc : memref<!tpu.dma_semaphore, #tpu.memory_space<semaphore_mem>>
        %dma_start3A = arith.constant 0 : i32
        %dma_start3A_625 = tpu.memref_slice %arg6[%dma_start3A] : memref<1048584xf32, #tpu.memory_space<vmem_shared>> -> memref<1048584xf32, #tpu.memory_space<vmem_shared>>
        tpu.enqueue_indirect_dma source(%arg8 : memref<128xf32, #tpu.memory_space<vmem>>) target(%dma_start3A_625 : memref<1048584xf32, #tpu.memory_space<vmem_shared>>) offsets(%arg7 : memref<128xi32, #tpu.memory_space<vmem>>) semaphore(%run_scoped3A : memref<!tpu.dma_semaphore, #tpu.memory_space<semaphore_mem>>) {add = true}
        %dma_wait3A = arith.constant 0 : i32
        %dma_wait3A_626 = tpu.memref_slice %arg6[%dma_wait3A] : memref<1048584xf32, #tpu.memory_space<vmem_shared>> -> memref<1048584xf32, #tpu.memory_space<vmem_shared>>
        tpu.wait_indirect_dma semaphore(%run_scoped3A : memref<!tpu.dma_semaphore, #tpu.memory_space<semaphore_mem>>) src(%arg8 : memref<128xf32, #tpu.memory_space<vmem>>) dst(%dma_wait3A_626 : memref<1048584xf32, #tpu.memory_space<vmem_shared>>)
        tpu.yield
      }) : () -> ()
    }
    %scan3A_388 = arith.constant 128 : i32
    %barrier3A_389 = arith.constant 0 : index
    tpu.barrier barrier_id(%barrier3A_389)
    %mul3A_390 = arith.constant 65536 : i32
    %mul3A_391 = arith.muli %arg1, %mul3A_390 : i32
    %mul3A_392 = arith.constant 1048576 : i32
    %mul3A_393 = arith.muli %arg0, %mul3A_392 : i32
    %add3A_394 = arith.constant 29360128 : i32
    %add3A_395 = arith.addi %add3A_394, %mul3A_393 : i32
    %mul3A_396 = arith.constant 65536 : i32
    %mul3A_397 = arith.muli %arg1, %mul3A_396 : i32
    %add3A_398 = arith.addi %add3A_395, %mul3A_397 : i32
    "tpu.region"() ({
      %run_scoped3A = tpu.sem_alloc : memref<!tpu.dma_semaphore, #tpu.memory_space<semaphore_mem>>
      %dma_start3A = tpu.memref_slice %arg5[%add3A_398] : memref<48234496xf32, #tpu.memory_space<hbm>> -> memref<65536xf32, #tpu.memory_space<hbm>>
      %dma_start3A_616 = tpu.memref_slice %arg6[%mul3A_391] : memref<1048584xf32, #tpu.memory_space<vmem_shared>> -> memref<65536xf32, #tpu.memory_space<vmem_shared>>
      tpu.enqueue_dma source(%dma_start3A_616 : memref<65536xf32, #tpu.memory_space<vmem_shared>>) target(%dma_start3A : memref<65536xf32, #tpu.memory_space<hbm>>) target_semaphore(%run_scoped3A : memref<!tpu.dma_semaphore, #tpu.memory_space<semaphore_mem>>)
      %dma_wait3A = tpu.memref_slice %arg5[%add3A_398] : memref<48234496xf32, #tpu.memory_space<hbm>> -> memref<65536xf32, #tpu.memory_space<hbm>>
      %dma_wait3A_617 = tpu.memref_slice %arg6[%mul3A_391] : memref<1048584xf32, #tpu.memory_space<vmem_shared>> -> memref<65536xf32, #tpu.memory_space<vmem_shared>>
      tpu.wait_dma2 semaphore(%run_scoped3A : memref<!tpu.dma_semaphore, #tpu.memory_space<semaphore_mem>>) src(%dma_wait3A_617 : memref<65536xf32, #tpu.memory_space<vmem_shared>>) dst(%dma_wait3A : memref<65536xf32, #tpu.memory_space<hbm>>)
      tpu.yield
    }) : () -> ()
    %barrier3A_399 = arith.constant 0 : index
    tpu.barrier barrier_id(%barrier3A_399)
    %mul3A_400 = arith.constant 23 : i32
    %mul3A_401 = arith.muli %arg0, %mul3A_400 : i32
    %add3A_402 = arith.constant 15 : i32
    %add3A_403 = arith.addi %mul3A_401, %add3A_402 : i32
    %eq3A_404 = arith.constant 0 : i32
    %eq3A_405 = arith.cmpi eq, %arg1, %eq3A_404 : i32
    %convert_element_type3A_406 = arith.extui %eq3A_405 : i1 to i32
    %cond3A_407 = arith.constant 0 : i32
    %cond3A_408 = arith.cmpi ne, %convert_element_type3A_406, %cond3A_407 : i32
    scf.if %cond3A_408 {
      "tpu.region"() ({
        %run_scoped3A = tpu.sem_alloc : memref<!tpu.dma_semaphore, #tpu.memory_space<semaphore_mem>>
        tpu.enqueue_dma source(%arg4 : memref<1048584xf32, #tpu.memory_space<hbm>>) target(%arg6 : memref<1048584xf32, #tpu.memory_space<vmem_shared>>) target_semaphore(%run_scoped3A : memref<!tpu.dma_semaphore, #tpu.memory_space<semaphore_mem>>)
        tpu.wait_dma2 semaphore(%run_scoped3A : memref<!tpu.dma_semaphore, #tpu.memory_space<semaphore_mem>>) src(%arg4 : memref<1048584xf32, #tpu.memory_space<hbm>>) dst(%arg6 : memref<1048584xf32, #tpu.memory_space<vmem_shared>>)
        tpu.yield
      }) : () -> ()
    } else {
    }
    %barrier3A_409 = arith.constant 0 : index
    tpu.barrier barrier_id(%barrier3A_409)
    %scan3A_410 = arith.constant 0 : i32
    %scan3A_411 = arith.constant 0 : i32
    %scan3A_412 = arith.constant 128 : i32
    %scan3A_413 = arith.addi %scan3A_411, %scan3A_412 : i32
    %scan3A_414 = arith.constant 1 : i32
    scf.for %scan3A_616 = %scan3A_411 to %scan3A_413 step %scan3A_414  : i32 {
      %mul3A_617 = arith.constant 128 : i32
      %mul3A_618 = arith.muli %scan3A_616, %mul3A_617 : i32
      %add3A_619 = arith.addi %mul3A_0, %mul3A_618 : i32
      %mul3A_620 = arith.constant 262144 : i32
      %mul3A_621 = arith.muli %add3A_403, %mul3A_620 : i32
      %add3A_622 = arith.addi %mul3A_621, %add3A_619 : i32
      "tpu.region"() ({
        %run_scoped3A = tpu.sem_alloc : memref<!tpu.dma_semaphore, #tpu.memory_space<semaphore_mem>>
        %dma_start3A = tpu.memref_slice %arg3[%add3A_622] : memref<12058624xi32, #tpu.memory_space<hbm>> -> memref<128xi32, #tpu.memory_space<hbm>>
        %dma_start3A_625 = tpu.memref_slice %arg3[%add3A_622] : memref<12058624xi32, #tpu.memory_space<hbm>> -> memref<128xi32, #tpu.memory_space<hbm>>
        tpu.enqueue_dma source(%dma_start3A_625 : memref<128xi32, #tpu.memory_space<hbm>>) target(%arg7 : memref<128xi32, #tpu.memory_space<vmem>>) target_semaphore(%run_scoped3A : memref<!tpu.dma_semaphore, #tpu.memory_space<semaphore_mem>>)
        %dma_wait3A = tpu.memref_slice %arg3[%add3A_622] : memref<12058624xi32, #tpu.memory_space<hbm>> -> memref<128xi32, #tpu.memory_space<hbm>>
        %dma_wait3A_626 = tpu.memref_slice %arg3[%add3A_622] : memref<12058624xi32, #tpu.memory_space<hbm>> -> memref<128xi32, #tpu.memory_space<hbm>>
        tpu.wait_dma2 semaphore(%run_scoped3A : memref<!tpu.dma_semaphore, #tpu.memory_space<semaphore_mem>>) src(%dma_wait3A_626 : memref<128xi32, #tpu.memory_space<hbm>>) dst(%arg7 : memref<128xi32, #tpu.memory_space<vmem>>)
        tpu.yield
      }) : () -> ()
      %add3A_623 = arith.constant 3932160 : i32
      %add3A_624 = arith.addi %add3A_623, %add3A_619 : i32
      "tpu.region"() ({
        %run_scoped3A = tpu.sem_alloc : memref<!tpu.dma_semaphore, #tpu.memory_space<semaphore_mem>>
        %dma_start3A = tpu.memref_slice %arg2[%add3A_624] : memref<6029312xf32, #tpu.memory_space<hbm>> -> memref<128xf32, #tpu.memory_space<hbm>>
        %dma_start3A_625 = tpu.memref_slice %arg2[%add3A_624] : memref<6029312xf32, #tpu.memory_space<hbm>> -> memref<128xf32, #tpu.memory_space<hbm>>
        tpu.enqueue_dma source(%dma_start3A_625 : memref<128xf32, #tpu.memory_space<hbm>>) target(%arg8 : memref<128xf32, #tpu.memory_space<vmem>>) target_semaphore(%run_scoped3A : memref<!tpu.dma_semaphore, #tpu.memory_space<semaphore_mem>>)
        %dma_wait3A = tpu.memref_slice %arg2[%add3A_624] : memref<6029312xf32, #tpu.memory_space<hbm>> -> memref<128xf32, #tpu.memory_space<hbm>>
        %dma_wait3A_626 = tpu.memref_slice %arg2[%add3A_624] : memref<6029312xf32, #tpu.memory_space<hbm>> -> memref<128xf32, #tpu.memory_space<hbm>>
        tpu.wait_dma2 semaphore(%run_scoped3A : memref<!tpu.dma_semaphore, #tpu.memory_space<semaphore_mem>>) src(%dma_wait3A_626 : memref<128xf32, #tpu.memory_space<hbm>>) dst(%arg8 : memref<128xf32, #tpu.memory_space<vmem>>)
        tpu.yield
      }) : () -> ()
      "tpu.region"() ({
        %run_scoped3A = tpu.sem_alloc : memref<!tpu.dma_semaphore, #tpu.memory_space<semaphore_mem>>
        %dma_start3A = arith.constant 0 : i32
        %dma_start3A_625 = tpu.memref_slice %arg6[%dma_start3A] : memref<1048584xf32, #tpu.memory_space<vmem_shared>> -> memref<1048584xf32, #tpu.memory_space<vmem_shared>>
        tpu.enqueue_indirect_dma source(%arg8 : memref<128xf32, #tpu.memory_space<vmem>>) target(%dma_start3A_625 : memref<1048584xf32, #tpu.memory_space<vmem_shared>>) offsets(%arg7 : memref<128xi32, #tpu.memory_space<vmem>>) semaphore(%run_scoped3A : memref<!tpu.dma_semaphore, #tpu.memory_space<semaphore_mem>>) {add = true}
        %dma_wait3A = arith.constant 0 : i32
        %dma_wait3A_626 = tpu.memref_slice %arg6[%dma_wait3A] : memref<1048584xf32, #tpu.memory_space<vmem_shared>> -> memref<1048584xf32, #tpu.memory_space<vmem_shared>>
        tpu.wait_indirect_dma semaphore(%run_scoped3A : memref<!tpu.dma_semaphore, #tpu.memory_space<semaphore_mem>>) src(%arg8 : memref<128xf32, #tpu.memory_space<vmem>>) dst(%dma_wait3A_626 : memref<1048584xf32, #tpu.memory_space<vmem_shared>>)
        tpu.yield
      }) : () -> ()
    }
    %scan3A_415 = arith.constant 128 : i32
    %barrier3A_416 = arith.constant 0 : index
    tpu.barrier barrier_id(%barrier3A_416)
    %mul3A_417 = arith.constant 65536 : i32
    %mul3A_418 = arith.muli %arg1, %mul3A_417 : i32
    %mul3A_419 = arith.constant 1048576 : i32
    %mul3A_420 = arith.muli %arg0, %mul3A_419 : i32
    %add3A_421 = arith.constant 31457280 : i32
    %add3A_422 = arith.addi %add3A_421, %mul3A_420 : i32
    %mul3A_423 = arith.constant 65536 : i32
    %mul3A_424 = arith.muli %arg1, %mul3A_423 : i32
    %add3A_425 = arith.addi %add3A_422, %mul3A_424 : i32
    "tpu.region"() ({
      %run_scoped3A = tpu.sem_alloc : memref<!tpu.dma_semaphore, #tpu.memory_space<semaphore_mem>>
      %dma_start3A = tpu.memref_slice %arg5[%add3A_425] : memref<48234496xf32, #tpu.memory_space<hbm>> -> memref<65536xf32, #tpu.memory_space<hbm>>
      %dma_start3A_616 = tpu.memref_slice %arg6[%mul3A_418] : memref<1048584xf32, #tpu.memory_space<vmem_shared>> -> memref<65536xf32, #tpu.memory_space<vmem_shared>>
      tpu.enqueue_dma source(%dma_start3A_616 : memref<65536xf32, #tpu.memory_space<vmem_shared>>) target(%dma_start3A : memref<65536xf32, #tpu.memory_space<hbm>>) target_semaphore(%run_scoped3A : memref<!tpu.dma_semaphore, #tpu.memory_space<semaphore_mem>>)
      %dma_wait3A = tpu.memref_slice %arg5[%add3A_425] : memref<48234496xf32, #tpu.memory_space<hbm>> -> memref<65536xf32, #tpu.memory_space<hbm>>
      %dma_wait3A_617 = tpu.memref_slice %arg6[%mul3A_418] : memref<1048584xf32, #tpu.memory_space<vmem_shared>> -> memref<65536xf32, #tpu.memory_space<vmem_shared>>
      tpu.wait_dma2 semaphore(%run_scoped3A : memref<!tpu.dma_semaphore, #tpu.memory_space<semaphore_mem>>) src(%dma_wait3A_617 : memref<65536xf32, #tpu.memory_space<vmem_shared>>) dst(%dma_wait3A : memref<65536xf32, #tpu.memory_space<hbm>>)
      tpu.yield
    }) : () -> ()
    %barrier3A_426 = arith.constant 0 : index
    tpu.barrier barrier_id(%barrier3A_426)
    %mul3A_427 = arith.constant 23 : i32
    %mul3A_428 = arith.muli %arg0, %mul3A_427 : i32
    %add3A_429 = arith.constant 16 : i32
    %add3A_430 = arith.addi %mul3A_428, %add3A_429 : i32
    %eq3A_431 = arith.constant 0 : i32
    %eq3A_432 = arith.cmpi eq, %arg1, %eq3A_431 : i32
    %convert_element_type3A_433 = arith.extui %eq3A_432 : i1 to i32
    %cond3A_434 = arith.constant 0 : i32
    %cond3A_435 = arith.cmpi ne, %convert_element_type3A_433, %cond3A_434 : i32
    scf.if %cond3A_435 {
      "tpu.region"() ({
        %run_scoped3A = tpu.sem_alloc : memref<!tpu.dma_semaphore, #tpu.memory_space<semaphore_mem>>
        tpu.enqueue_dma source(%arg4 : memref<1048584xf32, #tpu.memory_space<hbm>>) target(%arg6 : memref<1048584xf32, #tpu.memory_space<vmem_shared>>) target_semaphore(%run_scoped3A : memref<!tpu.dma_semaphore, #tpu.memory_space<semaphore_mem>>)
        tpu.wait_dma2 semaphore(%run_scoped3A : memref<!tpu.dma_semaphore, #tpu.memory_space<semaphore_mem>>) src(%arg4 : memref<1048584xf32, #tpu.memory_space<hbm>>) dst(%arg6 : memref<1048584xf32, #tpu.memory_space<vmem_shared>>)
        tpu.yield
      }) : () -> ()
    } else {
    }
    %barrier3A_436 = arith.constant 0 : index
    tpu.barrier barrier_id(%barrier3A_436)
    %scan3A_437 = arith.constant 0 : i32
    %scan3A_438 = arith.constant 0 : i32
    %scan3A_439 = arith.constant 128 : i32
    %scan3A_440 = arith.addi %scan3A_438, %scan3A_439 : i32
    %scan3A_441 = arith.constant 1 : i32
    scf.for %scan3A_616 = %scan3A_438 to %scan3A_440 step %scan3A_441  : i32 {
      %mul3A_617 = arith.constant 128 : i32
      %mul3A_618 = arith.muli %scan3A_616, %mul3A_617 : i32
      %add3A_619 = arith.addi %mul3A_0, %mul3A_618 : i32
      %mul3A_620 = arith.constant 262144 : i32
      %mul3A_621 = arith.muli %add3A_430, %mul3A_620 : i32
      %add3A_622 = arith.addi %mul3A_621, %add3A_619 : i32
      "tpu.region"() ({
        %run_scoped3A = tpu.sem_alloc : memref<!tpu.dma_semaphore, #tpu.memory_space<semaphore_mem>>
        %dma_start3A = tpu.memref_slice %arg3[%add3A_622] : memref<12058624xi32, #tpu.memory_space<hbm>> -> memref<128xi32, #tpu.memory_space<hbm>>
        %dma_start3A_625 = tpu.memref_slice %arg3[%add3A_622] : memref<12058624xi32, #tpu.memory_space<hbm>> -> memref<128xi32, #tpu.memory_space<hbm>>
        tpu.enqueue_dma source(%dma_start3A_625 : memref<128xi32, #tpu.memory_space<hbm>>) target(%arg7 : memref<128xi32, #tpu.memory_space<vmem>>) target_semaphore(%run_scoped3A : memref<!tpu.dma_semaphore, #tpu.memory_space<semaphore_mem>>)
        %dma_wait3A = tpu.memref_slice %arg3[%add3A_622] : memref<12058624xi32, #tpu.memory_space<hbm>> -> memref<128xi32, #tpu.memory_space<hbm>>
        %dma_wait3A_626 = tpu.memref_slice %arg3[%add3A_622] : memref<12058624xi32, #tpu.memory_space<hbm>> -> memref<128xi32, #tpu.memory_space<hbm>>
        tpu.wait_dma2 semaphore(%run_scoped3A : memref<!tpu.dma_semaphore, #tpu.memory_space<semaphore_mem>>) src(%dma_wait3A_626 : memref<128xi32, #tpu.memory_space<hbm>>) dst(%arg7 : memref<128xi32, #tpu.memory_space<vmem>>)
        tpu.yield
      }) : () -> ()
      %add3A_623 = arith.constant 4194304 : i32
      %add3A_624 = arith.addi %add3A_623, %add3A_619 : i32
      "tpu.region"() ({
        %run_scoped3A = tpu.sem_alloc : memref<!tpu.dma_semaphore, #tpu.memory_space<semaphore_mem>>
        %dma_start3A = tpu.memref_slice %arg2[%add3A_624] : memref<6029312xf32, #tpu.memory_space<hbm>> -> memref<128xf32, #tpu.memory_space<hbm>>
        %dma_start3A_625 = tpu.memref_slice %arg2[%add3A_624] : memref<6029312xf32, #tpu.memory_space<hbm>> -> memref<128xf32, #tpu.memory_space<hbm>>
        tpu.enqueue_dma source(%dma_start3A_625 : memref<128xf32, #tpu.memory_space<hbm>>) target(%arg8 : memref<128xf32, #tpu.memory_space<vmem>>) target_semaphore(%run_scoped3A : memref<!tpu.dma_semaphore, #tpu.memory_space<semaphore_mem>>)
        %dma_wait3A = tpu.memref_slice %arg2[%add3A_624] : memref<6029312xf32, #tpu.memory_space<hbm>> -> memref<128xf32, #tpu.memory_space<hbm>>
        %dma_wait3A_626 = tpu.memref_slice %arg2[%add3A_624] : memref<6029312xf32, #tpu.memory_space<hbm>> -> memref<128xf32, #tpu.memory_space<hbm>>
        tpu.wait_dma2 semaphore(%run_scoped3A : memref<!tpu.dma_semaphore, #tpu.memory_space<semaphore_mem>>) src(%dma_wait3A_626 : memref<128xf32, #tpu.memory_space<hbm>>) dst(%arg8 : memref<128xf32, #tpu.memory_space<vmem>>)
        tpu.yield
      }) : () -> ()
      "tpu.region"() ({
        %run_scoped3A = tpu.sem_alloc : memref<!tpu.dma_semaphore, #tpu.memory_space<semaphore_mem>>
        %dma_start3A = arith.constant 0 : i32
        %dma_start3A_625 = tpu.memref_slice %arg6[%dma_start3A] : memref<1048584xf32, #tpu.memory_space<vmem_shared>> -> memref<1048584xf32, #tpu.memory_space<vmem_shared>>
        tpu.enqueue_indirect_dma source(%arg8 : memref<128xf32, #tpu.memory_space<vmem>>) target(%dma_start3A_625 : memref<1048584xf32, #tpu.memory_space<vmem_shared>>) offsets(%arg7 : memref<128xi32, #tpu.memory_space<vmem>>) semaphore(%run_scoped3A : memref<!tpu.dma_semaphore, #tpu.memory_space<semaphore_mem>>) {add = true}
        %dma_wait3A = arith.constant 0 : i32
        %dma_wait3A_626 = tpu.memref_slice %arg6[%dma_wait3A] : memref<1048584xf32, #tpu.memory_space<vmem_shared>> -> memref<1048584xf32, #tpu.memory_space<vmem_shared>>
        tpu.wait_indirect_dma semaphore(%run_scoped3A : memref<!tpu.dma_semaphore, #tpu.memory_space<semaphore_mem>>) src(%arg8 : memref<128xf32, #tpu.memory_space<vmem>>) dst(%dma_wait3A_626 : memref<1048584xf32, #tpu.memory_space<vmem_shared>>)
        tpu.yield
      }) : () -> ()
    }
    %scan3A_442 = arith.constant 128 : i32
    %barrier3A_443 = arith.constant 0 : index
    tpu.barrier barrier_id(%barrier3A_443)
    %mul3A_444 = arith.constant 65536 : i32
    %mul3A_445 = arith.muli %arg1, %mul3A_444 : i32
    %mul3A_446 = arith.constant 1048576 : i32
    %mul3A_447 = arith.muli %arg0, %mul3A_446 : i32
    %add3A_448 = arith.constant 33554432 : i32
    %add3A_449 = arith.addi %add3A_448, %mul3A_447 : i32
    %mul3A_450 = arith.constant 65536 : i32
    %mul3A_451 = arith.muli %arg1, %mul3A_450 : i32
    %add3A_452 = arith.addi %add3A_449, %mul3A_451 : i32
    "tpu.region"() ({
      %run_scoped3A = tpu.sem_alloc : memref<!tpu.dma_semaphore, #tpu.memory_space<semaphore_mem>>
      %dma_start3A = tpu.memref_slice %arg5[%add3A_452] : memref<48234496xf32, #tpu.memory_space<hbm>> -> memref<65536xf32, #tpu.memory_space<hbm>>
      %dma_start3A_616 = tpu.memref_slice %arg6[%mul3A_445] : memref<1048584xf32, #tpu.memory_space<vmem_shared>> -> memref<65536xf32, #tpu.memory_space<vmem_shared>>
      tpu.enqueue_dma source(%dma_start3A_616 : memref<65536xf32, #tpu.memory_space<vmem_shared>>) target(%dma_start3A : memref<65536xf32, #tpu.memory_space<hbm>>) target_semaphore(%run_scoped3A : memref<!tpu.dma_semaphore, #tpu.memory_space<semaphore_mem>>)
      %dma_wait3A = tpu.memref_slice %arg5[%add3A_452] : memref<48234496xf32, #tpu.memory_space<hbm>> -> memref<65536xf32, #tpu.memory_space<hbm>>
      %dma_wait3A_617 = tpu.memref_slice %arg6[%mul3A_445] : memref<1048584xf32, #tpu.memory_space<vmem_shared>> -> memref<65536xf32, #tpu.memory_space<vmem_shared>>
      tpu.wait_dma2 semaphore(%run_scoped3A : memref<!tpu.dma_semaphore, #tpu.memory_space<semaphore_mem>>) src(%dma_wait3A_617 : memref<65536xf32, #tpu.memory_space<vmem_shared>>) dst(%dma_wait3A : memref<65536xf32, #tpu.memory_space<hbm>>)
      tpu.yield
    }) : () -> ()
    %barrier3A_453 = arith.constant 0 : index
    tpu.barrier barrier_id(%barrier3A_453)
    %mul3A_454 = arith.constant 23 : i32
    %mul3A_455 = arith.muli %arg0, %mul3A_454 : i32
    %add3A_456 = arith.constant 17 : i32
    %add3A_457 = arith.addi %mul3A_455, %add3A_456 : i32
    %eq3A_458 = arith.constant 0 : i32
    %eq3A_459 = arith.cmpi eq, %arg1, %eq3A_458 : i32
    %convert_element_type3A_460 = arith.extui %eq3A_459 : i1 to i32
    %cond3A_461 = arith.constant 0 : i32
    %cond3A_462 = arith.cmpi ne, %convert_element_type3A_460, %cond3A_461 : i32
    scf.if %cond3A_462 {
      "tpu.region"() ({
        %run_scoped3A = tpu.sem_alloc : memref<!tpu.dma_semaphore, #tpu.memory_space<semaphore_mem>>
        tpu.enqueue_dma source(%arg4 : memref<1048584xf32, #tpu.memory_space<hbm>>) target(%arg6 : memref<1048584xf32, #tpu.memory_space<vmem_shared>>) target_semaphore(%run_scoped3A : memref<!tpu.dma_semaphore, #tpu.memory_space<semaphore_mem>>)
        tpu.wait_dma2 semaphore(%run_scoped3A : memref<!tpu.dma_semaphore, #tpu.memory_space<semaphore_mem>>) src(%arg4 : memref<1048584xf32, #tpu.memory_space<hbm>>) dst(%arg6 : memref<1048584xf32, #tpu.memory_space<vmem_shared>>)
        tpu.yield
      }) : () -> ()
    } else {
    }
    %barrier3A_463 = arith.constant 0 : index
    tpu.barrier barrier_id(%barrier3A_463)
    %scan3A_464 = arith.constant 0 : i32
    %scan3A_465 = arith.constant 0 : i32
    %scan3A_466 = arith.constant 128 : i32
    %scan3A_467 = arith.addi %scan3A_465, %scan3A_466 : i32
    %scan3A_468 = arith.constant 1 : i32
    scf.for %scan3A_616 = %scan3A_465 to %scan3A_467 step %scan3A_468  : i32 {
      %mul3A_617 = arith.constant 128 : i32
      %mul3A_618 = arith.muli %scan3A_616, %mul3A_617 : i32
      %add3A_619 = arith.addi %mul3A_0, %mul3A_618 : i32
      %mul3A_620 = arith.constant 262144 : i32
      %mul3A_621 = arith.muli %add3A_457, %mul3A_620 : i32
      %add3A_622 = arith.addi %mul3A_621, %add3A_619 : i32
      "tpu.region"() ({
        %run_scoped3A = tpu.sem_alloc : memref<!tpu.dma_semaphore, #tpu.memory_space<semaphore_mem>>
        %dma_start3A = tpu.memref_slice %arg3[%add3A_622] : memref<12058624xi32, #tpu.memory_space<hbm>> -> memref<128xi32, #tpu.memory_space<hbm>>
        %dma_start3A_625 = tpu.memref_slice %arg3[%add3A_622] : memref<12058624xi32, #tpu.memory_space<hbm>> -> memref<128xi32, #tpu.memory_space<hbm>>
        tpu.enqueue_dma source(%dma_start3A_625 : memref<128xi32, #tpu.memory_space<hbm>>) target(%arg7 : memref<128xi32, #tpu.memory_space<vmem>>) target_semaphore(%run_scoped3A : memref<!tpu.dma_semaphore, #tpu.memory_space<semaphore_mem>>)
        %dma_wait3A = tpu.memref_slice %arg3[%add3A_622] : memref<12058624xi32, #tpu.memory_space<hbm>> -> memref<128xi32, #tpu.memory_space<hbm>>
        %dma_wait3A_626 = tpu.memref_slice %arg3[%add3A_622] : memref<12058624xi32, #tpu.memory_space<hbm>> -> memref<128xi32, #tpu.memory_space<hbm>>
        tpu.wait_dma2 semaphore(%run_scoped3A : memref<!tpu.dma_semaphore, #tpu.memory_space<semaphore_mem>>) src(%dma_wait3A_626 : memref<128xi32, #tpu.memory_space<hbm>>) dst(%arg7 : memref<128xi32, #tpu.memory_space<vmem>>)
        tpu.yield
      }) : () -> ()
      %add3A_623 = arith.constant 4456448 : i32
      %add3A_624 = arith.addi %add3A_623, %add3A_619 : i32
      "tpu.region"() ({
        %run_scoped3A = tpu.sem_alloc : memref<!tpu.dma_semaphore, #tpu.memory_space<semaphore_mem>>
        %dma_start3A = tpu.memref_slice %arg2[%add3A_624] : memref<6029312xf32, #tpu.memory_space<hbm>> -> memref<128xf32, #tpu.memory_space<hbm>>
        %dma_start3A_625 = tpu.memref_slice %arg2[%add3A_624] : memref<6029312xf32, #tpu.memory_space<hbm>> -> memref<128xf32, #tpu.memory_space<hbm>>
        tpu.enqueue_dma source(%dma_start3A_625 : memref<128xf32, #tpu.memory_space<hbm>>) target(%arg8 : memref<128xf32, #tpu.memory_space<vmem>>) target_semaphore(%run_scoped3A : memref<!tpu.dma_semaphore, #tpu.memory_space<semaphore_mem>>)
        %dma_wait3A = tpu.memref_slice %arg2[%add3A_624] : memref<6029312xf32, #tpu.memory_space<hbm>> -> memref<128xf32, #tpu.memory_space<hbm>>
        %dma_wait3A_626 = tpu.memref_slice %arg2[%add3A_624] : memref<6029312xf32, #tpu.memory_space<hbm>> -> memref<128xf32, #tpu.memory_space<hbm>>
        tpu.wait_dma2 semaphore(%run_scoped3A : memref<!tpu.dma_semaphore, #tpu.memory_space<semaphore_mem>>) src(%dma_wait3A_626 : memref<128xf32, #tpu.memory_space<hbm>>) dst(%arg8 : memref<128xf32, #tpu.memory_space<vmem>>)
        tpu.yield
      }) : () -> ()
      "tpu.region"() ({
        %run_scoped3A = tpu.sem_alloc : memref<!tpu.dma_semaphore, #tpu.memory_space<semaphore_mem>>
        %dma_start3A = arith.constant 0 : i32
        %dma_start3A_625 = tpu.memref_slice %arg6[%dma_start3A] : memref<1048584xf32, #tpu.memory_space<vmem_shared>> -> memref<1048584xf32, #tpu.memory_space<vmem_shared>>
        tpu.enqueue_indirect_dma source(%arg8 : memref<128xf32, #tpu.memory_space<vmem>>) target(%dma_start3A_625 : memref<1048584xf32, #tpu.memory_space<vmem_shared>>) offsets(%arg7 : memref<128xi32, #tpu.memory_space<vmem>>) semaphore(%run_scoped3A : memref<!tpu.dma_semaphore, #tpu.memory_space<semaphore_mem>>) {add = true}
        %dma_wait3A = arith.constant 0 : i32
        %dma_wait3A_626 = tpu.memref_slice %arg6[%dma_wait3A] : memref<1048584xf32, #tpu.memory_space<vmem_shared>> -> memref<1048584xf32, #tpu.memory_space<vmem_shared>>
        tpu.wait_indirect_dma semaphore(%run_scoped3A : memref<!tpu.dma_semaphore, #tpu.memory_space<semaphore_mem>>) src(%arg8 : memref<128xf32, #tpu.memory_space<vmem>>) dst(%dma_wait3A_626 : memref<1048584xf32, #tpu.memory_space<vmem_shared>>)
        tpu.yield
      }) : () -> ()
    }
    %scan3A_469 = arith.constant 128 : i32
    %barrier3A_470 = arith.constant 0 : index
    tpu.barrier barrier_id(%barrier3A_470)
    %mul3A_471 = arith.constant 65536 : i32
    %mul3A_472 = arith.muli %arg1, %mul3A_471 : i32
    %mul3A_473 = arith.constant 1048576 : i32
    %mul3A_474 = arith.muli %arg0, %mul3A_473 : i32
    %add3A_475 = arith.constant 35651584 : i32
    %add3A_476 = arith.addi %add3A_475, %mul3A_474 : i32
    %mul3A_477 = arith.constant 65536 : i32
    %mul3A_478 = arith.muli %arg1, %mul3A_477 : i32
    %add3A_479 = arith.addi %add3A_476, %mul3A_478 : i32
    "tpu.region"() ({
      %run_scoped3A = tpu.sem_alloc : memref<!tpu.dma_semaphore, #tpu.memory_space<semaphore_mem>>
      %dma_start3A = tpu.memref_slice %arg5[%add3A_479] : memref<48234496xf32, #tpu.memory_space<hbm>> -> memref<65536xf32, #tpu.memory_space<hbm>>
      %dma_start3A_616 = tpu.memref_slice %arg6[%mul3A_472] : memref<1048584xf32, #tpu.memory_space<vmem_shared>> -> memref<65536xf32, #tpu.memory_space<vmem_shared>>
      tpu.enqueue_dma source(%dma_start3A_616 : memref<65536xf32, #tpu.memory_space<vmem_shared>>) target(%dma_start3A : memref<65536xf32, #tpu.memory_space<hbm>>) target_semaphore(%run_scoped3A : memref<!tpu.dma_semaphore, #tpu.memory_space<semaphore_mem>>)
      %dma_wait3A = tpu.memref_slice %arg5[%add3A_479] : memref<48234496xf32, #tpu.memory_space<hbm>> -> memref<65536xf32, #tpu.memory_space<hbm>>
      %dma_wait3A_617 = tpu.memref_slice %arg6[%mul3A_472] : memref<1048584xf32, #tpu.memory_space<vmem_shared>> -> memref<65536xf32, #tpu.memory_space<vmem_shared>>
      tpu.wait_dma2 semaphore(%run_scoped3A : memref<!tpu.dma_semaphore, #tpu.memory_space<semaphore_mem>>) src(%dma_wait3A_617 : memref<65536xf32, #tpu.memory_space<vmem_shared>>) dst(%dma_wait3A : memref<65536xf32, #tpu.memory_space<hbm>>)
      tpu.yield
    }) : () -> ()
    %barrier3A_480 = arith.constant 0 : index
    tpu.barrier barrier_id(%barrier3A_480)
    %mul3A_481 = arith.constant 23 : i32
    %mul3A_482 = arith.muli %arg0, %mul3A_481 : i32
    %add3A_483 = arith.constant 18 : i32
    %add3A_484 = arith.addi %mul3A_482, %add3A_483 : i32
    %eq3A_485 = arith.constant 0 : i32
    %eq3A_486 = arith.cmpi eq, %arg1, %eq3A_485 : i32
    %convert_element_type3A_487 = arith.extui %eq3A_486 : i1 to i32
    %cond3A_488 = arith.constant 0 : i32
    %cond3A_489 = arith.cmpi ne, %convert_element_type3A_487, %cond3A_488 : i32
    scf.if %cond3A_489 {
      "tpu.region"() ({
        %run_scoped3A = tpu.sem_alloc : memref<!tpu.dma_semaphore, #tpu.memory_space<semaphore_mem>>
        tpu.enqueue_dma source(%arg4 : memref<1048584xf32, #tpu.memory_space<hbm>>) target(%arg6 : memref<1048584xf32, #tpu.memory_space<vmem_shared>>) target_semaphore(%run_scoped3A : memref<!tpu.dma_semaphore, #tpu.memory_space<semaphore_mem>>)
        tpu.wait_dma2 semaphore(%run_scoped3A : memref<!tpu.dma_semaphore, #tpu.memory_space<semaphore_mem>>) src(%arg4 : memref<1048584xf32, #tpu.memory_space<hbm>>) dst(%arg6 : memref<1048584xf32, #tpu.memory_space<vmem_shared>>)
        tpu.yield
      }) : () -> ()
    } else {
    }
    %barrier3A_490 = arith.constant 0 : index
    tpu.barrier barrier_id(%barrier3A_490)
    %scan3A_491 = arith.constant 0 : i32
    %scan3A_492 = arith.constant 0 : i32
    %scan3A_493 = arith.constant 128 : i32
    %scan3A_494 = arith.addi %scan3A_492, %scan3A_493 : i32
    %scan3A_495 = arith.constant 1 : i32
    scf.for %scan3A_616 = %scan3A_492 to %scan3A_494 step %scan3A_495  : i32 {
      %mul3A_617 = arith.constant 128 : i32
      %mul3A_618 = arith.muli %scan3A_616, %mul3A_617 : i32
      %add3A_619 = arith.addi %mul3A_0, %mul3A_618 : i32
      %mul3A_620 = arith.constant 262144 : i32
      %mul3A_621 = arith.muli %add3A_484, %mul3A_620 : i32
      %add3A_622 = arith.addi %mul3A_621, %add3A_619 : i32
      "tpu.region"() ({
        %run_scoped3A = tpu.sem_alloc : memref<!tpu.dma_semaphore, #tpu.memory_space<semaphore_mem>>
        %dma_start3A = tpu.memref_slice %arg3[%add3A_622] : memref<12058624xi32, #tpu.memory_space<hbm>> -> memref<128xi32, #tpu.memory_space<hbm>>
        %dma_start3A_625 = tpu.memref_slice %arg3[%add3A_622] : memref<12058624xi32, #tpu.memory_space<hbm>> -> memref<128xi32, #tpu.memory_space<hbm>>
        tpu.enqueue_dma source(%dma_start3A_625 : memref<128xi32, #tpu.memory_space<hbm>>) target(%arg7 : memref<128xi32, #tpu.memory_space<vmem>>) target_semaphore(%run_scoped3A : memref<!tpu.dma_semaphore, #tpu.memory_space<semaphore_mem>>)
        %dma_wait3A = tpu.memref_slice %arg3[%add3A_622] : memref<12058624xi32, #tpu.memory_space<hbm>> -> memref<128xi32, #tpu.memory_space<hbm>>
        %dma_wait3A_626 = tpu.memref_slice %arg3[%add3A_622] : memref<12058624xi32, #tpu.memory_space<hbm>> -> memref<128xi32, #tpu.memory_space<hbm>>
        tpu.wait_dma2 semaphore(%run_scoped3A : memref<!tpu.dma_semaphore, #tpu.memory_space<semaphore_mem>>) src(%dma_wait3A_626 : memref<128xi32, #tpu.memory_space<hbm>>) dst(%arg7 : memref<128xi32, #tpu.memory_space<vmem>>)
        tpu.yield
      }) : () -> ()
      %add3A_623 = arith.constant 4718592 : i32
      %add3A_624 = arith.addi %add3A_623, %add3A_619 : i32
      "tpu.region"() ({
        %run_scoped3A = tpu.sem_alloc : memref<!tpu.dma_semaphore, #tpu.memory_space<semaphore_mem>>
        %dma_start3A = tpu.memref_slice %arg2[%add3A_624] : memref<6029312xf32, #tpu.memory_space<hbm>> -> memref<128xf32, #tpu.memory_space<hbm>>
        %dma_start3A_625 = tpu.memref_slice %arg2[%add3A_624] : memref<6029312xf32, #tpu.memory_space<hbm>> -> memref<128xf32, #tpu.memory_space<hbm>>
        tpu.enqueue_dma source(%dma_start3A_625 : memref<128xf32, #tpu.memory_space<hbm>>) target(%arg8 : memref<128xf32, #tpu.memory_space<vmem>>) target_semaphore(%run_scoped3A : memref<!tpu.dma_semaphore, #tpu.memory_space<semaphore_mem>>)
        %dma_wait3A = tpu.memref_slice %arg2[%add3A_624] : memref<6029312xf32, #tpu.memory_space<hbm>> -> memref<128xf32, #tpu.memory_space<hbm>>
        %dma_wait3A_626 = tpu.memref_slice %arg2[%add3A_624] : memref<6029312xf32, #tpu.memory_space<hbm>> -> memref<128xf32, #tpu.memory_space<hbm>>
        tpu.wait_dma2 semaphore(%run_scoped3A : memref<!tpu.dma_semaphore, #tpu.memory_space<semaphore_mem>>) src(%dma_wait3A_626 : memref<128xf32, #tpu.memory_space<hbm>>) dst(%arg8 : memref<128xf32, #tpu.memory_space<vmem>>)
        tpu.yield
      }) : () -> ()
      "tpu.region"() ({
        %run_scoped3A = tpu.sem_alloc : memref<!tpu.dma_semaphore, #tpu.memory_space<semaphore_mem>>
        %dma_start3A = arith.constant 0 : i32
        %dma_start3A_625 = tpu.memref_slice %arg6[%dma_start3A] : memref<1048584xf32, #tpu.memory_space<vmem_shared>> -> memref<1048584xf32, #tpu.memory_space<vmem_shared>>
        tpu.enqueue_indirect_dma source(%arg8 : memref<128xf32, #tpu.memory_space<vmem>>) target(%dma_start3A_625 : memref<1048584xf32, #tpu.memory_space<vmem_shared>>) offsets(%arg7 : memref<128xi32, #tpu.memory_space<vmem>>) semaphore(%run_scoped3A : memref<!tpu.dma_semaphore, #tpu.memory_space<semaphore_mem>>) {add = true}
        %dma_wait3A = arith.constant 0 : i32
        %dma_wait3A_626 = tpu.memref_slice %arg6[%dma_wait3A] : memref<1048584xf32, #tpu.memory_space<vmem_shared>> -> memref<1048584xf32, #tpu.memory_space<vmem_shared>>
        tpu.wait_indirect_dma semaphore(%run_scoped3A : memref<!tpu.dma_semaphore, #tpu.memory_space<semaphore_mem>>) src(%arg8 : memref<128xf32, #tpu.memory_space<vmem>>) dst(%dma_wait3A_626 : memref<1048584xf32, #tpu.memory_space<vmem_shared>>)
        tpu.yield
      }) : () -> ()
    }
    %scan3A_496 = arith.constant 128 : i32
    %barrier3A_497 = arith.constant 0 : index
    tpu.barrier barrier_id(%barrier3A_497)
    %mul3A_498 = arith.constant 65536 : i32
    %mul3A_499 = arith.muli %arg1, %mul3A_498 : i32
    %mul3A_500 = arith.constant 1048576 : i32
    %mul3A_501 = arith.muli %arg0, %mul3A_500 : i32
    %add3A_502 = arith.constant 37748736 : i32
    %add3A_503 = arith.addi %add3A_502, %mul3A_501 : i32
    %mul3A_504 = arith.constant 65536 : i32
    %mul3A_505 = arith.muli %arg1, %mul3A_504 : i32
    %add3A_506 = arith.addi %add3A_503, %mul3A_505 : i32
    "tpu.region"() ({
      %run_scoped3A = tpu.sem_alloc : memref<!tpu.dma_semaphore, #tpu.memory_space<semaphore_mem>>
      %dma_start3A = tpu.memref_slice %arg5[%add3A_506] : memref<48234496xf32, #tpu.memory_space<hbm>> -> memref<65536xf32, #tpu.memory_space<hbm>>
      %dma_start3A_616 = tpu.memref_slice %arg6[%mul3A_499] : memref<1048584xf32, #tpu.memory_space<vmem_shared>> -> memref<65536xf32, #tpu.memory_space<vmem_shared>>
      tpu.enqueue_dma source(%dma_start3A_616 : memref<65536xf32, #tpu.memory_space<vmem_shared>>) target(%dma_start3A : memref<65536xf32, #tpu.memory_space<hbm>>) target_semaphore(%run_scoped3A : memref<!tpu.dma_semaphore, #tpu.memory_space<semaphore_mem>>)
      %dma_wait3A = tpu.memref_slice %arg5[%add3A_506] : memref<48234496xf32, #tpu.memory_space<hbm>> -> memref<65536xf32, #tpu.memory_space<hbm>>
      %dma_wait3A_617 = tpu.memref_slice %arg6[%mul3A_499] : memref<1048584xf32, #tpu.memory_space<vmem_shared>> -> memref<65536xf32, #tpu.memory_space<vmem_shared>>
      tpu.wait_dma2 semaphore(%run_scoped3A : memref<!tpu.dma_semaphore, #tpu.memory_space<semaphore_mem>>) src(%dma_wait3A_617 : memref<65536xf32, #tpu.memory_space<vmem_shared>>) dst(%dma_wait3A : memref<65536xf32, #tpu.memory_space<hbm>>)
      tpu.yield
    }) : () -> ()
    %barrier3A_507 = arith.constant 0 : index
    tpu.barrier barrier_id(%barrier3A_507)
    %mul3A_508 = arith.constant 23 : i32
    %mul3A_509 = arith.muli %arg0, %mul3A_508 : i32
    %add3A_510 = arith.constant 19 : i32
    %add3A_511 = arith.addi %mul3A_509, %add3A_510 : i32
    %eq3A_512 = arith.constant 0 : i32
    %eq3A_513 = arith.cmpi eq, %arg1, %eq3A_512 : i32
    %convert_element_type3A_514 = arith.extui %eq3A_513 : i1 to i32
    %cond3A_515 = arith.constant 0 : i32
    %cond3A_516 = arith.cmpi ne, %convert_element_type3A_514, %cond3A_515 : i32
    scf.if %cond3A_516 {
      "tpu.region"() ({
        %run_scoped3A = tpu.sem_alloc : memref<!tpu.dma_semaphore, #tpu.memory_space<semaphore_mem>>
        tpu.enqueue_dma source(%arg4 : memref<1048584xf32, #tpu.memory_space<hbm>>) target(%arg6 : memref<1048584xf32, #tpu.memory_space<vmem_shared>>) target_semaphore(%run_scoped3A : memref<!tpu.dma_semaphore, #tpu.memory_space<semaphore_mem>>)
        tpu.wait_dma2 semaphore(%run_scoped3A : memref<!tpu.dma_semaphore, #tpu.memory_space<semaphore_mem>>) src(%arg4 : memref<1048584xf32, #tpu.memory_space<hbm>>) dst(%arg6 : memref<1048584xf32, #tpu.memory_space<vmem_shared>>)
        tpu.yield
      }) : () -> ()
    } else {
    }
    %barrier3A_517 = arith.constant 0 : index
    tpu.barrier barrier_id(%barrier3A_517)
    %scan3A_518 = arith.constant 0 : i32
    %scan3A_519 = arith.constant 0 : i32
    %scan3A_520 = arith.constant 128 : i32
    %scan3A_521 = arith.addi %scan3A_519, %scan3A_520 : i32
    %scan3A_522 = arith.constant 1 : i32
    scf.for %scan3A_616 = %scan3A_519 to %scan3A_521 step %scan3A_522  : i32 {
      %mul3A_617 = arith.constant 128 : i32
      %mul3A_618 = arith.muli %scan3A_616, %mul3A_617 : i32
      %add3A_619 = arith.addi %mul3A_0, %mul3A_618 : i32
      %mul3A_620 = arith.constant 262144 : i32
      %mul3A_621 = arith.muli %add3A_511, %mul3A_620 : i32
      %add3A_622 = arith.addi %mul3A_621, %add3A_619 : i32
      "tpu.region"() ({
        %run_scoped3A = tpu.sem_alloc : memref<!tpu.dma_semaphore, #tpu.memory_space<semaphore_mem>>
        %dma_start3A = tpu.memref_slice %arg3[%add3A_622] : memref<12058624xi32, #tpu.memory_space<hbm>> -> memref<128xi32, #tpu.memory_space<hbm>>
        %dma_start3A_625 = tpu.memref_slice %arg3[%add3A_622] : memref<12058624xi32, #tpu.memory_space<hbm>> -> memref<128xi32, #tpu.memory_space<hbm>>
        tpu.enqueue_dma source(%dma_start3A_625 : memref<128xi32, #tpu.memory_space<hbm>>) target(%arg7 : memref<128xi32, #tpu.memory_space<vmem>>) target_semaphore(%run_scoped3A : memref<!tpu.dma_semaphore, #tpu.memory_space<semaphore_mem>>)
        %dma_wait3A = tpu.memref_slice %arg3[%add3A_622] : memref<12058624xi32, #tpu.memory_space<hbm>> -> memref<128xi32, #tpu.memory_space<hbm>>
        %dma_wait3A_626 = tpu.memref_slice %arg3[%add3A_622] : memref<12058624xi32, #tpu.memory_space<hbm>> -> memref<128xi32, #tpu.memory_space<hbm>>
        tpu.wait_dma2 semaphore(%run_scoped3A : memref<!tpu.dma_semaphore, #tpu.memory_space<semaphore_mem>>) src(%dma_wait3A_626 : memref<128xi32, #tpu.memory_space<hbm>>) dst(%arg7 : memref<128xi32, #tpu.memory_space<vmem>>)
        tpu.yield
      }) : () -> ()
      %add3A_623 = arith.constant 4980736 : i32
      %add3A_624 = arith.addi %add3A_623, %add3A_619 : i32
      "tpu.region"() ({
        %run_scoped3A = tpu.sem_alloc : memref<!tpu.dma_semaphore, #tpu.memory_space<semaphore_mem>>
        %dma_start3A = tpu.memref_slice %arg2[%add3A_624] : memref<6029312xf32, #tpu.memory_space<hbm>> -> memref<128xf32, #tpu.memory_space<hbm>>
        %dma_start3A_625 = tpu.memref_slice %arg2[%add3A_624] : memref<6029312xf32, #tpu.memory_space<hbm>> -> memref<128xf32, #tpu.memory_space<hbm>>
        tpu.enqueue_dma source(%dma_start3A_625 : memref<128xf32, #tpu.memory_space<hbm>>) target(%arg8 : memref<128xf32, #tpu.memory_space<vmem>>) target_semaphore(%run_scoped3A : memref<!tpu.dma_semaphore, #tpu.memory_space<semaphore_mem>>)
        %dma_wait3A = tpu.memref_slice %arg2[%add3A_624] : memref<6029312xf32, #tpu.memory_space<hbm>> -> memref<128xf32, #tpu.memory_space<hbm>>
        %dma_wait3A_626 = tpu.memref_slice %arg2[%add3A_624] : memref<6029312xf32, #tpu.memory_space<hbm>> -> memref<128xf32, #tpu.memory_space<hbm>>
        tpu.wait_dma2 semaphore(%run_scoped3A : memref<!tpu.dma_semaphore, #tpu.memory_space<semaphore_mem>>) src(%dma_wait3A_626 : memref<128xf32, #tpu.memory_space<hbm>>) dst(%arg8 : memref<128xf32, #tpu.memory_space<vmem>>)
        tpu.yield
      }) : () -> ()
      "tpu.region"() ({
        %run_scoped3A = tpu.sem_alloc : memref<!tpu.dma_semaphore, #tpu.memory_space<semaphore_mem>>
        %dma_start3A = arith.constant 0 : i32
        %dma_start3A_625 = tpu.memref_slice %arg6[%dma_start3A] : memref<1048584xf32, #tpu.memory_space<vmem_shared>> -> memref<1048584xf32, #tpu.memory_space<vmem_shared>>
        tpu.enqueue_indirect_dma source(%arg8 : memref<128xf32, #tpu.memory_space<vmem>>) target(%dma_start3A_625 : memref<1048584xf32, #tpu.memory_space<vmem_shared>>) offsets(%arg7 : memref<128xi32, #tpu.memory_space<vmem>>) semaphore(%run_scoped3A : memref<!tpu.dma_semaphore, #tpu.memory_space<semaphore_mem>>) {add = true}
        %dma_wait3A = arith.constant 0 : i32
        %dma_wait3A_626 = tpu.memref_slice %arg6[%dma_wait3A] : memref<1048584xf32, #tpu.memory_space<vmem_shared>> -> memref<1048584xf32, #tpu.memory_space<vmem_shared>>
        tpu.wait_indirect_dma semaphore(%run_scoped3A : memref<!tpu.dma_semaphore, #tpu.memory_space<semaphore_mem>>) src(%arg8 : memref<128xf32, #tpu.memory_space<vmem>>) dst(%dma_wait3A_626 : memref<1048584xf32, #tpu.memory_space<vmem_shared>>)
        tpu.yield
      }) : () -> ()
    }
    %scan3A_523 = arith.constant 128 : i32
    %barrier3A_524 = arith.constant 0 : index
    tpu.barrier barrier_id(%barrier3A_524)
    %mul3A_525 = arith.constant 65536 : i32
    %mul3A_526 = arith.muli %arg1, %mul3A_525 : i32
    %mul3A_527 = arith.constant 1048576 : i32
    %mul3A_528 = arith.muli %arg0, %mul3A_527 : i32
    %add3A_529 = arith.constant 39845888 : i32
    %add3A_530 = arith.addi %add3A_529, %mul3A_528 : i32
    %mul3A_531 = arith.constant 65536 : i32
    %mul3A_532 = arith.muli %arg1, %mul3A_531 : i32
    %add3A_533 = arith.addi %add3A_530, %mul3A_532 : i32
    "tpu.region"() ({
      %run_scoped3A = tpu.sem_alloc : memref<!tpu.dma_semaphore, #tpu.memory_space<semaphore_mem>>
      %dma_start3A = tpu.memref_slice %arg5[%add3A_533] : memref<48234496xf32, #tpu.memory_space<hbm>> -> memref<65536xf32, #tpu.memory_space<hbm>>
      %dma_start3A_616 = tpu.memref_slice %arg6[%mul3A_526] : memref<1048584xf32, #tpu.memory_space<vmem_shared>> -> memref<65536xf32, #tpu.memory_space<vmem_shared>>
      tpu.enqueue_dma source(%dma_start3A_616 : memref<65536xf32, #tpu.memory_space<vmem_shared>>) target(%dma_start3A : memref<65536xf32, #tpu.memory_space<hbm>>) target_semaphore(%run_scoped3A : memref<!tpu.dma_semaphore, #tpu.memory_space<semaphore_mem>>)
      %dma_wait3A = tpu.memref_slice %arg5[%add3A_533] : memref<48234496xf32, #tpu.memory_space<hbm>> -> memref<65536xf32, #tpu.memory_space<hbm>>
      %dma_wait3A_617 = tpu.memref_slice %arg6[%mul3A_526] : memref<1048584xf32, #tpu.memory_space<vmem_shared>> -> memref<65536xf32, #tpu.memory_space<vmem_shared>>
      tpu.wait_dma2 semaphore(%run_scoped3A : memref<!tpu.dma_semaphore, #tpu.memory_space<semaphore_mem>>) src(%dma_wait3A_617 : memref<65536xf32, #tpu.memory_space<vmem_shared>>) dst(%dma_wait3A : memref<65536xf32, #tpu.memory_space<hbm>>)
      tpu.yield
    }) : () -> ()
    %barrier3A_534 = arith.constant 0 : index
    tpu.barrier barrier_id(%barrier3A_534)
    %mul3A_535 = arith.constant 23 : i32
    %mul3A_536 = arith.muli %arg0, %mul3A_535 : i32
    %add3A_537 = arith.constant 20 : i32
    %add3A_538 = arith.addi %mul3A_536, %add3A_537 : i32
    %eq3A_539 = arith.constant 0 : i32
    %eq3A_540 = arith.cmpi eq, %arg1, %eq3A_539 : i32
    %convert_element_type3A_541 = arith.extui %eq3A_540 : i1 to i32
    %cond3A_542 = arith.constant 0 : i32
    %cond3A_543 = arith.cmpi ne, %convert_element_type3A_541, %cond3A_542 : i32
    scf.if %cond3A_543 {
      "tpu.region"() ({
        %run_scoped3A = tpu.sem_alloc : memref<!tpu.dma_semaphore, #tpu.memory_space<semaphore_mem>>
        tpu.enqueue_dma source(%arg4 : memref<1048584xf32, #tpu.memory_space<hbm>>) target(%arg6 : memref<1048584xf32, #tpu.memory_space<vmem_shared>>) target_semaphore(%run_scoped3A : memref<!tpu.dma_semaphore, #tpu.memory_space<semaphore_mem>>)
        tpu.wait_dma2 semaphore(%run_scoped3A : memref<!tpu.dma_semaphore, #tpu.memory_space<semaphore_mem>>) src(%arg4 : memref<1048584xf32, #tpu.memory_space<hbm>>) dst(%arg6 : memref<1048584xf32, #tpu.memory_space<vmem_shared>>)
        tpu.yield
      }) : () -> ()
    } else {
    }
    %barrier3A_544 = arith.constant 0 : index
    tpu.barrier barrier_id(%barrier3A_544)
    %scan3A_545 = arith.constant 0 : i32
    %scan3A_546 = arith.constant 0 : i32
    %scan3A_547 = arith.constant 128 : i32
    %scan3A_548 = arith.addi %scan3A_546, %scan3A_547 : i32
    %scan3A_549 = arith.constant 1 : i32
    scf.for %scan3A_616 = %scan3A_546 to %scan3A_548 step %scan3A_549  : i32 {
      %mul3A_617 = arith.constant 128 : i32
      %mul3A_618 = arith.muli %scan3A_616, %mul3A_617 : i32
      %add3A_619 = arith.addi %mul3A_0, %mul3A_618 : i32
      %mul3A_620 = arith.constant 262144 : i32
      %mul3A_621 = arith.muli %add3A_538, %mul3A_620 : i32
      %add3A_622 = arith.addi %mul3A_621, %add3A_619 : i32
      "tpu.region"() ({
        %run_scoped3A = tpu.sem_alloc : memref<!tpu.dma_semaphore, #tpu.memory_space<semaphore_mem>>
        %dma_start3A = tpu.memref_slice %arg3[%add3A_622] : memref<12058624xi32, #tpu.memory_space<hbm>> -> memref<128xi32, #tpu.memory_space<hbm>>
        %dma_start3A_625 = tpu.memref_slice %arg3[%add3A_622] : memref<12058624xi32, #tpu.memory_space<hbm>> -> memref<128xi32, #tpu.memory_space<hbm>>
        tpu.enqueue_dma source(%dma_start3A_625 : memref<128xi32, #tpu.memory_space<hbm>>) target(%arg7 : memref<128xi32, #tpu.memory_space<vmem>>) target_semaphore(%run_scoped3A : memref<!tpu.dma_semaphore, #tpu.memory_space<semaphore_mem>>)
        %dma_wait3A = tpu.memref_slice %arg3[%add3A_622] : memref<12058624xi32, #tpu.memory_space<hbm>> -> memref<128xi32, #tpu.memory_space<hbm>>
        %dma_wait3A_626 = tpu.memref_slice %arg3[%add3A_622] : memref<12058624xi32, #tpu.memory_space<hbm>> -> memref<128xi32, #tpu.memory_space<hbm>>
        tpu.wait_dma2 semaphore(%run_scoped3A : memref<!tpu.dma_semaphore, #tpu.memory_space<semaphore_mem>>) src(%dma_wait3A_626 : memref<128xi32, #tpu.memory_space<hbm>>) dst(%arg7 : memref<128xi32, #tpu.memory_space<vmem>>)
        tpu.yield
      }) : () -> ()
      %add3A_623 = arith.constant 5242880 : i32
      %add3A_624 = arith.addi %add3A_623, %add3A_619 : i32
      "tpu.region"() ({
        %run_scoped3A = tpu.sem_alloc : memref<!tpu.dma_semaphore, #tpu.memory_space<semaphore_mem>>
        %dma_start3A = tpu.memref_slice %arg2[%add3A_624] : memref<6029312xf32, #tpu.memory_space<hbm>> -> memref<128xf32, #tpu.memory_space<hbm>>
        %dma_start3A_625 = tpu.memref_slice %arg2[%add3A_624] : memref<6029312xf32, #tpu.memory_space<hbm>> -> memref<128xf32, #tpu.memory_space<hbm>>
        tpu.enqueue_dma source(%dma_start3A_625 : memref<128xf32, #tpu.memory_space<hbm>>) target(%arg8 : memref<128xf32, #tpu.memory_space<vmem>>) target_semaphore(%run_scoped3A : memref<!tpu.dma_semaphore, #tpu.memory_space<semaphore_mem>>)
        %dma_wait3A = tpu.memref_slice %arg2[%add3A_624] : memref<6029312xf32, #tpu.memory_space<hbm>> -> memref<128xf32, #tpu.memory_space<hbm>>
        %dma_wait3A_626 = tpu.memref_slice %arg2[%add3A_624] : memref<6029312xf32, #tpu.memory_space<hbm>> -> memref<128xf32, #tpu.memory_space<hbm>>
        tpu.wait_dma2 semaphore(%run_scoped3A : memref<!tpu.dma_semaphore, #tpu.memory_space<semaphore_mem>>) src(%dma_wait3A_626 : memref<128xf32, #tpu.memory_space<hbm>>) dst(%arg8 : memref<128xf32, #tpu.memory_space<vmem>>)
        tpu.yield
      }) : () -> ()
      "tpu.region"() ({
        %run_scoped3A = tpu.sem_alloc : memref<!tpu.dma_semaphore, #tpu.memory_space<semaphore_mem>>
        %dma_start3A = arith.constant 0 : i32
        %dma_start3A_625 = tpu.memref_slice %arg6[%dma_start3A] : memref<1048584xf32, #tpu.memory_space<vmem_shared>> -> memref<1048584xf32, #tpu.memory_space<vmem_shared>>
        tpu.enqueue_indirect_dma source(%arg8 : memref<128xf32, #tpu.memory_space<vmem>>) target(%dma_start3A_625 : memref<1048584xf32, #tpu.memory_space<vmem_shared>>) offsets(%arg7 : memref<128xi32, #tpu.memory_space<vmem>>) semaphore(%run_scoped3A : memref<!tpu.dma_semaphore, #tpu.memory_space<semaphore_mem>>) {add = true}
        %dma_wait3A = arith.constant 0 : i32
        %dma_wait3A_626 = tpu.memref_slice %arg6[%dma_wait3A] : memref<1048584xf32, #tpu.memory_space<vmem_shared>> -> memref<1048584xf32, #tpu.memory_space<vmem_shared>>
        tpu.wait_indirect_dma semaphore(%run_scoped3A : memref<!tpu.dma_semaphore, #tpu.memory_space<semaphore_mem>>) src(%arg8 : memref<128xf32, #tpu.memory_space<vmem>>) dst(%dma_wait3A_626 : memref<1048584xf32, #tpu.memory_space<vmem_shared>>)
        tpu.yield
      }) : () -> ()
    }
    %scan3A_550 = arith.constant 128 : i32
    %barrier3A_551 = arith.constant 0 : index
    tpu.barrier barrier_id(%barrier3A_551)
    %mul3A_552 = arith.constant 65536 : i32
    %mul3A_553 = arith.muli %arg1, %mul3A_552 : i32
    %mul3A_554 = arith.constant 1048576 : i32
    %mul3A_555 = arith.muli %arg0, %mul3A_554 : i32
    %add3A_556 = arith.constant 41943040 : i32
    %add3A_557 = arith.addi %add3A_556, %mul3A_555 : i32
    %mul3A_558 = arith.constant 65536 : i32
    %mul3A_559 = arith.muli %arg1, %mul3A_558 : i32
    %add3A_560 = arith.addi %add3A_557, %mul3A_559 : i32
    "tpu.region"() ({
      %run_scoped3A = tpu.sem_alloc : memref<!tpu.dma_semaphore, #tpu.memory_space<semaphore_mem>>
      %dma_start3A = tpu.memref_slice %arg5[%add3A_560] : memref<48234496xf32, #tpu.memory_space<hbm>> -> memref<65536xf32, #tpu.memory_space<hbm>>
      %dma_start3A_616 = tpu.memref_slice %arg6[%mul3A_553] : memref<1048584xf32, #tpu.memory_space<vmem_shared>> -> memref<65536xf32, #tpu.memory_space<vmem_shared>>
      tpu.enqueue_dma source(%dma_start3A_616 : memref<65536xf32, #tpu.memory_space<vmem_shared>>) target(%dma_start3A : memref<65536xf32, #tpu.memory_space<hbm>>) target_semaphore(%run_scoped3A : memref<!tpu.dma_semaphore, #tpu.memory_space<semaphore_mem>>)
      %dma_wait3A = tpu.memref_slice %arg5[%add3A_560] : memref<48234496xf32, #tpu.memory_space<hbm>> -> memref<65536xf32, #tpu.memory_space<hbm>>
      %dma_wait3A_617 = tpu.memref_slice %arg6[%mul3A_553] : memref<1048584xf32, #tpu.memory_space<vmem_shared>> -> memref<65536xf32, #tpu.memory_space<vmem_shared>>
      tpu.wait_dma2 semaphore(%run_scoped3A : memref<!tpu.dma_semaphore, #tpu.memory_space<semaphore_mem>>) src(%dma_wait3A_617 : memref<65536xf32, #tpu.memory_space<vmem_shared>>) dst(%dma_wait3A : memref<65536xf32, #tpu.memory_space<hbm>>)
      tpu.yield
    }) : () -> ()
    %barrier3A_561 = arith.constant 0 : index
    tpu.barrier barrier_id(%barrier3A_561)
    %mul3A_562 = arith.constant 23 : i32
    %mul3A_563 = arith.muli %arg0, %mul3A_562 : i32
    %add3A_564 = arith.constant 21 : i32
    %add3A_565 = arith.addi %mul3A_563, %add3A_564 : i32
    %eq3A_566 = arith.constant 0 : i32
    %eq3A_567 = arith.cmpi eq, %arg1, %eq3A_566 : i32
    %convert_element_type3A_568 = arith.extui %eq3A_567 : i1 to i32
    %cond3A_569 = arith.constant 0 : i32
    %cond3A_570 = arith.cmpi ne, %convert_element_type3A_568, %cond3A_569 : i32
    scf.if %cond3A_570 {
      "tpu.region"() ({
        %run_scoped3A = tpu.sem_alloc : memref<!tpu.dma_semaphore, #tpu.memory_space<semaphore_mem>>
        tpu.enqueue_dma source(%arg4 : memref<1048584xf32, #tpu.memory_space<hbm>>) target(%arg6 : memref<1048584xf32, #tpu.memory_space<vmem_shared>>) target_semaphore(%run_scoped3A : memref<!tpu.dma_semaphore, #tpu.memory_space<semaphore_mem>>)
        tpu.wait_dma2 semaphore(%run_scoped3A : memref<!tpu.dma_semaphore, #tpu.memory_space<semaphore_mem>>) src(%arg4 : memref<1048584xf32, #tpu.memory_space<hbm>>) dst(%arg6 : memref<1048584xf32, #tpu.memory_space<vmem_shared>>)
        tpu.yield
      }) : () -> ()
    } else {
    }
    %barrier3A_571 = arith.constant 0 : index
    tpu.barrier barrier_id(%barrier3A_571)
    %scan3A_572 = arith.constant 0 : i32
    %scan3A_573 = arith.constant 0 : i32
    %scan3A_574 = arith.constant 128 : i32
    %scan3A_575 = arith.addi %scan3A_573, %scan3A_574 : i32
    %scan3A_576 = arith.constant 1 : i32
    scf.for %scan3A_616 = %scan3A_573 to %scan3A_575 step %scan3A_576  : i32 {
      %mul3A_617 = arith.constant 128 : i32
      %mul3A_618 = arith.muli %scan3A_616, %mul3A_617 : i32
      %add3A_619 = arith.addi %mul3A_0, %mul3A_618 : i32
      %mul3A_620 = arith.constant 262144 : i32
      %mul3A_621 = arith.muli %add3A_565, %mul3A_620 : i32
      %add3A_622 = arith.addi %mul3A_621, %add3A_619 : i32
      "tpu.region"() ({
        %run_scoped3A = tpu.sem_alloc : memref<!tpu.dma_semaphore, #tpu.memory_space<semaphore_mem>>
        %dma_start3A = tpu.memref_slice %arg3[%add3A_622] : memref<12058624xi32, #tpu.memory_space<hbm>> -> memref<128xi32, #tpu.memory_space<hbm>>
        %dma_start3A_625 = tpu.memref_slice %arg3[%add3A_622] : memref<12058624xi32, #tpu.memory_space<hbm>> -> memref<128xi32, #tpu.memory_space<hbm>>
        tpu.enqueue_dma source(%dma_start3A_625 : memref<128xi32, #tpu.memory_space<hbm>>) target(%arg7 : memref<128xi32, #tpu.memory_space<vmem>>) target_semaphore(%run_scoped3A : memref<!tpu.dma_semaphore, #tpu.memory_space<semaphore_mem>>)
        %dma_wait3A = tpu.memref_slice %arg3[%add3A_622] : memref<12058624xi32, #tpu.memory_space<hbm>> -> memref<128xi32, #tpu.memory_space<hbm>>
        %dma_wait3A_626 = tpu.memref_slice %arg3[%add3A_622] : memref<12058624xi32, #tpu.memory_space<hbm>> -> memref<128xi32, #tpu.memory_space<hbm>>
        tpu.wait_dma2 semaphore(%run_scoped3A : memref<!tpu.dma_semaphore, #tpu.memory_space<semaphore_mem>>) src(%dma_wait3A_626 : memref<128xi32, #tpu.memory_space<hbm>>) dst(%arg7 : memref<128xi32, #tpu.memory_space<vmem>>)
        tpu.yield
      }) : () -> ()
      %add3A_623 = arith.constant 5505024 : i32
      %add3A_624 = arith.addi %add3A_623, %add3A_619 : i32
      "tpu.region"() ({
        %run_scoped3A = tpu.sem_alloc : memref<!tpu.dma_semaphore, #tpu.memory_space<semaphore_mem>>
        %dma_start3A = tpu.memref_slice %arg2[%add3A_624] : memref<6029312xf32, #tpu.memory_space<hbm>> -> memref<128xf32, #tpu.memory_space<hbm>>
        %dma_start3A_625 = tpu.memref_slice %arg2[%add3A_624] : memref<6029312xf32, #tpu.memory_space<hbm>> -> memref<128xf32, #tpu.memory_space<hbm>>
        tpu.enqueue_dma source(%dma_start3A_625 : memref<128xf32, #tpu.memory_space<hbm>>) target(%arg8 : memref<128xf32, #tpu.memory_space<vmem>>) target_semaphore(%run_scoped3A : memref<!tpu.dma_semaphore, #tpu.memory_space<semaphore_mem>>)
        %dma_wait3A = tpu.memref_slice %arg2[%add3A_624] : memref<6029312xf32, #tpu.memory_space<hbm>> -> memref<128xf32, #tpu.memory_space<hbm>>
        %dma_wait3A_626 = tpu.memref_slice %arg2[%add3A_624] : memref<6029312xf32, #tpu.memory_space<hbm>> -> memref<128xf32, #tpu.memory_space<hbm>>
        tpu.wait_dma2 semaphore(%run_scoped3A : memref<!tpu.dma_semaphore, #tpu.memory_space<semaphore_mem>>) src(%dma_wait3A_626 : memref<128xf32, #tpu.memory_space<hbm>>) dst(%arg8 : memref<128xf32, #tpu.memory_space<vmem>>)
        tpu.yield
      }) : () -> ()
      "tpu.region"() ({
        %run_scoped3A = tpu.sem_alloc : memref<!tpu.dma_semaphore, #tpu.memory_space<semaphore_mem>>
        %dma_start3A = arith.constant 0 : i32
        %dma_start3A_625 = tpu.memref_slice %arg6[%dma_start3A] : memref<1048584xf32, #tpu.memory_space<vmem_shared>> -> memref<1048584xf32, #tpu.memory_space<vmem_shared>>
        tpu.enqueue_indirect_dma source(%arg8 : memref<128xf32, #tpu.memory_space<vmem>>) target(%dma_start3A_625 : memref<1048584xf32, #tpu.memory_space<vmem_shared>>) offsets(%arg7 : memref<128xi32, #tpu.memory_space<vmem>>) semaphore(%run_scoped3A : memref<!tpu.dma_semaphore, #tpu.memory_space<semaphore_mem>>) {add = true}
        %dma_wait3A = arith.constant 0 : i32
        %dma_wait3A_626 = tpu.memref_slice %arg6[%dma_wait3A] : memref<1048584xf32, #tpu.memory_space<vmem_shared>> -> memref<1048584xf32, #tpu.memory_space<vmem_shared>>
        tpu.wait_indirect_dma semaphore(%run_scoped3A : memref<!tpu.dma_semaphore, #tpu.memory_space<semaphore_mem>>) src(%arg8 : memref<128xf32, #tpu.memory_space<vmem>>) dst(%dma_wait3A_626 : memref<1048584xf32, #tpu.memory_space<vmem_shared>>)
        tpu.yield
      }) : () -> ()
    }
    %scan3A_577 = arith.constant 128 : i32
    %barrier3A_578 = arith.constant 0 : index
    tpu.barrier barrier_id(%barrier3A_578)
    %mul3A_579 = arith.constant 65536 : i32
    %mul3A_580 = arith.muli %arg1, %mul3A_579 : i32
    %mul3A_581 = arith.constant 1048576 : i32
    %mul3A_582 = arith.muli %arg0, %mul3A_581 : i32
    %add3A_583 = arith.constant 44040192 : i32
    %add3A_584 = arith.addi %add3A_583, %mul3A_582 : i32
    %mul3A_585 = arith.constant 65536 : i32
    %mul3A_586 = arith.muli %arg1, %mul3A_585 : i32
    %add3A_587 = arith.addi %add3A_584, %mul3A_586 : i32
    "tpu.region"() ({
      %run_scoped3A = tpu.sem_alloc : memref<!tpu.dma_semaphore, #tpu.memory_space<semaphore_mem>>
      %dma_start3A = tpu.memref_slice %arg5[%add3A_587] : memref<48234496xf32, #tpu.memory_space<hbm>> -> memref<65536xf32, #tpu.memory_space<hbm>>
      %dma_start3A_616 = tpu.memref_slice %arg6[%mul3A_580] : memref<1048584xf32, #tpu.memory_space<vmem_shared>> -> memref<65536xf32, #tpu.memory_space<vmem_shared>>
      tpu.enqueue_dma source(%dma_start3A_616 : memref<65536xf32, #tpu.memory_space<vmem_shared>>) target(%dma_start3A : memref<65536xf32, #tpu.memory_space<hbm>>) target_semaphore(%run_scoped3A : memref<!tpu.dma_semaphore, #tpu.memory_space<semaphore_mem>>)
      %dma_wait3A = tpu.memref_slice %arg5[%add3A_587] : memref<48234496xf32, #tpu.memory_space<hbm>> -> memref<65536xf32, #tpu.memory_space<hbm>>
      %dma_wait3A_617 = tpu.memref_slice %arg6[%mul3A_580] : memref<1048584xf32, #tpu.memory_space<vmem_shared>> -> memref<65536xf32, #tpu.memory_space<vmem_shared>>
      tpu.wait_dma2 semaphore(%run_scoped3A : memref<!tpu.dma_semaphore, #tpu.memory_space<semaphore_mem>>) src(%dma_wait3A_617 : memref<65536xf32, #tpu.memory_space<vmem_shared>>) dst(%dma_wait3A : memref<65536xf32, #tpu.memory_space<hbm>>)
      tpu.yield
    }) : () -> ()
    %barrier3A_588 = arith.constant 0 : index
    tpu.barrier barrier_id(%barrier3A_588)
    %mul3A_589 = arith.constant 23 : i32
    %mul3A_590 = arith.muli %arg0, %mul3A_589 : i32
    %add3A_591 = arith.constant 22 : i32
    %add3A_592 = arith.addi %mul3A_590, %add3A_591 : i32
    %eq3A_593 = arith.constant 0 : i32
    %eq3A_594 = arith.cmpi eq, %arg1, %eq3A_593 : i32
    %convert_element_type3A_595 = arith.extui %eq3A_594 : i1 to i32
    %cond3A_596 = arith.constant 0 : i32
    %cond3A_597 = arith.cmpi ne, %convert_element_type3A_595, %cond3A_596 : i32
    scf.if %cond3A_597 {
      "tpu.region"() ({
        %run_scoped3A = tpu.sem_alloc : memref<!tpu.dma_semaphore, #tpu.memory_space<semaphore_mem>>
        tpu.enqueue_dma source(%arg4 : memref<1048584xf32, #tpu.memory_space<hbm>>) target(%arg6 : memref<1048584xf32, #tpu.memory_space<vmem_shared>>) target_semaphore(%run_scoped3A : memref<!tpu.dma_semaphore, #tpu.memory_space<semaphore_mem>>)
        tpu.wait_dma2 semaphore(%run_scoped3A : memref<!tpu.dma_semaphore, #tpu.memory_space<semaphore_mem>>) src(%arg4 : memref<1048584xf32, #tpu.memory_space<hbm>>) dst(%arg6 : memref<1048584xf32, #tpu.memory_space<vmem_shared>>)
        tpu.yield
      }) : () -> ()
    } else {
    }
    %barrier3A_598 = arith.constant 0 : index
    tpu.barrier barrier_id(%barrier3A_598)
    %scan3A_599 = arith.constant 0 : i32
    %scan3A_600 = arith.constant 0 : i32
    %scan3A_601 = arith.constant 128 : i32
    %scan3A_602 = arith.addi %scan3A_600, %scan3A_601 : i32
    %scan3A_603 = arith.constant 1 : i32
    scf.for %scan3A_616 = %scan3A_600 to %scan3A_602 step %scan3A_603  : i32 {
      %mul3A_617 = arith.constant 128 : i32
      %mul3A_618 = arith.muli %scan3A_616, %mul3A_617 : i32
      %add3A_619 = arith.addi %mul3A_0, %mul3A_618 : i32
      %mul3A_620 = arith.constant 262144 : i32
      %mul3A_621 = arith.muli %add3A_592, %mul3A_620 : i32
      %add3A_622 = arith.addi %mul3A_621, %add3A_619 : i32
      "tpu.region"() ({
        %run_scoped3A = tpu.sem_alloc : memref<!tpu.dma_semaphore, #tpu.memory_space<semaphore_mem>>
        %dma_start3A = tpu.memref_slice %arg3[%add3A_622] : memref<12058624xi32, #tpu.memory_space<hbm>> -> memref<128xi32, #tpu.memory_space<hbm>>
        %dma_start3A_625 = tpu.memref_slice %arg3[%add3A_622] : memref<12058624xi32, #tpu.memory_space<hbm>> -> memref<128xi32, #tpu.memory_space<hbm>>
        tpu.enqueue_dma source(%dma_start3A_625 : memref<128xi32, #tpu.memory_space<hbm>>) target(%arg7 : memref<128xi32, #tpu.memory_space<vmem>>) target_semaphore(%run_scoped3A : memref<!tpu.dma_semaphore, #tpu.memory_space<semaphore_mem>>)
        %dma_wait3A = tpu.memref_slice %arg3[%add3A_622] : memref<12058624xi32, #tpu.memory_space<hbm>> -> memref<128xi32, #tpu.memory_space<hbm>>
        %dma_wait3A_626 = tpu.memref_slice %arg3[%add3A_622] : memref<12058624xi32, #tpu.memory_space<hbm>> -> memref<128xi32, #tpu.memory_space<hbm>>
        tpu.wait_dma2 semaphore(%run_scoped3A : memref<!tpu.dma_semaphore, #tpu.memory_space<semaphore_mem>>) src(%dma_wait3A_626 : memref<128xi32, #tpu.memory_space<hbm>>) dst(%arg7 : memref<128xi32, #tpu.memory_space<vmem>>)
        tpu.yield
      }) : () -> ()
      %add3A_623 = arith.constant 5767168 : i32
      %add3A_624 = arith.addi %add3A_623, %add3A_619 : i32
      "tpu.region"() ({
        %run_scoped3A = tpu.sem_alloc : memref<!tpu.dma_semaphore, #tpu.memory_space<semaphore_mem>>
        %dma_start3A = tpu.memref_slice %arg2[%add3A_624] : memref<6029312xf32, #tpu.memory_space<hbm>> -> memref<128xf32, #tpu.memory_space<hbm>>
        %dma_start3A_625 = tpu.memref_slice %arg2[%add3A_624] : memref<6029312xf32, #tpu.memory_space<hbm>> -> memref<128xf32, #tpu.memory_space<hbm>>
        tpu.enqueue_dma source(%dma_start3A_625 : memref<128xf32, #tpu.memory_space<hbm>>) target(%arg8 : memref<128xf32, #tpu.memory_space<vmem>>) target_semaphore(%run_scoped3A : memref<!tpu.dma_semaphore, #tpu.memory_space<semaphore_mem>>)
        %dma_wait3A = tpu.memref_slice %arg2[%add3A_624] : memref<6029312xf32, #tpu.memory_space<hbm>> -> memref<128xf32, #tpu.memory_space<hbm>>
        %dma_wait3A_626 = tpu.memref_slice %arg2[%add3A_624] : memref<6029312xf32, #tpu.memory_space<hbm>> -> memref<128xf32, #tpu.memory_space<hbm>>
        tpu.wait_dma2 semaphore(%run_scoped3A : memref<!tpu.dma_semaphore, #tpu.memory_space<semaphore_mem>>) src(%dma_wait3A_626 : memref<128xf32, #tpu.memory_space<hbm>>) dst(%arg8 : memref<128xf32, #tpu.memory_space<vmem>>)
        tpu.yield
      }) : () -> ()
      "tpu.region"() ({
        %run_scoped3A = tpu.sem_alloc : memref<!tpu.dma_semaphore, #tpu.memory_space<semaphore_mem>>
        %dma_start3A = arith.constant 0 : i32
        %dma_start3A_625 = tpu.memref_slice %arg6[%dma_start3A] : memref<1048584xf32, #tpu.memory_space<vmem_shared>> -> memref<1048584xf32, #tpu.memory_space<vmem_shared>>
        tpu.enqueue_indirect_dma source(%arg8 : memref<128xf32, #tpu.memory_space<vmem>>) target(%dma_start3A_625 : memref<1048584xf32, #tpu.memory_space<vmem_shared>>) offsets(%arg7 : memref<128xi32, #tpu.memory_space<vmem>>) semaphore(%run_scoped3A : memref<!tpu.dma_semaphore, #tpu.memory_space<semaphore_mem>>) {add = true}
        %dma_wait3A = arith.constant 0 : i32
        %dma_wait3A_626 = tpu.memref_slice %arg6[%dma_wait3A] : memref<1048584xf32, #tpu.memory_space<vmem_shared>> -> memref<1048584xf32, #tpu.memory_space<vmem_shared>>
        tpu.wait_indirect_dma semaphore(%run_scoped3A : memref<!tpu.dma_semaphore, #tpu.memory_space<semaphore_mem>>) src(%arg8 : memref<128xf32, #tpu.memory_space<vmem>>) dst(%dma_wait3A_626 : memref<1048584xf32, #tpu.memory_space<vmem_shared>>)
        tpu.yield
      }) : () -> ()
    }
    %scan3A_604 = arith.constant 128 : i32
    %barrier3A_605 = arith.constant 0 : index
    tpu.barrier barrier_id(%barrier3A_605)
    %mul3A_606 = arith.constant 65536 : i32
    %mul3A_607 = arith.muli %arg1, %mul3A_606 : i32
    %mul3A_608 = arith.constant 1048576 : i32
    %mul3A_609 = arith.muli %arg0, %mul3A_608 : i32
    %add3A_610 = arith.constant 46137344 : i32
    %add3A_611 = arith.addi %add3A_610, %mul3A_609 : i32
    %mul3A_612 = arith.constant 65536 : i32
    %mul3A_613 = arith.muli %arg1, %mul3A_612 : i32
    %add3A_614 = arith.addi %add3A_611, %mul3A_613 : i32
    "tpu.region"() ({
      %run_scoped3A = tpu.sem_alloc : memref<!tpu.dma_semaphore, #tpu.memory_space<semaphore_mem>>
      %dma_start3A = tpu.memref_slice %arg5[%add3A_614] : memref<48234496xf32, #tpu.memory_space<hbm>> -> memref<65536xf32, #tpu.memory_space<hbm>>
      %dma_start3A_616 = tpu.memref_slice %arg6[%mul3A_607] : memref<1048584xf32, #tpu.memory_space<vmem_shared>> -> memref<65536xf32, #tpu.memory_space<vmem_shared>>
      tpu.enqueue_dma source(%dma_start3A_616 : memref<65536xf32, #tpu.memory_space<vmem_shared>>) target(%dma_start3A : memref<65536xf32, #tpu.memory_space<hbm>>) target_semaphore(%run_scoped3A : memref<!tpu.dma_semaphore, #tpu.memory_space<semaphore_mem>>)
      %dma_wait3A = tpu.memref_slice %arg5[%add3A_614] : memref<48234496xf32, #tpu.memory_space<hbm>> -> memref<65536xf32, #tpu.memory_space<hbm>>
      %dma_wait3A_617 = tpu.memref_slice %arg6[%mul3A_607] : memref<1048584xf32, #tpu.memory_space<vmem_shared>> -> memref<65536xf32, #tpu.memory_space<vmem_shared>>
      tpu.wait_dma2 semaphore(%run_scoped3A : memref<!tpu.dma_semaphore, #tpu.memory_space<semaphore_mem>>) src(%dma_wait3A_617 : memref<65536xf32, #tpu.memory_space<vmem_shared>>) dst(%dma_wait3A : memref<65536xf32, #tpu.memory_space<hbm>>)
      tpu.yield
    }) : () -> ()
    %barrier3A_615 = arith.constant 0 : index
    tpu.barrier barrier_id(%barrier3A_615)
    return
  }
}

module attributes {stable_mosaic.version = 14 : i64} {
  func.func @_dense_body(%arg0: i32, %arg1: memref<32x1024xf32, #tpu.memory_space<vmem>>, %arg2: memref<32x1024xf32, #tpu.memory_space<vmem>>, %arg3: memref<32x1024xf32, #tpu.memory_space<vmem>>, %arg4: memref<16x32x1024xf32, #tpu.memory_space<vmem>>, %arg5: memref<23x32x1024xf32, #tpu.memory_space<vmem>>, %arg6: memref<32x1024xf32, #tpu.memory_space<vmem>>, %arg7: memref<32x1024xf32, #tpu.memory_space<vmem>>, %arg8: memref<32x1024xf32, #tpu.memory_space<vmem>>, %arg9: memref<16x32x1024xf32, #tpu.memory_space<vmem>>) attributes {dimension_semantics = [#tpu.dimension_semantics<arbitrary>], iteration_bounds = array<i64: 64>, scalar_prefetch = 0 : i64, scratch_operands = 0 : i64, tpu.core_type = #tpu.core_type<tc>, window_params = [{transform_indices = @transform_0, window_bounds = array<i64: 32, 1024>}, {transform_indices = @transform_1, window_bounds = array<i64: 32, 1024>}, {transform_indices = @transform_2, window_bounds = array<i64: 32, 1024>}, {transform_indices = @transform_3, window_bounds = array<i64: 16, 32, 1024>}, {transform_indices = @transform_4, window_bounds = array<i64: 23, 32, 1024>}, {transform_indices = @transform_5, window_bounds = array<i64: 32, 1024>}, {transform_indices = @transform_6, window_bounds = array<i64: 32, 1024>}, {transform_indices = @transform_7, window_bounds = array<i64: 32, 1024>}, {transform_indices = @transform_8, window_bounds = array<i64: 16, 32, 1024>}]} {
    %get3A = arith.constant 0 : index
    %get3A_0 = arith.constant 0 : index
    %get3A_1 = vector.load %arg1[%get3A, %get3A_0] : memref<32x1024xf32, #tpu.memory_space<vmem>>, vector<32x1024xf32>
    %get3A_2 = arith.constant 0 : index
    %get3A_3 = arith.constant 0 : index
    %get3A_4 = vector.load %arg2[%get3A_2, %get3A_3] : memref<32x1024xf32, #tpu.memory_space<vmem>>, vector<32x1024xf32>
    %get3A_5 = arith.constant 0 : index
    %get3A_6 = arith.constant 0 : index
    %get3A_7 = vector.load %arg3[%get3A_5, %get3A_6] : memref<32x1024xf32, #tpu.memory_space<vmem>>, vector<32x1024xf32>
    %get3A_8 = arith.constant 0 : index
    %get3A_9 = arith.constant 0 : index
    %get3A_10 = arith.constant 0 : index
    %get3A_11 = vector.load %arg4[%get3A_8, %get3A_9, %get3A_10] : memref<16x32x1024xf32, #tpu.memory_space<vmem>>, vector<16x32x1024xf32>
    %get3A_12 = arith.constant 0 : index
    %get3A_13 = arith.constant 0 : index
    %get3A_14 = arith.constant 0 : index
    %get3A_15 = vector.load %arg5[%get3A_12, %get3A_13, %get3A_14] : memref<23x32x1024xf32, #tpu.memory_space<vmem>>, vector<23x32x1024xf32>
    %slice3A = vector.extract_strided_slice %get3A_15 {offsets = [0, 0, 0], sizes = [1, 32, 1024], strides = [1, 1, 1]} : vector<23x32x1024xf32> to vector<1x32x1024xf32>
    %squeeze3A = vector.shape_cast %slice3A : vector<1x32x1024xf32> to vector<32x1024xf32>
    %slice3A_16 = vector.extract_strided_slice %get3A_15 {offsets = [1, 0, 0], sizes = [1, 32, 1024], strides = [1, 1, 1]} : vector<23x32x1024xf32> to vector<1x32x1024xf32>
    %squeeze3A_17 = vector.shape_cast %slice3A_16 : vector<1x32x1024xf32> to vector<32x1024xf32>
    %slice3A_18 = vector.extract_strided_slice %get3A_15 {offsets = [2, 0, 0], sizes = [1, 32, 1024], strides = [1, 1, 1]} : vector<23x32x1024xf32> to vector<1x32x1024xf32>
    %squeeze3A_19 = vector.shape_cast %slice3A_18 : vector<1x32x1024xf32> to vector<32x1024xf32>
    %slice3A_20 = vector.extract_strided_slice %get3A_15 {offsets = [3, 0, 0], sizes = [1, 32, 1024], strides = [1, 1, 1]} : vector<23x32x1024xf32> to vector<1x32x1024xf32>
    %squeeze3A_21 = vector.shape_cast %slice3A_20 : vector<1x32x1024xf32> to vector<32x1024xf32>
    %slice3A_22 = vector.extract_strided_slice %get3A_15 {offsets = [4, 0, 0], sizes = [1, 32, 1024], strides = [1, 1, 1]} : vector<23x32x1024xf32> to vector<1x32x1024xf32>
    %squeeze3A_23 = vector.shape_cast %slice3A_22 : vector<1x32x1024xf32> to vector<32x1024xf32>
    %slice3A_24 = vector.extract_strided_slice %get3A_15 {offsets = [5, 0, 0], sizes = [1, 32, 1024], strides = [1, 1, 1]} : vector<23x32x1024xf32> to vector<1x32x1024xf32>
    %squeeze3A_25 = vector.shape_cast %slice3A_24 : vector<1x32x1024xf32> to vector<32x1024xf32>
    %slice3A_26 = vector.extract_strided_slice %get3A_15 {offsets = [6, 0, 0], sizes = [1, 32, 1024], strides = [1, 1, 1]} : vector<23x32x1024xf32> to vector<1x32x1024xf32>
    %squeeze3A_27 = vector.shape_cast %slice3A_26 : vector<1x32x1024xf32> to vector<32x1024xf32>
    %slice3A_28 = vector.extract_strided_slice %get3A_15 {offsets = [7, 0, 0], sizes = [16, 32, 1024], strides = [1, 1, 1]} : vector<23x32x1024xf32> to vector<16x32x1024xf32>
    %add3A = arith.addf %get3A_4, %squeeze3A_19 : vector<32x1024xf32>
    %mul3A = arith.mulf %get3A_4, %get3A_1 : vector<32x1024xf32>
    %add3A_29 = arith.addf %mul3A, %squeeze3A_17 : vector<32x1024xf32>
    %div3A = arith.divf %add3A_29, %add3A : vector<32x1024xf32>
    %add3A_30 = arith.addf %get3A_4, %squeeze3A_19 : vector<32x1024xf32>
    %jit3A = arith.constant 0.000000e+00 : f32
    %jit3A_31 = arith.constant 5.000000e+02 : f32
    %max3A = vector.broadcast %jit3A : f32 to vector<32x1024xf32>
    %max3A_32 = arith.maximumf %max3A, %add3A_30 : vector<32x1024xf32>
    %min3A = vector.broadcast %jit3A_31 : f32 to vector<32x1024xf32>
    %min3A_33 = arith.minimumf %min3A, %max3A_32 : vector<32x1024xf32>
    %add3A_34 = arith.addf %get3A_4, %squeeze3A_23 : vector<32x1024xf32>
    %mul3A_35 = arith.mulf %get3A_4, %get3A_1 : vector<32x1024xf32>
    %mul3A_36 = arith.constant 1.000000e-01 : f32
    %mul3A_37 = vector.broadcast %mul3A_36 : f32 to vector<32x1024xf32>
    %mul3A_38 = arith.mulf %mul3A_37, %squeeze3A_23 : vector<32x1024xf32>
    %add3A_39 = arith.addf %mul3A_35, %mul3A_38 : vector<32x1024xf32>
    %div3A_40 = arith.divf %add3A_39, %add3A_34 : vector<32x1024xf32>
    %add3A_41 = arith.addf %get3A_4, %squeeze3A_23 : vector<32x1024xf32>
    %jit3A_42 = arith.constant 0.000000e+00 : f32
    %jit3A_43 = arith.constant 5.000000e+02 : f32
    %max3A_44 = vector.broadcast %jit3A_42 : f32 to vector<32x1024xf32>
    %max3A_45 = arith.maximumf %max3A_44, %add3A_41 : vector<32x1024xf32>
    %min3A_46 = vector.broadcast %jit3A_43 : f32 to vector<32x1024xf32>
    %min3A_47 = arith.minimumf %min3A_46, %max3A_45 : vector<32x1024xf32>
    %gt3A = arith.constant 0.000000e+00 : f32
    %gt3A_48 = vector.broadcast %gt3A : f32 to vector<32x1024xf32>
    %gt3A_49 = arith.cmpf ogt, %squeeze3A, %gt3A_48 : vector<32x1024xf32>
    %gt3A_50 = arith.constant 0.000000e+00 : f32
    %gt3A_51 = vector.broadcast %gt3A_50 : f32 to vector<32x1024xf32>
    %gt3A_52 = arith.cmpf ogt, %squeeze3A_21, %gt3A_51 : vector<32x1024xf32>
    %select_n3A = arith.select %gt3A_52, %div3A_40, %get3A_1 : vector<32x1024xi1>, vector<32x1024xf32>
    %select_n3A_53 = arith.select %gt3A_49, %div3A, %select_n3A : vector<32x1024xi1>, vector<32x1024xf32>
    %swap3A = arith.constant 0 : index
    %swap3A_54 = arith.constant 0 : index
    %swap3A_55 = vector.load %arg6[%swap3A, %swap3A_54] : memref<32x1024xf32, #tpu.memory_space<vmem>>, vector<32x1024xf32>
    tpu.vector_store %arg6[%swap3A, %swap3A_54], %select_n3A_53 {strides = array<i32>} : memref<32x1024xf32, #tpu.memory_space<vmem>>, vector<32x1024xf32>,
    %gt3A_56 = arith.constant 0.000000e+00 : f32
    %gt3A_57 = vector.broadcast %gt3A_56 : f32 to vector<32x1024xf32>
    %gt3A_58 = arith.cmpf ogt, %squeeze3A, %gt3A_57 : vector<32x1024xf32>
    %gt3A_59 = arith.constant 0.000000e+00 : f32
    %gt3A_60 = vector.broadcast %gt3A_59 : f32 to vector<32x1024xf32>
    %gt3A_61 = arith.cmpf ogt, %squeeze3A_21, %gt3A_60 : vector<32x1024xf32>
    %select_n3A_62 = arith.select %gt3A_61, %min3A_47, %get3A_4 : vector<32x1024xi1>, vector<32x1024xf32>
    %select_n3A_63 = arith.select %gt3A_58, %min3A_33, %select_n3A_62 : vector<32x1024xi1>, vector<32x1024xf32>
    %swap3A_64 = arith.constant 0 : index
    %swap3A_65 = arith.constant 0 : index
    %swap3A_66 = vector.load %arg7[%swap3A_64, %swap3A_65] : memref<32x1024xf32, #tpu.memory_space<vmem>>, vector<32x1024xf32>
    tpu.vector_store %arg7[%swap3A_64, %swap3A_65], %select_n3A_63 {strides = array<i32>} : memref<32x1024xf32, #tpu.memory_space<vmem>>, vector<32x1024xf32>,
    %add3A_67 = arith.addf %get3A_4, %squeeze3A_27 : vector<32x1024xf32>
    %broadcast_in_dim3A = vector.shape_cast %get3A_4 : vector<32x1024xf32> to vector<1x32x1024xf32>
    %mul3A_68 = vector.broadcast %broadcast_in_dim3A : vector<1x32x1024xf32> to vector<16x32x1024xf32>
    %mul3A_69 = arith.mulf %mul3A_68, %get3A_11 : vector<16x32x1024xf32>
    %add3A_70 = arith.addf %mul3A_69, %slice3A_28 : vector<16x32x1024xf32>
    %broadcast_in_dim3A_71 = vector.shape_cast %add3A_67 : vector<32x1024xf32> to vector<1x32x1024xf32>
    %div3A_72 = vector.broadcast %broadcast_in_dim3A_71 : vector<1x32x1024xf32> to vector<16x32x1024xf32>
    %div3A_73 = arith.divf %add3A_70, %div3A_72 : vector<16x32x1024xf32>
    %broadcast_in_dim3A_74 = vector.shape_cast %squeeze3A_25 : vector<32x1024xf32> to vector<1x32x1024xf32>
    %gt3A_75 = arith.constant 0.000000e+00 : f32
    %gt3A_76 = vector.broadcast %gt3A_75 : f32 to vector<1x32x1024xf32>
    %gt3A_77 = arith.cmpf ogt, %broadcast_in_dim3A_74, %gt3A_76 : vector<1x32x1024xf32>
    %broadcast_in_dim3A_78 = vector.shape_cast %gt3A_77 : vector<1x32x1024xi1> to vector<1x32x1024xi1>
    %broadcast_in_dim3A_79 = vector.broadcast %broadcast_in_dim3A_78 : vector<1x32x1024xi1> to vector<16x32x1024xi1>
    %select_n3A_80 = arith.select %broadcast_in_dim3A_79, %div3A_73, %get3A_11 : vector<16x32x1024xi1>, vector<16x32x1024xf32>
    %swap3A_81 = arith.constant 0 : index
    %swap3A_82 = arith.constant 0 : index
    %swap3A_83 = arith.constant 0 : index
    %swap3A_84 = vector.load %arg9[%swap3A_81, %swap3A_82, %swap3A_83] : memref<16x32x1024xf32, #tpu.memory_space<vmem>>, vector<16x32x1024xf32>
    tpu.vector_store %arg9[%swap3A_81, %swap3A_82, %swap3A_83], %select_n3A_80 {strides = array<i32>} : memref<16x32x1024xf32, #tpu.memory_space<vmem>>, vector<16x32x1024xf32>,
    %gt3A_85 = arith.constant 0.000000e+00 : f32
    %gt3A_86 = vector.broadcast %gt3A_85 : f32 to vector<32x1024xf32>
    %gt3A_87 = arith.cmpf ogt, %squeeze3A_25, %gt3A_86 : vector<32x1024xf32>
    %add3A_88 = arith.addf %get3A_4, %squeeze3A_27 : vector<32x1024xf32>
    %jit3A_89 = arith.constant 0.000000e+00 : f32
    %jit3A_90 = arith.constant 5.000000e+02 : f32
    %max3A_91 = vector.broadcast %jit3A_89 : f32 to vector<32x1024xf32>
    %max3A_92 = arith.maximumf %max3A_91, %add3A_88 : vector<32x1024xf32>
    %min3A_93 = vector.broadcast %jit3A_90 : f32 to vector<32x1024xf32>
    %min3A_94 = arith.minimumf %min3A_93, %max3A_92 : vector<32x1024xf32>
    %select_n3A_95 = arith.select %gt3A_87, %min3A_94, %get3A_7 : vector<32x1024xi1>, vector<32x1024xf32>
    %swap3A_96 = arith.constant 0 : index
    %swap3A_97 = arith.constant 0 : index
    %swap3A_98 = vector.load %arg8[%swap3A_96, %swap3A_97] : memref<32x1024xf32, #tpu.memory_space<vmem>>, vector<32x1024xf32>
    tpu.vector_store %arg8[%swap3A_96, %swap3A_97], %select_n3A_95 {strides = array<i32>} : memref<32x1024xf32, #tpu.memory_space<vmem>>, vector<32x1024xf32>,
    return
  }
  func.func @transform_0(%arg0: i32) -> (i32, i32) {
    %c0_i32 = arith.constant 0 : i32
    %c0_i32_0 = arith.constant 0 : i32
    return %arg0, %c0_i32 : i32, i32
  }
  func.func @transform_1(%arg0: i32) -> (i32, i32) {
    %c0_i32 = arith.constant 0 : i32
    %c0_i32_0 = arith.constant 0 : i32
    return %arg0, %c0_i32 : i32, i32
  }
  func.func @transform_2(%arg0: i32) -> (i32, i32) {
    %c0_i32 = arith.constant 0 : i32
    %c0_i32_0 = arith.constant 0 : i32
    return %arg0, %c0_i32 : i32, i32
  }
  func.func @transform_3(%arg0: i32) -> (i32, i32, i32) {
    %c0_i32 = arith.constant 0 : i32
    %c0_i32_0 = arith.constant 0 : i32
    %c0_i32_1 = arith.constant 0 : i32
    return %c0_i32, %arg0, %c0_i32_0 : i32, i32, i32
  }
  func.func @transform_4(%arg0: i32) -> (i32, i32, i32) {
    %c0_i32 = arith.constant 0 : i32
    %c0_i32_0 = arith.constant 0 : i32
    %c0_i32_1 = arith.constant 0 : i32
    return %c0_i32, %arg0, %c0_i32_0 : i32, i32, i32
  }
  func.func @transform_5(%arg0: i32) -> (i32, i32) {
    %c0_i32 = arith.constant 0 : i32
    %c0_i32_0 = arith.constant 0 : i32
    return %arg0, %c0_i32 : i32, i32
  }
  func.func @transform_6(%arg0: i32) -> (i32, i32) {
    %c0_i32 = arith.constant 0 : i32
    %c0_i32_0 = arith.constant 0 : i32
    return %arg0, %c0_i32 : i32, i32
  }
  func.func @transform_7(%arg0: i32) -> (i32, i32) {
    %c0_i32 = arith.constant 0 : i32
    %c0_i32_0 = arith.constant 0 : i32
    return %arg0, %c0_i32 : i32, i32
  }
  func.func @transform_8(%arg0: i32) -> (i32, i32, i32) {
    %c0_i32 = arith.constant 0 : i32
    %c0_i32_0 = arith.constant 0 : i32
    %c0_i32_1 = arith.constant 0 : i32
    return %c0_i32, %arg0, %c0_i32_0 : i32, i32, i32
  }
}

</mosaic_0001>

<sc_bundles>
// kernel: kernel.4.cloned.1.call-start
scs
__scs_entry_jumppad:
0x0: {  	(pc) =	sbr.rel $0x88, $3  }
0x1: {  	(tag) =	ssettag $0x0;
	lr =	simm.s32 $0x1  }
0x2: {  	[smem:$0x3F96] =	sst lr;
	_ =	strace $0xD0000000  }
0x3: {  	_ = 	snop  }
0x4: {  	_ = 	snop  }
0x5: {  	_ = 	snop  }
0x6: {  	_ = 	snop  }
0x7: {  	_ = 	snop  }
__scs_overlays_trampoline_lowered:
0x8: {  	[smem:$0x3FA5] =	sst s0  }
0x9: {  	[smem:$0x3FA6] =	sst s1  }
0xa: {  	[smem:$0x3FA7] =	sst s2  }
0xb: {  	[smem:$0x3FA8] =	sst s3  }
0xc: {  	[smem:$0x3FA9] =	sst s4  }
0xd: {  	[smem:$0x3FAA] =	sst s5  }
0xe: {  	[smem:$0x3FAB] =	sst s6  }
0xf: {  	[smem:$0x3FAC] =	sst s7  }
0x10: {  	[smem:$0x3FAD] =	sst s8  }
0x11: {  	[smem:$0x3FAE] =	sst s9;
	s0 =	simm.s32 @!p0 $0x0  }
0x12: {  	s1 =	sld [smem:$0x3F94];
	s0 =	simm.s32 @p0 $0x1  }
0x13: {  	[smem:$0x3FAF] =	sst s0;
	s0 =	simm.s32 @!p1 $0x0  }
0x14: {  	s2 =	sld [smem:$0x3F93];
	s0 =	simm.s32 @p1 $0x1  }
0x15: {  	[smem:$0x3FB0] =	sst s0;
	s0 =	simm.s32 @!p2 $0x0  }
0x16: {  	s3 =	sld [smem:$0x3FDB];
	s0 =	simm.s32 @p2 $0x1  }
0x17: {  	s4 =	simm.s32 $0x1BF5;
	[smem:$0x3FB2] =	sst s0  }
0x18: {  	s0 =	sld [smem:$0x3F95];
	_ =	swait.ge [sflag:s4], $0x0  }
0x19: {  	s7 =	sld [smem:$0x3F96]  }
0x1a: {  	s8 =	sadd.s32 $0xFFFFE003, lr  }
0x1b: {  	s9 =	sadd.s32 $0xFFFFFEF7, lr;
	s5 =	simm.s32 $0xFFFFFFFF;
	p2 =	slt.u32 s8, $0xFFFFF086  }
0x1c: {  	p1 =	slt.u32 s9, $0xF7A;
	s5 =	simm.s32 @!p2 $0x0  }
0x1d: {  	s5 =	simm.s32 @p1 $0x1;
	p0 =	seq.s32 s7, s2  }
0x1e: {  	s7 =	smul.u32 @!p0 $0xF7A, s2;
	p2 =	seq.s32 @!p0 s5, $0x0  }
0x1f: {  	s9 =	smul.u32 $0xF7A, s1;
	s8 =	simm.s32 @!p0 $0x1BF5;
	p2 =	por !p2, p0  }
0x20: {  	[sflag:s8] =	ssyncset.s32 @!p0 $0xFFFFF086;
	s6 =	sadd.s32 @!p0 s3, s7;
	s7 =	simm.s32 @!p0 $0x108  }
0x21: {  	s3 =	sadd.s32 s3, s9;
	s6 =	sadd.s32 @!p0 $0x88, s6;
	s7 =	simm.s32 @p2 $0x1082  }
0x22: {  	[simem:s7], [sflag:s8] =	dma.local @!p0 [hbm:s6], $0xF7A  }
0x23: {  	s9 =	sor.u32 $0xD0000000, s2;
	s6 =	simm.s32 $0x108;
	_ =	swait.ge @!p0 [sflag:s8], $0x0  }
0x24: {  	s3 =	sadd.s32 $0x88, s3;
	s6 =	simm.s32 @!p1 $0x1082;
	[sflag:s4] =	ssyncset.s32 $0xFFFFF086  }
0x25: {  	[simem:s6], [sflag:s4] =	dma.local [hbm:s3], $0xF7A  }
0x26: {  	[smem:$0x3F96] =	sst s1;
	(tag) =	ssettag s2;
	_ =	strace s9  }
0x27: {  	s1 =	sld [smem:$0x3FA6]  }
0x28: {  	s2 =	sld [smem:$0x3FA7]  }
0x29: {  	s4 =	sld [smem:$0x3FA9]  }
0x2a: {  	p0 =	seq.s32 s5, $0x0;
	s5 =	sld [smem:$0x3FAA]  }
0x2b: {  	s6 =	sld [smem:$0x3FAB]  }
0x2c: {  	s7 =	sld [smem:$0x3FAC]  }
0x2d: {  	s3 =	simm.s32 $0x108;
	s8 =	sld [smem:$0x3FAD]  }
0x2e: {  	s3 =	simm.s32 @!p0 $0x1082;
	s9 =	sld [smem:$0x3FAE]  }
0x2f: {  	lr =	sadd.s32 s0, s3;
	s0 =	sld [smem:$0x3FA5]  }
0x30: {  	s3 =	sld [smem:$0x3FA8]  }
0x31: {  	[smem:$0x3FB1] =	sst s10  }
0x32: {  	s10 =	sld [smem:$0x3FAF];
	_ =	sdelay $0x3  }
0x33: {  	p0 =	seq.s32 s10, $0x1;
	s10 =	sld [smem:$0x3FB1];
	_ =	sdelay $0x3  }
0x34: {  	[smem:$0x3FB1] =	sst s10  }
0x35: {  	s10 =	sld [smem:$0x3FB0];
	_ =	sdelay $0x3  }
0x36: {  	p1 =	seq.s32 s10, $0x1;
	s10 =	sld [smem:$0x3FB1];
	_ =	sdelay $0x3  }
0x37: {  	[smem:$0x3FB1] =	sst s10  }
0x38: {  	s10 =	sld [smem:$0x3FB2]  }
0x39: {  	_ = 	snop;
	(pc) =	sbr.ind lr, $3  }
0x3a: {  	_ = 	snop  }
0x3b: {  	_ = 	snop  }
0x3c: {  	p2 =	seq.s32 s10, $0x1;
	s10 =	sld [smem:$0x3FB1]  }
0x3d: {  	_ =	shalt  }
0x3e: {  	_ =	shalt  }
0x3f: {  	_ =	shalt  }
0x40: {  	_ =	shalt  }
0x41: {  	_ =	shalt  }
0x42: {  	_ =	shalt  }
0x43: {  	_ =	shalt  }
0x44: {  	_ =	shalt  }
0x45: {  	_ =	shalt  }
0x46: {  	_ =	shalt  }
0x47: {  	_ =	shalt  }
0x48: {  	_ =	shalt  }
0x49: {  	_ =	shalt  }
0x4a: {  	_ =	shalt  }
0x4b: {  	_ =	shalt  }
0x4c: {  	_ =	shalt  }
0x4d: {  	_ =	shalt  }
0x4e: {  	_ =	shalt  }
0x4f: {  	_ =	shalt  }
0x50: {  	_ =	shalt  }
0x51: {  	_ =	shalt  }
0x52: {  	_ =	shalt  }
0x53: {  	_ =	shalt  }
0x54: {  	_ =	shalt  }
0x55: {  	_ =	shalt  }
0x56: {  	_ =	shalt  }
0x57: {  	_ =	shalt  }
0x58: {  	_ =	shalt  }
0x59: {  	_ =	shalt  }
0x5a: {  	_ =	shalt  }
0x5b: {  	_ =	shalt  }
0x5c: {  	_ =	shalt  }
0x5d: {  	_ =	shalt  }
0x5e: {  	_ =	shalt  }
0x5f: {  	_ =	shalt  }
0x60: {  	_ =	shalt  }
0x61: {  	_ =	shalt  }
0x62: {  	_ =	shalt  }
0x63: {  	_ =	shalt  }
0x64: {  	_ =	shalt  }
0x65: {  	_ =	shalt  }
0x66: {  	_ =	shalt  }
0x67: {  	_ =	shalt  }
0x68: {  	_ =	shalt  }
0x69: {  	_ =	shalt  }
0x6a: {  	_ =	shalt  }
0x6b: {  	_ =	shalt  }
0x6c: {  	_ =	shalt  }
0x6d: {  	_ =	shalt  }
0x6e: {  	_ =	shalt  }
0x6f: {  	_ =	shalt  }
0x70: {  	_ =	shalt  }
0x71: {  	_ =	shalt  }
0x72: {  	_ =	shalt  }
0x73: {  	_ =	shalt  }
0x74: {  	_ =	shalt  }
0x75: {  	_ =	shalt  }
0x76: {  	_ =	shalt  }
0x77: {  	_ =	shalt  }
0x78: {  	_ =	shalt  }
0x79: {  	_ =	shalt  }
0x7a: {  	_ =	shalt  }
0x7b: {  	_ =	shalt  }
0x7c: {  	_ =	shalt  }
0x7d: {  	_ =	shalt  }
0x7e: {  	_ =	shalt  }
0x7f: {  	_ =	shalt  }
0x80: {  	_ =	shalt  }
0x81: {  	_ =	shalt  }
0x82: {  	_ =	shalt  }
0x83: {  	_ =	shalt  }
0x84: {  	_ =	shalt  }
0x85: {  	_ =	shalt  }
0x86: {  	_ =	shalt  }
0x87: {  	_ =	shalt  }
.Lfunc_end0:
.L_simem_size_0:
called_computation.5_lowered:
.L_overlay_start_0:
0x88: {  	s2 =	sld [smem:$0x3FD9]  }
0x89: {  	s3 =	sld [smem:$0x3FFE];
	_ =	sdelay $0x1  }
0x8a: {  	s1 =	srdreg.scid  }
0x8b: {  	s0 =	sand.u32 $0x1, s1  }
0x8c: {  	s17 =	sshll.u32 s0, $0xA;
	s2 =	sadd.s32 s3, s2  }
0x8d: {  	s2 =	sadd.s32 s2, s17  }
0x8e: {  	[smem:$0x3FBD] =	sst s2  }
0x8f: {  	_ = 	snop  }
0x90: {  	(tm) =	ssettm $0x1  }
0x91: {  	s18 =	sld [smem:$0x3FFB];
	_ =	sdelay $0x3  }
0x92: {  	_ =	strace s18  }
0x93: {  	s2 =	sld [smem:$0x3FFC];
	_ =	sdelay $0x3  }
0x94: {  	_ =	strace s2  }
0x95: {  	s2 =	sld [smem:$0x3FFD];
	_ =	sdelay $0x3  }
0x96: {  	_ =	strace s2  }
0x97: {  	_ =	strace $0x8FFFFFFF  }
0x98: {  	s19 =	sld [smem:$0x3FDB];
	_ =	sdelay $0x1  }
0x99: {  	s20 =	simm.s32 $_scs_section_size  }
0x9a: {  	s4 =	simm.s32 $_size__tile_overlayer_lowered;
	s5 =	simm.s32 $_tile_overlayer_lowered  }
0x9b: {  	s6 =	simm.s32 $0x1BFF;
	s21 =	sshll.u32 s5, $0x1;
	s3 =	sadd.s32 s20, s19  }
0x9c: {  	s22 =	simm.s32 $0x0;
	s4 =	sshll.u32 s4, $0x1;
	s5 =	sadd.s32 s21, s3  }
0x9d: {  	[timem:s22], [sflag:s6] =	dma.local [hbm:s5], s4  }
0x9e: {  	_ =	swait.ge [sflag:s6], s4  }
0x9f: {  	s4 =	ssub.s32 $0x0, s4;
	[sflag:s6] =	ssyncset.done $0x0  }
0xa0: {  	[sflag:s6] =	ssyncadd.s32 s4;
	_ =	sdelay $0x1  }
0xa1: {  	s23 =	simm.s32 $0x1B8B  }
0xa2: {  	_ =	swait.ge [sflag:s23], $0x1  }
0xa3: {  	[sflag:s23] =	ssyncset.done $0x0  }
0xa4: {  	[sflag:s23] =	ssyncadd.s32 $0xFFFFFFFF  }
0xa5: {  	s4 =	sld [smem:$0x0]  }
0xa6: {  	s5 =	sand.u32 $0xFFFFFFFE, s1  }
0xa7: {  	p0 =	sne.s32 s1, s5  }
0xa8: {  	s5 =	sshll.u32 @p0 s5, $0xE  }
0xa9: {  	s5 =	sadd.s32 @p0 $0x11B8D, s5;
	s6 =	sshll.u32 @p0 s4, $0x11  }
0xaa: {  	s5 =	sor.u32 @p0 s6, s5  }
0xab: {  	[sflag:s5] =	ssyncadd.remote.s32 @p0 $0x1;
	_ =	sdelay $0x1  }
0xac: {  	s5 =	simm.s32 @p0 $0x1B8D  }
0xad: {  	_ =	swait.eq @p0 [sflag:s5], $0x1  }
0xae: {  	[sflag:s5] =	ssyncadd.s32 @p0 $0xFFFFFFFF  }
0xaf: {  	s6 =	sshll.u32 @!p0 s1, $0xE  }
0xb0: {  	s6 =	sor.u32 @!p0 $0x4000, s6;
	s5 =	simm.s32 @!p0 $0x1B8D  }
0xb1: {  	s4 =	sshll.u32 @!p0 s4, $0x11;
	s6 =	sadd.s32 @!p0 $0x11B8D, s6;
	_ =	swait.eq @!p0 [sflag:s5], $0x1  }
0xb2: {  	s4 =	sor.u32 @!p0 s4, s6;
	[sflag:s5] =	ssyncadd.s32 @!p0 $0xFFFFFFFF  }
0xb3: {  	s25 =	simm.s32 $0x1B8E;
	s24 =	sld [smem:$0x3FFE];
	[sflag:s4] =	ssyncadd.remote.s32 @!p0 $0x1  }
0xb4: {  	s26 =	simm.s32 $execute0_lowered;
	[smem:$0x3FD2] =	sst s25  }
0xb5: {  	s5 =	sshll.u32 s26, $0x1;
	_ =	strace $0x80000049;
	[dreg:$0x1] =	wrdreg $0xFFFFFFFF  }
0xb6: {  	s28 =	simm.s32 $_size_execute0_lowered;
	s3 =	sadd.s32 s3, s5;
	[dreg:$0x0] =	wrdreg $0x0  }
0xb7: {  	s5 =	sshll.u32 s28, $0x1;
	[dreg:$0x2] =	wrdreg s3  }
0xb8: {  	[dreg:$0x3] =	wrdreg s5  }
0xb9: {  	[dreg:$0x4] =	wrdreg $0xC0  }
0xba: {  	_ =	task [dreg:s22], $0x5FFFF  }
0xbb: {  	[dreg:$0x1] =	wrdreg $0xFFFFFFFF  }
0xbc: {  	[dreg:$0x0] =	wrdreg $0x60  }
0xbd: {  	[dreg:$0x2] =	wrdreg s24  }
0xbe: {  	[dreg:$0x3] =	wrdreg $0x0  }
0xbf: {  	[dreg:$0x4] =	wrdreg $0x9  }
0xc0: {  	_ =	task.clear_ibuf [dreg:s22], $0x5FFFF;
	_ =	strace $0x90000049  }
0xc1: {  	s29 =	simm.s32 $0x9;
	_ =	strace $0x8000004B  }
0xc2: {  	_ =	swait.ge [sflag:s29], $0x1  }
0xc3: {  	[sflag:s29] =	ssyncadd.s32 $0xFFFFFFFF  }
0xc4: {  	_ =	strace $0x9000004B  }
0xc5: {  	_ =	sfence  }
0xc6: {  	s30 =	sld [smem:$0x0];
	_ =	sdelay $0x2  }
0xc7: {  	s31 =	sshll.u32 s1, $0xD;
	s1 =	sshrl.u32 s1, $0x2  }
0xc8: {  	s4 =	sand.u32 $0x4000, s31;
	s1 =	sadd.s32 s1, s30  }
0xc9: {  	s0 =	sor.u32 s4, s0;
	s1 =	sshll.u32 s1, $0x11  }
0xca: {  	s0 =	sor.u32 s1, s0  }
0xcb: {  	s0 =	sadd.s32 $0x8F2B, s0  }
0xcc: {  	[sflag:s0] =	ssyncadd.remote.s32 $0x1  }
0xcd: {  	_ =	sfence.sel $0xFFFF  }
0xce: {  	[dreg:$0x0] =	wrdreg $0xFFFFFFFF;
	(pc) =	sbr.abs _section_cstart, $3  }
0xcf: {  	[dreg:$0x1] =	wrdreg $0xFFFFFFFF  }
0xd0: {  	_ =	task.clear_ibuf [dreg:s22], $0x2FFFF;
	_ =	strace $0x9FFFFFFF  }
0xd1: {  	(tm) =	ssettm $0x7FFFFFFF  }
tec
execute0_lowered:
.L_overlay_start_1:
0x0: {  	(tag) =	ssettag $0x1  }
0x1: {  	s2 =	srdreg.scid  }
0x2: {  	s7 =	stileid.u32;
	s2 =	sand.u32 $0x1, s2  }
0x3: {  	s22 =	sshll.u32 s7, $0x10;
	s4 =	sshll.u32 s2, $0x14  }
0x4: {  	s0 =	rddreg [dreg:$0x0];
	s4 =	sor.u32 s22, s4  }
0x5: {  	s1 =	rddreg [dreg:$0x1];
	s3 =	simm.s32 $0x0;
	s4 =	sshrl.u32 s4, $0x3  }
0x6: {  	[smem:$0x7FF] =	sst s3;
	s6 =	sadd.s32 $0x62EA00, s0;
	s4 =	sadd.s32 s4, s0  }
0x7: {  	_ =	strace $0x8000004A;
	[dreg:$0x5] =	wrdreg s6;
	s8 =	sadd.s32 $0x64EC00, s4  }
0x8: {  	s25 =	sadd.s32 $0x68EC00, s4;
	[dreg:$0x6] =	wrdreg s8  }
0x9: {  	s26 =	sadd.s32 $0x6CEC00, s4;
	[dreg:$0x7] =	wrdreg s25  }
0xa: {  	s9 =	sadd.s32 $0x70EC00, s4;
	[dreg:$0x8] =	wrdreg s26  }
0xb: {  	s10 =	sadd.s32 $0x74EC00, s4;
	[dreg:$0x9] =	wrdreg s9  }
0xc: {  	s11 =	sadd.s32 $0x78EC00, s4;
	[dreg:$0xa] =	wrdreg s10  }
0xd: {  	s12 =	sadd.s32 $0x7CEC00, s4;
	[dreg:$0xb] =	wrdreg s11  }
0xe: {  	s13 =	sadd.s32 $0x80EC00, s4;
	[dreg:$0xc] =	wrdreg s12  }
0xf: {  	s14 =	sadd.s32 $0x84EC00, s4;
	[dreg:$0xd] =	wrdreg s13  }
0x10: {  	s15 =	sadd.s32 $0x88EC00, s4;
	[dreg:$0xe] =	wrdreg s14  }
0x11: {  	s16 =	sadd.s32 $0x8CEC00, s4;
	[dreg:$0xf] =	wrdreg s15  }
0x12: {  	s17 =	sadd.s32 $0x90EC00, s4;
	[dreg:$0x10] =	wrdreg s16  }
0x13: {  	s18 =	sadd.s32 $0x94EC00, s4;
	[dreg:$0x11] =	wrdreg s17  }
0x14: {  	s20 =	sadd.s32 $0x98EC00, s4;
	[dreg:$0x12] =	wrdreg s18  }
0x15: {  	s21 =	sadd.s32 $0x9CEC00, s4;
	[dreg:$0x13] =	wrdreg s20  }
0x16: {  	s24 =	sadd.s32 $0xA0EC00, s4;
	[dreg:$0x14] =	wrdreg s21  }
0x17: {  	s5 =	sshll.u32 s7, $0xB;
	[dreg:$0x15] =	wrdreg s24;
	s25 =	sadd.s32 $0xA4EC00, s4  }
0x18: {  	s19 =	sadd.s32 $0x406A00, s0;
	s8 =	sadd.s32 $0xA8EC00, s4;
	[dreg:$0x16] =	wrdreg s25  }
0x19: {  	s6 =	sshll.u32 s7, $0xE;
	s9 =	sadd.s32 $0xACEC00, s4;
	[dreg:$0x17] =	wrdreg s8  }
0x1a: {  	s7 =	smul.u32 $0x5C0000, s2;
	s10 =	sadd.s32 $0xB0EC00, s4;
	[dreg:$0x18] =	wrdreg s9  }
0x1b: {  	s23 =	ssub.s32 $0x2, s2;
	s11 =	sadd.s32 $0xB4EC00, s4;
	[dreg:$0x19] =	wrdreg s10  }
0x1c: {  	s16 =	sadd.s32 s5, s0;
	s12 =	sadd.s32 $0xB8EC00, s4;
	[dreg:$0x1a] =	wrdreg s11  }
0x1d: {  	s26 =	sshrl.u32 s23, $0x1;
	s13 =	sadd.s32 $0xBCEC00, s4;
	[dreg:$0x1b] =	wrdreg s12  }
0x1e: {  	s24 =	sor.u32 s6, s7;
	s25 =	ssub.s32 s23, s26;
	[dreg:$0x1c] =	wrdreg s13  }
0x1f: {  	s14 =	sshrl.u32 s24, $0x3;
	s15 =	sadd.s32 $0x40000, s24;
	s17 =	sadd.s32 $0x80000, s24  }
0x20: {  	s21 =	sadd.s32 $0xC0000, s24;
	s26 =	sadd.s32 $0x100000, s24;
	s0 =	sadd.s32 $0x140000, s24  }
0x21: {  	s7 =	sadd.s32 $0x180000, s24;
	s8 =	sadd.s32 $0x1C0000, s24;
	s11 =	sadd.s32 $0x240000, s24  }
0x22: {  	s12 =	sadd.s32 $0x2C0000, s24;
	s23 =	sadd.s32 s14, s19;
	s18 =	sshrl.u32 s15, $0x3  }
0x23: {  	s20 =	sshrl.u32 s17, $0x3;
	s2 =	sshrl.u32 s21, $0x3;
	s4 =	sshrl.u32 s26, $0x3  }
0x24: {  	s6 =	sshrl.u32 s0, $0x3;
	s9 =	sshrl.u32 s8, $0x3;
	s14 =	sshrl.u32 s12, $0x3  }
0x25: {  	s15 =	sadd.s32 $0x300000, s24;
	s12 =	sadd.s32 $0x340000, s24;
	s26 =	sadd.s32 $0x480000, s24  }
0x26: {  	s28 =	sadd.s32 s18, s19;
	s29 =	sadd.s32 s20, s19;
	s30 =	sadd.s32 s2, s19  }
0x27: {  	s31 =	sadd.s32 s4, s19;
	s0 =	sadd.s32 s6, s19;
	s2 =	sshrl.u32 s7, $0x3  }
0x28: {  	s6 =	sadd.s32 $0x200000, s24;
	s17 =	sshrl.u32 s12, $0x3;
	s20 =	sadd.s32 $0x3C0000, s24  }
0x29: {  	s5 =	sadd.s32 s2, s19;
	s10 =	sshrl.u32 s6, $0x3;
	s6 =	sadd.s32 s9, s19  }
0x2a: {  	s2 =	sshrl.u32 s11, $0x3;
	s9 =	sadd.s32 $0x280000, s24;
	s11 =	sadd.s32 $0x380000, s24  }
0x2b: {  	s4 =	sadd.s32 s10, s19;
	s7 =	sadd.s32 s2, s19;
	s13 =	sshrl.u32 s9, $0x3  }
0x2c: {  	s9 =	sadd.s32 s14, s19;
	s2 =	sshrl.u32 s15, $0x3;
	s18 =	sshrl.u32 s11, $0x3  }
0x2d: {  	s11 =	sadd.s32 s17, s19;
	s17 =	sadd.s32 $0x57EA00, s16;
	s8 =	sadd.s32 s13, s19  }
0x2e: {  	s10 =	sadd.s32 s2, s19;
	s12 =	sadd.s32 s18, s19;
	s2 =	sshrl.u32 s20, $0x3  }
0x2f: {  	s20 =	sadd.s32 $0x400000, s24;
	s18 =	sadd.s32 $0x440000, s24;
	[dreg:$0x1f] =	wrdreg s17  }
0x30: {  	s17 =	sadd.s32 $0x586A00, s16;
	s13 =	sadd.s32 s2, s19;
	s21 =	sshrl.u32 s20, $0x3  }
0x31: {  	s18 =	sshrl.u32 s18, $0x3;
	[smem:$0x7E5] =	sst s17;
	s17 =	sadd.s32 $0x596A00, s16  }
0x32: {  	s2 =	sshrl.u32 s26, $0x3;
	s26 =	sadd.s32 $0x576A00, s16;
	[smem:$0x7E6] =	sst s17  }
0x33: {  	s14 =	sadd.s32 s21, s19;
	s2 =	sadd.s32 s2, s19;
	[dreg:$0x1d] =	wrdreg s26  }
0x34: {  	s21 =	sadd.s32 $0x4C0000, s24;
	s17 =	sadd.s32 $0x59EA00, s16;
	[dreg:$0x1e] =	wrdreg s2  }
0x35: {  	s2 =	sshrl.u32 s21, $0x3;
	[smem:$0x7E8] =	sst s17;
	s17 =	sadd.s32 $0x5A6A00, s16  }
0x36: {  	s15 =	sadd.s32 s18, s19;
	s2 =	sadd.s32 s2, s19;
	[smem:$0x7E9] =	sst s17  }
0x37: {  	s18 =	sadd.s32 $0x500000, s24;
	s17 =	sadd.s32 $0x5C6A00, s16;
	[smem:$0x7E7] =	sst s2  }
0x38: {  	s2 =	sshrl.u32 s18, $0x3;
	s18 =	sadd.s32 $0x5AEA00, s16;
	[smem:$0x7EE] =	sst s17  }
0x39: {  	s17 =	sadd.s32 $0x5DEA00, s16;
	[smem:$0x7EA] =	sst s18  }
0x3a: {  	s18 =	sadd.s32 $0x5B6A00, s16;
	[smem:$0x7F2] =	sst s17  }
0x3b: {  	s2 =	sadd.s32 s2, s19;
	[smem:$0x7EB] =	sst s18  }
0x3c: {  	s17 =	sadd.s32 $0x60EA00, s16;
	[smem:$0x7EC] =	sst s2  }
0x3d: {  	s20 =	sadd.s32 $0x540000, s24;
	s18 =	sadd.s32 $0x5BEA00, s16;
	[smem:$0x7FA] =	sst s17  }
0x3e: {  	s2 =	sshrl.u32 s20, $0x3;
	s20 =	sadd.s32 $0x5D6A00, s16;
	[smem:$0x7ED] =	sst s18  }
0x3f: {  	s18 =	sadd.s32 $0x5CEA00, s16;
	[smem:$0x7F0] =	sst s20  }
0x40: {  	s24 =	sadd.s32 $0x580000, s24;
	s2 =	sadd.s32 s2, s19;
	[smem:$0x7EF] =	sst s18  }
0x41: {  	s20 =	sshrl.u32 s24, $0x3;
	s24 =	sadd.s32 $0x5EEA00, s16;
	[smem:$0x7F1] =	sst s2  }
0x42: {  	s18 =	sadd.s32 $0x5E6A00, s16;
	[smem:$0x7F4] =	sst s24  }
0x43: {  	s2 =	sadd.s32 s20, s19;
	[smem:$0x7F3] =	sst s18  }
0x44: {  	s19 =	sadd.s32 $0x5FEA00, s16;
	[smem:$0x7F6] =	sst s2  }
0x45: {  	s20 =	sadd.s32 $0x606A00, s16;
	[smem:$0x7F7] =	sst s19  }
0x46: {  	s21 =	sadd.s32 $0x58EA00, s16;
	s24 =	sadd.s32 s22, s1;
	[smem:$0x7F8] =	sst s20  }
0x47: {  	s22 =	sadd.s32 $0x626A00, s16;
	[smem:$0x7F9] =	sst s24  }
0x48: {  	s17 =	simm.s32 $0x10008;
	s18 =	sadd.s32 $0x5F6A00, s16;
	[smem:$0x7FC] =	sst s22  }
0x49: {  	s19 =	smax.u32 s25, $0x1;
	s20 =	sadd.s32 $0x61EA00, s16;
	[smem:$0x7F5] =	sst s18  }
0x4a: {  	s24 =	smov.u32 s21;
	s25 =	stileid.u32;
	[smem:$0x7FB] =	sst s19  }
0x4b: {  	s21 =	simm.s32 $0x0;
	s18 =	sadd.s32 $0x616A00, s16;
	[dreg:$0x4] =	wrdreg s20  }
0x4c: {  	p0 =	sne.s32 s25, $0x0;
	s19 =	simm.s32 $0x10088;
	[smem:$0x7FD] =	sst s24  }
0x4d: {  	s20 =	simm.s32 $0x80;
	[dreg:$0x3] =	wrdreg s18;
	s18 =	simm.s32 $0x1  }
.LBB2_1:
0x4e: {  	[smem:$0x7E3] =	sst s21  }
0x4f: {  	s2 =	sshrl.u32 @!p0 s1, $0x3;
	s22 =	rddreg [dreg:$0x5]  }
0x50: {  	s21 =	simm.s32 @!p0 $0x1C01;
	[smem:$0x7E4] =	sst s2  }
0x51: {  	[spmem:s2], [sflag:s21] =	dma.local @!p0 [hbm:s22], $0x20010  }
0x52: {  	s21 =	simm.s32 @!p0 $0x1  }
0x53: {  	_ =	swait.ge @!p0 [sflag:s21], $0x20010  }
0x54: {  	[sflag:s21] =	ssyncset.done @!p0 $0x0  }
0x55: {  	[sflag:s21] =	ssyncadd.s32 @!p0 $0xFFFDFFF0  }
0x56: {  	s24 =	sadd.s32 $0x0, s23;
	[bflag:$0x0] =	sbarrier.arrive $0xFFFF  }
0x57: {  	[tilespmem:s17], [sflag:$0x1] =	stream.linear.gather [hbm4b:s24+s3], $0x80, $0x38;
	[tilespmem:$0x10108] =	vst v63  }
0x58: {  	_ =	swait.ge [sflag:s18], $0x80  }
0x59: {  	[sflag:s18] =	ssyncset.done $0x0  }
0x5a: {  	s25 =	sadd.s32 $0x0, s26;
	[sflag:s18] =	ssyncadd.s32 $0xFFFFFF80  }
0x5b: {  	[tilespmem:s19], [sflag:$0x1] =	stream.linear.gather [hbm4b:s25+s3], $0x80, $0x38;
	[tilespmem:$0x10108] =	vst v63  }
0x5c: {  	_ =	swait.ge [sflag:s18], $0x80  }
0x5d: {  	[sflag:s18] =	ssyncset.done $0x0  }
0x5e: {  	[sflag:s18] =	ssyncadd.s32 $0xFFFFFF80  }
0x5f: {  	[spmem:s1] =	stream.indirect.scatter.add.f32 [tilespmem:s19], [sflag:$0x1], $0x1, s17, s20, $0xb8;
	[tilespmem:$0x10108] =	vst v63  }
0x60: {  	_ =	swait.ge [sflag:s18], $0x80  }
0x61: {  	s22 =	simm.s32 $0x20;
	s21 =	simm.s32 $0x10;
	[sflag:s18] =	ssyncset.done $0x0  }
.LBB2_2:
0x62: {  	s2 =	smov.u32 s23;
	s23 =	sadd.s32 s21, s23  }
0x63: {  	[sflag:s18] =	ssyncadd.s32 $0xFFFFFF80;
	s24 =	smov.u32 s22;
	s25 =	sadd.s32 $0x10, s22  }
0x64: {  	[tilespmem:s17], [sflag:$0x1] =	stream.linear.gather [hbm4b:s23+s3], $0x80, $0x38;
	[tilespmem:$0x10108] =	vst v63  }
0x65: {  	s23 =	smov.u32 s2  }
0x66: {  	p1 =	sne.s32 s22, $0x7F0;
	_ =	swait.ge [sflag:s18], $0x80  }
0x67: {  	[sflag:s18] =	ssyncset.done $0x0  }
0x68: {  	s22 =	sadd.s32 s21, s26;
	s21 =	smov.u32 s24;
	[sflag:s18] =	ssyncadd.s32 $0xFFFFFF80  }
0x69: {  	[tilespmem:s19], [sflag:$0x1] =	stream.linear.gather [hbm4b:s22+s3], $0x80, $0x38;
	[tilespmem:$0x10108] =	vst v63  }
0x6a: {  	_ =	swait.ge [sflag:s18], $0x80  }
.Ltmp0:
0x6b: {  	[sflag:s18] =	ssyncset.done $0x0;
	(pc) =	sbr.rel @p1 .LBB2_2-.Ltmp0, $4  }
0x6c: {  	[sflag:s18] =	ssyncadd.s32 $0xFFFFFF80  }
0x6d: {  	[spmem:s1] =	stream.indirect.scatter.add.f32 [tilespmem:s19], [sflag:$0x1], $0x1, s17, s20, $0xb8;
	[tilespmem:$0x10108] =	vst v63  }
0x6e: {  	_ =	swait.ge [sflag:s18], $0x80  }
0x6f: {  	s22 =	smov.u32 s25;
	[sflag:s18] =	ssyncset.done $0x0  }
0x70: {  	s22 =	sadd.s32 s21, s23;
	[sflag:s18] =	ssyncadd.s32 $0xFFFFFF80  }
0x71: {  	[tilespmem:s17], [sflag:$0x1] =	stream.linear.gather [hbm4b:s22+s3], $0x80, $0x38;
	[tilespmem:$0x10108] =	vst v63  }
0x72: {  	_ =	swait.ge [sflag:s18], $0x80  }
0x73: {  	[sflag:s18] =	ssyncset.done $0x0  }
0x74: {  	s16 =	sadd.s32 s21, s26;
	[sflag:s18] =	ssyncadd.s32 $0xFFFFFF80  }
0x75: {  	[tilespmem:s19], [sflag:$0x1] =	stream.linear.gather [hbm4b:s16+s3], $0x80, $0x38;
	[tilespmem:$0x10108] =	vst v63  }
0x76: {  	_ =	swait.ge [sflag:s18], $0x80  }
0x77: {  	[sflag:s18] =	ssyncset.done $0x0  }
0x78: {  	[sflag:s18] =	ssyncadd.s32 $0xFFFFFF80  }
0x79: {  	[spmem:s1] =	stream.indirect.scatter.add.f32 [tilespmem:s19], [sflag:$0x1], $0x1, s17, s20, $0xb8;
	[tilespmem:$0x10108] =	vst v63  }
0x7a: {  	_ =	swait.ge [sflag:s18], $0x80  }
0x7b: {  	[sflag:s18] =	ssyncset.done $0x0  }
0x7c: {  	[sflag:s18] =	ssyncadd.s32 $0xFFFFFF80  }
0x7d: {  	[bflag:$0x0] =	sbarrier.arrive $0xFFFF  }
0x7e: {  	s16 =	sld [smem:$0x7F9];
	_ =	sdelay $0x1  }
0x7f: {  	s22 =	stileid.u32  }
0x80: {  	s21 =	sshll.u32 s22, $0x6;
	s23 =	rddreg [dreg:$0x6];
	s16 =	sshrl.u32 s16, $0x3  }
0x81: {  	s22 =	sor.u32 $0x1C01, s21;
	[smem:$0x7E1] =	sst s16  }
0x82: {  	[hbm:s23], [sflag:s22] =	dma.local [spmem:s16], $0x2000  }
0x83: {  	_ =	swait.ge [sflag:s18], $0x2000  }
0x84: {  	[sflag:s18] =	ssyncset.done $0x0  }
0x85: {  	[sflag:s18] =	ssyncadd.s32 $0xFFFFE000  }
0x86: {  	[bflag:$0x0] =	sbarrier.arrive $0xFFFF  }
0x87: {  	s16 =	sld [smem:$0x7E4]  }
0x88: {  	s21 =	rddreg [dreg:$0x5]  }
0x89: {  	[smem:$0x7E2] =	sst s22  }
0x8a: {  	[spmem:s16], [sflag:s22] =	dma.local @!p0 [hbm:s21], $0x20010  }
0x8b: {  	s21 =	simm.s32 @!p0 $0x1  }
0x8c: {  	_ =	swait.ge @!p0 [sflag:s21], $0x20010  }
0x8d: {  	[sflag:s21] =	ssyncset.done @!p0 $0x0  }
0x8e: {  	[sflag:s21] =	ssyncadd.s32 @!p0 $0xFFFDFFF0  }
0x8f: {  	s24 =	sadd.s32 $0x0, s28;
	[bflag:$0x0] =	sbarrier.arrive $0xFFFF  }
0x90: {  	[tilespmem:s17], [sflag:$0x1] =	stream.linear.gather [hbm4b:s24+s3], $0x80, $0x38;
	[tilespmem:$0x10108] =	vst v63  }
0x91: {  	_ =	swait.ge [sflag:s18], $0x80  }
0x92: {  	[sflag:s18] =	ssyncset.done $0x0;
	s26 =	rddreg [dreg:$0x1f]  }
0x93: {  	[sflag:s18] =	ssyncadd.s32 $0xFFFFFF80;
	s25 =	sadd.s32 $0x0, s26  }
0x94: {  	[tilespmem:s19], [sflag:$0x1] =	stream.linear.gather [hbm4b:s25+s3], $0x80, $0x38;
	[tilespmem:$0x10108] =	vst v63  }
0x95: {  	_ =	swait.ge [sflag:s18], $0x80  }
0x96: {  	[sflag:s18] =	ssyncset.done $0x0  }
0x97: {  	[sflag:s18] =	ssyncadd.s32 $0xFFFFFF80  }
0x98: {  	[spmem:s1] =	stream.indirect.scatter.add.f32 [tilespmem:s19], [sflag:$0x1], $0x1, s17, s20, $0xb8;
	[tilespmem:$0x10108] =	vst v63  }
0x99: {  	_ =	swait.ge [sflag:s18], $0x80  }
0x9a: {  	s22 =	simm.s32 $0x20;
	s21 =	simm.s32 $0x10;
	[sflag:s18] =	ssyncset.done $0x0  }
.LBB2_4:
0x9b: {  	s23 =	sadd.s32 s21, s28  }
0x9c: {  	[sflag:s18] =	ssyncadd.s32 $0xFFFFFF80;
	s24 =	smov.u32 s22;
	s25 =	sadd.s32 $0x10, s22  }
0x9d: {  	[tilespmem:s17], [sflag:$0x1] =	stream.linear.gather [hbm4b:s23+s3], $0x80, $0x38;
	[tilespmem:$0x10108] =	vst v63  }
0x9e: {  	p1 =	sne.s32 s22, $0x7F0;
	_ =	swait.ge [sflag:s18], $0x80  }
0x9f: {  	[sflag:s18] =	ssyncset.done $0x0  }
0xa0: {  	s22 =	sadd.s32 s21, s26;
	s21 =	smov.u32 s24;
	[sflag:s18] =	ssyncadd.s32 $0xFFFFFF80  }
0xa1: {  	[tilespmem:s19], [sflag:$0x1] =	stream.linear.gather [hbm4b:s22+s3], $0x80, $0x38;
	[tilespmem:$0x10108] =	vst v63  }
0xa2: {  	_ =	swait.ge [sflag:s18], $0x80  }
.Ltmp1:
0xa3: {  	[sflag:s18] =	ssyncset.done $0x0;
	(pc) =	sbr.rel @p1 .LBB2_4-.Ltmp1, $4  }
0xa4: {  	[sflag:s18] =	ssyncadd.s32 $0xFFFFFF80  }
0xa5: {  	[spmem:s1] =	stream.indirect.scatter.add.f32 [tilespmem:s19], [sflag:$0x1], $0x1, s17, s20, $0xb8;
	[tilespmem:$0x10108] =	vst v63  }
0xa6: {  	_ =	swait.ge [sflag:s18], $0x80  }
0xa7: {  	s22 =	smov.u32 s25;
	[sflag:s18] =	ssyncset.done $0x0  }
0xa8: {  	s22 =	sadd.s32 s21, s28;
	[sflag:s18] =	ssyncadd.s32 $0xFFFFFF80  }
0xa9: {  	[tilespmem:s17], [sflag:$0x1] =	stream.linear.gather [hbm4b:s22+s3], $0x80, $0x38;
	[tilespmem:$0x10108] =	vst v63  }
0xaa: {  	_ =	swait.ge [sflag:s18], $0x80  }
0xab: {  	[sflag:s18] =	ssyncset.done $0x0  }
0xac: {  	s23 =	sadd.s32 s21, s26;
	[sflag:s18] =	ssyncadd.s32 $0xFFFFFF80  }
0xad: {  	[tilespmem:s19], [sflag:$0x1] =	stream.linear.gather [hbm4b:s23+s3], $0x80, $0x38;
	[tilespmem:$0x10108] =	vst v63  }
0xae: {  	_ =	swait.ge [sflag:s18], $0x80  }
0xaf: {  	[sflag:s18] =	ssyncset.done $0x0  }
0xb0: {  	[sflag:s18] =	ssyncadd.s32 $0xFFFFFF80  }
0xb1: {  	[spmem:s1] =	stream.indirect.scatter.add.f32 [tilespmem:s19], [sflag:$0x1], $0x1, s17, s20, $0xb8;
	[tilespmem:$0x10108] =	vst v63  }
0xb2: {  	_ =	swait.ge [sflag:s18], $0x80  }
0xb3: {  	[sflag:s18] =	ssyncset.done $0x0  }
0xb4: {  	[sflag:s18] =	ssyncadd.s32 $0xFFFFFF80  }
0xb5: {  	[bflag:$0x0] =	sbarrier.arrive $0xFFFF  }
0xb6: {  	s22 =	sld [smem:$0x7E2]  }
0xb7: {  	s16 =	sld [smem:$0x7E1];
	_ =	sdelay $0x1  }
0xb8: {  	s24 =	rddreg [dreg:$0x7]  }
0xb9: {  	[hbm:s24], [sflag:s22] =	dma.local [spmem:s16], $0x2000  }
0xba: {  	_ =	swait.ge [sflag:s18], $0x2000  }
0xbb: {  	[sflag:s18] =	ssyncset.done $0x0  }
0xbc: {  	[sflag:s18] =	ssyncadd.s32 $0xFFFFE000  }
0xbd: {  	[bflag:$0x0] =	sbarrier.arrive $0xFFFF  }
0xbe: {  	s16 =	sld [smem:$0x7E4];
	_ =	sdelay $0x1  }
0xbf: {  	s21 =	rddreg [dreg:$0x5]  }
0xc0: {  	[spmem:s16], [sflag:s22] =	dma.local @!p0 [hbm:s21], $0x20010  }
0xc1: {  	s21 =	simm.s32 @!p0 $0x1  }
0xc2: {  	_ =	swait.ge @!p0 [sflag:s21], $0x20010  }
0xc3: {  	[sflag:s21] =	ssyncset.done @!p0 $0x0  }
0xc4: {  	[sflag:s21] =	ssyncadd.s32 @!p0 $0xFFFDFFF0  }
0xc5: {  	s25 =	sadd.s32 $0x0, s29;
	[bflag:$0x0] =	sbarrier.arrive $0xFFFF  }
0xc6: {  	[tilespmem:s17], [sflag:$0x1] =	stream.linear.gather [hbm4b:s25+s3], $0x80, $0x38;
	[tilespmem:$0x10108] =	vst v63  }
0xc7: {  	_ =	swait.ge [sflag:s18], $0x80  }
0xc8: {  	s16 =	sld [smem:$0x7E5];
	_ =	sdelay $0x1  }
0xc9: {  	[sflag:s18] =	ssyncset.done $0x0  }
0xca: {  	[sflag:s18] =	ssyncadd.s32 $0xFFFFFF80;
	s26 =	sadd.s32 $0x0, s16  }
0xcb: {  	[tilespmem:s19], [sflag:$0x1] =	stream.linear.gather [hbm4b:s26+s3], $0x80, $0x38;
	[tilespmem:$0x10108] =	vst v63  }
0xcc: {  	_ =	swait.ge [sflag:s18], $0x80  }
0xcd: {  	[sflag:s18] =	ssyncset.done $0x0  }
0xce: {  	[sflag:s18] =	ssyncadd.s32 $0xFFFFFF80  }
0xcf: {  	[spmem:s1] =	stream.indirect.scatter.add.f32 [tilespmem:s19], [sflag:$0x1], $0x1, s17, s20, $0xb8;
	[tilespmem:$0x10108] =	vst v63  }
0xd0: {  	s22 =	simm.s32 $0x20;
	_ =	swait.ge [sflag:s18], $0x80  }
0xd1: {  	s21 =	simm.s32 $0x10;
	[sflag:s18] =	ssyncset.done $0x0;
	s26 =	rddreg [dreg:$0x1e]  }
.LBB2_6:
0xd2: {  	s23 =	sadd.s32 s21, s29  }
0xd3: {  	[sflag:s18] =	ssyncadd.s32 $0xFFFFFF80;
	s24 =	smov.u32 s22;
	s25 =	sadd.s32 $0x10, s22  }
0xd4: {  	[tilespmem:s17], [sflag:$0x1] =	stream.linear.gather [hbm4b:s23+s3], $0x80, $0x38;
	[tilespmem:$0x10108] =	vst v63  }
0xd5: {  	p1 =	sne.s32 s22, $0x7F0;
	_ =	swait.ge [sflag:s18], $0x80  }
0xd6: {  	[sflag:s18] =	ssyncset.done $0x0  }
0xd7: {  	s22 =	sadd.s32 s21, s16;
	s21 =	smov.u32 s24;
	[sflag:s18] =	ssyncadd.s32 $0xFFFFFF80  }
0xd8: {  	[tilespmem:s19], [sflag:$0x1] =	stream.linear.gather [hbm4b:s22+s3], $0x80, $0x38;
	[tilespmem:$0x10108] =	vst v63  }
0xd9: {  	_ =	swait.ge [sflag:s18], $0x80  }
.Ltmp2:
0xda: {  	[sflag:s18] =	ssyncset.done $0x0;
	(pc) =	sbr.rel @p1 .LBB2_6-.Ltmp2, $4  }
0xdb: {  	[sflag:s18] =	ssyncadd.s32 $0xFFFFFF80  }
0xdc: {  	[spmem:s1] =	stream.indirect.scatter.add.f32 [tilespmem:s19], [sflag:$0x1], $0x1, s17, s20, $0xb8;
	[tilespmem:$0x10108] =	vst v63  }
0xdd: {  	_ =	swait.ge [sflag:s18], $0x80  }
0xde: {  	s22 =	smov.u32 s25;
	[sflag:s18] =	ssyncset.done $0x0  }
0xdf: {  	s22 =	sadd.s32 s21, s29;
	[sflag:s18] =	ssyncadd.s32 $0xFFFFFF80  }
0xe0: {  	[tilespmem:s17], [sflag:$0x1] =	stream.linear.gather [hbm4b:s22+s3], $0x80, $0x38;
	[tilespmem:$0x10108] =	vst v63  }
0xe1: {  	_ =	swait.ge [sflag:s18], $0x80  }
0xe2: {  	[sflag:s18] =	ssyncset.done $0x0  }
0xe3: {  	s25 =	sadd.s32 s21, s16;
	[sflag:s18] =	ssyncadd.s32 $0xFFFFFF80  }
0xe4: {  	[tilespmem:s19], [sflag:$0x1] =	stream.linear.gather [hbm4b:s25+s3], $0x80, $0x38;
	[tilespmem:$0x10108] =	vst v63  }
0xe5: {  	_ =	swait.ge [sflag:s18], $0x80  }
0xe6: {  	[sflag:s18] =	ssyncset.done $0x0  }
0xe7: {  	[sflag:s18] =	ssyncadd.s32 $0xFFFFFF80  }
0xe8: {  	[spmem:s1] =	stream.indirect.scatter.add.f32 [tilespmem:s19], [sflag:$0x1], $0x1, s17, s20, $0xb8;
	[tilespmem:$0x10108] =	vst v63  }
0xe9: {  	_ =	swait.ge [sflag:s18], $0x80  }
0xea: {  	[sflag:s18] =	ssyncset.done $0x0  }
0xeb: {  	[sflag:s18] =	ssyncadd.s32 $0xFFFFFF80  }
0xec: {  	[bflag:$0x0] =	sbarrier.arrive $0xFFFF  }
0xed: {  	s22 =	sld [smem:$0x7E2]  }
0xee: {  	s23 =	sld [smem:$0x7E1];
	_ =	sdelay $0x1  }
0xef: {  	s16 =	rddreg [dreg:$0x8]  }
0xf0: {  	[hbm:s16], [sflag:s22] =	dma.local [spmem:s23], $0x2000  }
0xf1: {  	_ =	swait.ge [sflag:s18], $0x2000  }
0xf2: {  	[sflag:s18] =	ssyncset.done $0x0  }
0xf3: {  	[sflag:s18] =	ssyncadd.s32 $0xFFFFE000  }
0xf4: {  	[bflag:$0x0] =	sbarrier.arrive $0xFFFF  }
0xf5: {  	s16 =	sld [smem:$0x7E4];
	_ =	sdelay $0x1  }
0xf6: {  	s21 =	rddreg [dreg:$0x5]  }
0xf7: {  	[spmem:s16], [sflag:s22] =	dma.local @!p0 [hbm:s21], $0x20010  }
0xf8: {  	s21 =	simm.s32 @!p0 $0x1  }
0xf9: {  	_ =	swait.ge @!p0 [sflag:s21], $0x20010  }
0xfa: {  	[sflag:s21] =	ssyncset.done @!p0 $0x0  }
0xfb: {  	[sflag:s21] =	ssyncadd.s32 @!p0 $0xFFFDFFF0  }
0xfc: {  	s24 =	sadd.s32 $0x0, s30;
	[bflag:$0x0] =	sbarrier.arrive $0xFFFF  }
0xfd: {  	[tilespmem:s17], [sflag:$0x1] =	stream.linear.gather [hbm4b:s24+s3], $0x80, $0x38;
	[tilespmem:$0x10108] =	vst v63  }
0xfe: {  	_ =	swait.ge [sflag:s18], $0x80  }
0xff: {  	s16 =	sld [smem:$0x7FD];
	_ =	sdelay $0x1  }
0x100: {  	[sflag:s18] =	ssyncset.done $0x0  }
0x101: {  	[sflag:s18] =	ssyncadd.s32 $0xFFFFFF80;
	s25 =	sadd.s32 $0x0, s16  }
0x102: {  	[tilespmem:s19], [sflag:$0x1] =	stream.linear.gather [hbm4b:s25+s3], $0x80, $0x38;
	[tilespmem:$0x10108] =	vst v63  }
0x103: {  	_ =	swait.ge [sflag:s18], $0x80  }
0x104: {  	[sflag:s18] =	ssyncset.done $0x0  }
0x105: {  	[sflag:s18] =	ssyncadd.s32 $0xFFFFFF80  }
0x106: {  	[spmem:s1] =	stream.indirect.scatter.add.f32 [tilespmem:s19], [sflag:$0x1], $0x1, s17, s20, $0xb8;
	[tilespmem:$0x10108] =	vst v63  }
0x107: {  	_ =	swait.ge [sflag:s18], $0x80  }
0x108: {  	s22 =	simm.s32 $0x20;
	s21 =	simm.s32 $0x10;
	[sflag:s18] =	ssyncset.done $0x0  }
.LBB2_8:
0x109: {  	s23 =	sadd.s32 s21, s30  }
0x10a: {  	[sflag:s18] =	ssyncadd.s32 $0xFFFFFF80;
	s24 =	smov.u32 s22;
	s25 =	sadd.s32 $0x10, s22  }
0x10b: {  	[tilespmem:s17], [sflag:$0x1] =	stream.linear.gather [hbm4b:s23+s3], $0x80, $0x38;
	[tilespmem:$0x10108] =	vst v63  }
0x10c: {  	p1 =	sne.s32 s22, $0x7F0;
	_ =	swait.ge [sflag:s18], $0x80  }
0x10d: {  	[sflag:s18] =	ssyncset.done $0x0  }
0x10e: {  	s22 =	sadd.s32 s21, s16;
	s21 =	smov.u32 s24;
	[sflag:s18] =	ssyncadd.s32 $0xFFFFFF80  }
0x10f: {  	[tilespmem:s19], [sflag:$0x1] =	stream.linear.gather [hbm4b:s22+s3], $0x80, $0x38;
	[tilespmem:$0x10108] =	vst v63  }
0x110: {  	_ =	swait.ge [sflag:s18], $0x80  }
.Ltmp3:
0x111: {  	[sflag:s18] =	ssyncset.done $0x0;
	(pc) =	sbr.rel @p1 .LBB2_8-.Ltmp3, $4  }
0x112: {  	[sflag:s18] =	ssyncadd.s32 $0xFFFFFF80  }
0x113: {  	[spmem:s1] =	stream.indirect.scatter.add.f32 [tilespmem:s19], [sflag:$0x1], $0x1, s17, s20, $0xb8;
	[tilespmem:$0x10108] =	vst v63  }
0x114: {  	_ =	swait.ge [sflag:s18], $0x80  }
0x115: {  	s22 =	smov.u32 s25;
	[sflag:s18] =	ssyncset.done $0x0  }
0x116: {  	s22 =	sadd.s32 s21, s30;
	[sflag:s18] =	ssyncadd.s32 $0xFFFFFF80  }
0x117: {  	[tilespmem:s17], [sflag:$0x1] =	stream.linear.gather [hbm4b:s22+s3], $0x80, $0x38;
	[tilespmem:$0x10108] =	vst v63  }
0x118: {  	_ =	swait.ge [sflag:s18], $0x80  }
0x119: {  	[sflag:s18] =	ssyncset.done $0x0  }
0x11a: {  	s25 =	sadd.s32 s21, s16;
	[sflag:s18] =	ssyncadd.s32 $0xFFFFFF80  }
0x11b: {  	[tilespmem:s19], [sflag:$0x1] =	stream.linear.gather [hbm4b:s25+s3], $0x80, $0x38;
	[tilespmem:$0x10108] =	vst v63  }
0x11c: {  	_ =	swait.ge [sflag:s18], $0x80  }
0x11d: {  	[sflag:s18] =	ssyncset.done $0x0  }
0x11e: {  	[sflag:s18] =	ssyncadd.s32 $0xFFFFFF80  }
0x11f: {  	[spmem:s1] =	stream.indirect.scatter.add.f32 [tilespmem:s19], [sflag:$0x1], $0x1, s17, s20, $0xb8;
	[tilespmem:$0x10108] =	vst v63  }
0x120: {  	_ =	swait.ge [sflag:s18], $0x80  }
0x121: {  	[sflag:s18] =	ssyncset.done $0x0  }
0x122: {  	[sflag:s18] =	ssyncadd.s32 $0xFFFFFF80  }
0x123: {  	[bflag:$0x0] =	sbarrier.arrive $0xFFFF  }
0x124: {  	s22 =	sld [smem:$0x7E2]  }
0x125: {  	s23 =	sld [smem:$0x7E1];
	_ =	sdelay $0x1  }
0x126: {  	s16 =	rddreg [dreg:$0x9]  }
0x127: {  	[hbm:s16], [sflag:s22] =	dma.local [spmem:s23], $0x2000  }
0x128: {  	_ =	swait.ge [sflag:s18], $0x2000  }
0x129: {  	[sflag:s18] =	ssyncset.done $0x0  }
0x12a: {  	[sflag:s18] =	ssyncadd.s32 $0xFFFFE000  }
0x12b: {  	[bflag:$0x0] =	sbarrier.arrive $0xFFFF  }
0x12c: {  	s16 =	sld [smem:$0x7E4];
	_ =	sdelay $0x1  }
0x12d: {  	s21 =	rddreg [dreg:$0x5]  }
0x12e: {  	[spmem:s16], [sflag:s22] =	dma.local @!p0 [hbm:s21], $0x20010  }
0x12f: {  	s21 =	simm.s32 @!p0 $0x1  }
0x130: {  	_ =	swait.ge @!p0 [sflag:s21], $0x20010  }
0x131: {  	[sflag:s21] =	ssyncset.done @!p0 $0x0  }
0x132: {  	[sflag:s21] =	ssyncadd.s32 @!p0 $0xFFFDFFF0  }
0x133: {  	s24 =	sadd.s32 $0x0, s31;
	[bflag:$0x0] =	sbarrier.arrive $0xFFFF  }
0x134: {  	[tilespmem:s17], [sflag:$0x1] =	stream.linear.gather [hbm4b:s24+s3], $0x80, $0x38;
	[tilespmem:$0x10108] =	vst v63  }
0x135: {  	_ =	swait.ge [sflag:s18], $0x80  }
0x136: {  	s16 =	sld [smem:$0x7E6];
	_ =	sdelay $0x1  }
0x137: {  	[sflag:s18] =	ssyncset.done $0x0  }
0x138: {  	[sflag:s18] =	ssyncadd.s32 $0xFFFFFF80;
	s25 =	sadd.s32 $0x0, s16  }
0x139: {  	[tilespmem:s19], [sflag:$0x1] =	stream.linear.gather [hbm4b:s25+s3], $0x80, $0x38;
	[tilespmem:$0x10108] =	vst v63  }
0x13a: {  	_ =	swait.ge [sflag:s18], $0x80  }
0x13b: {  	[sflag:s18] =	ssyncset.done $0x0  }
0x13c: {  	[sflag:s18] =	ssyncadd.s32 $0xFFFFFF80  }
0x13d: {  	[spmem:s1] =	stream.indirect.scatter.add.f32 [tilespmem:s19], [sflag:$0x1], $0x1, s17, s20, $0xb8;
	[tilespmem:$0x10108] =	vst v63  }
0x13e: {  	_ =	swait.ge [sflag:s18], $0x80  }
0x13f: {  	s22 =	simm.s32 $0x20;
	s21 =	simm.s32 $0x10;
	[sflag:s18] =	ssyncset.done $0x0  }
.LBB2_10:
0x140: {  	s23 =	sadd.s32 s21, s31  }
0x141: {  	[sflag:s18] =	ssyncadd.s32 $0xFFFFFF80;
	s24 =	smov.u32 s22;
	s25 =	sadd.s32 $0x10, s22  }
0x142: {  	[tilespmem:s17], [sflag:$0x1] =	stream.linear.gather [hbm4b:s23+s3], $0x80, $0x38;
	[tilespmem:$0x10108] =	vst v63  }
0x143: {  	p1 =	sne.s32 s22, $0x7F0;
	_ =	swait.ge [sflag:s18], $0x80  }
0x144: {  	[sflag:s18] =	ssyncset.done $0x0  }
0x145: {  	s22 =	sadd.s32 s21, s16;
	s21 =	smov.u32 s24;
	[sflag:s18] =	ssyncadd.s32 $0xFFFFFF80  }
0x146: {  	[tilespmem:s19], [sflag:$0x1] =	stream.linear.gather [hbm4b:s22+s3], $0x80, $0x38;
	[tilespmem:$0x10108] =	vst v63  }
0x147: {  	_ =	swait.ge [sflag:s18], $0x80  }
.Ltmp4:
0x148: {  	[sflag:s18] =	ssyncset.done $0x0;
	(pc) =	sbr.rel @p1 .LBB2_10-.Ltmp4, $4  }
0x149: {  	[sflag:s18] =	ssyncadd.s32 $0xFFFFFF80  }
0x14a: {  	[spmem:s1] =	stream.indirect.scatter.add.f32 [tilespmem:s19], [sflag:$0x1], $0x1, s17, s20, $0xb8;
	[tilespmem:$0x10108] =	vst v63  }
0x14b: {  	_ =	swait.ge [sflag:s18], $0x80  }
0x14c: {  	s22 =	smov.u32 s25;
	[sflag:s18] =	ssyncset.done $0x0  }
0x14d: {  	s22 =	sadd.s32 s21, s31;
	[sflag:s18] =	ssyncadd.s32 $0xFFFFFF80  }
0x14e: {  	[tilespmem:s17], [sflag:$0x1] =	stream.linear.gather [hbm4b:s22+s3], $0x80, $0x38;
	[tilespmem:$0x10108] =	vst v63  }
0x14f: {  	_ =	swait.ge [sflag:s18], $0x80  }
0x150: {  	[sflag:s18] =	ssyncset.done $0x0  }
0x151: {  	s25 =	sadd.s32 s21, s16;
	[sflag:s18] =	ssyncadd.s32 $0xFFFFFF80  }
0x152: {  	[tilespmem:s19], [sflag:$0x1] =	stream.linear.gather [hbm4b:s25+s3], $0x80, $0x38;
	[tilespmem:$0x10108] =	vst v63  }
0x153: {  	_ =	swait.ge [sflag:s18], $0x80  }
0x154: {  	[sflag:s18] =	ssyncset.done $0x0  }
0x155: {  	[sflag:s18] =	ssyncadd.s32 $0xFFFFFF80  }
0x156: {  	[spmem:s1] =	stream.indirect.scatter.add.f32 [tilespmem:s19], [sflag:$0x1], $0x1, s17, s20, $0xb8;
	[tilespmem:$0x10108] =	vst v63  }
0x157: {  	_ =	swait.ge [sflag:s18], $0x80  }
0x158: {  	[sflag:s18] =	ssyncset.done $0x0  }
0x159: {  	[sflag:s18] =	ssyncadd.s32 $0xFFFFFF80  }
0x15a: {  	[bflag:$0x0] =	sbarrier.arrive $0xFFFF  }
0x15b: {  	s22 =	sld [smem:$0x7E2]  }
0x15c: {  	s23 =	sld [smem:$0x7E1];
	_ =	sdelay $0x1  }
0x15d: {  	s16 =	rddreg [dreg:$0xa]  }
0x15e: {  	[hbm:s16], [sflag:s22] =	dma.local [spmem:s23], $0x2000  }
0x15f: {  	_ =	swait.ge [sflag:s18], $0x2000  }
0x160: {  	[sflag:s18] =	ssyncset.done $0x0  }
0x161: {  	[sflag:s18] =	ssyncadd.s32 $0xFFFFE000  }
0x162: {  	[bflag:$0x0] =	sbarrier.arrive $0xFFFF  }
0x163: {  	s16 =	sld [smem:$0x7E4];
	_ =	sdelay $0x1  }
0x164: {  	s21 =	rddreg [dreg:$0x5]  }
0x165: {  	[spmem:s16], [sflag:s22] =	dma.local @!p0 [hbm:s21], $0x20010  }
0x166: {  	s21 =	simm.s32 @!p0 $0x1  }
0x167: {  	_ =	swait.ge @!p0 [sflag:s21], $0x20010  }
0x168: {  	[sflag:s21] =	ssyncset.done @!p0 $0x0  }
0x169: {  	[sflag:s21] =	ssyncadd.s32 @!p0 $0xFFFDFFF0  }
0x16a: {  	s24 =	sadd.s32 $0x0, s0;
	[bflag:$0x0] =	sbarrier.arrive $0xFFFF  }
0x16b: {  	[tilespmem:s17], [sflag:$0x1] =	stream.linear.gather [hbm4b:s24+s3], $0x80, $0x38;
	[tilespmem:$0x10108] =	vst v63  }
0x16c: {  	_ =	swait.ge [sflag:s18], $0x80  }
0x16d: {  	s16 =	sld [smem:$0x7E8];
	_ =	sdelay $0x1  }
0x16e: {  	[sflag:s18] =	ssyncset.done $0x0  }
0x16f: {  	[sflag:s18] =	ssyncadd.s32 $0xFFFFFF80;
	s25 =	sadd.s32 $0x0, s16  }
0x170: {  	[tilespmem:s19], [sflag:$0x1] =	stream.linear.gather [hbm4b:s25+s3], $0x80, $0x38;
	[tilespmem:$0x10108] =	vst v63  }
0x171: {  	_ =	swait.ge [sflag:s18], $0x80  }
0x172: {  	[sflag:s18] =	ssyncset.done $0x0  }
0x173: {  	[sflag:s18] =	ssyncadd.s32 $0xFFFFFF80  }
0x174: {  	[spmem:s1] =	stream.indirect.scatter.add.f32 [tilespmem:s19], [sflag:$0x1], $0x1, s17, s20, $0xb8;
	[tilespmem:$0x10108] =	vst v63  }
0x175: {  	_ =	swait.ge [sflag:s18], $0x80  }
0x176: {  	s22 =	simm.s32 $0x20;
	s21 =	simm.s32 $0x10;
	[sflag:s18] =	ssyncset.done $0x0  }
.LBB2_12:
0x177: {  	s23 =	sadd.s32 s21, s0  }
0x178: {  	[sflag:s18] =	ssyncadd.s32 $0xFFFFFF80;
	s24 =	smov.u32 s22;
	s25 =	sadd.s32 $0x10, s22  }
0x179: {  	[tilespmem:s17], [sflag:$0x1] =	stream.linear.gather [hbm4b:s23+s3], $0x80, $0x38;
	[tilespmem:$0x10108] =	vst v63  }
0x17a: {  	p1 =	sne.s32 s22, $0x7F0;
	_ =	swait.ge [sflag:s18], $0x80  }
0x17b: {  	[sflag:s18] =	ssyncset.done $0x0  }
0x17c: {  	s22 =	sadd.s32 s21, s16;
	s21 =	smov.u32 s24;
	[sflag:s18] =	ssyncadd.s32 $0xFFFFFF80  }
0x17d: {  	[tilespmem:s19], [sflag:$0x1] =	stream.linear.gather [hbm4b:s22+s3], $0x80, $0x38;
	[tilespmem:$0x10108] =	vst v63  }
0x17e: {  	_ =	swait.ge [sflag:s18], $0x80  }
.Ltmp5:
0x17f: {  	[sflag:s18] =	ssyncset.done $0x0;
	(pc) =	sbr.rel @p1 .LBB2_12-.Ltmp5, $4  }
0x180: {  	[sflag:s18] =	ssyncadd.s32 $0xFFFFFF80  }
0x181: {  	[spmem:s1] =	stream.indirect.scatter.add.f32 [tilespmem:s19], [sflag:$0x1], $0x1, s17, s20, $0xb8;
	[tilespmem:$0x10108] =	vst v63  }
0x182: {  	_ =	swait.ge [sflag:s18], $0x80  }
0x183: {  	s22 =	smov.u32 s25;
	[sflag:s18] =	ssyncset.done $0x0  }
0x184: {  	s22 =	sadd.s32 s21, s0;
	[sflag:s18] =	ssyncadd.s32 $0xFFFFFF80  }
0x185: {  	[tilespmem:s17], [sflag:$0x1] =	stream.linear.gather [hbm4b:s22+s3], $0x80, $0x38;
	[tilespmem:$0x10108] =	vst v63  }
0x186: {  	_ =	swait.ge [sflag:s18], $0x80  }
0x187: {  	[sflag:s18] =	ssyncset.done $0x0  }
0x188: {  	s25 =	sadd.s32 s21, s16;
	[sflag:s18] =	ssyncadd.s32 $0xFFFFFF80  }
0x189: {  	[tilespmem:s19], [sflag:$0x1] =	stream.linear.gather [hbm4b:s25+s3], $0x80, $0x38;
	[tilespmem:$0x10108] =	vst v63  }
0x18a: {  	_ =	swait.ge [sflag:s18], $0x80  }
0x18b: {  	[sflag:s18] =	ssyncset.done $0x0  }
0x18c: {  	[sflag:s18] =	ssyncadd.s32 $0xFFFFFF80  }
0x18d: {  	[spmem:s1] =	stream.indirect.scatter.add.f32 [tilespmem:s19], [sflag:$0x1], $0x1, s17, s20, $0xb8;
	[tilespmem:$0x10108] =	vst v63  }
0x18e: {  	_ =	swait.ge [sflag:s18], $0x80  }
0x18f: {  	[sflag:s18] =	ssyncset.done $0x0  }
0x190: {  	[sflag:s18] =	ssyncadd.s32 $0xFFFFFF80  }
0x191: {  	[bflag:$0x0] =	sbarrier.arrive $0xFFFF  }
0x192: {  	s22 =	sld [smem:$0x7E2]  }
0x193: {  	s23 =	sld [smem:$0x7E1];
	_ =	sdelay $0x1  }
0x194: {  	s16 =	rddreg [dreg:$0xb]  }
0x195: {  	[hbm:s16], [sflag:s22] =	dma.local [spmem:s23], $0x2000  }
0x196: {  	_ =	swait.ge [sflag:s18], $0x2000  }
0x197: {  	[sflag:s18] =	ssyncset.done $0x0  }
0x198: {  	[sflag:s18] =	ssyncadd.s32 $0xFFFFE000  }
0x199: {  	[bflag:$0x0] =	sbarrier.arrive $0xFFFF  }
0x19a: {  	s16 =	sld [smem:$0x7E4];
	_ =	sdelay $0x1  }
0x19b: {  	s21 =	rddreg [dreg:$0x5]  }
0x19c: {  	[spmem:s16], [sflag:s22] =	dma.local @!p0 [hbm:s21], $0x20010  }
0x19d: {  	s21 =	simm.s32 @!p0 $0x1  }
0x19e: {  	_ =	swait.ge @!p0 [sflag:s21], $0x20010  }
0x19f: {  	[sflag:s21] =	ssyncset.done @!p0 $0x0  }
0x1a0: {  	[sflag:s21] =	ssyncadd.s32 @!p0 $0xFFFDFFF0  }
0x1a1: {  	s24 =	sadd.s32 $0x0, s5;
	[bflag:$0x0] =	sbarrier.arrive $0xFFFF  }
0x1a2: {  	[tilespmem:s17], [sflag:$0x1] =	stream.linear.gather [hbm4b:s24+s3], $0x80, $0x38;
	[tilespmem:$0x10108] =	vst v63  }
0x1a3: {  	_ =	swait.ge [sflag:s18], $0x80  }
0x1a4: {  	s16 =	sld [smem:$0x7E9];
	_ =	sdelay $0x1  }
0x1a5: {  	[sflag:s18] =	ssyncset.done $0x0  }
0x1a6: {  	[sflag:s18] =	ssyncadd.s32 $0xFFFFFF80;
	s25 =	sadd.s32 $0x0, s16  }
0x1a7: {  	[tilespmem:s19], [sflag:$0x1] =	stream.linear.gather [hbm4b:s25+s3], $0x80, $0x38;
	[tilespmem:$0x10108] =	vst v63  }
0x1a8: {  	_ =	swait.ge [sflag:s18], $0x80  }
0x1a9: {  	[sflag:s18] =	ssyncset.done $0x0  }
0x1aa: {  	[sflag:s18] =	ssyncadd.s32 $0xFFFFFF80  }
0x1ab: {  	[spmem:s1] =	stream.indirect.scatter.add.f32 [tilespmem:s19], [sflag:$0x1], $0x1, s17, s20, $0xb8;
	[tilespmem:$0x10108] =	vst v63  }
0x1ac: {  	_ =	swait.ge [sflag:s18], $0x80  }
0x1ad: {  	s22 =	simm.s32 $0x20;
	s21 =	simm.s32 $0x10;
	[sflag:s18] =	ssyncset.done $0x0  }
.LBB2_14:
0x1ae: {  	s23 =	sadd.s32 s21, s5  }
0x1af: {  	[sflag:s18] =	ssyncadd.s32 $0xFFFFFF80;
	s24 =	smov.u32 s22;
	s25 =	sadd.s32 $0x10, s22  }
0x1b0: {  	[tilespmem:s17], [sflag:$0x1] =	stream.linear.gather [hbm4b:s23+s3], $0x80, $0x38;
	[tilespmem:$0x10108] =	vst v63  }
0x1b1: {  	p1 =	sne.s32 s22, $0x7F0;
	_ =	swait.ge [sflag:s18], $0x80  }
0x1b2: {  	[sflag:s18] =	ssyncset.done $0x0  }
0x1b3: {  	s22 =	sadd.s32 s21, s16;
	s21 =	smov.u32 s24;
	[sflag:s18] =	ssyncadd.s32 $0xFFFFFF80  }
0x1b4: {  	[tilespmem:s19], [sflag:$0x1] =	stream.linear.gather [hbm4b:s22+s3], $0x80, $0x38;
	[tilespmem:$0x10108] =	vst v63  }
0x1b5: {  	_ =	swait.ge [sflag:s18], $0x80  }
.Ltmp6:
0x1b6: {  	[sflag:s18] =	ssyncset.done $0x0;
	(pc) =	sbr.rel @p1 .LBB2_14-.Ltmp6, $4  }
0x1b7: {  	[sflag:s18] =	ssyncadd.s32 $0xFFFFFF80  }
0x1b8: {  	[spmem:s1] =	stream.indirect.scatter.add.f32 [tilespmem:s19], [sflag:$0x1], $0x1, s17, s20, $0xb8;
	[tilespmem:$0x10108] =	vst v63  }
0x1b9: {  	_ =	swait.ge [sflag:s18], $0x80  }
0x1ba: {  	s22 =	smov.u32 s25;
	[sflag:s18] =	ssyncset.done $0x0  }
0x1bb: {  	s22 =	sadd.s32 s21, s5;
	[sflag:s18] =	ssyncadd.s32 $0xFFFFFF80  }
0x1bc: {  	[tilespmem:s17], [sflag:$0x1] =	stream.linear.gather [hbm4b:s22+s3], $0x80, $0x38;
	[tilespmem:$0x10108] =	vst v63  }
0x1bd: {  	_ =	swait.ge [sflag:s18], $0x80  }
0x1be: {  	[sflag:s18] =	ssyncset.done $0x0  }
0x1bf: {  	s25 =	sadd.s32 s21, s16;
	[sflag:s18] =	ssyncadd.s32 $0xFFFFFF80  }
0x1c0: {  	[tilespmem:s19], [sflag:$0x1] =	stream.linear.gather [hbm4b:s25+s3], $0x80, $0x38;
	[tilespmem:$0x10108] =	vst v63  }
0x1c1: {  	_ =	swait.ge [sflag:s18], $0x80  }
0x1c2: {  	[sflag:s18] =	ssyncset.done $0x0  }
0x1c3: {  	[sflag:s18] =	ssyncadd.s32 $0xFFFFFF80  }
0x1c4: {  	[spmem:s1] =	stream.indirect.scatter.add.f32 [tilespmem:s19], [sflag:$0x1], $0x1, s17, s20, $0xb8;
	[tilespmem:$0x10108] =	vst v63  }
0x1c5: {  	_ =	swait.ge [sflag:s18], $0x80  }
0x1c6: {  	[sflag:s18] =	ssyncset.done $0x0  }
0x1c7: {  	[sflag:s18] =	ssyncadd.s32 $0xFFFFFF80  }
0x1c8: {  	[bflag:$0x0] =	sbarrier.arrive $0xFFFF  }
0x1c9: {  	s22 =	sld [smem:$0x7E2]  }
0x1ca: {  	s23 =	sld [smem:$0x7E1];
	_ =	sdelay $0x1  }
0x1cb: {  	s16 =	rddreg [dreg:$0xc]  }
0x1cc: {  	[hbm:s16], [sflag:s22] =	dma.local [spmem:s23], $0x2000  }
0x1cd: {  	_ =	swait.ge [sflag:s18], $0x2000  }
0x1ce: {  	[sflag:s18] =	ssyncset.done $0x0  }
0x1cf: {  	[sflag:s18] =	ssyncadd.s32 $0xFFFFE000  }
0x1d0: {  	[bflag:$0x0] =	sbarrier.arrive $0xFFFF  }
0x1d1: {  	s16 =	sld [smem:$0x7E4];
	_ =	sdelay $0x1  }
0x1d2: {  	s21 =	rddreg [dreg:$0x5]  }
0x1d3: {  	[spmem:s16], [sflag:s22] =	dma.local @!p0 [hbm:s21], $0x20010  }
0x1d4: {  	s21 =	simm.s32 @!p0 $0x1  }
0x1d5: {  	_ =	swait.ge @!p0 [sflag:s21], $0x20010  }
0x1d6: {  	[sflag:s21] =	ssyncset.done @!p0 $0x0  }
0x1d7: {  	[sflag:s21] =	ssyncadd.s32 @!p0 $0xFFFDFFF0  }
0x1d8: {  	s24 =	sadd.s32 $0x0, s6;
	[bflag:$0x0] =	sbarrier.arrive $0xFFFF  }
0x1d9: {  	[tilespmem:s17], [sflag:$0x1] =	stream.linear.gather [hbm4b:s24+s3], $0x80, $0x38;
	[tilespmem:$0x10108] =	vst v63  }
0x1da: {  	_ =	swait.ge [sflag:s18], $0x80  }
0x1db: {  	s16 =	sld [smem:$0x7EA];
	_ =	sdelay $0x1  }
0x1dc: {  	[sflag:s18] =	ssyncset.done $0x0  }
0x1dd: {  	[sflag:s18] =	ssyncadd.s32 $0xFFFFFF80;
	s25 =	sadd.s32 $0x0, s16  }
0x1de: {  	[tilespmem:s19], [sflag:$0x1] =	stream.linear.gather [hbm4b:s25+s3], $0x80, $0x38;
	[tilespmem:$0x10108] =	vst v63  }
0x1df: {  	_ =	swait.ge [sflag:s18], $0x80  }
0x1e0: {  	[sflag:s18] =	ssyncset.done $0x0  }
0x1e1: {  	[sflag:s18] =	ssyncadd.s32 $0xFFFFFF80  }
0x1e2: {  	[spmem:s1] =	stream.indirect.scatter.add.f32 [tilespmem:s19], [sflag:$0x1], $0x1, s17, s20, $0xb8;
	[tilespmem:$0x10108] =	vst v63  }
0x1e3: {  	_ =	swait.ge [sflag:s18], $0x80  }
0x1e4: {  	s22 =	simm.s32 $0x20;
	s21 =	simm.s32 $0x10;
	[sflag:s18] =	ssyncset.done $0x0  }
.LBB2_16:
0x1e5: {  	s23 =	sadd.s32 s21, s6  }
0x1e6: {  	[sflag:s18] =	ssyncadd.s32 $0xFFFFFF80;
	s24 =	smov.u32 s22;
	s25 =	sadd.s32 $0x10, s22  }
0x1e7: {  	[tilespmem:s17], [sflag:$0x1] =	stream.linear.gather [hbm4b:s23+s3], $0x80, $0x38;
	[tilespmem:$0x10108] =	vst v63  }
0x1e8: {  	p1 =	sne.s32 s22, $0x7F0;
	_ =	swait.ge [sflag:s18], $0x80  }
0x1e9: {  	[sflag:s18] =	ssyncset.done $0x0  }
0x1ea: {  	s22 =	sadd.s32 s21, s16;
	s21 =	smov.u32 s24;
	[sflag:s18] =	ssyncadd.s32 $0xFFFFFF80  }
0x1eb: {  	[tilespmem:s19], [sflag:$0x1] =	stream.linear.gather [hbm4b:s22+s3], $0x80, $0x38;
	[tilespmem:$0x10108] =	vst v63  }
0x1ec: {  	_ =	swait.ge [sflag:s18], $0x80  }
.Ltmp7:
0x1ed: {  	[sflag:s18] =	ssyncset.done $0x0;
	(pc) =	sbr.rel @p1 .LBB2_16-.Ltmp7, $4  }
0x1ee: {  	[sflag:s18] =	ssyncadd.s32 $0xFFFFFF80  }
0x1ef: {  	[spmem:s1] =	stream.indirect.scatter.add.f32 [tilespmem:s19], [sflag:$0x1], $0x1, s17, s20, $0xb8;
	[tilespmem:$0x10108] =	vst v63  }
0x1f0: {  	_ =	swait.ge [sflag:s18], $0x80  }
0x1f1: {  	s22 =	smov.u32 s25;
	[sflag:s18] =	ssyncset.done $0x0  }
0x1f2: {  	s22 =	sadd.s32 s21, s6;
	[sflag:s18] =	ssyncadd.s32 $0xFFFFFF80  }
0x1f3: {  	[tilespmem:s17], [sflag:$0x1] =	stream.linear.gather [hbm4b:s22+s3], $0x80, $0x38;
	[tilespmem:$0x10108] =	vst v63  }
0x1f4: {  	_ =	swait.ge [sflag:s18], $0x80  }
0x1f5: {  	[sflag:s18] =	ssyncset.done $0x0  }
0x1f6: {  	s25 =	sadd.s32 s21, s16;
	[sflag:s18] =	ssyncadd.s32 $0xFFFFFF80  }
0x1f7: {  	[tilespmem:s19], [sflag:$0x1] =	stream.linear.gather [hbm4b:s25+s3], $0x80, $0x38;
	[tilespmem:$0x10108] =	vst v63  }
0x1f8: {  	_ =	swait.ge [sflag:s18], $0x80  }
0x1f9: {  	[sflag:s18] =	ssyncset.done $0x0  }
0x1fa: {  	[sflag:s18] =	ssyncadd.s32 $0xFFFFFF80  }
0x1fb: {  	[spmem:s1] =	stream.indirect.scatter.add.f32 [tilespmem:s19], [sflag:$0x1], $0x1, s17, s20, $0xb8;
	[tilespmem:$0x10108] =	vst v63  }
0x1fc: {  	_ =	swait.ge [sflag:s18], $0x80  }
0x1fd: {  	[sflag:s18] =	ssyncset.done $0x0  }
0x1fe: {  	[sflag:s18] =	ssyncadd.s32 $0xFFFFFF80  }
0x1ff: {  	[bflag:$0x0] =	sbarrier.arrive $0xFFFF  }
0x200: {  	s22 =	sld [smem:$0x7E2]  }
0x201: {  	s23 =	sld [smem:$0x7E1];
	_ =	sdelay $0x1  }
0x202: {  	s16 =	rddreg [dreg:$0xd]  }
0x203: {  	[hbm:s16], [sflag:s22] =	dma.local [spmem:s23], $0x2000  }
0x204: {  	_ =	swait.ge [sflag:s18], $0x2000  }
0x205: {  	[sflag:s18] =	ssyncset.done $0x0  }
0x206: {  	[sflag:s18] =	ssyncadd.s32 $0xFFFFE000  }
0x207: {  	[bflag:$0x0] =	sbarrier.arrive $0xFFFF  }
0x208: {  	s16 =	sld [smem:$0x7E4];
	_ =	sdelay $0x1  }
0x209: {  	s21 =	rddreg [dreg:$0x5]  }
0x20a: {  	[spmem:s16], [sflag:s22] =	dma.local @!p0 [hbm:s21], $0x20010  }
0x20b: {  	s21 =	simm.s32 @!p0 $0x1  }
0x20c: {  	_ =	swait.ge @!p0 [sflag:s21], $0x20010  }
0x20d: {  	[sflag:s21] =	ssyncset.done @!p0 $0x0  }
0x20e: {  	[sflag:s21] =	ssyncadd.s32 @!p0 $0xFFFDFFF0  }
0x20f: {  	s24 =	sadd.s32 $0x0, s4;
	[bflag:$0x0] =	sbarrier.arrive $0xFFFF  }
0x210: {  	[tilespmem:s17], [sflag:$0x1] =	stream.linear.gather [hbm4b:s24+s3], $0x80, $0x38;
	[tilespmem:$0x10108] =	vst v63  }
0x211: {  	_ =	swait.ge [sflag:s18], $0x80  }
0x212: {  	s16 =	sld [smem:$0x7EB];
	_ =	sdelay $0x1  }
0x213: {  	[sflag:s18] =	ssyncset.done $0x0  }
0x214: {  	[sflag:s18] =	ssyncadd.s32 $0xFFFFFF80;
	s25 =	sadd.s32 $0x0, s16  }
0x215: {  	[tilespmem:s19], [sflag:$0x1] =	stream.linear.gather [hbm4b:s25+s3], $0x80, $0x38;
	[tilespmem:$0x10108] =	vst v63  }
0x216: {  	_ =	swait.ge [sflag:s18], $0x80  }
0x217: {  	[sflag:s18] =	ssyncset.done $0x0  }
0x218: {  	[sflag:s18] =	ssyncadd.s32 $0xFFFFFF80  }
0x219: {  	[spmem:s1] =	stream.indirect.scatter.add.f32 [tilespmem:s19], [sflag:$0x1], $0x1, s17, s20, $0xb8;
	[tilespmem:$0x10108] =	vst v63  }
0x21a: {  	_ =	swait.ge [sflag:s18], $0x80  }
0x21b: {  	s22 =	simm.s32 $0x20;
	s21 =	simm.s32 $0x10;
	[sflag:s18] =	ssyncset.done $0x0  }
.LBB2_18:
0x21c: {  	s23 =	sadd.s32 s21, s4  }
0x21d: {  	[sflag:s18] =	ssyncadd.s32 $0xFFFFFF80;
	s24 =	smov.u32 s22;
	s25 =	sadd.s32 $0x10, s22  }
0x21e: {  	[tilespmem:s17], [sflag:$0x1] =	stream.linear.gather [hbm4b:s23+s3], $0x80, $0x38;
	[tilespmem:$0x10108] =	vst v63  }
0x21f: {  	p1 =	sne.s32 s22, $0x7F0;
	_ =	swait.ge [sflag:s18], $0x80  }
0x220: {  	[sflag:s18] =	ssyncset.done $0x0  }
0x221: {  	s22 =	sadd.s32 s21, s16;
	s21 =	smov.u32 s24;
	[sflag:s18] =	ssyncadd.s32 $0xFFFFFF80  }
0x222: {  	[tilespmem:s19], [sflag:$0x1] =	stream.linear.gather [hbm4b:s22+s3], $0x80, $0x38;
	[tilespmem:$0x10108] =	vst v63  }
0x223: {  	_ =	swait.ge [sflag:s18], $0x80  }
.Ltmp8:
0x224: {  	[sflag:s18] =	ssyncset.done $0x0;
	(pc) =	sbr.rel @p1 .LBB2_18-.Ltmp8, $4  }
0x225: {  	[sflag:s18] =	ssyncadd.s32 $0xFFFFFF80  }
0x226: {  	[spmem:s1] =	stream.indirect.scatter.add.f32 [tilespmem:s19], [sflag:$0x1], $0x1, s17, s20, $0xb8;
	[tilespmem:$0x10108] =	vst v63  }
0x227: {  	_ =	swait.ge [sflag:s18], $0x80  }
0x228: {  	s22 =	smov.u32 s25;
	[sflag:s18] =	ssyncset.done $0x0  }
0x229: {  	s22 =	sadd.s32 s21, s4;
	[sflag:s18] =	ssyncadd.s32 $0xFFFFFF80  }
0x22a: {  	[tilespmem:s17], [sflag:$0x1] =	stream.linear.gather [hbm4b:s22+s3], $0x80, $0x38;
	[tilespmem:$0x10108] =	vst v63  }
0x22b: {  	_ =	swait.ge [sflag:s18], $0x80  }
0x22c: {  	[sflag:s18] =	ssyncset.done $0x0  }
0x22d: {  	s25 =	sadd.s32 s21, s16;
	[sflag:s18] =	ssyncadd.s32 $0xFFFFFF80  }
0x22e: {  	[tilespmem:s19], [sflag:$0x1] =	stream.linear.gather [hbm4b:s25+s3], $0x80, $0x38;
	[tilespmem:$0x10108] =	vst v63  }
0x22f: {  	_ =	swait.ge [sflag:s18], $0x80  }
0x230: {  	[sflag:s18] =	ssyncset.done $0x0  }
0x231: {  	[sflag:s18] =	ssyncadd.s32 $0xFFFFFF80  }
0x232: {  	[spmem:s1] =	stream.indirect.scatter.add.f32 [tilespmem:s19], [sflag:$0x1], $0x1, s17, s20, $0xb8;
	[tilespmem:$0x10108] =	vst v63  }
0x233: {  	_ =	swait.ge [sflag:s18], $0x80  }
0x234: {  	[sflag:s18] =	ssyncset.done $0x0  }
0x235: {  	[sflag:s18] =	ssyncadd.s32 $0xFFFFFF80  }
0x236: {  	[bflag:$0x0] =	sbarrier.arrive $0xFFFF  }
0x237: {  	s22 =	sld [smem:$0x7E2]  }
0x238: {  	s23 =	sld [smem:$0x7E1];
	_ =	sdelay $0x1  }
0x239: {  	s16 =	rddreg [dreg:$0xe]  }
0x23a: {  	[hbm:s16], [sflag:s22] =	dma.local [spmem:s23], $0x2000  }
0x23b: {  	_ =	swait.ge [sflag:s18], $0x2000  }
0x23c: {  	[sflag:s18] =	ssyncset.done $0x0  }
0x23d: {  	[sflag:s18] =	ssyncadd.s32 $0xFFFFE000  }
0x23e: {  	[bflag:$0x0] =	sbarrier.arrive $0xFFFF  }
0x23f: {  	s16 =	sld [smem:$0x7E4];
	_ =	sdelay $0x1  }
0x240: {  	s21 =	rddreg [dreg:$0x5]  }
0x241: {  	[spmem:s16], [sflag:s22] =	dma.local @!p0 [hbm:s21], $0x20010  }
0x242: {  	s21 =	simm.s32 @!p0 $0x1  }
0x243: {  	_ =	swait.ge @!p0 [sflag:s21], $0x20010  }
0x244: {  	[sflag:s21] =	ssyncset.done @!p0 $0x0  }
0x245: {  	[sflag:s21] =	ssyncadd.s32 @!p0 $0xFFFDFFF0  }
0x246: {  	s24 =	sadd.s32 $0x0, s7;
	[bflag:$0x0] =	sbarrier.arrive $0xFFFF  }
0x247: {  	[tilespmem:s17], [sflag:$0x1] =	stream.linear.gather [hbm4b:s24+s3], $0x80, $0x38;
	[tilespmem:$0x10108] =	vst v63  }
0x248: {  	_ =	swait.ge [sflag:s18], $0x80  }
0x249: {  	s16 =	sld [smem:$0x7ED];
	_ =	sdelay $0x1  }
0x24a: {  	[sflag:s18] =	ssyncset.done $0x0  }
0x24b: {  	[sflag:s18] =	ssyncadd.s32 $0xFFFFFF80;
	s25 =	sadd.s32 $0x0, s16  }
0x24c: {  	[tilespmem:s19], [sflag:$0x1] =	stream.linear.gather [hbm4b:s25+s3], $0x80, $0x38;
	[tilespmem:$0x10108] =	vst v63  }
0x24d: {  	_ =	swait.ge [sflag:s18], $0x80  }
0x24e: {  	[sflag:s18] =	ssyncset.done $0x0  }
0x24f: {  	[sflag:s18] =	ssyncadd.s32 $0xFFFFFF80  }
0x250: {  	[spmem:s1] =	stream.indirect.scatter.add.f32 [tilespmem:s19], [sflag:$0x1], $0x1, s17, s20, $0xb8;
	[tilespmem:$0x10108] =	vst v63  }
0x251: {  	_ =	swait.ge [sflag:s18], $0x80  }
0x252: {  	s22 =	simm.s32 $0x20;
	s21 =	simm.s32 $0x10;
	[sflag:s18] =	ssyncset.done $0x0  }
.LBB2_20:
0x253: {  	s23 =	sadd.s32 s21, s7  }
0x254: {  	[sflag:s18] =	ssyncadd.s32 $0xFFFFFF80;
	s24 =	smov.u32 s22;
	s25 =	sadd.s32 $0x10, s22  }
0x255: {  	[tilespmem:s17], [sflag:$0x1] =	stream.linear.gather [hbm4b:s23+s3], $0x80, $0x38;
	[tilespmem:$0x10108] =	vst v63  }
0x256: {  	p1 =	sne.s32 s22, $0x7F0;
	_ =	swait.ge [sflag:s18], $0x80  }
0x257: {  	[sflag:s18] =	ssyncset.done $0x0  }
0x258: {  	s22 =	sadd.s32 s21, s16;
	s21 =	smov.u32 s24;
	[sflag:s18] =	ssyncadd.s32 $0xFFFFFF80  }
0x259: {  	[tilespmem:s19], [sflag:$0x1] =	stream.linear.gather [hbm4b:s22+s3], $0x80, $0x38;
	[tilespmem:$0x10108] =	vst v63  }
0x25a: {  	_ =	swait.ge [sflag:s18], $0x80  }
.Ltmp9:
0x25b: {  	[sflag:s18] =	ssyncset.done $0x0;
	(pc) =	sbr.rel @p1 .LBB2_20-.Ltmp9, $4  }
0x25c: {  	[sflag:s18] =	ssyncadd.s32 $0xFFFFFF80  }
0x25d: {  	[spmem:s1] =	stream.indirect.scatter.add.f32 [tilespmem:s19], [sflag:$0x1], $0x1, s17, s20, $0xb8;
	[tilespmem:$0x10108] =	vst v63  }
0x25e: {  	_ =	swait.ge [sflag:s18], $0x80  }
0x25f: {  	s22 =	smov.u32 s25;
	[sflag:s18] =	ssyncset.done $0x0  }
0x260: {  	s22 =	sadd.s32 s21, s7;
	[sflag:s18] =	ssyncadd.s32 $0xFFFFFF80  }
0x261: {  	[tilespmem:s17], [sflag:$0x1] =	stream.linear.gather [hbm4b:s22+s3], $0x80, $0x38;
	[tilespmem:$0x10108] =	vst v63  }
0x262: {  	_ =	swait.ge [sflag:s18], $0x80  }
0x263: {  	[sflag:s18] =	ssyncset.done $0x0  }
0x264: {  	s25 =	sadd.s32 s21, s16;
	[sflag:s18] =	ssyncadd.s32 $0xFFFFFF80  }
0x265: {  	[tilespmem:s19], [sflag:$0x1] =	stream.linear.gather [hbm4b:s25+s3], $0x80, $0x38;
	[tilespmem:$0x10108] =	vst v63  }
0x266: {  	_ =	swait.ge [sflag:s18], $0x80  }
0x267: {  	[sflag:s18] =	ssyncset.done $0x0  }
0x268: {  	[sflag:s18] =	ssyncadd.s32 $0xFFFFFF80  }
0x269: {  	[spmem:s1] =	stream.indirect.scatter.add.f32 [tilespmem:s19], [sflag:$0x1], $0x1, s17, s20, $0xb8;
	[tilespmem:$0x10108] =	vst v63  }
0x26a: {  	_ =	swait.ge [sflag:s18], $0x80  }
0x26b: {  	[sflag:s18] =	ssyncset.done $0x0  }
0x26c: {  	[sflag:s18] =	ssyncadd.s32 $0xFFFFFF80  }
0x26d: {  	[bflag:$0x0] =	sbarrier.arrive $0xFFFF  }
0x26e: {  	s22 =	sld [smem:$0x7E2]  }
0x26f: {  	s23 =	sld [smem:$0x7E1];
	_ =	sdelay $0x1  }
0x270: {  	s16 =	rddreg [dreg:$0xf]  }
0x271: {  	[hbm:s16], [sflag:s22] =	dma.local [spmem:s23], $0x2000  }
0x272: {  	_ =	swait.ge [sflag:s18], $0x2000  }
0x273: {  	[sflag:s18] =	ssyncset.done $0x0  }
0x274: {  	[sflag:s18] =	ssyncadd.s32 $0xFFFFE000  }
0x275: {  	[bflag:$0x0] =	sbarrier.arrive $0xFFFF  }
0x276: {  	s16 =	sld [smem:$0x7E4];
	_ =	sdelay $0x1  }
0x277: {  	s21 =	rddreg [dreg:$0x5]  }
0x278: {  	[spmem:s16], [sflag:s22] =	dma.local @!p0 [hbm:s21], $0x20010  }
0x279: {  	s21 =	simm.s32 @!p0 $0x1  }
0x27a: {  	_ =	swait.ge @!p0 [sflag:s21], $0x20010  }
0x27b: {  	[sflag:s21] =	ssyncset.done @!p0 $0x0  }
0x27c: {  	[sflag:s21] =	ssyncadd.s32 @!p0 $0xFFFDFFF0  }
0x27d: {  	s24 =	sadd.s32 $0x0, s8;
	[bflag:$0x0] =	sbarrier.arrive $0xFFFF  }
0x27e: {  	[tilespmem:s17], [sflag:$0x1] =	stream.linear.gather [hbm4b:s24+s3], $0x80, $0x38;
	[tilespmem:$0x10108] =	vst v63  }
0x27f: {  	_ =	swait.ge [sflag:s18], $0x80  }
0x280: {  	s16 =	sld [smem:$0x7EE];
	_ =	sdelay $0x1  }
0x281: {  	[sflag:s18] =	ssyncset.done $0x0  }
0x282: {  	[sflag:s18] =	ssyncadd.s32 $0xFFFFFF80;
	s25 =	sadd.s32 $0x0, s16  }
0x283: {  	[tilespmem:s19], [sflag:$0x1] =	stream.linear.gather [hbm4b:s25+s3], $0x80, $0x38;
	[tilespmem:$0x10108] =	vst v63  }
0x284: {  	_ =	swait.ge [sflag:s18], $0x80  }
0x285: {  	[sflag:s18] =	ssyncset.done $0x0  }
0x286: {  	[sflag:s18] =	ssyncadd.s32 $0xFFFFFF80  }
0x287: {  	[spmem:s1] =	stream.indirect.scatter.add.f32 [tilespmem:s19], [sflag:$0x1], $0x1, s17, s20, $0xb8;
	[tilespmem:$0x10108] =	vst v63  }
0x288: {  	_ =	swait.ge [sflag:s18], $0x80  }
0x289: {  	s22 =	simm.s32 $0x20;
	s21 =	simm.s32 $0x10;
	[sflag:s18] =	ssyncset.done $0x0  }
.LBB2_22:
0x28a: {  	s23 =	sadd.s32 s21, s8  }
0x28b: {  	[sflag:s18] =	ssyncadd.s32 $0xFFFFFF80;
	s24 =	smov.u32 s22;
	s25 =	sadd.s32 $0x10, s22  }
0x28c: {  	[tilespmem:s17], [sflag:$0x1] =	stream.linear.gather [hbm4b:s23+s3], $0x80, $0x38;
	[tilespmem:$0x10108] =	vst v63  }
0x28d: {  	p1 =	sne.s32 s22, $0x7F0;
	_ =	swait.ge [sflag:s18], $0x80  }
0x28e: {  	[sflag:s18] =	ssyncset.done $0x0  }
0x28f: {  	s22 =	sadd.s32 s21, s16;
	s21 =	smov.u32 s24;
	[sflag:s18] =	ssyncadd.s32 $0xFFFFFF80  }
0x290: {  	[tilespmem:s19], [sflag:$0x1] =	stream.linear.gather [hbm4b:s22+s3], $0x80, $0x38;
	[tilespmem:$0x10108] =	vst v63  }
0x291: {  	_ =	swait.ge [sflag:s18], $0x80  }
.Ltmp10:
0x292: {  	[sflag:s18] =	ssyncset.done $0x0;
	(pc) =	sbr.rel @p1 .LBB2_22-.Ltmp10, $4  }
0x293: {  	[sflag:s18] =	ssyncadd.s32 $0xFFFFFF80  }
0x294: {  	[spmem:s1] =	stream.indirect.scatter.add.f32 [tilespmem:s19], [sflag:$0x1], $0x1, s17, s20, $0xb8;
	[tilespmem:$0x10108] =	vst v63  }
0x295: {  	_ =	swait.ge [sflag:s18], $0x80  }
0x296: {  	s22 =	smov.u32 s25;
	[sflag:s18] =	ssyncset.done $0x0  }
0x297: {  	s22 =	sadd.s32 s21, s8;
	[sflag:s18] =	ssyncadd.s32 $0xFFFFFF80  }
0x298: {  	[tilespmem:s17], [sflag:$0x1] =	stream.linear.gather [hbm4b:s22+s3], $0x80, $0x38;
	[tilespmem:$0x10108] =	vst v63  }
0x299: {  	_ =	swait.ge [sflag:s18], $0x80  }
0x29a: {  	[sflag:s18] =	ssyncset.done $0x0  }
0x29b: {  	s25 =	sadd.s32 s21, s16;
	[sflag:s18] =	ssyncadd.s32 $0xFFFFFF80  }
0x29c: {  	[tilespmem:s19], [sflag:$0x1] =	stream.linear.gather [hbm4b:s25+s3], $0x80, $0x38;
	[tilespmem:$0x10108] =	vst v63  }
0x29d: {  	_ =	swait.ge [sflag:s18], $0x80  }
0x29e: {  	[sflag:s18] =	ssyncset.done $0x0  }
0x29f: {  	[sflag:s18] =	ssyncadd.s32 $0xFFFFFF80  }
0x2a0: {  	[spmem:s1] =	stream.indirect.scatter.add.f32 [tilespmem:s19], [sflag:$0x1], $0x1, s17, s20, $0xb8;
	[tilespmem:$0x10108] =	vst v63  }
0x2a1: {  	_ =	swait.ge [sflag:s18], $0x80  }
0x2a2: {  	[sflag:s18] =	ssyncset.done $0x0  }
0x2a3: {  	[sflag:s18] =	ssyncadd.s32 $0xFFFFFF80  }
0x2a4: {  	[bflag:$0x0] =	sbarrier.arrive $0xFFFF  }
0x2a5: {  	s22 =	sld [smem:$0x7E2]  }
0x2a6: {  	s23 =	sld [smem:$0x7E1];
	_ =	sdelay $0x1  }
0x2a7: {  	s16 =	rddreg [dreg:$0x10]  }
0x2a8: {  	[hbm:s16], [sflag:s22] =	dma.local [spmem:s23], $0x2000  }
0x2a9: {  	_ =	swait.ge [sflag:s18], $0x2000  }
0x2aa: {  	[sflag:s18] =	ssyncset.done $0x0  }
0x2ab: {  	[sflag:s18] =	ssyncadd.s32 $0xFFFFE000  }
0x2ac: {  	[bflag:$0x0] =	sbarrier.arrive $0xFFFF  }
0x2ad: {  	s16 =	sld [smem:$0x7E4];
	_ =	sdelay $0x1  }
0x2ae: {  	s21 =	rddreg [dreg:$0x5]  }
0x2af: {  	[spmem:s16], [sflag:s22] =	dma.local @!p0 [hbm:s21], $0x20010  }
0x2b0: {  	s21 =	simm.s32 @!p0 $0x1  }
0x2b1: {  	_ =	swait.ge @!p0 [sflag:s21], $0x20010  }
0x2b2: {  	[sflag:s21] =	ssyncset.done @!p0 $0x0  }
0x2b3: {  	[sflag:s21] =	ssyncadd.s32 @!p0 $0xFFFDFFF0  }
0x2b4: {  	s24 =	sadd.s32 $0x0, s9;
	[bflag:$0x0] =	sbarrier.arrive $0xFFFF  }
0x2b5: {  	[tilespmem:s17], [sflag:$0x1] =	stream.linear.gather [hbm4b:s24+s3], $0x80, $0x38;
	[tilespmem:$0x10108] =	vst v63  }
0x2b6: {  	_ =	swait.ge [sflag:s18], $0x80  }
0x2b7: {  	s16 =	sld [smem:$0x7EF];
	_ =	sdelay $0x1  }
0x2b8: {  	[sflag:s18] =	ssyncset.done $0x0  }
0x2b9: {  	[sflag:s18] =	ssyncadd.s32 $0xFFFFFF80;
	s25 =	sadd.s32 $0x0, s16  }
0x2ba: {  	[tilespmem:s19], [sflag:$0x1] =	stream.linear.gather [hbm4b:s25+s3], $0x80, $0x38;
	[tilespmem:$0x10108] =	vst v63  }
0x2bb: {  	_ =	swait.ge [sflag:s18], $0x80  }
0x2bc: {  	[sflag:s18] =	ssyncset.done $0x0  }
0x2bd: {  	[sflag:s18] =	ssyncadd.s32 $0xFFFFFF80  }
0x2be: {  	[spmem:s1] =	stream.indirect.scatter.add.f32 [tilespmem:s19], [sflag:$0x1], $0x1, s17, s20, $0xb8;
	[tilespmem:$0x10108] =	vst v63  }
0x2bf: {  	_ =	swait.ge [sflag:s18], $0x80  }
0x2c0: {  	s22 =	simm.s32 $0x20;
	s21 =	simm.s32 $0x10;
	[sflag:s18] =	ssyncset.done $0x0  }
.LBB2_24:
0x2c1: {  	s23 =	sadd.s32 s21, s9  }
0x2c2: {  	[sflag:s18] =	ssyncadd.s32 $0xFFFFFF80;
	s24 =	smov.u32 s22;
	s25 =	sadd.s32 $0x10, s22  }
0x2c3: {  	[tilespmem:s17], [sflag:$0x1] =	stream.linear.gather [hbm4b:s23+s3], $0x80, $0x38;
	[tilespmem:$0x10108] =	vst v63  }
0x2c4: {  	p1 =	sne.s32 s22, $0x7F0;
	_ =	swait.ge [sflag:s18], $0x80  }
0x2c5: {  	[sflag:s18] =	ssyncset.done $0x0  }
0x2c6: {  	s22 =	sadd.s32 s21, s16;
	s21 =	smov.u32 s24;
	[sflag:s18] =	ssyncadd.s32 $0xFFFFFF80  }
0x2c7: {  	[tilespmem:s19], [sflag:$0x1] =	stream.linear.gather [hbm4b:s22+s3], $0x80, $0x38;
	[tilespmem:$0x10108] =	vst v63  }
0x2c8: {  	_ =	swait.ge [sflag:s18], $0x80  }
.Ltmp11:
0x2c9: {  	[sflag:s18] =	ssyncset.done $0x0;
	(pc) =	sbr.rel @p1 .LBB2_24-.Ltmp11, $4  }
0x2ca: {  	[sflag:s18] =	ssyncadd.s32 $0xFFFFFF80  }
0x2cb: {  	[spmem:s1] =	stream.indirect.scatter.add.f32 [tilespmem:s19], [sflag:$0x1], $0x1, s17, s20, $0xb8;
	[tilespmem:$0x10108] =	vst v63  }
0x2cc: {  	_ =	swait.ge [sflag:s18], $0x80  }
0x2cd: {  	s22 =	smov.u32 s25;
	[sflag:s18] =	ssyncset.done $0x0  }
0x2ce: {  	s22 =	sadd.s32 s21, s9;
	[sflag:s18] =	ssyncadd.s32 $0xFFFFFF80  }
0x2cf: {  	[tilespmem:s17], [sflag:$0x1] =	stream.linear.gather [hbm4b:s22+s3], $0x80, $0x38;
	[tilespmem:$0x10108] =	vst v63  }
0x2d0: {  	_ =	swait.ge [sflag:s18], $0x80  }
0x2d1: {  	[sflag:s18] =	ssyncset.done $0x0  }
0x2d2: {  	s25 =	sadd.s32 s21, s16;
	[sflag:s18] =	ssyncadd.s32 $0xFFFFFF80  }
0x2d3: {  	[tilespmem:s19], [sflag:$0x1] =	stream.linear.gather [hbm4b:s25+s3], $0x80, $0x38;
	[tilespmem:$0x10108] =	vst v63  }
0x2d4: {  	_ =	swait.ge [sflag:s18], $0x80  }
0x2d5: {  	[sflag:s18] =	ssyncset.done $0x0  }
0x2d6: {  	[sflag:s18] =	ssyncadd.s32 $0xFFFFFF80  }
0x2d7: {  	[spmem:s1] =	stream.indirect.scatter.add.f32 [tilespmem:s19], [sflag:$0x1], $0x1, s17, s20, $0xb8;
	[tilespmem:$0x10108] =	vst v63  }
0x2d8: {  	_ =	swait.ge [sflag:s18], $0x80  }
0x2d9: {  	[sflag:s18] =	ssyncset.done $0x0  }
0x2da: {  	[sflag:s18] =	ssyncadd.s32 $0xFFFFFF80  }
0x2db: {  	[bflag:$0x0] =	sbarrier.arrive $0xFFFF  }
0x2dc: {  	s22 =	sld [smem:$0x7E2]  }
0x2dd: {  	s23 =	sld [smem:$0x7E1];
	_ =	sdelay $0x1  }
0x2de: {  	s16 =	rddreg [dreg:$0x11]  }
0x2df: {  	[hbm:s16], [sflag:s22] =	dma.local [spmem:s23], $0x2000  }
0x2e0: {  	_ =	swait.ge [sflag:s18], $0x2000  }
0x2e1: {  	[sflag:s18] =	ssyncset.done $0x0  }
0x2e2: {  	[sflag:s18] =	ssyncadd.s32 $0xFFFFE000  }
0x2e3: {  	[bflag:$0x0] =	sbarrier.arrive $0xFFFF  }
0x2e4: {  	s16 =	sld [smem:$0x7E4];
	_ =	sdelay $0x1  }
0x2e5: {  	s21 =	rddreg [dreg:$0x5]  }
0x2e6: {  	[spmem:s16], [sflag:s22] =	dma.local @!p0 [hbm:s21], $0x20010  }
0x2e7: {  	s21 =	simm.s32 @!p0 $0x1  }
0x2e8: {  	_ =	swait.ge @!p0 [sflag:s21], $0x20010  }
0x2e9: {  	[sflag:s21] =	ssyncset.done @!p0 $0x0  }
0x2ea: {  	[sflag:s21] =	ssyncadd.s32 @!p0 $0xFFFDFFF0  }
0x2eb: {  	s24 =	sadd.s32 $0x0, s10;
	[bflag:$0x0] =	sbarrier.arrive $0xFFFF  }
0x2ec: {  	[tilespmem:s17], [sflag:$0x1] =	stream.linear.gather [hbm4b:s24+s3], $0x80, $0x38;
	[tilespmem:$0x10108] =	vst v63  }
0x2ed: {  	_ =	swait.ge [sflag:s18], $0x80  }
0x2ee: {  	s16 =	sld [smem:$0x7F0];
	_ =	sdelay $0x1  }
0x2ef: {  	[sflag:s18] =	ssyncset.done $0x0  }
0x2f0: {  	[sflag:s18] =	ssyncadd.s32 $0xFFFFFF80;
	s25 =	sadd.s32 $0x0, s16  }
0x2f1: {  	[tilespmem:s19], [sflag:$0x1] =	stream.linear.gather [hbm4b:s25+s3], $0x80, $0x38;
	[tilespmem:$0x10108] =	vst v63  }
0x2f2: {  	_ =	swait.ge [sflag:s18], $0x80  }
0x2f3: {  	[sflag:s18] =	ssyncset.done $0x0  }
0x2f4: {  	[sflag:s18] =	ssyncadd.s32 $0xFFFFFF80  }
0x2f5: {  	[spmem:s1] =	stream.indirect.scatter.add.f32 [tilespmem:s19], [sflag:$0x1], $0x1, s17, s20, $0xb8;
	[tilespmem:$0x10108] =	vst v63  }
0x2f6: {  	_ =	swait.ge [sflag:s18], $0x80  }
0x2f7: {  	s22 =	simm.s32 $0x20;
	s21 =	simm.s32 $0x10;
	[sflag:s18] =	ssyncset.done $0x0  }
.LBB2_26:
0x2f8: {  	s23 =	sadd.s32 s21, s10  }
0x2f9: {  	[sflag:s18] =	ssyncadd.s32 $0xFFFFFF80;
	s24 =	smov.u32 s22;
	s25 =	sadd.s32 $0x10, s22  }
0x2fa: {  	[tilespmem:s17], [sflag:$0x1] =	stream.linear.gather [hbm4b:s23+s3], $0x80, $0x38;
	[tilespmem:$0x10108] =	vst v63  }
0x2fb: {  	p1 =	sne.s32 s22, $0x7F0;
	_ =	swait.ge [sflag:s18], $0x80  }
0x2fc: {  	[sflag:s18] =	ssyncset.done $0x0  }
0x2fd: {  	s22 =	sadd.s32 s21, s16;
	s21 =	smov.u32 s24;
	[sflag:s18] =	ssyncadd.s32 $0xFFFFFF80  }
0x2fe: {  	[tilespmem:s19], [sflag:$0x1] =	stream.linear.gather [hbm4b:s22+s3], $0x80, $0x38;
	[tilespmem:$0x10108] =	vst v63  }
0x2ff: {  	_ =	swait.ge [sflag:s18], $0x80  }
.Ltmp12:
0x300: {  	[sflag:s18] =	ssyncset.done $0x0;
	(pc) =	sbr.rel @p1 .LBB2_26-.Ltmp12, $4  }
0x301: {  	[sflag:s18] =	ssyncadd.s32 $0xFFFFFF80  }
0x302: {  	[spmem:s1] =	stream.indirect.scatter.add.f32 [tilespmem:s19], [sflag:$0x1], $0x1, s17, s20, $0xb8;
	[tilespmem:$0x10108] =	vst v63  }
0x303: {  	_ =	swait.ge [sflag:s18], $0x80  }
0x304: {  	s22 =	smov.u32 s25;
	[sflag:s18] =	ssyncset.done $0x0  }
0x305: {  	s22 =	sadd.s32 s21, s10;
	[sflag:s18] =	ssyncadd.s32 $0xFFFFFF80  }
0x306: {  	[tilespmem:s17], [sflag:$0x1] =	stream.linear.gather [hbm4b:s22+s3], $0x80, $0x38;
	[tilespmem:$0x10108] =	vst v63  }
0x307: {  	_ =	swait.ge [sflag:s18], $0x80  }
0x308: {  	[sflag:s18] =	ssyncset.done $0x0  }
0x309: {  	s25 =	sadd.s32 s21, s16;
	[sflag:s18] =	ssyncadd.s32 $0xFFFFFF80  }
0x30a: {  	[tilespmem:s19], [sflag:$0x1] =	stream.linear.gather [hbm4b:s25+s3], $0x80, $0x38;
	[tilespmem:$0x10108] =	vst v63  }
0x30b: {  	_ =	swait.ge [sflag:s18], $0x80  }
0x30c: {  	[sflag:s18] =	ssyncset.done $0x0  }
0x30d: {  	[sflag:s18] =	ssyncadd.s32 $0xFFFFFF80  }
0x30e: {  	[spmem:s1] =	stream.indirect.scatter.add.f32 [tilespmem:s19], [sflag:$0x1], $0x1, s17, s20, $0xb8;
	[tilespmem:$0x10108] =	vst v63  }
0x30f: {  	_ =	swait.ge [sflag:s18], $0x80  }
0x310: {  	[sflag:s18] =	ssyncset.done $0x0  }
0x311: {  	[sflag:s18] =	ssyncadd.s32 $0xFFFFFF80  }
0x312: {  	[bflag:$0x0] =	sbarrier.arrive $0xFFFF  }
0x313: {  	s22 =	sld [smem:$0x7E2]  }
0x314: {  	s23 =	sld [smem:$0x7E1];
	_ =	sdelay $0x1  }
0x315: {  	s16 =	rddreg [dreg:$0x12]  }
0x316: {  	[hbm:s16], [sflag:s22] =	dma.local [spmem:s23], $0x2000  }
0x317: {  	_ =	swait.ge [sflag:s18], $0x2000  }
0x318: {  	[sflag:s18] =	ssyncset.done $0x0  }
0x319: {  	[sflag:s18] =	ssyncadd.s32 $0xFFFFE000  }
0x31a: {  	[bflag:$0x0] =	sbarrier.arrive $0xFFFF  }
0x31b: {  	s16 =	sld [smem:$0x7E4];
	_ =	sdelay $0x1  }
0x31c: {  	s21 =	rddreg [dreg:$0x5]  }
0x31d: {  	[spmem:s16], [sflag:s22] =	dma.local @!p0 [hbm:s21], $0x20010  }
0x31e: {  	s21 =	simm.s32 @!p0 $0x1  }
0x31f: {  	_ =	swait.ge @!p0 [sflag:s21], $0x20010  }
0x320: {  	[sflag:s21] =	ssyncset.done @!p0 $0x0  }
0x321: {  	[sflag:s21] =	ssyncadd.s32 @!p0 $0xFFFDFFF0  }
0x322: {  	s24 =	sadd.s32 $0x0, s11;
	[bflag:$0x0] =	sbarrier.arrive $0xFFFF  }
0x323: {  	[tilespmem:s17], [sflag:$0x1] =	stream.linear.gather [hbm4b:s24+s3], $0x80, $0x38;
	[tilespmem:$0x10108] =	vst v63  }
0x324: {  	_ =	swait.ge [sflag:s18], $0x80  }
0x325: {  	s16 =	sld [smem:$0x7F2];
	_ =	sdelay $0x1  }
0x326: {  	[sflag:s18] =	ssyncset.done $0x0  }
0x327: {  	[sflag:s18] =	ssyncadd.s32 $0xFFFFFF80;
	s25 =	sadd.s32 $0x0, s16  }
0x328: {  	[tilespmem:s19], [sflag:$0x1] =	stream.linear.gather [hbm4b:s25+s3], $0x80, $0x38;
	[tilespmem:$0x10108] =	vst v63  }
0x329: {  	_ =	swait.ge [sflag:s18], $0x80  }
0x32a: {  	[sflag:s18] =	ssyncset.done $0x0  }
0x32b: {  	[sflag:s18] =	ssyncadd.s32 $0xFFFFFF80  }
0x32c: {  	[spmem:s1] =	stream.indirect.scatter.add.f32 [tilespmem:s19], [sflag:$0x1], $0x1, s17, s20, $0xb8;
	[tilespmem:$0x10108] =	vst v63  }
0x32d: {  	_ =	swait.ge [sflag:s18], $0x80  }
0x32e: {  	s22 =	simm.s32 $0x20;
	s21 =	simm.s32 $0x10;
	[sflag:s18] =	ssyncset.done $0x0  }
.LBB2_28:
0x32f: {  	s23 =	sadd.s32 s21, s11  }
0x330: {  	[sflag:s18] =	ssyncadd.s32 $0xFFFFFF80;
	s24 =	smov.u32 s22;
	s25 =	sadd.s32 $0x10, s22  }
0x331: {  	[tilespmem:s17], [sflag:$0x1] =	stream.linear.gather [hbm4b:s23+s3], $0x80, $0x38;
	[tilespmem:$0x10108] =	vst v63  }
0x332: {  	p1 =	sne.s32 s22, $0x7F0;
	_ =	swait.ge [sflag:s18], $0x80  }
0x333: {  	[sflag:s18] =	ssyncset.done $0x0  }
0x334: {  	s22 =	sadd.s32 s21, s16;
	s21 =	smov.u32 s24;
	[sflag:s18] =	ssyncadd.s32 $0xFFFFFF80  }
0x335: {  	[tilespmem:s19], [sflag:$0x1] =	stream.linear.gather [hbm4b:s22+s3], $0x80, $0x38;
	[tilespmem:$0x10108] =	vst v63  }
0x336: {  	_ =	swait.ge [sflag:s18], $0x80  }
.Ltmp13:
0x337: {  	[sflag:s18] =	ssyncset.done $0x0;
	(pc) =	sbr.rel @p1 .LBB2_28-.Ltmp13, $4  }
0x338: {  	[sflag:s18] =	ssyncadd.s32 $0xFFFFFF80  }
0x339: {  	[spmem:s1] =	stream.indirect.scatter.add.f32 [tilespmem:s19], [sflag:$0x1], $0x1, s17, s20, $0xb8;
	[tilespmem:$0x10108] =	vst v63  }
0x33a: {  	_ =	swait.ge [sflag:s18], $0x80  }
0x33b: {  	s22 =	smov.u32 s25;
	[sflag:s18] =	ssyncset.done $0x0  }
0x33c: {  	s22 =	sadd.s32 s21, s11;
	[sflag:s18] =	ssyncadd.s32 $0xFFFFFF80  }
0x33d: {  	[tilespmem:s17], [sflag:$0x1] =	stream.linear.gather [hbm4b:s22+s3], $0x80, $0x38;
	[tilespmem:$0x10108] =	vst v63  }
0x33e: {  	_ =	swait.ge [sflag:s18], $0x80  }
0x33f: {  	[sflag:s18] =	ssyncset.done $0x0  }
0x340: {  	s25 =	sadd.s32 s21, s16;
	[sflag:s18] =	ssyncadd.s32 $0xFFFFFF80  }
0x341: {  	[tilespmem:s19], [sflag:$0x1] =	stream.linear.gather [hbm4b:s25+s3], $0x80, $0x38;
	[tilespmem:$0x10108] =	vst v63  }
0x342: {  	_ =	swait.ge [sflag:s18], $0x80  }
0x343: {  	[sflag:s18] =	ssyncset.done $0x0  }
0x344: {  	[sflag:s18] =	ssyncadd.s32 $0xFFFFFF80  }
0x345: {  	[spmem:s1] =	stream.indirect.scatter.add.f32 [tilespmem:s19], [sflag:$0x1], $0x1, s17, s20, $0xb8;
	[tilespmem:$0x10108] =	vst v63  }
0x346: {  	_ =	swait.ge [sflag:s18], $0x80  }
0x347: {  	[sflag:s18] =	ssyncset.done $0x0  }
0x348: {  	[sflag:s18] =	ssyncadd.s32 $0xFFFFFF80  }
0x349: {  	[bflag:$0x0] =	sbarrier.arrive $0xFFFF  }
0x34a: {  	s22 =	sld [smem:$0x7E2]  }
0x34b: {  	s23 =	sld [smem:$0x7E1];
	_ =	sdelay $0x1  }
0x34c: {  	s16 =	rddreg [dreg:$0x13]  }
0x34d: {  	[hbm:s16], [sflag:s22] =	dma.local [spmem:s23], $0x2000  }
0x34e: {  	_ =	swait.ge [sflag:s18], $0x2000  }
0x34f: {  	[sflag:s18] =	ssyncset.done $0x0  }
0x350: {  	[sflag:s18] =	ssyncadd.s32 $0xFFFFE000  }
0x351: {  	[bflag:$0x0] =	sbarrier.arrive $0xFFFF  }
0x352: {  	s16 =	sld [smem:$0x7E4];
	_ =	sdelay $0x1  }
0x353: {  	s21 =	rddreg [dreg:$0x5]  }
0x354: {  	[spmem:s16], [sflag:s22] =	dma.local @!p0 [hbm:s21], $0x20010  }
0x355: {  	s21 =	simm.s32 @!p0 $0x1  }
0x356: {  	_ =	swait.ge @!p0 [sflag:s21], $0x20010  }
0x357: {  	[sflag:s21] =	ssyncset.done @!p0 $0x0  }
0x358: {  	[sflag:s21] =	ssyncadd.s32 @!p0 $0xFFFDFFF0  }
0x359: {  	s24 =	sadd.s32 $0x0, s12;
	[bflag:$0x0] =	sbarrier.arrive $0xFFFF  }
0x35a: {  	[tilespmem:s17], [sflag:$0x1] =	stream.linear.gather [hbm4b:s24+s3], $0x80, $0x38;
	[tilespmem:$0x10108] =	vst v63  }
0x35b: {  	_ =	swait.ge [sflag:s18], $0x80  }
0x35c: {  	s16 =	sld [smem:$0x7F3];
	_ =	sdelay $0x1  }
0x35d: {  	[sflag:s18] =	ssyncset.done $0x0  }
0x35e: {  	[sflag:s18] =	ssyncadd.s32 $0xFFFFFF80;
	s25 =	sadd.s32 $0x0, s16  }
0x35f: {  	[tilespmem:s19], [sflag:$0x1] =	stream.linear.gather [hbm4b:s25+s3], $0x80, $0x38;
	[tilespmem:$0x10108] =	vst v63  }
0x360: {  	_ =	swait.ge [sflag:s18], $0x80  }
0x361: {  	[sflag:s18] =	ssyncset.done $0x0  }
0x362: {  	[sflag:s18] =	ssyncadd.s32 $0xFFFFFF80  }
0x363: {  	[spmem:s1] =	stream.indirect.scatter.add.f32 [tilespmem:s19], [sflag:$0x1], $0x1, s17, s20, $0xb8;
	[tilespmem:$0x10108] =	vst v63  }
0x364: {  	_ =	swait.ge [sflag:s18], $0x80  }
0x365: {  	s22 =	simm.s32 $0x20;
	s21 =	simm.s32 $0x10;
	[sflag:s18] =	ssyncset.done $0x0  }
.LBB2_30:
0x366: {  	s23 =	sadd.s32 s21, s12  }
0x367: {  	[sflag:s18] =	ssyncadd.s32 $0xFFFFFF80;
	s24 =	smov.u32 s22;
	s25 =	sadd.s32 $0x10, s22  }
0x368: {  	[tilespmem:s17], [sflag:$0x1] =	stream.linear.gather [hbm4b:s23+s3], $0x80, $0x38;
	[tilespmem:$0x10108] =	vst v63  }
0x369: {  	p1 =	sne.s32 s22, $0x7F0;
	_ =	swait.ge [sflag:s18], $0x80  }
0x36a: {  	[sflag:s18] =	ssyncset.done $0x0  }
0x36b: {  	s22 =	sadd.s32 s21, s16;
	s21 =	smov.u32 s24;
	[sflag:s18] =	ssyncadd.s32 $0xFFFFFF80  }
0x36c: {  	[tilespmem:s19], [sflag:$0x1] =	stream.linear.gather [hbm4b:s22+s3], $0x80, $0x38;
	[tilespmem:$0x10108] =	vst v63  }
0x36d: {  	_ =	swait.ge [sflag:s18], $0x80  }
.Ltmp14:
0x36e: {  	[sflag:s18] =	ssyncset.done $0x0;
	(pc) =	sbr.rel @p1 .LBB2_30-.Ltmp14, $4  }
0x36f: {  	[sflag:s18] =	ssyncadd.s32 $0xFFFFFF80  }
0x370: {  	[spmem:s1] =	stream.indirect.scatter.add.f32 [tilespmem:s19], [sflag:$0x1], $0x1, s17, s20, $0xb8;
	[tilespmem:$0x10108] =	vst v63  }
0x371: {  	_ =	swait.ge [sflag:s18], $0x80  }
0x372: {  	s22 =	smov.u32 s25;
	[sflag:s18] =	ssyncset.done $0x0  }
0x373: {  	s22 =	sadd.s32 s21, s12;
	[sflag:s18] =	ssyncadd.s32 $0xFFFFFF80  }
0x374: {  	[tilespmem:s17], [sflag:$0x1] =	stream.linear.gather [hbm4b:s22+s3], $0x80, $0x38;
	[tilespmem:$0x10108] =	vst v63  }
0x375: {  	_ =	swait.ge [sflag:s18], $0x80  }
0x376: {  	[sflag:s18] =	ssyncset.done $0x0  }
0x377: {  	s25 =	sadd.s32 s21, s16;
	[sflag:s18] =	ssyncadd.s32 $0xFFFFFF80  }
0x378: {  	[tilespmem:s19], [sflag:$0x1] =	stream.linear.gather [hbm4b:s25+s3], $0x80, $0x38;
	[tilespmem:$0x10108] =	vst v63  }
0x379: {  	_ =	swait.ge [sflag:s18], $0x80  }
0x37a: {  	[sflag:s18] =	ssyncset.done $0x0  }
0x37b: {  	[sflag:s18] =	ssyncadd.s32 $0xFFFFFF80  }
0x37c: {  	[spmem:s1] =	stream.indirect.scatter.add.f32 [tilespmem:s19], [sflag:$0x1], $0x1, s17, s20, $0xb8;
	[tilespmem:$0x10108] =	vst v63  }
0x37d: {  	_ =	swait.ge [sflag:s18], $0x80  }
0x37e: {  	[sflag:s18] =	ssyncset.done $0x0  }
0x37f: {  	[sflag:s18] =	ssyncadd.s32 $0xFFFFFF80  }
0x380: {  	[bflag:$0x0] =	sbarrier.arrive $0xFFFF  }
0x381: {  	s22 =	sld [smem:$0x7E2]  }
0x382: {  	s23 =	sld [smem:$0x7E1];
	_ =	sdelay $0x1  }
0x383: {  	s16 =	rddreg [dreg:$0x14]  }
0x384: {  	[hbm:s16], [sflag:s22] =	dma.local [spmem:s23], $0x2000  }
0x385: {  	_ =	swait.ge [sflag:s18], $0x2000  }
0x386: {  	[sflag:s18] =	ssyncset.done $0x0  }
0x387: {  	[sflag:s18] =	ssyncadd.s32 $0xFFFFE000  }
0x388: {  	[bflag:$0x0] =	sbarrier.arrive $0xFFFF  }
0x389: {  	s16 =	sld [smem:$0x7E4];
	_ =	sdelay $0x1  }
0x38a: {  	s21 =	rddreg [dreg:$0x5]  }
0x38b: {  	[spmem:s16], [sflag:s22] =	dma.local @!p0 [hbm:s21], $0x20010  }
0x38c: {  	s21 =	simm.s32 @!p0 $0x1  }
0x38d: {  	_ =	swait.ge @!p0 [sflag:s21], $0x20010  }
0x38e: {  	[sflag:s21] =	ssyncset.done @!p0 $0x0  }
0x38f: {  	[sflag:s21] =	ssyncadd.s32 @!p0 $0xFFFDFFF0  }
0x390: {  	s24 =	sadd.s32 $0x0, s13;
	[bflag:$0x0] =	sbarrier.arrive $0xFFFF  }
0x391: {  	[tilespmem:s17], [sflag:$0x1] =	stream.linear.gather [hbm4b:s24+s3], $0x80, $0x38;
	[tilespmem:$0x10108] =	vst v63  }
0x392: {  	_ =	swait.ge [sflag:s18], $0x80  }
0x393: {  	s16 =	sld [smem:$0x7F4];
	_ =	sdelay $0x1  }
0x394: {  	[sflag:s18] =	ssyncset.done $0x0  }
0x395: {  	[sflag:s18] =	ssyncadd.s32 $0xFFFFFF80;
	s25 =	sadd.s32 $0x0, s16  }
0x396: {  	[tilespmem:s19], [sflag:$0x1] =	stream.linear.gather [hbm4b:s25+s3], $0x80, $0x38;
	[tilespmem:$0x10108] =	vst v63  }
0x397: {  	_ =	swait.ge [sflag:s18], $0x80  }
0x398: {  	[sflag:s18] =	ssyncset.done $0x0  }
0x399: {  	[sflag:s18] =	ssyncadd.s32 $0xFFFFFF80  }
0x39a: {  	[spmem:s1] =	stream.indirect.scatter.add.f32 [tilespmem:s19], [sflag:$0x1], $0x1, s17, s20, $0xb8;
	[tilespmem:$0x10108] =	vst v63  }
0x39b: {  	_ =	swait.ge [sflag:s18], $0x80  }
0x39c: {  	s22 =	simm.s32 $0x20;
	s21 =	simm.s32 $0x10;
	[sflag:s18] =	ssyncset.done $0x0  }
.LBB2_32:
0x39d: {  	s23 =	sadd.s32 s21, s13  }
0x39e: {  	[sflag:s18] =	ssyncadd.s32 $0xFFFFFF80;
	s24 =	smov.u32 s22;
	s25 =	sadd.s32 $0x10, s22  }
0x39f: {  	[tilespmem:s17], [sflag:$0x1] =	stream.linear.gather [hbm4b:s23+s3], $0x80, $0x38;
	[tilespmem:$0x10108] =	vst v63  }
0x3a0: {  	p1 =	sne.s32 s22, $0x7F0;
	_ =	swait.ge [sflag:s18], $0x80  }
0x3a1: {  	[sflag:s18] =	ssyncset.done $0x0  }
0x3a2: {  	s22 =	sadd.s32 s21, s16;
	s21 =	smov.u32 s24;
	[sflag:s18] =	ssyncadd.s32 $0xFFFFFF80  }
0x3a3: {  	[tilespmem:s19], [sflag:$0x1] =	stream.linear.gather [hbm4b:s22+s3], $0x80, $0x38;
	[tilespmem:$0x10108] =	vst v63  }
0x3a4: {  	_ =	swait.ge [sflag:s18], $0x80  }
.Ltmp15:
0x3a5: {  	[sflag:s18] =	ssyncset.done $0x0;
	(pc) =	sbr.rel @p1 .LBB2_32-.Ltmp15, $4  }
0x3a6: {  	[sflag:s18] =	ssyncadd.s32 $0xFFFFFF80  }
0x3a7: {  	[spmem:s1] =	stream.indirect.scatter.add.f32 [tilespmem:s19], [sflag:$0x1], $0x1, s17, s20, $0xb8;
	[tilespmem:$0x10108] =	vst v63  }
0x3a8: {  	_ =	swait.ge [sflag:s18], $0x80  }
0x3a9: {  	s22 =	smov.u32 s25;
	[sflag:s18] =	ssyncset.done $0x0  }
0x3aa: {  	s22 =	sadd.s32 s21, s13;
	[sflag:s18] =	ssyncadd.s32 $0xFFFFFF80  }
0x3ab: {  	[tilespmem:s17], [sflag:$0x1] =	stream.linear.gather [hbm4b:s22+s3], $0x80, $0x38;
	[tilespmem:$0x10108] =	vst v63  }
0x3ac: {  	_ =	swait.ge [sflag:s18], $0x80  }
0x3ad: {  	[sflag:s18] =	ssyncset.done $0x0  }
0x3ae: {  	s25 =	sadd.s32 s21, s16;
	[sflag:s18] =	ssyncadd.s32 $0xFFFFFF80  }
0x3af: {  	[tilespmem:s19], [sflag:$0x1] =	stream.linear.gather [hbm4b:s25+s3], $0x80, $0x38;
	[tilespmem:$0x10108] =	vst v63  }
0x3b0: {  	_ =	swait.ge [sflag:s18], $0x80  }
0x3b1: {  	[sflag:s18] =	ssyncset.done $0x0  }
0x3b2: {  	[sflag:s18] =	ssyncadd.s32 $0xFFFFFF80  }
0x3b3: {  	[spmem:s1] =	stream.indirect.scatter.add.f32 [tilespmem:s19], [sflag:$0x1], $0x1, s17, s20, $0xb8;
	[tilespmem:$0x10108] =	vst v63  }
0x3b4: {  	_ =	swait.ge [sflag:s18], $0x80  }
0x3b5: {  	[sflag:s18] =	ssyncset.done $0x0  }
0x3b6: {  	[sflag:s18] =	ssyncadd.s32 $0xFFFFFF80  }
0x3b7: {  	[bflag:$0x0] =	sbarrier.arrive $0xFFFF  }
0x3b8: {  	s22 =	sld [smem:$0x7E2]  }
0x3b9: {  	s23 =	sld [smem:$0x7E1];
	_ =	sdelay $0x1  }
0x3ba: {  	s16 =	rddreg [dreg:$0x15]  }
0x3bb: {  	[hbm:s16], [sflag:s22] =	dma.local [spmem:s23], $0x2000  }
0x3bc: {  	_ =	swait.ge [sflag:s18], $0x2000  }
0x3bd: {  	[sflag:s18] =	ssyncset.done $0x0  }
0x3be: {  	[sflag:s18] =	ssyncadd.s32 $0xFFFFE000  }
0x3bf: {  	[bflag:$0x0] =	sbarrier.arrive $0xFFFF  }
0x3c0: {  	s16 =	sld [smem:$0x7E4];
	_ =	sdelay $0x1  }
0x3c1: {  	s21 =	rddreg [dreg:$0x5]  }
0x3c2: {  	[spmem:s16], [sflag:s22] =	dma.local @!p0 [hbm:s21], $0x20010  }
0x3c3: {  	s21 =	simm.s32 @!p0 $0x1  }
0x3c4: {  	_ =	swait.ge @!p0 [sflag:s21], $0x20010  }
0x3c5: {  	[sflag:s21] =	ssyncset.done @!p0 $0x0  }
0x3c6: {  	[sflag:s21] =	ssyncadd.s32 @!p0 $0xFFFDFFF0  }
0x3c7: {  	s24 =	sadd.s32 $0x0, s14;
	[bflag:$0x0] =	sbarrier.arrive $0xFFFF  }
0x3c8: {  	[tilespmem:s17], [sflag:$0x1] =	stream.linear.gather [hbm4b:s24+s3], $0x80, $0x38;
	[tilespmem:$0x10108] =	vst v63  }
0x3c9: {  	_ =	swait.ge [sflag:s18], $0x80  }
0x3ca: {  	s16 =	sld [smem:$0x7F5];
	_ =	sdelay $0x1  }
0x3cb: {  	[sflag:s18] =	ssyncset.done $0x0  }
0x3cc: {  	[sflag:s18] =	ssyncadd.s32 $0xFFFFFF80;
	s25 =	sadd.s32 $0x0, s16  }
0x3cd: {  	[tilespmem:s19], [sflag:$0x1] =	stream.linear.gather [hbm4b:s25+s3], $0x80, $0x38;
	[tilespmem:$0x10108] =	vst v63  }
0x3ce: {  	_ =	swait.ge [sflag:s18], $0x80  }
0x3cf: {  	[sflag:s18] =	ssyncset.done $0x0  }
0x3d0: {  	[sflag:s18] =	ssyncadd.s32 $0xFFFFFF80  }
0x3d1: {  	[spmem:s1] =	stream.indirect.scatter.add.f32 [tilespmem:s19], [sflag:$0x1], $0x1, s17, s20, $0xb8;
	[tilespmem:$0x10108] =	vst v63  }
0x3d2: {  	_ =	swait.ge [sflag:s18], $0x80  }
0x3d3: {  	s22 =	simm.s32 $0x20;
	s21 =	simm.s32 $0x10;
	[sflag:s18] =	ssyncset.done $0x0  }
.LBB2_34:
0x3d4: {  	s23 =	sadd.s32 s21, s14  }
0x3d5: {  	[sflag:s18] =	ssyncadd.s32 $0xFFFFFF80;
	s24 =	smov.u32 s22;
	s25 =	sadd.s32 $0x10, s22  }
0x3d6: {  	[tilespmem:s17], [sflag:$0x1] =	stream.linear.gather [hbm4b:s23+s3], $0x80, $0x38;
	[tilespmem:$0x10108] =	vst v63  }
0x3d7: {  	p1 =	sne.s32 s22, $0x7F0;
	_ =	swait.ge [sflag:s18], $0x80  }
0x3d8: {  	[sflag:s18] =	ssyncset.done $0x0  }
0x3d9: {  	s22 =	sadd.s32 s21, s16;
	s21 =	smov.u32 s24;
	[sflag:s18] =	ssyncadd.s32 $0xFFFFFF80  }
0x3da: {  	[tilespmem:s19], [sflag:$0x1] =	stream.linear.gather [hbm4b:s22+s3], $0x80, $0x38;
	[tilespmem:$0x10108] =	vst v63  }
0x3db: {  	_ =	swait.ge [sflag:s18], $0x80  }
.Ltmp16:
0x3dc: {  	[sflag:s18] =	ssyncset.done $0x0;
	(pc) =	sbr.rel @p1 .LBB2_34-.Ltmp16, $4  }
0x3dd: {  	[sflag:s18] =	ssyncadd.s32 $0xFFFFFF80  }
0x3de: {  	[spmem:s1] =	stream.indirect.scatter.add.f32 [tilespmem:s19], [sflag:$0x1], $0x1, s17, s20, $0xb8;
	[tilespmem:$0x10108] =	vst v63  }
0x3df: {  	_ =	swait.ge [sflag:s18], $0x80  }
0x3e0: {  	s22 =	smov.u32 s25;
	[sflag:s18] =	ssyncset.done $0x0  }
0x3e1: {  	s22 =	sadd.s32 s21, s14;
	[sflag:s18] =	ssyncadd.s32 $0xFFFFFF80  }
0x3e2: {  	[tilespmem:s17], [sflag:$0x1] =	stream.linear.gather [hbm4b:s22+s3], $0x80, $0x38;
	[tilespmem:$0x10108] =	vst v63  }
0x3e3: {  	_ =	swait.ge [sflag:s18], $0x80  }
0x3e4: {  	[sflag:s18] =	ssyncset.done $0x0  }
0x3e5: {  	s25 =	sadd.s32 s21, s16;
	[sflag:s18] =	ssyncadd.s32 $0xFFFFFF80  }
0x3e6: {  	[tilespmem:s19], [sflag:$0x1] =	stream.linear.gather [hbm4b:s25+s3], $0x80, $0x38;
	[tilespmem:$0x10108] =	vst v63  }
0x3e7: {  	_ =	swait.ge [sflag:s18], $0x80  }
0x3e8: {  	[sflag:s18] =	ssyncset.done $0x0  }
0x3e9: {  	[sflag:s18] =	ssyncadd.s32 $0xFFFFFF80  }
0x3ea: {  	[spmem:s1] =	stream.indirect.scatter.add.f32 [tilespmem:s19], [sflag:$0x1], $0x1, s17, s20, $0xb8;
	[tilespmem:$0x10108] =	vst v63  }
0x3eb: {  	_ =	swait.ge [sflag:s18], $0x80  }
0x3ec: {  	[sflag:s18] =	ssyncset.done $0x0  }
0x3ed: {  	[sflag:s18] =	ssyncadd.s32 $0xFFFFFF80  }
0x3ee: {  	[bflag:$0x0] =	sbarrier.arrive $0xFFFF  }
0x3ef: {  	s22 =	sld [smem:$0x7E2]  }
0x3f0: {  	s23 =	sld [smem:$0x7E1];
	_ =	sdelay $0x1  }
0x3f1: {  	s16 =	rddreg [dreg:$0x16]  }
0x3f2: {  	[hbm:s16], [sflag:s22] =	dma.local [spmem:s23], $0x2000  }
0x3f3: {  	_ =	swait.ge [sflag:s18], $0x2000  }
0x3f4: {  	[sflag:s18] =	ssyncset.done $0x0  }
0x3f5: {  	[sflag:s18] =	ssyncadd.s32 $0xFFFFE000  }
0x3f6: {  	[bflag:$0x0] =	sbarrier.arrive $0xFFFF  }
0x3f7: {  	s16 =	sld [smem:$0x7E4];
	_ =	sdelay $0x1  }
0x3f8: {  	s21 =	rddreg [dreg:$0x5]  }
0x3f9: {  	[spmem:s16], [sflag:s22] =	dma.local @!p0 [hbm:s21], $0x20010  }
0x3fa: {  	s21 =	simm.s32 @!p0 $0x1  }
0x3fb: {  	_ =	swait.ge @!p0 [sflag:s21], $0x20010  }
0x3fc: {  	[sflag:s21] =	ssyncset.done @!p0 $0x0  }
0x3fd: {  	[sflag:s21] =	ssyncadd.s32 @!p0 $0xFFFDFFF0  }
0x3fe: {  	s24 =	sadd.s32 $0x0, s15;
	[bflag:$0x0] =	sbarrier.arrive $0xFFFF  }
0x3ff: {  	[tilespmem:s17], [sflag:$0x1] =	stream.linear.gather [hbm4b:s24+s3], $0x80, $0x38;
	[tilespmem:$0x10108] =	vst v63  }
0x400: {  	_ =	swait.ge [sflag:s18], $0x80  }
0x401: {  	s16 =	sld [smem:$0x7F7];
	_ =	sdelay $0x1  }
0x402: {  	[sflag:s18] =	ssyncset.done $0x0  }
0x403: {  	[sflag:s18] =	ssyncadd.s32 $0xFFFFFF80;
	s25 =	sadd.s32 $0x0, s16  }
0x404: {  	[tilespmem:s19], [sflag:$0x1] =	stream.linear.gather [hbm4b:s25+s3], $0x80, $0x38;
	[tilespmem:$0x10108] =	vst v63  }
0x405: {  	_ =	swait.ge [sflag:s18], $0x80  }
0x406: {  	[sflag:s18] =	ssyncset.done $0x0  }
0x407: {  	[sflag:s18] =	ssyncadd.s32 $0xFFFFFF80  }
0x408: {  	[spmem:s1] =	stream.indirect.scatter.add.f32 [tilespmem:s19], [sflag:$0x1], $0x1, s17, s20, $0xb8;
	[tilespmem:$0x10108] =	vst v63  }
0x409: {  	_ =	swait.ge [sflag:s18], $0x80  }
0x40a: {  	s22 =	simm.s32 $0x20;
	s21 =	simm.s32 $0x10;
	[sflag:s18] =	ssyncset.done $0x0  }
.LBB2_36:
0x40b: {  	s23 =	sadd.s32 s21, s15  }
0x40c: {  	[sflag:s18] =	ssyncadd.s32 $0xFFFFFF80;
	s24 =	smov.u32 s22;
	s25 =	sadd.s32 $0x10, s22  }
0x40d: {  	[tilespmem:s17], [sflag:$0x1] =	stream.linear.gather [hbm4b:s23+s3], $0x80, $0x38;
	[tilespmem:$0x10108] =	vst v63  }
0x40e: {  	p1 =	sne.s32 s22, $0x7F0;
	_ =	swait.ge [sflag:s18], $0x80  }
0x40f: {  	[sflag:s18] =	ssyncset.done $0x0  }
0x410: {  	s22 =	sadd.s32 s21, s16;
	s21 =	smov.u32 s24;
	[sflag:s18] =	ssyncadd.s32 $0xFFFFFF80  }
0x411: {  	[tilespmem:s19], [sflag:$0x1] =	stream.linear.gather [hbm4b:s22+s3], $0x80, $0x38;
	[tilespmem:$0x10108] =	vst v63  }
0x412: {  	_ =	swait.ge [sflag:s18], $0x80  }
.Ltmp17:
0x413: {  	[sflag:s18] =	ssyncset.done $0x0;
	(pc) =	sbr.rel @p1 .LBB2_36-.Ltmp17, $4  }
0x414: {  	[sflag:s18] =	ssyncadd.s32 $0xFFFFFF80  }
0x415: {  	[spmem:s1] =	stream.indirect.scatter.add.f32 [tilespmem:s19], [sflag:$0x1], $0x1, s17, s20, $0xb8;
	[tilespmem:$0x10108] =	vst v63  }
0x416: {  	_ =	swait.ge [sflag:s18], $0x80  }
0x417: {  	s22 =	smov.u32 s25;
	[sflag:s18] =	ssyncset.done $0x0  }
0x418: {  	s22 =	sadd.s32 s21, s15;
	[sflag:s18] =	ssyncadd.s32 $0xFFFFFF80  }
0x419: {  	[tilespmem:s17], [sflag:$0x1] =	stream.linear.gather [hbm4b:s22+s3], $0x80, $0x38;
	[tilespmem:$0x10108] =	vst v63  }
0x41a: {  	_ =	swait.ge [sflag:s18], $0x80  }
0x41b: {  	[sflag:s18] =	ssyncset.done $0x0  }
0x41c: {  	s25 =	sadd.s32 s21, s16;
	[sflag:s18] =	ssyncadd.s32 $0xFFFFFF80  }
0x41d: {  	[tilespmem:s19], [sflag:$0x1] =	stream.linear.gather [hbm4b:s25+s3], $0x80, $0x38;
	[tilespmem:$0x10108] =	vst v63  }
0x41e: {  	_ =	swait.ge [sflag:s18], $0x80  }
0x41f: {  	[sflag:s18] =	ssyncset.done $0x0  }
0x420: {  	[sflag:s18] =	ssyncadd.s32 $0xFFFFFF80  }
0x421: {  	[spmem:s1] =	stream.indirect.scatter.add.f32 [tilespmem:s19], [sflag:$0x1], $0x1, s17, s20, $0xb8;
	[tilespmem:$0x10108] =	vst v63  }
0x422: {  	_ =	swait.ge [sflag:s18], $0x80  }
0x423: {  	[sflag:s18] =	ssyncset.done $0x0  }
0x424: {  	[sflag:s18] =	ssyncadd.s32 $0xFFFFFF80  }
0x425: {  	[bflag:$0x0] =	sbarrier.arrive $0xFFFF  }
0x426: {  	s22 =	sld [smem:$0x7E2]  }
0x427: {  	s23 =	sld [smem:$0x7E1];
	_ =	sdelay $0x1  }
0x428: {  	s16 =	rddreg [dreg:$0x17]  }
0x429: {  	[hbm:s16], [sflag:s22] =	dma.local [spmem:s23], $0x2000  }
0x42a: {  	_ =	swait.ge [sflag:s18], $0x2000  }
0x42b: {  	[sflag:s18] =	ssyncset.done $0x0  }
0x42c: {  	[sflag:s18] =	ssyncadd.s32 $0xFFFFE000  }
0x42d: {  	[bflag:$0x0] =	sbarrier.arrive $0xFFFF  }
0x42e: {  	s16 =	sld [smem:$0x7E4];
	_ =	sdelay $0x1  }
0x42f: {  	s21 =	rddreg [dreg:$0x5]  }
0x430: {  	[spmem:s16], [sflag:s22] =	dma.local @!p0 [hbm:s21], $0x20010  }
0x431: {  	s21 =	simm.s32 @!p0 $0x1  }
0x432: {  	_ =	swait.ge @!p0 [sflag:s21], $0x20010  }
0x433: {  	[sflag:s21] =	ssyncset.done @!p0 $0x0  }
0x434: {  	[sflag:s21] =	ssyncadd.s32 @!p0 $0xFFFDFFF0  }
0x435: {  	s24 =	sadd.s32 $0x0, s26;
	[bflag:$0x0] =	sbarrier.arrive $0xFFFF  }
0x436: {  	[tilespmem:s17], [sflag:$0x1] =	stream.linear.gather [hbm4b:s24+s3], $0x80, $0x38;
	[tilespmem:$0x10108] =	vst v63  }
0x437: {  	_ =	swait.ge [sflag:s18], $0x80  }
0x438: {  	s16 =	sld [smem:$0x7F8];
	_ =	sdelay $0x1  }
0x439: {  	[sflag:s18] =	ssyncset.done $0x0  }
0x43a: {  	[sflag:s18] =	ssyncadd.s32 $0xFFFFFF80;
	s25 =	sadd.s32 $0x0, s16  }
0x43b: {  	[tilespmem:s19], [sflag:$0x1] =	stream.linear.gather [hbm4b:s25+s3], $0x80, $0x38;
	[tilespmem:$0x10108] =	vst v63  }
0x43c: {  	_ =	swait.ge [sflag:s18], $0x80  }
0x43d: {  	[sflag:s18] =	ssyncset.done $0x0  }
0x43e: {  	[sflag:s18] =	ssyncadd.s32 $0xFFFFFF80  }
0x43f: {  	[spmem:s1] =	stream.indirect.scatter.add.f32 [tilespmem:s19], [sflag:$0x1], $0x1, s17, s20, $0xb8;
	[tilespmem:$0x10108] =	vst v63  }
0x440: {  	_ =	swait.ge [sflag:s18], $0x80  }
0x441: {  	s22 =	simm.s32 $0x20;
	s21 =	simm.s32 $0x10;
	[sflag:s18] =	ssyncset.done $0x0  }
.LBB2_38:
0x442: {  	s23 =	sadd.s32 s21, s26  }
0x443: {  	[sflag:s18] =	ssyncadd.s32 $0xFFFFFF80;
	s24 =	smov.u32 s22;
	s25 =	sadd.s32 $0x10, s22  }
0x444: {  	[tilespmem:s17], [sflag:$0x1] =	stream.linear.gather [hbm4b:s23+s3], $0x80, $0x38;
	[tilespmem:$0x10108] =	vst v63  }
0x445: {  	p1 =	sne.s32 s22, $0x7F0;
	_ =	swait.ge [sflag:s18], $0x80  }
0x446: {  	[sflag:s18] =	ssyncset.done $0x0  }
0x447: {  	s22 =	sadd.s32 s21, s16;
	s21 =	smov.u32 s24;
	[sflag:s18] =	ssyncadd.s32 $0xFFFFFF80  }
0x448: {  	[tilespmem:s19], [sflag:$0x1] =	stream.linear.gather [hbm4b:s22+s3], $0x80, $0x38;
	[tilespmem:$0x10108] =	vst v63  }
0x449: {  	_ =	swait.ge [sflag:s18], $0x80  }
.Ltmp18:
0x44a: {  	[sflag:s18] =	ssyncset.done $0x0;
	(pc) =	sbr.rel @p1 .LBB2_38-.Ltmp18, $4  }
0x44b: {  	[sflag:s18] =	ssyncadd.s32 $0xFFFFFF80  }
0x44c: {  	[spmem:s1] =	stream.indirect.scatter.add.f32 [tilespmem:s19], [sflag:$0x1], $0x1, s17, s20, $0xb8;
	[tilespmem:$0x10108] =	vst v63  }
0x44d: {  	_ =	swait.ge [sflag:s18], $0x80  }
0x44e: {  	s22 =	smov.u32 s25;
	[sflag:s18] =	ssyncset.done $0x0  }
0x44f: {  	s22 =	sadd.s32 s21, s26;
	[sflag:s18] =	ssyncadd.s32 $0xFFFFFF80  }
0x450: {  	[tilespmem:s17], [sflag:$0x1] =	stream.linear.gather [hbm4b:s22+s3], $0x80, $0x38;
	[tilespmem:$0x10108] =	vst v63  }
0x451: {  	_ =	swait.ge [sflag:s18], $0x80  }
0x452: {  	[sflag:s18] =	ssyncset.done $0x0  }
0x453: {  	s26 =	sadd.s32 s21, s16;
	[sflag:s18] =	ssyncadd.s32 $0xFFFFFF80  }
0x454: {  	[tilespmem:s19], [sflag:$0x1] =	stream.linear.gather [hbm4b:s26+s3], $0x80, $0x38;
	[tilespmem:$0x10108] =	vst v63  }
0x455: {  	_ =	swait.ge [sflag:s18], $0x80  }
0x456: {  	[sflag:s18] =	ssyncset.done $0x0  }
0x457: {  	[sflag:s18] =	ssyncadd.s32 $0xFFFFFF80  }
0x458: {  	[spmem:s1] =	stream.indirect.scatter.add.f32 [tilespmem:s19], [sflag:$0x1], $0x1, s17, s20, $0xb8;
	[tilespmem:$0x10108] =	vst v63  }
0x459: {  	_ =	swait.ge [sflag:s18], $0x80  }
0x45a: {  	[sflag:s18] =	ssyncset.done $0x0  }
0x45b: {  	[sflag:s18] =	ssyncadd.s32 $0xFFFFFF80  }
0x45c: {  	[bflag:$0x0] =	sbarrier.arrive $0xFFFF  }
0x45d: {  	s22 =	sld [smem:$0x7E2]  }
0x45e: {  	s23 =	sld [smem:$0x7E1];
	_ =	sdelay $0x1  }
0x45f: {  	s16 =	rddreg [dreg:$0x18]  }
0x460: {  	[hbm:s16], [sflag:s22] =	dma.local [spmem:s23], $0x2000  }
0x461: {  	_ =	swait.ge [sflag:s18], $0x2000  }
0x462: {  	[sflag:s18] =	ssyncset.done $0x0  }
0x463: {  	[sflag:s18] =	ssyncadd.s32 $0xFFFFE000  }
0x464: {  	[bflag:$0x0] =	sbarrier.arrive $0xFFFF  }
0x465: {  	s16 =	sld [smem:$0x7E4];
	_ =	sdelay $0x1  }
0x466: {  	s21 =	rddreg [dreg:$0x5]  }
0x467: {  	[spmem:s16], [sflag:s22] =	dma.local @!p0 [hbm:s21], $0x20010  }
0x468: {  	s21 =	simm.s32 @!p0 $0x1  }
0x469: {  	_ =	swait.ge @!p0 [sflag:s21], $0x20010  }
0x46a: {  	[sflag:s21] =	ssyncset.done @!p0 $0x0  }
0x46b: {  	[sflag:s21] =	ssyncadd.s32 @!p0 $0xFFFDFFF0  }
0x46c: {  	[bflag:$0x0] =	sbarrier.arrive $0xFFFF  }
0x46d: {  	s16 =	sld [smem:$0x7E7];
	_ =	sdelay $0x2  }
0x46e: {  	s24 =	sadd.s32 $0x0, s16  }
0x46f: {  	[tilespmem:s17], [sflag:$0x1] =	stream.linear.gather [hbm4b:s24+s3], $0x80, $0x38;
	[tilespmem:$0x10108] =	vst v63  }
0x470: {  	_ =	swait.ge [sflag:s18], $0x80  }
0x471: {  	s26 =	sld [smem:$0x7FA];
	_ =	sdelay $0x1  }
0x472: {  	[sflag:s18] =	ssyncset.done $0x0  }
0x473: {  	[sflag:s18] =	ssyncadd.s32 $0xFFFFFF80;
	s25 =	sadd.s32 $0x0, s26  }
0x474: {  	[tilespmem:s19], [sflag:$0x1] =	stream.linear.gather [hbm4b:s25+s3], $0x80, $0x38;
	[tilespmem:$0x10108] =	vst v63  }
0x475: {  	_ =	swait.ge [sflag:s18], $0x80  }
0x476: {  	[sflag:s18] =	ssyncset.done $0x0  }
0x477: {  	[sflag:s18] =	ssyncadd.s32 $0xFFFFFF80  }
0x478: {  	[spmem:s1] =	stream.indirect.scatter.add.f32 [tilespmem:s19], [sflag:$0x1], $0x1, s17, s20, $0xb8;
	[tilespmem:$0x10108] =	vst v63  }
0x479: {  	_ =	swait.ge [sflag:s18], $0x80  }
0x47a: {  	s22 =	simm.s32 $0x20;
	s21 =	simm.s32 $0x10;
	[sflag:s18] =	ssyncset.done $0x0  }
.LBB2_40:
0x47b: {  	s23 =	sadd.s32 s21, s16  }
0x47c: {  	[sflag:s18] =	ssyncadd.s32 $0xFFFFFF80;
	s24 =	smov.u32 s22;
	s25 =	sadd.s32 $0x10, s22  }
0x47d: {  	[tilespmem:s17], [sflag:$0x1] =	stream.linear.gather [hbm4b:s23+s3], $0x80, $0x38;
	[tilespmem:$0x10108] =	vst v63  }
0x47e: {  	p1 =	sne.s32 s22, $0x7F0;
	_ =	swait.ge [sflag:s18], $0x80  }
0x47f: {  	[sflag:s18] =	ssyncset.done $0x0  }
0x480: {  	s22 =	sadd.s32 s21, s26;
	s21 =	smov.u32 s24;
	[sflag:s18] =	ssyncadd.s32 $0xFFFFFF80  }
0x481: {  	[tilespmem:s19], [sflag:$0x1] =	stream.linear.gather [hbm4b:s22+s3], $0x80, $0x38;
	[tilespmem:$0x10108] =	vst v63  }
0x482: {  	_ =	swait.ge [sflag:s18], $0x80  }
.Ltmp19:
0x483: {  	[sflag:s18] =	ssyncset.done $0x0;
	(pc) =	sbr.rel @p1 .LBB2_40-.Ltmp19, $4  }
0x484: {  	[sflag:s18] =	ssyncadd.s32 $0xFFFFFF80  }
0x485: {  	[spmem:s1] =	stream.indirect.scatter.add.f32 [tilespmem:s19], [sflag:$0x1], $0x1, s17, s20, $0xb8;
	[tilespmem:$0x10108] =	vst v63  }
0x486: {  	_ =	swait.ge [sflag:s18], $0x80  }
0x487: {  	s22 =	smov.u32 s25;
	[sflag:s18] =	ssyncset.done $0x0  }
0x488: {  	s22 =	sadd.s32 s21, s16;
	[sflag:s18] =	ssyncadd.s32 $0xFFFFFF80  }
0x489: {  	[tilespmem:s17], [sflag:$0x1] =	stream.linear.gather [hbm4b:s22+s3], $0x80, $0x38;
	[tilespmem:$0x10108] =	vst v63  }
0x48a: {  	_ =	swait.ge [sflag:s18], $0x80  }
0x48b: {  	[sflag:s18] =	ssyncset.done $0x0  }
0x48c: {  	s22 =	sadd.s32 s21, s26;
	[sflag:s18] =	ssyncadd.s32 $0xFFFFFF80  }
0x48d: {  	[tilespmem:s19], [sflag:$0x1] =	stream.linear.gather [hbm4b:s22+s3], $0x80, $0x38;
	[tilespmem:$0x10108] =	vst v63  }
0x48e: {  	_ =	swait.ge [sflag:s18], $0x80  }
0x48f: {  	[sflag:s18] =	ssyncset.done $0x0  }
0x490: {  	[sflag:s18] =	ssyncadd.s32 $0xFFFFFF80  }
0x491: {  	[spmem:s1] =	stream.indirect.scatter.add.f32 [tilespmem:s19], [sflag:$0x1], $0x1, s17, s20, $0xb8;
	[tilespmem:$0x10108] =	vst v63  }
0x492: {  	_ =	swait.ge [sflag:s18], $0x80  }
0x493: {  	[sflag:s18] =	ssyncset.done $0x0  }
0x494: {  	[sflag:s18] =	ssyncadd.s32 $0xFFFFFF80  }
0x495: {  	[bflag:$0x0] =	sbarrier.arrive $0xFFFF  }
0x496: {  	s22 =	sld [smem:$0x7E2]  }
0x497: {  	s24 =	sld [smem:$0x7E1];
	_ =	sdelay $0x1  }
0x498: {  	s23 =	rddreg [dreg:$0x19]  }
0x499: {  	[hbm:s23], [sflag:s22] =	dma.local [spmem:s24], $0x2000  }
0x49a: {  	_ =	swait.ge [sflag:s18], $0x2000  }
0x49b: {  	[sflag:s18] =	ssyncset.done $0x0  }
0x49c: {  	[sflag:s18] =	ssyncadd.s32 $0xFFFFE000  }
0x49d: {  	[bflag:$0x0] =	sbarrier.arrive $0xFFFF  }
0x49e: {  	s16 =	sld [smem:$0x7E4];
	_ =	sdelay $0x1  }
0x49f: {  	s21 =	rddreg [dreg:$0x5]  }
0x4a0: {  	[spmem:s16], [sflag:s22] =	dma.local @!p0 [hbm:s21], $0x20010  }
0x4a1: {  	s21 =	simm.s32 @!p0 $0x1  }
0x4a2: {  	_ =	swait.ge @!p0 [sflag:s21], $0x20010  }
0x4a3: {  	[sflag:s21] =	ssyncset.done @!p0 $0x0  }
0x4a4: {  	[sflag:s21] =	ssyncadd.s32 @!p0 $0xFFFDFFF0  }
0x4a5: {  	[bflag:$0x0] =	sbarrier.arrive $0xFFFF  }
0x4a6: {  	s16 =	sld [smem:$0x7EC];
	_ =	sdelay $0x2  }
0x4a7: {  	s25 =	sadd.s32 $0x0, s16  }
0x4a8: {  	[tilespmem:s17], [sflag:$0x1] =	stream.linear.gather [hbm4b:s25+s3], $0x80, $0x38;
	[tilespmem:$0x10108] =	vst v63  }
0x4a9: {  	_ =	swait.ge [sflag:s18], $0x80  }
0x4aa: {  	[sflag:s18] =	ssyncset.done $0x0;
	s26 =	rddreg [dreg:$0x3]  }
0x4ab: {  	[sflag:s18] =	ssyncadd.s32 $0xFFFFFF80;
	s21 =	sadd.s32 $0x0, s26  }
0x4ac: {  	[tilespmem:s19], [sflag:$0x1] =	stream.linear.gather [hbm4b:s21+s3], $0x80, $0x38;
	[tilespmem:$0x10108] =	vst v63  }
0x4ad: {  	_ =	swait.ge [sflag:s18], $0x80  }
0x4ae: {  	[sflag:s18] =	ssyncset.done $0x0  }
0x4af: {  	[sflag:s18] =	ssyncadd.s32 $0xFFFFFF80  }
0x4b0: {  	[spmem:s1] =	stream.indirect.scatter.add.f32 [tilespmem:s19], [sflag:$0x1], $0x1, s17, s20, $0xb8;
	[tilespmem:$0x10108] =	vst v63  }
0x4b1: {  	_ =	swait.ge [sflag:s18], $0x80  }
0x4b2: {  	s26 =	sld [smem:$0x7F6];
	_ =	sdelay $0x1  }
0x4b3: {  	s22 =	simm.s32 $0x20;
	s21 =	simm.s32 $0x10;
	[sflag:s18] =	ssyncset.done $0x0  }
.LBB2_42:
0x4b4: {  	s23 =	sadd.s32 s21, s16;
	[sflag:s18] =	ssyncadd.s32 $0xFFFFFF80  }
0x4b5: {  	[tilespmem:s17], [sflag:$0x1] =	stream.linear.gather [hbm4b:s23+s3], $0x80, $0x38;
	[tilespmem:$0x10108] =	vst v63  }
0x4b6: {  	s23 =	rddreg [dreg:$0x3];
	_ =	swait.ge [sflag:s18], $0x80  }
0x4b7: {  	s24 =	smov.u32 s22;
	s25 =	sadd.s32 $0x10, s22;
	[sflag:s18] =	ssyncset.done $0x0  }
0x4b8: {  	p1 =	sne.s32 s22, $0x7F0;
	s22 =	sadd.s32 s21, s23;
	[sflag:s18] =	ssyncadd.s32 $0xFFFFFF80  }
0x4b9: {  	[tilespmem:s19], [sflag:$0x1] =	stream.linear.gather [hbm4b:s22+s3], $0x80, $0x38;
	[tilespmem:$0x10108] =	vst v63  }
0x4ba: {  	_ =	swait.ge [sflag:s18], $0x80  }
.Ltmp20:
0x4bb: {  	[sflag:s18] =	ssyncset.done $0x0;
	(pc) =	sbr.rel @p1 .LBB2_42-.Ltmp20, $4  }
0x4bc: {  	[sflag:s18] =	ssyncadd.s32 $0xFFFFFF80  }
0x4bd: {  	[spmem:s1] =	stream.indirect.scatter.add.f32 [tilespmem:s19], [sflag:$0x1], $0x1, s17, s20, $0xb8;
	[tilespmem:$0x10108] =	vst v63  }
0x4be: {  	_ =	swait.ge [sflag:s18], $0x80  }
0x4bf: {  	s21 =	smov.u32 s24;
	s22 =	smov.u32 s25;
	[sflag:s18] =	ssyncset.done $0x0  }
0x4c0: {  	s22 =	sadd.s32 s21, s16;
	[sflag:s18] =	ssyncadd.s32 $0xFFFFFF80  }
0x4c1: {  	[tilespmem:s17], [sflag:$0x1] =	stream.linear.gather [hbm4b:s22+s3], $0x80, $0x38;
	[tilespmem:$0x10108] =	vst v63  }
0x4c2: {  	_ =	swait.ge [sflag:s18], $0x80  }
0x4c3: {  	[sflag:s18] =	ssyncset.done $0x0  }
0x4c4: {  	s25 =	sadd.s32 s21, s23;
	[sflag:s18] =	ssyncadd.s32 $0xFFFFFF80  }
0x4c5: {  	[tilespmem:s19], [sflag:$0x1] =	stream.linear.gather [hbm4b:s25+s3], $0x80, $0x38;
	[tilespmem:$0x10108] =	vst v63  }
0x4c6: {  	_ =	swait.ge [sflag:s18], $0x80  }
0x4c7: {  	[sflag:s18] =	ssyncset.done $0x0  }
0x4c8: {  	[sflag:s18] =	ssyncadd.s32 $0xFFFFFF80  }
0x4c9: {  	[spmem:s1] =	stream.indirect.scatter.add.f32 [tilespmem:s19], [sflag:$0x1], $0x1, s17, s20, $0xb8;
	[tilespmem:$0x10108] =	vst v63  }
0x4ca: {  	_ =	swait.ge [sflag:s18], $0x80  }
0x4cb: {  	[sflag:s18] =	ssyncset.done $0x0  }
0x4cc: {  	[sflag:s18] =	ssyncadd.s32 $0xFFFFFF80  }
0x4cd: {  	[bflag:$0x0] =	sbarrier.arrive $0xFFFF  }
0x4ce: {  	s22 =	sld [smem:$0x7E2]  }
0x4cf: {  	s23 =	sld [smem:$0x7E1];
	_ =	sdelay $0x1  }
0x4d0: {  	s16 =	rddreg [dreg:$0x1a]  }
0x4d1: {  	[hbm:s16], [sflag:s22] =	dma.local [spmem:s23], $0x2000  }
0x4d2: {  	_ =	swait.ge [sflag:s18], $0x2000  }
0x4d3: {  	[sflag:s18] =	ssyncset.done $0x0  }
0x4d4: {  	[sflag:s18] =	ssyncadd.s32 $0xFFFFE000  }
0x4d5: {  	[bflag:$0x0] =	sbarrier.arrive $0xFFFF  }
0x4d6: {  	s16 =	sld [smem:$0x7E4];
	_ =	sdelay $0x1  }
0x4d7: {  	s21 =	rddreg [dreg:$0x5]  }
0x4d8: {  	[spmem:s16], [sflag:s22] =	dma.local @!p0 [hbm:s21], $0x20010  }
0x4d9: {  	s21 =	simm.s32 @!p0 $0x1  }
0x4da: {  	_ =	swait.ge @!p0 [sflag:s21], $0x20010  }
0x4db: {  	[sflag:s21] =	ssyncset.done @!p0 $0x0  }
0x4dc: {  	[sflag:s21] =	ssyncadd.s32 @!p0 $0xFFFDFFF0  }
0x4dd: {  	[bflag:$0x0] =	sbarrier.arrive $0xFFFF  }
0x4de: {  	s16 =	sld [smem:$0x7F1];
	_ =	sdelay $0x2  }
0x4df: {  	s24 =	sadd.s32 $0x0, s16  }
0x4e0: {  	[tilespmem:s17], [sflag:$0x1] =	stream.linear.gather [hbm4b:s24+s3], $0x80, $0x38;
	[tilespmem:$0x10108] =	vst v63  }
0x4e1: {  	_ =	swait.ge [sflag:s18], $0x80  }
0x4e2: {  	[sflag:s18] =	ssyncset.done $0x0;
	s25 =	rddreg [dreg:$0x4]  }
0x4e3: {  	[sflag:s18] =	ssyncadd.s32 $0xFFFFFF80;
	s21 =	sadd.s32 $0x0, s25  }
0x4e4: {  	[tilespmem:s19], [sflag:$0x1] =	stream.linear.gather [hbm4b:s21+s3], $0x80, $0x38;
	[tilespmem:$0x10108] =	vst v63  }
0x4e5: {  	_ =	swait.ge [sflag:s18], $0x80  }
0x4e6: {  	[sflag:s18] =	ssyncset.done $0x0  }
0x4e7: {  	[sflag:s18] =	ssyncadd.s32 $0xFFFFFF80  }
0x4e8: {  	[spmem:s1] =	stream.indirect.scatter.add.f32 [tilespmem:s19], [sflag:$0x1], $0x1, s17, s20, $0xb8;
	[tilespmem:$0x10108] =	vst v63  }
0x4e9: {  	_ =	swait.ge [sflag:s18], $0x80  }
0x4ea: {  	s22 =	simm.s32 $0x20;
	s21 =	simm.s32 $0x10;
	[sflag:s18] =	ssyncset.done $0x0  }
.LBB2_44:
0x4eb: {  	s23 =	sadd.s32 s21, s16;
	[sflag:s18] =	ssyncadd.s32 $0xFFFFFF80  }
0x4ec: {  	[tilespmem:s17], [sflag:$0x1] =	stream.linear.gather [hbm4b:s23+s3], $0x80, $0x38;
	[tilespmem:$0x10108] =	vst v63  }
0x4ed: {  	s23 =	rddreg [dreg:$0x4];
	_ =	swait.ge [sflag:s18], $0x80  }
0x4ee: {  	s24 =	smov.u32 s22;
	s25 =	sadd.s32 $0x10, s22;
	[sflag:s18] =	ssyncset.done $0x0  }
0x4ef: {  	p1 =	sne.s32 s22, $0x7F0;
	s22 =	sadd.s32 s21, s23;
	[sflag:s18] =	ssyncadd.s32 $0xFFFFFF80  }
0x4f0: {  	[tilespmem:s19], [sflag:$0x1] =	stream.linear.gather [hbm4b:s22+s3], $0x80, $0x38;
	[tilespmem:$0x10108] =	vst v63  }
0x4f1: {  	_ =	swait.ge [sflag:s18], $0x80  }
.Ltmp21:
0x4f2: {  	[sflag:s18] =	ssyncset.done $0x0;
	(pc) =	sbr.rel @p1 .LBB2_44-.Ltmp21, $4  }
0x4f3: {  	[sflag:s18] =	ssyncadd.s32 $0xFFFFFF80  }
0x4f4: {  	[spmem:s1] =	stream.indirect.scatter.add.f32 [tilespmem:s19], [sflag:$0x1], $0x1, s17, s20, $0xb8;
	[tilespmem:$0x10108] =	vst v63  }
0x4f5: {  	_ =	swait.ge [sflag:s18], $0x80  }
0x4f6: {  	s21 =	smov.u32 s24;
	s22 =	smov.u32 s25;
	[sflag:s18] =	ssyncset.done $0x0  }
0x4f7: {  	s22 =	sadd.s32 s21, s16;
	[sflag:s18] =	ssyncadd.s32 $0xFFFFFF80  }
0x4f8: {  	[tilespmem:s17], [sflag:$0x1] =	stream.linear.gather [hbm4b:s22+s3], $0x80, $0x38;
	[tilespmem:$0x10108] =	vst v63  }
0x4f9: {  	_ =	swait.ge [sflag:s18], $0x80  }
0x4fa: {  	[sflag:s18] =	ssyncset.done $0x0  }
0x4fb: {  	s25 =	sadd.s32 s21, s23;
	[sflag:s18] =	ssyncadd.s32 $0xFFFFFF80  }
0x4fc: {  	[tilespmem:s19], [sflag:$0x1] =	stream.linear.gather [hbm4b:s25+s3], $0x80, $0x38;
	[tilespmem:$0x10108] =	vst v63  }
0x4fd: {  	_ =	swait.ge [sflag:s18], $0x80  }
0x4fe: {  	[sflag:s18] =	ssyncset.done $0x0  }
0x4ff: {  	[sflag:s18] =	ssyncadd.s32 $0xFFFFFF80  }
0x500: {  	[spmem:s1] =	stream.indirect.scatter.add.f32 [tilespmem:s19], [sflag:$0x1], $0x1, s17, s20, $0xb8;
	[tilespmem:$0x10108] =	vst v63  }
0x501: {  	_ =	swait.ge [sflag:s18], $0x80  }
0x502: {  	[sflag:s18] =	ssyncset.done $0x0  }
0x503: {  	[sflag:s18] =	ssyncadd.s32 $0xFFFFFF80  }
0x504: {  	[bflag:$0x0] =	sbarrier.arrive $0xFFFF  }
0x505: {  	s22 =	sld [smem:$0x7E2]  }
0x506: {  	s23 =	sld [smem:$0x7E1];
	_ =	sdelay $0x1  }
0x507: {  	s16 =	rddreg [dreg:$0x1b]  }
0x508: {  	[hbm:s16], [sflag:s22] =	dma.local [spmem:s23], $0x2000  }
0x509: {  	_ =	swait.ge [sflag:s18], $0x2000  }
0x50a: {  	[sflag:s18] =	ssyncset.done $0x0  }
0x50b: {  	[sflag:s18] =	ssyncadd.s32 $0xFFFFE000  }
0x50c: {  	[bflag:$0x0] =	sbarrier.arrive $0xFFFF  }
0x50d: {  	s16 =	sld [smem:$0x7E4];
	_ =	sdelay $0x1  }
0x50e: {  	s21 =	rddreg [dreg:$0x5]  }
0x50f: {  	[spmem:s16], [sflag:s22] =	dma.local @!p0 [hbm:s21], $0x20010  }
0x510: {  	s21 =	simm.s32 @!p0 $0x1  }
0x511: {  	_ =	swait.ge @!p0 [sflag:s21], $0x20010  }
0x512: {  	[sflag:s21] =	ssyncset.done @!p0 $0x0  }
0x513: {  	[sflag:s21] =	ssyncadd.s32 @!p0 $0xFFFDFFF0  }
0x514: {  	s24 =	sadd.s32 $0x0, s26;
	[bflag:$0x0] =	sbarrier.arrive $0xFFFF  }
0x515: {  	[tilespmem:s17], [sflag:$0x1] =	stream.linear.gather [hbm4b:s24+s3], $0x80, $0x38;
	[tilespmem:$0x10108] =	vst v63  }
0x516: {  	_ =	swait.ge [sflag:s18], $0x80  }
0x517: {  	s16 =	sld [smem:$0x7FC];
	_ =	sdelay $0x1  }
0x518: {  	[sflag:s18] =	ssyncset.done $0x0  }
0x519: {  	[sflag:s18] =	ssyncadd.s32 $0xFFFFFF80;
	s25 =	sadd.s32 $0x0, s16  }
0x51a: {  	[tilespmem:s19], [sflag:$0x1] =	stream.linear.gather [hbm4b:s25+s3], $0x80, $0x38;
	[tilespmem:$0x10108] =	vst v63  }
0x51b: {  	_ =	swait.ge [sflag:s18], $0x80  }
0x51c: {  	[sflag:s18] =	ssyncset.done $0x0  }
0x51d: {  	[sflag:s18] =	ssyncadd.s32 $0xFFFFFF80  }
0x51e: {  	[spmem:s1] =	stream.indirect.scatter.add.f32 [tilespmem:s19], [sflag:$0x1], $0x1, s17, s20, $0xb8;
	[tilespmem:$0x10108] =	vst v63  }
0x51f: {  	_ =	swait.ge [sflag:s18], $0x80  }
0x520: {  	s22 =	simm.s32 $0x20;
	s21 =	simm.s32 $0x10;
	[sflag:s18] =	ssyncset.done $0x0  }
.LBB2_46:
0x521: {  	s23 =	sadd.s32 s21, s26  }
0x522: {  	[sflag:s18] =	ssyncadd.s32 $0xFFFFFF80;
	s24 =	smov.u32 s22;
	s25 =	sadd.s32 $0x10, s22  }
0x523: {  	[tilespmem:s17], [sflag:$0x1] =	stream.linear.gather [hbm4b:s23+s3], $0x80, $0x38;
	[tilespmem:$0x10108] =	vst v63  }
0x524: {  	p1 =	sne.s32 s22, $0x7F0;
	_ =	swait.ge [sflag:s18], $0x80  }
0x525: {  	[sflag:s18] =	ssyncset.done $0x0  }
0x526: {  	s22 =	sadd.s32 s21, s16;
	s21 =	smov.u32 s24;
	[sflag:s18] =	ssyncadd.s32 $0xFFFFFF80  }
0x527: {  	[tilespmem:s19], [sflag:$0x1] =	stream.linear.gather [hbm4b:s22+s3], $0x80, $0x38;
	[tilespmem:$0x10108] =	vst v63  }
0x528: {  	_ =	swait.ge [sflag:s18], $0x80  }
.Ltmp22:
0x529: {  	[sflag:s18] =	ssyncset.done $0x0;
	(pc) =	sbr.rel @p1 .LBB2_46-.Ltmp22, $4  }
0x52a: {  	[sflag:s18] =	ssyncadd.s32 $0xFFFFFF80  }
0x52b: {  	[spmem:s1] =	stream.indirect.scatter.add.f32 [tilespmem:s19], [sflag:$0x1], $0x1, s17, s20, $0xb8;
	[tilespmem:$0x10108] =	vst v63  }
0x52c: {  	_ =	swait.ge [sflag:s18], $0x80  }
0x52d: {  	s22 =	smov.u32 s25;
	[sflag:s18] =	ssyncset.done $0x0  }
0x52e: {  	s22 =	sadd.s32 s21, s26;
	[sflag:s18] =	ssyncadd.s32 $0xFFFFFF80  }
0x52f: {  	[tilespmem:s17], [sflag:$0x1] =	stream.linear.gather [hbm4b:s22+s3], $0x80, $0x38;
	[tilespmem:$0x10108] =	vst v63  }
0x530: {  	_ =	swait.ge [sflag:s18], $0x80  }
0x531: {  	[sflag:s18] =	ssyncset.done $0x0  }
0x532: {  	s16 =	sadd.s32 s21, s16;
	[sflag:s18] =	ssyncadd.s32 $0xFFFFFF80  }
0x533: {  	[tilespmem:s19], [sflag:$0x1] =	stream.linear.gather [hbm4b:s16+s3], $0x80, $0x38;
	[tilespmem:$0x10108] =	vst v63  }
0x534: {  	_ =	swait.ge [sflag:s18], $0x80  }
0x535: {  	[sflag:s18] =	ssyncset.done $0x0  }
0x536: {  	[sflag:s18] =	ssyncadd.s32 $0xFFFFFF80  }
0x537: {  	[spmem:s1] =	stream.indirect.scatter.add.f32 [tilespmem:s19], [sflag:$0x1], $0x1, s17, s20, $0xb8;
	[tilespmem:$0x10108] =	vst v63  }
0x538: {  	_ =	swait.ge [sflag:s18], $0x80  }
0x539: {  	[sflag:s18] =	ssyncset.done $0x0  }
0x53a: {  	[sflag:s18] =	ssyncadd.s32 $0xFFFFFF80  }
0x53b: {  	[bflag:$0x0] =	sbarrier.arrive $0xFFFF  }
0x53c: {  	s23 =	sld [smem:$0x7E2]  }
0x53d: {  	s24 =	sld [smem:$0x7E1];
	_ =	sdelay $0x1  }
0x53e: {  	s22 =	rddreg [dreg:$0x1c]  }
0x53f: {  	[hbm:s22], [sflag:s23] =	dma.local [spmem:s24], $0x2000  }
0x540: {  	_ =	swait.ge [sflag:s18], $0x2000  }
0x541: {  	s25 =	sld [smem:$0x7E3]  }
0x542: {  	s26 =	sld [smem:$0x7FB];
	_ =	sdelay $0x1  }
0x543: {  	s21 =	sadd.s32 $0x1, s25  }
0x544: {  	p1 =	sne.s32 s21, s26  }
.Ltmp23:
0x545: {  	_ = 	snop;
	(pc) =	sbr.rel @p1 .LBB2_1-.Ltmp23, $4  }
0x546: {  	[sflag:s18] =	ssyncset.done $0x0  }
0x547: {  	[sflag:s18] =	ssyncadd.s32 $0xFFFFE000  }
0x548: {  	[bflag:$0x0] =	sbarrier.arrive $0xFFFF  }
0x549: {  	s23 =	smov.u32 s2;
	s26 =	rddreg [dreg:$0x1d]  }
0x54a: {  	_ =	sfence.sel $0x180000  }
0x54b: {  	[bflag:$0x0] =	sbarrier.arrive $0xFFFF  }
0x54c: {  	_ =	strace $0x9000004A  }
0x54d: {  	[bflag:$0x2] =	sbarrier.arrive $0xFFFF  }
0x54e: {  	s0 =	rddreg [dreg:$0x2]  }
0x54f: {  	s0 =	sadd.s32 @!p0 $0x100000, s0  }
0x550: {  	[sflag:s0] =	ssyncadd.tile.s32 @!p0 $0x1;
	_ =	shalt  }
.Lfunc_end2:
_tile_overlayer_lowered:
.L_overlay_start_2:
0x551: {  	(tag) =	ssettag $0x2  }
0x552: {  	s0 =	rddreg [dreg:$0x0];
	s2 =	stileid.u32  }
0x553: {  	s1 =	rddreg [dreg:$0x1];
	p0 =	sne.s32 s2, $0x0  }
0x554: {  	s3 =	rddreg [dreg:$0x2];
	[bflag:$0x3] =	sbarrier.arrive $0xFFFF;
	s2 =	simm.s32 @!p0 $0x1C01  }
0x555: {  	[timem:s3], [sflag:s2] =	dma.local @!p0 [hbm:s0], s1  }
0x556: {  	s0 =	simm.s32 @!p0 $0x1  }
0x557: {  	_ =	swait.ge @!p0 [sflag:s0], s1  }
0x558: {  	s1 =	ssub.s32 @!p0 $0x0, s1;
	[sflag:s0] =	ssyncset.done @!p0 $0x0  }
0x559: {  	[sflag:s0] =	ssyncadd.s32 @!p0 s1  }
0x55a: {  	[bflag:$0x3] =	sbarrier.arrive $0xFFFF  }
0x55b: {  	_ =	shalt  }

// kernel: sparse-core-data-format-call.1.cloned.1.call-start
scs
called_computation.1_lowered:
.L_overlay_start_0:
0x0: {  	s1 =	sld [smem:$0x3FD9]  }
0x1: {  	s2 =	sld [smem:$0x3FFE];
	_ =	sdelay $0x1  }
0x2: {  	s3 =	srdreg.scid  }
0x3: {  	s0 =	sand.u32 $0x1, s3  }
0x4: {  	s17 =	sshll.u32 s0, $0xA;
	s1 =	sadd.s32 s2, s1  }
0x5: {  	s1 =	sadd.s32 s1, s17  }
0x6: {  	[smem:$0x3FBD] =	sst s1  }
0x7: {  	_ = 	snop  }
0x8: {  	(tm) =	ssettm $0x1  }
0x9: {  	s18 =	sld [smem:$0x3FFB];
	_ =	sdelay $0x3  }
0xa: {  	_ =	strace s18  }
0xb: {  	s1 =	sld [smem:$0x3FFC];
	_ =	sdelay $0x3  }
0xc: {  	_ =	strace s1  }
0xd: {  	s1 =	sld [smem:$0x3FFD];
	_ =	sdelay $0x3  }
0xe: {  	_ =	strace s1  }
0xf: {  	_ =	strace $0x8FFFFFFF  }
0x10: {  	s19 =	sld [smem:$0x3FDB];
	_ =	sdelay $0x1  }
0x11: {  	s20 =	simm.s32 $_scs_section_size  }
0x12: {  	s4 =	simm.s32 $_size__tile_overlayer_lowered;
	s5 =	simm.s32 $_tile_overlayer_lowered  }
0x13: {  	s23 =	simm.s32 $0x1BFF;
	s22 =	sshll.u32 s5, $0x1;
	s1 =	sadd.s32 s20, s19  }
0x14: {  	s6 =	simm.s32 $0x0;
	s21 =	sshll.u32 s4, $0x1;
	s4 =	sadd.s32 s22, s1  }
0x15: {  	[timem:s6], [sflag:s23] =	dma.local [hbm:s4], s21  }
0x16: {  	_ =	swait.ge [sflag:s23], s21  }
0x17: {  	s2 =	ssub.s32 $0x0, s21;
	[sflag:s23] =	ssyncset.done $0x0  }
0x18: {  	[sflag:s23] =	ssyncadd.s32 s2;
	_ =	sdelay $0x1  }
0x19: {  	s24 =	simm.s32 $0x1B8B  }
0x1a: {  	_ =	swait.ge [sflag:s24], $0x1  }
0x1b: {  	[sflag:s24] =	ssyncset.done $0x0  }
0x1c: {  	s26 =	simm.s32 $0x1B8E;
	s25 =	sld [smem:$0x3FFE];
	[sflag:s24] =	ssyncadd.s32 $0xFFFFFFFF  }
0x1d: {  	s27 =	simm.s32 $execute0_lowered;
	[smem:$0x3FD2] =	sst s26  }
0x1e: {  	s4 =	sshll.u32 s27, $0x1;
	_ =	strace $0x80000052;
	[dreg:$0x1] =	wrdreg $0xFFFFFFFF  }
0x1f: {  	s28 =	simm.s32 $_size_execute0_lowered;
	s1 =	sadd.s32 s1, s4;
	[dreg:$0x0] =	wrdreg $0x0  }
0x20: {  	s4 =	sshll.u32 s28, $0x1;
	[dreg:$0x2] =	wrdreg s1  }
0x21: {  	[dreg:$0x3] =	wrdreg s4  }
0x22: {  	[dreg:$0x4] =	wrdreg $0xC0  }
0x23: {  	_ =	task [dreg:s6], $0x5FFFF  }
0x24: {  	[dreg:$0x1] =	wrdreg $0xFFFFFFFF  }
0x25: {  	[dreg:$0x0] =	wrdreg $0x60  }
0x26: {  	[dreg:$0x2] =	wrdreg s25  }
0x27: {  	[dreg:$0x3] =	wrdreg $0x9  }
0x28: {  	_ =	task.clear_ibuf [dreg:s6], $0x4FFFF;
	_ =	strace $0x90000052  }
0x29: {  	s29 =	simm.s32 $0x9;
	_ =	strace $0x80000054  }
0x2a: {  	_ =	swait.ge [sflag:s29], $0x1  }
0x2b: {  	[sflag:s29] =	ssyncadd.s32 $0xFFFFFFFF  }
0x2c: {  	_ =	strace $0x90000054  }
0x2d: {  	_ =	sfence  }
0x2e: {  	s30 =	sld [smem:$0x0];
	_ =	sdelay $0x2  }
0x2f: {  	s31 =	sshll.u32 s3, $0xD;
	s3 =	sshrl.u32 s3, $0x2  }
0x30: {  	s2 =	sand.u32 $0x4000, s31;
	s1 =	sadd.s32 s3, s30  }
0x31: {  	s0 =	sor.u32 s2, s0;
	s1 =	sshll.u32 s1, $0x11  }
0x32: {  	s0 =	sor.u32 s1, s0  }
0x33: {  	s0 =	sadd.s32 $0x8F2B, s0  }
0x34: {  	[sflag:s0] =	ssyncadd.remote.s32 $0x1  }
0x35: {  	_ =	sfence.sel $0xFFFF  }
0x36: {  	[dreg:$0x0] =	wrdreg $0xFFFFFFFF;
	(pc) =	sbr.abs _section_cstart, $3  }
0x37: {  	[dreg:$0x1] =	wrdreg $0xFFFFFFFF  }
0x38: {  	_ =	task.clear_ibuf [dreg:s6], $0x2FFFF;
	_ =	strace $0x9FFFFFFF  }
0x39: {  	(tm) =	ssettm $0x7FFFFFFF  }
tec
execute0_lowered:
.L_overlay_start_1:
0x0: {  	(tag) =	ssettag $0x1  }
0x1: {  	s0 =	stileid.u32;
	s1 =	srdreg.scid  }
0x2: {  	s7 =	rddreg [dreg:$0x0];
	s31 =	simm.s32 $0x2;
	s15 =	simm.s32 $0x0  }
0x3: {  	s9 =	simm.s32 $0x800;
	s2 =	sshll.u32 s0, $0x3;
	s1 =	sshll.u32 s1, $0x7  }
0x4: {  	s10 =	simm.s32 $0x200000;
	s1 =	sor.u32 s2, s1;
	s2 =	sand.u32 $0x1, s0  }
0x5: {  	s11 =	simm.s32 $0x0;
	s1 =	sand.u32 $0xF0, s1;
	s4 =	ssub.s32 $0x2, s2  }
0x6: {  	s16 =	simm.s32 $0x0;
	s3 =	ssub.s32 $0x4000, s1;
	s6 =	sshrl.u32 s4, $0x1  }
0x7: {  	s4 =	sand.u32 $0x1, s4;
	s5 =	sand.u32 $0xF0, s3;
	s8 =	sshrl.u32 s3, $0x8  }
0x8: {  	s3 =	rddreg [dreg:$0x1];
	p0 =	sne.s32 s5, $0x0;
	s5 =	simm.s32 $0x1  }
.Ltmp0:
0x9: {  	s6 =	sadd.s32 s4, s6;
	s5 =	simm.s32 @!p0 $0x0;
	(pc) =	sbr.rel .LBB1_1-.Ltmp0, $4  }
0xa: {  	_ =	strace $0x80000053;
	s4 =	simm.s32 $0x1;
	s5 =	sadd.s32 s5, s8  }
0xb: {  	s14 =	simm.s32 $0x0;
	[sflag:s4] =	ssyncpa.u1 $0x0;
	s5 =	smul.u32 s6, s5  }
0xc: {  	s13 =	smov.u32 s2;
	s12 =	smov.u32 s1;
	[sflag:s31] =	ssyncpa.u1 $0x0  }
0xd: {  	s6 =	sadd.s32 $0x46A00, s7;
	s7 =	sadd.s32 $0x446A00, s7;
	s8 =	sadd.s32 $0x1, s5  }
.LBB1_7:
0xe: {  	s17 =	sadd.s32 $0x100, s12  }
0xf: {  	s15 =	sadd.s32 $0x2, s13;
	s19 =	smov.u32 s13;
	p1 =	sgt.s32 s17, $0x3FFF  }
0x10: {  	s19 =	smov.u32 @p1 s15  }
0x11: {  	s17 =	smov.u32 @p1 s1;
	p1 =	sgt.s32 s19, $0x1  }
0x12: {  	s19 =	smov.u32 @p1 s2;
	p1 =	sne.s32 s14, s8  }
.Ltmp1:
0x13: {  	p0 =	slt.u32 s14, $0x2;
	(pc) =	sbr.rel @!p1 .LBB1_8-.Ltmp1, $4  }
0x14: {  	s18 =	simm.s32 @!p0 $0x2  }
0x15: {  	s16 =	smov.u32 s13;
	s11 =	sadd.s32 $0x4000, s11;
	_ =	swait.ge @!p0 [sflag:s18], $0x4000  }
0x16: {  	s15 =	smov.u32 s12;
	[sflag:s18] =	ssyncset.done @!p0 $0x0;
	s12 =	smov.u32 s17  }
0x17: {  	s14 =	sadd.s32 $0x1, s14;
	[sflag:s18] =	ssyncadd.s32 @!p0 $0xFFFFC000;
	s13 =	smov.u32 s19  }
.LBB1_1:
0x18: {  	p0 =	sge.u32 s14, s5  }
0x19: {  	s31 =	sadd.s32 $0xFFFFFFFF, s14;
	s17 =	sxor.u32 @!p0 $0xFFFFFFFF, s14;
	s18 =	sshll.u32 @!p0 s13, $0x15  }
0x1a: {  	s19 =	sshll.u32 @!p0 s12, $0x7;
	s17 =	sshll.u32 @!p0 s17, $0xE;
	s18 =	sadd.s32 @!p0 s6, s18  }
0x1b: {  	s17 =	sand.u32 @!p0 $0x4000, s17;
	s18 =	sadd.s32 @!p0 s19, s18;
	s19 =	simm.s32 @!p0 $0x0  }
0x1c: {  	[tilespmem:s17], [sflag:$0x1] =	stream.linear.gather @!p0 [hbm4b:s18+s19], $0x4000, $0x38;
	[tilespmem:$0x10000] =	vst v63  }
0x1d: {  	p0 =	sge.u32 s31, s5  }
.Ltmp2:
0x1e: {  	_ = 	snop;
	(pc) =	sbr.rel @p0 .LBB1_7-.Ltmp2, $1  }
0x1f: {  	_ =	sdelay $0x3  }
0x20: {  	s18 =	sand.u32 $0x4000, s11  }
0x21: {  	_ =	swait.ge [sflag:s4], $0x4000;
	s20 =	sshll.u32 s14, $0xE;
	s17 =	sor.u32 $0x8040, s18  }
0x22: {  	s19 =	sor.u32 $0x40, s18;
	[sflag:s4] =	ssyncset.done $0x0;
	s31 =	sand.u32 $0x4000, s20  }
0x23: {  	s20 =	simm.s32 $0x0;
	[sflag:s4] =	ssyncadd.s32 $0xFFFFC000;
	s18 =	sor.u32 $0x8000, s31  }
.LBB1_3:
0x24: {  	v0 =	vmov s19;
	_ =	sdelay $0x3  }
0x25: {  	s22 =	simm.s32 $0x0  }
0x26: {  	v6 =	vld.idx.msk [tilespmem:v0+s22+$0x30 ss:$0x1], $0xffff  }
0x27: {  	v7 =	vld.idx.msk [tilespmem:v0+s22+$0xFFFFFFC0 ss:$0x1], $0xffff  }
0x28: {  	v5 =	vld.idx.msk [tilespmem:v0+s22+$0xFFFFFFD0 ss:$0x1], $0xffff  }
0x29: {  	v4 =	vld.idx.msk [tilespmem:v0+s22+$0xFFFFFFE0 ss:$0x1], $0xffff  }
0x2a: {  	v3 =	vld.idx.msk [tilespmem:v0+s22+$0xFFFFFFF0 ss:$0x1], $0xffff  }
0x2b: {  	v1 =	vld.idx.msk [tilespmem:v0+s22+$0x0 ss:$0x1], $0xffff  }
0x2c: {  	v2 =	vld.idx.msk [tilespmem:v0+s22+$0x10 ss:$0x1], $0xffff;
	[tilespmem:s17+$0x30] =	vst v6  }
0x2d: {  	s21 =	simm.s32 $0x80;
	s23 =	simm.s32 $0x400;
	[tilespmem:s17+$0xFFFFFFC0] =	vst v7;
	v6 =	vld.idx.msk [tilespmem:v0+s22+$0x20 ss:$0x1], $0xffff;
	s22 =	smov.u32 s17  }
.LBB1_4:
0x2e: {  	p0 =	sne.s32 s23, $0xE00;
	v7 =	vld.idx.msk [tilespmem:v0+s21+$0x30 ss:$0x1], $0xffff;
	[tilespmem:s22+$0xFFFFFFD0] =	vst v5  }
0x2f: {  	v8 =	vld.idx.msk [tilespmem:v0+s21+$0xFFFFFFC0 ss:$0x1], $0xffff;
	[tilespmem:s22+$0xFFFFFFE0] =	vst v4  }
0x30: {  	v5 =	vld.idx.msk [tilespmem:v0+s21+$0xFFFFFFD0 ss:$0x1], $0xffff;
	[tilespmem:s22+$0xFFFFFFF0] =	vst v3  }
.Ltmp3:
0x31: {  	v4 =	vld.idx.msk [tilespmem:v0+s21+$0xFFFFFFE0 ss:$0x1], $0xffff;
	[tilespmem:s22+$0x0] =	vst v1;
	(pc) =	sbr.rel @p0 .LBB1_4-.Ltmp3, $4  }
0x32: {  	v3 =	vld.idx.msk [tilespmem:v0+s21+$0xFFFFFFF0 ss:$0x1], $0xffff;
	[tilespmem:s22+$0x10] =	vst v2  }
0x33: {  	v1 =	vld.idx.msk [tilespmem:v0+s21+$0x0 ss:$0x1], $0xffff;
	[tilespmem:s22+$0x20] =	vst v6;
	s22 =	sadd.s32 $0x800, s22  }
0x34: {  	v2 =	vld.idx.msk [tilespmem:v0+s21+$0x10 ss:$0x1], $0xffff;
	[tilespmem:s22+$0x30] =	vst v7  }
0x35: {  	[tilespmem:s22+$0xFFFFFFC0] =	vst v8;
	v6 =	vld.idx.msk [tilespmem:v0+s21+$0x20 ss:$0x1], $0xffff;
	s21 =	sshra.s32 s23, $0x2;
	s23 =	sadd.s32 $0x200, s23  }
0x36: {  	_ =	sdelay $0x2  }
0x37: {  	[tilespmem:s22+$0xFFFFFFD0] =	vst v5  }
0x38: {  	v56 =	vld.idx.msk [tilespmem:v0+s21+$0x30 ss:$0x1], $0xffff;
	[tilespmem:s22+$0xFFFFFFE0] =	vst v4  }
0x39: {  	v57 =	vld.idx.msk [tilespmem:v0+s21+$0xFFFFFFC0 ss:$0x1], $0xffff;
	[tilespmem:s22+$0xFFFFFFF0] =	vst v3  }
0x3a: {  	v58 =	vld.idx.msk [tilespmem:v0+s21+$0xFFFFFFD0 ss:$0x1], $0xffff;
	[tilespmem:s22+$0x0] =	vst v1  }
0x3b: {  	v59 =	vld.idx.msk [tilespmem:v0+s21+$0xFFFFFFE0 ss:$0x1], $0xffff;
	[tilespmem:s22+$0x10] =	vst v2  }
0x3c: {  	v60 =	vld.idx.msk [tilespmem:v0+s21+$0xFFFFFFF0 ss:$0x1], $0xffff;
	s31 =	sadd.s32 $0x800, s22;
	[tilespmem:s22+$0x20] =	vst v6  }
0x3d: {  	v61 =	vld.idx.msk [tilespmem:v0+s21+$0x0 ss:$0x1], $0xffff;
	[tilespmem:s31+$0x30] =	vst v56  }
0x3e: {  	v62 =	vld.idx.msk [tilespmem:v0+s21+$0x10 ss:$0x1], $0xffff;
	s20 =	sadd.s32 $0x1, s20;
	[tilespmem:s31+$0xFFFFFFC0] =	vst v57  }
0x3f: {  	v63 =	vld.idx.msk [tilespmem:v0+s21+$0x20 ss:$0x1], $0xffff;
	p0 =	sne.s32 s20, $0x10;
	[tilespmem:s31+$0xFFFFFFD0] =	vst v58  }
.Ltmp4:
0x40: {  	[tilespmem:s31+$0xFFFFFFE0] =	vst v59;
	(pc) =	sbr.rel @p0 .LBB1_3-.Ltmp4, $4  }
0x41: {  	[tilespmem:s31+$0xFFFFFFF0] =	vst v60  }
0x42: {  	[tilespmem:s31+$0x0] =	vst v61  }
0x43: {  	[tilespmem:s31+$0x10] =	vst v62  }
0x44: {  	s17 =	sadd.s32 $0x80, s17;
	s19 =	sadd.s32 $0x400, s19;
	[tilespmem:s31+$0x20] =	vst v63  }
.Ltmp5:
0x45: {  	(pc) =	sbr.rel .LBB1_7-.Ltmp5, $4  }
0x46: {  	s16 =	sshll.u32 s16, $0x15;
	s15 =	sshll.u32 s15, $0x4  }
0x47: {  	s15 =	sand.u32 $0x3FFF0, s15;
	s16 =	sadd.s32 s7, s16  }
0x48: {  	s15 =	sadd.s32 s15, s16  }
0x49: {  	[hbm4b:s15+s9] =	stream.strided.scatter [tilespmem:s18], [sflag:$0x2], $0x4000, s10, s9, $0x38;
	[tilespmem:$0x10000] =	vst v63  }
.LBB1_8:
0x4a: {  	_ =	sfence.sel $0x180000  }
0x4b: {  	s1 =	simm.s32 $0x1;
	[bflag:$0x0] =	sbarrier.arrive $0xFFFF  }
0x4c: {  	s31 =	simm.s32 $0x2;
	[sflag:s1] =	ssyncpa.u1 $0x1  }
0x4d: {  	[sflag:s31] =	ssyncpa.u1 $0x1  }
0x4e: {  	p0 =	sne.s32 s0, $0x0;
	_ =	strace $0x90000053  }
0x4f: {  	s0 =	sadd.s32 @!p0 $0x100000, s3;
	[bflag:$0x2] =	sbarrier.arrive $0xFFFF  }
0x50: {  	[sflag:s0] =	ssyncadd.tile.s32 @!p0 $0x1;
	_ =	shalt  }
.Lfunc_end1:
_tile_overlayer_lowered:
.L_overlay_start_2:
0x51: {  	(tag) =	ssettag $0x2  }
0x52: {  	s0 =	rddreg [dreg:$0x0];
	s2 =	stileid.u32  }
0x53: {  	s1 =	rddreg [dreg:$0x1];
	p0 =	sne.s32 s2, $0x0  }
0x54: {  	s3 =	rddreg [dreg:$0x2];
	[bflag:$0x3] =	sbarrier.arrive $0xFFFF;
	s2 =	simm.s32 @!p0 $0x1C01  }
0x55: {  	[timem:s3], [sflag:s2] =	dma.local @!p0 [hbm:s0], s1  }
0x56: {  	s0 =	simm.s32 @!p0 $0x1  }
0x57: {  	_ =	swait.ge @!p0 [sflag:s0], s1  }
0x58: {  	s1 =	ssub.s32 @!p0 $0x0, s1;
	[sflag:s0] =	ssyncset.done @!p0 $0x0  }
0x59: {  	[sflag:s0] =	ssyncadd.s32 @!p0 s1  }
0x5a: {  	[bflag:$0x3] =	sbarrier.arrive $0xFFFF  }
0x5b: {  	_ =	shalt  }

// kernel: sparse-core-data-format-call.2.cloned.1.call-start
scs
called_computation.2_lowered:
.L_overlay_start_0:
0x0: {  	s2 =	sld [smem:$0x3FD9]  }
0x1: {  	s3 =	sld [smem:$0x3FFE];
	_ =	sdelay $0x1  }
0x2: {  	s1 =	srdreg.scid  }
0x3: {  	s0 =	sand.u32 $0x1, s1  }
0x4: {  	s15 =	sshll.u32 s0, $0xA;
	s2 =	sadd.s32 s3, s2  }
0x5: {  	s2 =	sadd.s32 s2, s15  }
0x6: {  	[smem:$0x3FBD] =	sst s2  }
0x7: {  	_ = 	snop  }
0x8: {  	s2 =	sld [smem:$0x3FD0];
	_ =	sdelay $0x2  }
0x9: {  	s16 =	simm.s32 $0xB;
	s4 =	simm.s32 $0x10  }
0xa: {  	[smem:s4], [sflag:s16] =	dma.local [hbm:s2], $0x1  }
0xb: {  	_ =	swait.eq [sflag:s16], $0x1  }
0xc: {  	[sflag:s16] =	ssyncset.done $0x0  }
0xd: {  	[sflag:s16] =	ssyncadd.s32 $0xFFFFFFFF  }
0xe: {  	s17 =	sld [smem:$0x12];
	(tm) =	ssettm $0x1  }
0xf: {  	s18 =	sld [smem:$0x3FFB];
	_ =	sdelay $0x3  }
0x10: {  	_ =	strace s18  }
0x11: {  	s3 =	sld [smem:$0x3FFC];
	_ =	sdelay $0x3  }
0x12: {  	_ =	strace s3  }
0x13: {  	s3 =	sld [smem:$0x3FFD];
	_ =	sdelay $0x3  }
0x14: {  	_ =	strace s3  }
0x15: {  	_ =	strace $0x8FFFFFFF  }
0x16: {  	s19 =	sld [smem:$0x3FDB];
	_ =	sdelay $0x1  }
0x17: {  	s20 =	simm.s32 $_scs_section_size  }
0x18: {  	s5 =	simm.s32 $_size__tile_overlayer_lowered;
	s6 =	simm.s32 $_tile_overlayer_lowered  }
0x19: {  	s23 =	simm.s32 $0x1BFF;
	s22 =	sshll.u32 s6, $0x1;
	s3 =	sadd.s32 s20, s19  }
0x1a: {  	s7 =	simm.s32 $0x0;
	s21 =	sshll.u32 s5, $0x1;
	s5 =	sadd.s32 s22, s3  }
0x1b: {  	[timem:s7], [sflag:s23] =	dma.local [hbm:s5], s21  }
0x1c: {  	_ =	swait.ge [sflag:s23], s21  }
0x1d: {  	s4 =	ssub.s32 $0x0, s21;
	[sflag:s23] =	ssyncset.done $0x0  }
0x1e: {  	[sflag:s23] =	ssyncadd.s32 s4;
	_ =	sdelay $0x1  }
0x1f: {  	s24 =	simm.s32 $0x1B8B  }
0x20: {  	_ =	swait.ge [sflag:s24], $0x1  }
0x21: {  	[sflag:s24] =	ssyncset.done $0x0  }
0x22: {  	s26 =	simm.s32 $0x1B8E;
	s25 =	sld [smem:$0x3FFE];
	[sflag:s24] =	ssyncadd.s32 $0xFFFFFFFF  }
0x23: {  	s27 =	simm.s32 $execute0_lowered;
	[smem:$0x3FD2] =	sst s26  }
0x24: {  	s5 =	sshll.u32 s27, $0x1;
	_ =	strace $0x8000004F;
	[dreg:$0x1] =	wrdreg $0xFFFFFFFF  }
0x25: {  	s28 =	simm.s32 $_size_execute0_lowered;
	s3 =	sadd.s32 s3, s5;
	[dreg:$0x0] =	wrdreg $0x0  }
0x26: {  	s5 =	sshll.u32 s28, $0x1;
	[dreg:$0x2] =	wrdreg s3  }
0x27: {  	[dreg:$0x3] =	wrdreg s5  }
0x28: {  	[dreg:$0x4] =	wrdreg $0xC0  }
0x29: {  	_ =	task [dreg:s7], $0x5FFFF  }
0x2a: {  	[dreg:$0x1] =	wrdreg $0xFFFFFFFF  }
0x2b: {  	[dreg:$0x0] =	wrdreg $0x60  }
0x2c: {  	[dreg:$0x2] =	wrdreg s17  }
0x2d: {  	[dreg:$0x3] =	wrdreg s25  }
0x2e: {  	[dreg:$0x4] =	wrdreg $0x9  }
0x2f: {  	_ =	task.clear_ibuf [dreg:s7], $0x5FFFF;
	_ =	strace $0x9000004F  }
0x30: {  	s29 =	simm.s32 $0x9;
	_ =	strace $0x80000051  }
0x31: {  	_ =	swait.ge [sflag:s29], $0x1  }
0x32: {  	[sflag:s29] =	ssyncadd.s32 $0xFFFFFFFF  }
0x33: {  	_ =	strace $0x90000051  }
0x34: {  	_ =	sfence  }
0x35: {  	s30 =	sld [smem:$0x0];
	_ =	sdelay $0x2  }
0x36: {  	s31 =	sshll.u32 s1, $0xD;
	s1 =	sshrl.u32 s1, $0x2  }
0x37: {  	s3 =	sand.u32 $0x4000, s31;
	s1 =	sadd.s32 s1, s30  }
0x38: {  	s0 =	sor.u32 s3, s0;
	s1 =	sshll.u32 s1, $0x11  }
0x39: {  	s0 =	sor.u32 s1, s0  }
0x3a: {  	s0 =	sadd.s32 $0x8F2B, s0  }
0x3b: {  	[sflag:s0] =	ssyncadd.remote.s32 $0x1  }
0x3c: {  	_ =	sfence.sel $0xFFFF  }
0x3d: {  	[dreg:$0x0] =	wrdreg $0xFFFFFFFF;
	(pc) =	sbr.abs _section_cstart, $3  }
0x3e: {  	[dreg:$0x1] =	wrdreg $0xFFFFFFFF  }
0x3f: {  	_ =	task.clear_ibuf [dreg:s7], $0x2FFFF;
	_ =	strace $0x9FFFFFFF  }
0x40: {  	(tm) =	ssettm $0x7FFFFFFF  }
0x41: {  	_ =	shalt  }
tec
execute0_lowered:
.L_overlay_start_1:
0x0: {  	(tag) =	ssettag $0x1  }
0x1: {  	s1 =	srdreg.scid  }
0x2: {  	s0 =	stileid.u32;
	s4 =	rddreg [dreg:$0x0]  }
0x3: {  	s6 =	rddreg [dreg:$0x1];
	s31 =	simm.s32 $0x2;
	s17 =	simm.s32 $0x0  }
0x4: {  	s10 =	simm.s32 $0x2000;
	s11 =	simm.s32 $0x0;
	s18 =	simm.s32 $0x0  }
0x5: {  	s20 =	simm.s32 $0x0;
	s19 =	simm.s32 $0x0;
	s2 =	sshll.u32 s1, $0x7  }
0x6: {  	s12 =	simm.s32 $0x0;
	s1 =	sand.u32 $0x1, s0;
	s3 =	sand.u32 $0x80, s2  }
0x7: {  	s16 =	simm.s32 $0x0;
	s30 =	ssub.s32 $0x2, s1;
	s5 =	ssub.s32 $0x800, s3  }
0x8: {  	s6 =	sadd.s32 $0x46A00, s6;
	s7 =	sshrl.u32 s30, $0x1;
	s8 =	sshrl.u32 s5, $0x7  }
0x9: {  	s9 =	sand.u32 $0x1, s30;
	s5 =	sshrl.u32 s5, $0x8;
	s8 =	sand.u32 $0x1, s8  }
.Ltmp0:
0xa: {  	s7 =	sadd.s32 s9, s7;
	s8 =	sadd.s32 s5, s8;
	(pc) =	sbr.rel .LBB1_1-.Ltmp0, $4  }
0xb: {  	s2 =	rddreg [dreg:$0x2];
	_ =	strace $0x80000050;
	s8 =	smul.u32 s8, s7  }
0xc: {  	s15 =	smov.u32 s1;
	s13 =	smov.u32 s3;
	s5 =	simm.s32 $0x1  }
0xd: {  	[sflag:s5] =	ssyncpa.u1 $0x0;
	s7 =	sshrl.u32 s0, $0x1;
	s8 =	sshll.u32 s8, $0x3  }
0xe: {  	[sflag:s31] =	ssyncpa.u1 $0x0;
	s14 =	smov.u32 s7;
	s9 =	sor.u32 $0x1, s8  }
.LBB1_4:
0xf: {  	_ =	sdelay $0x3  }
0x10: {  	[tilespmem:v0+s23+$0xFFFFFFA0 ss:$0x1] =	vst.idx.msk $0xffff, v6  }
0x11: {  	v56 =	vld.idx.msk [tilespmem:v1+s22+$0x30 ss:$0x1], $0xffff;
	[tilespmem:v0+s23+$0xFFFFFFB0 ss:$0x1] =	vst.idx.msk $0xffff, v4  }
0x12: {  	v57 =	vld.idx.msk [tilespmem:v1+s22+$0xFFFFFFC0 ss:$0x1], $0xffff;
	[tilespmem:v0+s23+$0xFFFFFFC0 ss:$0x1] =	vst.idx.msk $0xffff, v2  }
0x13: {  	v58 =	vld.idx.msk [tilespmem:v1+s22+$0xFFFFFFD0 ss:$0x1], $0xffff;
	[tilespmem:v0+s23+$0xFFFFFFD0 ss:$0x1] =	vst.idx.msk $0xffff, v3  }
0x14: {  	v59 =	vld.idx.msk [tilespmem:v1+s22+$0xFFFFFFE0 ss:$0x1], $0xffff;
	[tilespmem:v0+s23+$0xFFFFFFE0 ss:$0x1] =	vst.idx.msk $0xffff, v5  }
0x15: {  	v60 =	vld.idx.msk [tilespmem:v1+s22+$0xFFFFFFF0 ss:$0x1], $0xffff;
	[tilespmem:v0+s23+$0xFFFFFFF0 ss:$0x1] =	vst.idx.msk $0xffff, v7  }
0x16: {  	v61 =	vld.idx.msk [tilespmem:v1+s22+$0x0 ss:$0x1], $0xffff;
	[tilespmem:v0+s22+$0x0 ss:$0x1] =	vst.idx.msk $0xffff, v56  }
0x17: {  	v62 =	vld.idx.msk [tilespmem:v1+s22+$0x10 ss:$0x1], $0xffff;
	[tilespmem:v0+s22+$0xFFFFFF90 ss:$0x1] =	vst.idx.msk $0xffff, v57  }
0x18: {  	v63 =	vld.idx.msk [tilespmem:v1+s22+$0x20 ss:$0x1], $0xffff;
	s20 =	sshll.u32 s20, $0x7;
	[tilespmem:v0+s22+$0xFFFFFFA0 ss:$0x1] =	vst.idx.msk $0xffff, v58  }
0x19: {  	s28 =	sand.u32 $0x78, s17;
	s19 =	sshll.u32 s19, $0x15;
	s18 =	sshll.u32 s18, $0xA;
	[tilespmem:v0+s22+$0xFFFFFFB0 ss:$0x1] =	vst.idx.msk $0xffff, v59  }
0x1a: {  	s29 =	sand.u32 $0x380, s17;
	s20 =	sand.u32 $0x380, s20;
	s19 =	sadd.s32 s6, s19;
	[tilespmem:v0+s22+$0xFFFFFFC0 ss:$0x1] =	vst.idx.msk $0xffff, v60  }
0x1b: {  	s30 =	sand.u32 $0x7, s17;
	s20 =	sor.u32 s20, s28;
	s18 =	sadd.s32 s18, s19;
	[tilespmem:v0+s22+$0xFFFFFFD0 ss:$0x1] =	vst.idx.msk $0xffff, v61  }
0x1c: {  	s17 =	sshll.u32 s30, $0x12;
	s31 =	sshrl.u32 s20, $0x3;
	s18 =	sadd.s32 s29, s18;
	[tilespmem:v0+s22+$0xFFFFFFE0 ss:$0x1] =	vst.idx.msk $0xffff, v62  }
0x1d: {  	s17 =	sor.u32 $0x80, s17;
	s18 =	sadd.s32 s31, s18;
	[tilespmem:v0+s22+$0xFFFFFFF0 ss:$0x1] =	vst.idx.msk $0xffff, v63  }
0x1e: {  	[hbm4b:s18+s17] =	stream.strided.scatter [tilespmem:s21], [sflag:$0x2], $0x4000, s10, s17, $0x38;
	[tilespmem:$0x10000] =	vst v63  }
.LBB1_5:
0x1f: {  	s21 =	sadd.s32 $0x80, s12  }
0x20: {  	s17 =	sadd.s32 $0x100, s13;
	s22 =	smov.u32 s13;
	p1 =	sgt.s32 s21, $0x3FF  }
0x21: {  	s22 =	smov.u32 @p1 s17  }
0x22: {  	s23 =	smov.u32 s14;
	s17 =	sadd.s32 $0x8, s14;
	p2 =	sgt.s32 s22, $0x7FF  }
0x23: {  	s23 =	smov.u32 @p2 s17  }
0x24: {  	s24 =	smov.u32 s15;
	s17 =	sadd.s32 $0x2, s15;
	p3 =	sgt.s32 s23, $0x7  }
0x25: {  	p0 =	slt.u32 s16, $0x2;
	s24 =	smov.u32 @p3 s17  }
0x26: {  	s18 =	smov.u32 s13;
	s21 =	simm.s32 @p1 $0x0;
	p1 =	sgt.s32 s24, $0x1  }
0x27: {  	s25 =	simm.s32 @!p0 $0x2;
	s24 =	smov.u32 @p1 s1;
	p1 =	sne.s32 s16, s9  }
.Ltmp1:
0x28: {  	s20 =	smov.u32 s14;
	_ =	swait.ge @!p0 [sflag:s25], $0x4000;
	(pc) =	sbr.rel @!p1 .LBB1_6-.Ltmp1, $4  }
0x29: {  	s19 =	smov.u32 s15;
	[sflag:s25] =	ssyncset.done @!p0 $0x0;
	s22 =	smov.u32 @p2 s3  }
0x2a: {  	s11 =	sadd.s32 $0x4000, s11;
	[sflag:s25] =	ssyncadd.s32 @!p0 $0xFFFFC000;
	s13 =	smov.u32 s22  }
0x2b: {  	s23 =	smov.u32 @p3 s7;
	s17 =	smov.u32 s12;
	s12 =	smov.u32 s21  }
0x2c: {  	s14 =	smov.u32 s23;
	s16 =	sadd.s32 $0x1, s16;
	s15 =	smov.u32 s24  }
.LBB1_1:
0x2d: {  	p0 =	sge.u32 s16, s8;
	s31 =	sadd.s32 $0xFFFFFFFF, s16  }
0x2e: {  	s21 =	sxor.u32 @!p0 $0xFFFFFFFF, s16;
	s22 =	sshll.u32 @!p0 s13, $0x7;
	s23 =	sand.u32 @!p0 $0x78, s12  }
0x2f: {  	s25 =	sshll.u32 @!p0 s14, $0x12;
	s21 =	sshll.u32 @!p0 s21, $0xE;
	s24 =	sand.u32 @!p0 $0x380, s22  }
0x30: {  	s22 =	sand.u32 @!p0 $0x3FC00, s22;
	s23 =	sor.u32 @!p0 s23, s24;
	s24 =	sshll.u32 @!p0 s15, $0x15  }
0x31: {  	s21 =	sand.u32 @!p0 $0x4000, s21;
	s22 =	sadd.s32 @!p0 s12, s22;
	s24 =	sadd.s32 @!p0 s4, s24  }
0x32: {  	s23 =	sshrl.u32 @!p0 s23, $0x3;
	s24 =	sadd.s32 @!p0 s25, s24;
	s25 =	sand.u32 @!p0 $0x7, s12  }
0x33: {  	s22 =	sand.u32 @!p0 $0x3FF80, s22;
	s23 =	sadd.s32 @!p0 s23, s24;
	s24 =	sshll.u32 @!p0 s25, $0x12  }
0x34: {  	s22 =	sadd.s32 @!p0 s22, s23;
	s23 =	sor.u32 @!p0 $0x400, s24;
	s24 =	simm.s32 @!p0 $0x2000  }
0x35: {  	[tilespmem:s21], [sflag:$0x1] =	stream.strided.gather @!p0 [hbm4b:s22+s23], $0x4000, s24, s23, $0x38;
	[tilespmem:$0x10000] =	vst v63  }
0x36: {  	p0 =	sge.u32 s31, s8  }
.Ltmp2:
0x37: {  	_ = 	snop;
	(pc) =	sbr.rel @p0 .LBB1_5-.Ltmp2, $1  }
0x38: {  	_ =	sdelay $0x3  }
0x39: {  	s21 =	sand.u32 $0x4000, s11  }
0x3a: {  	s22 =	sor.u32 $0x40, s21  }
0x3b: {  	v1 =	vmov s22;
	_ =	sdelay $0x1  }
0x3c: {  	_ =	swait.ge [sflag:s5], $0x4000  }
0x3d: {  	[sflag:s5] =	ssyncset.done $0x0  }
0x3e: {  	s23 =	simm.s32 $0x0;
	[sflag:s5] =	ssyncadd.s32 $0xFFFFC000  }
0x3f: {  	s21 =	sor.u32 $0x8070, s21;
	v7 =	vld.idx.msk [tilespmem:v1+s23+$0x30 ss:$0x1], $0xffff  }
0x40: {  	v0 =	vmov s21;
	v8 =	vld.idx.msk [tilespmem:v1+s23+$0xFFFFFFC0 ss:$0x1], $0xffff  }
0x41: {  	v6 =	vld.idx.msk [tilespmem:v1+s23+$0xFFFFFFD0 ss:$0x1], $0xffff  }
0x42: {  	v4 =	vld.idx.msk [tilespmem:v1+s23+$0xFFFFFFE0 ss:$0x1], $0xffff  }
0x43: {  	v2 =	vld.idx.msk [tilespmem:v1+s23+$0xFFFFFFF0 ss:$0x1], $0xffff  }
0x44: {  	s31 =	sshll.u32 s16, $0xE;
	v3 =	vld.idx.msk [tilespmem:v1+s23+$0x0 ss:$0x1], $0xffff  }
0x45: {  	s21 =	sand.u32 $0x4000, s31;
	v5 =	vld.idx.msk [tilespmem:v1+s23+$0x10 ss:$0x1], $0xffff;
	[tilespmem:v0+s23+$0x0 ss:$0x1] =	vst.idx.msk $0xffff, v7  }
0x46: {  	s24 =	simm.s32 $0x400;
	s22 =	simm.s32 $0x80;
	s21 =	sor.u32 $0x8000, s21;
	[tilespmem:v0+s23+$0xFFFFFF90 ss:$0x1] =	vst.idx.msk $0xffff, v8;
	v7 =	vld.idx.msk [tilespmem:v1+s23+$0x20 ss:$0x1], $0xffff  }
.LBB1_3:
0x47: {  	p0 =	sne.s32 s24, $0xFE00;
	v8 =	vld.idx.msk [tilespmem:v1+s22+$0x30 ss:$0x1], $0xffff;
	[tilespmem:v0+s23+$0xFFFFFFA0 ss:$0x1] =	vst.idx.msk $0xffff, v6  }
0x48: {  	v9 =	vld.idx.msk [tilespmem:v1+s22+$0xFFFFFFC0 ss:$0x1], $0xffff;
	[tilespmem:v0+s23+$0xFFFFFFB0 ss:$0x1] =	vst.idx.msk $0xffff, v4  }
0x49: {  	v6 =	vld.idx.msk [tilespmem:v1+s22+$0xFFFFFFD0 ss:$0x1], $0xffff;
	[tilespmem:v0+s23+$0xFFFFFFC0 ss:$0x1] =	vst.idx.msk $0xffff, v2  }
.Ltmp3:
0x4a: {  	v4 =	vld.idx.msk [tilespmem:v1+s22+$0xFFFFFFE0 ss:$0x1], $0xffff;
	[tilespmem:v0+s23+$0xFFFFFFD0 ss:$0x1] =	vst.idx.msk $0xffff, v3;
	(pc) =	sbr.rel @p0 .LBB1_3-.Ltmp3, $4  }
0x4b: {  	v2 =	vld.idx.msk [tilespmem:v1+s22+$0xFFFFFFF0 ss:$0x1], $0xffff;
	[tilespmem:v0+s23+$0xFFFFFFE0 ss:$0x1] =	vst.idx.msk $0xffff, v5  }
0x4c: {  	v3 =	vld.idx.msk [tilespmem:v1+s22+$0x0 ss:$0x1], $0xffff;
	[tilespmem:v0+s23+$0xFFFFFFF0 ss:$0x1] =	vst.idx.msk $0xffff, v7;
	s23 =	smov.u32 s22  }
0x4d: {  	v5 =	vld.idx.msk [tilespmem:v1+s23+$0x10 ss:$0x1], $0xffff;
	[tilespmem:v0+s23+$0x0 ss:$0x1] =	vst.idx.msk $0xffff, v8  }
0x4e: {  	s22 =	sshra.s32 s24, $0x2;
	s24 =	sadd.s32 $0x200, s24;
	[tilespmem:v0+s23+$0xFFFFFF90 ss:$0x1] =	vst.idx.msk $0xffff, v9;
	v7 =	vld.idx.msk [tilespmem:v1+s23+$0x20 ss:$0x1], $0xffff  }
.Ltmp4:
0x4f: {  	_ = 	snop;
	(pc) =	sbr.rel .LBB1_4-.Ltmp4, $1  }
0x50: {  	_ =	sdelay $0x3  }
.LBB1_6:
0x51: {  	_ =	sfence.sel $0x180000  }
0x52: {  	s1 =	simm.s32 $0x1;
	[bflag:$0x0] =	sbarrier.arrive $0xFFFF  }
0x53: {  	s31 =	simm.s32 $0x2;
	[sflag:s1] =	ssyncpa.u1 $0x1  }
0x54: {  	[sflag:s31] =	ssyncpa.u1 $0x1  }
0x55: {  	p0 =	sne.s32 s0, $0x0;
	_ =	strace $0x90000050  }
0x56: {  	s0 =	sadd.s32 @!p0 $0x100000, s2;
	[bflag:$0x2] =	sbarrier.arrive $0xFFFF  }
0x57: {  	[sflag:s0] =	ssyncadd.tile.s32 @!p0 $0x1;
	_ =	shalt  }
.Lfunc_end1:
_tile_overlayer_lowered:
.L_overlay_start_2:
0x58: {  	(tag) =	ssettag $0x2  }
0x59: {  	s0 =	rddreg [dreg:$0x0];
	s2 =	stileid.u32  }
0x5a: {  	s1 =	rddreg [dreg:$0x1];
	p0 =	sne.s32 s2, $0x0  }
0x5b: {  	s3 =	rddreg [dreg:$0x2];
	[bflag:$0x3] =	sbarrier.arrive $0xFFFF;
	s2 =	simm.s32 @!p0 $0x1C01  }
0x5c: {  	[timem:s3], [sflag:s2] =	dma.local @!p0 [hbm:s0], s1  }
0x5d: {  	s0 =	simm.s32 @!p0 $0x1  }
0x5e: {  	_ =	swait.ge @!p0 [sflag:s0], s1  }
0x5f: {  	s1 =	ssub.s32 @!p0 $0x0, s1;
	[sflag:s0] =	ssyncset.done @!p0 $0x0  }
0x60: {  	[sflag:s0] =	ssyncadd.s32 @!p0 s1  }
0x61: {  	[bflag:$0x3] =	sbarrier.arrive $0xFFFF  }
0x62: {  	_ =	shalt  }

// kernel: sparse-core-data-format-call.3.cloned.1.call-start
scs
called_computation.3_lowered:
.L_overlay_start_0:
0x0: {  	s2 =	sld [smem:$0x3FD9]  }
0x1: {  	s3 =	sld [smem:$0x3FFE];
	_ =	sdelay $0x1  }
0x2: {  	s1 =	srdreg.scid  }
0x3: {  	s0 =	sand.u32 $0x1, s1  }
0x4: {  	s18 =	sshll.u32 s0, $0xA;
	s2 =	sadd.s32 s3, s2  }
0x5: {  	s2 =	sadd.s32 s2, s18  }
0x6: {  	[smem:$0x3FBD] =	sst s2  }
0x7: {  	_ = 	snop  }
0x8: {  	(tm) =	ssettm $0x1  }
0x9: {  	s19 =	sld [smem:$0x3FFB];
	_ =	sdelay $0x3  }
0xa: {  	_ =	strace s19  }
0xb: {  	s2 =	sld [smem:$0x3FFC];
	_ =	sdelay $0x3  }
0xc: {  	_ =	strace s2  }
0xd: {  	s2 =	sld [smem:$0x3FFD];
	_ =	sdelay $0x3  }
0xe: {  	_ =	strace s2  }
0xf: {  	_ =	strace $0x8FFFFFFF  }
0x10: {  	s20 =	sld [smem:$0x3FDB];
	_ =	sdelay $0x1  }
0x11: {  	s21 =	simm.s32 $_scs_section_size  }
0x12: {  	s4 =	simm.s32 $_size__tile_overlayer_lowered;
	s5 =	simm.s32 $_tile_overlayer_lowered  }
0x13: {  	s6 =	simm.s32 $0x1BFF;
	s22 =	sshll.u32 s5, $0x1;
	s3 =	sadd.s32 s21, s20  }
0x14: {  	s23 =	simm.s32 $0x0;
	s4 =	sshll.u32 s4, $0x1;
	s5 =	sadd.s32 s22, s3  }
0x15: {  	[timem:s23], [sflag:s6] =	dma.local [hbm:s5], s4  }
0x16: {  	_ =	swait.ge [sflag:s6], s4  }
0x17: {  	s4 =	ssub.s32 $0x0, s4;
	[sflag:s6] =	ssyncset.done $0x0  }
0x18: {  	[sflag:s6] =	ssyncadd.s32 s4;
	_ =	sdelay $0x1  }
0x19: {  	s24 =	simm.s32 $0x1B8B  }
0x1a: {  	_ =	swait.ge [sflag:s24], $0x1  }
0x1b: {  	[sflag:s24] =	ssyncset.done $0x0  }
0x1c: {  	[sflag:s24] =	ssyncadd.s32 $0xFFFFFFFF  }
0x1d: {  	s4 =	sld [smem:$0x0]  }
0x1e: {  	s5 =	sand.u32 $0xFFFFFFFE, s1  }
0x1f: {  	p0 =	sne.s32 s1, s5  }
0x20: {  	s5 =	sshll.u32 @p0 s5, $0xE  }
0x21: {  	s5 =	sadd.s32 @p0 $0x11B8D, s5;
	s6 =	sshll.u32 @p0 s4, $0x11  }
0x22: {  	s5 =	sor.u32 @p0 s6, s5  }
0x23: {  	[sflag:s5] =	ssyncadd.remote.s32 @p0 $0x1;
	_ =	sdelay $0x1  }
0x24: {  	s5 =	simm.s32 @p0 $0x1B8D  }
0x25: {  	_ =	swait.eq @p0 [sflag:s5], $0x1  }
0x26: {  	[sflag:s5] =	ssyncadd.s32 @p0 $0xFFFFFFFF  }
0x27: {  	s6 =	sshll.u32 @!p0 s1, $0xE  }
0x28: {  	s6 =	sor.u32 @!p0 $0x4000, s6;
	s5 =	simm.s32 @!p0 $0x1B8D  }
0x29: {  	s4 =	sshll.u32 @!p0 s4, $0x11;
	s6 =	sadd.s32 @!p0 $0x11B8D, s6;
	_ =	swait.eq @!p0 [sflag:s5], $0x1  }
0x2a: {  	s4 =	sor.u32 @!p0 s4, s6;
	[sflag:s5] =	ssyncadd.s32 @!p0 $0xFFFFFFFF  }
0x2b: {  	s26 =	simm.s32 $0x1B8E;
	s25 =	sld [smem:$0x3FFE];
	[sflag:s4] =	ssyncadd.remote.s32 @!p0 $0x1  }
0x2c: {  	s27 =	simm.s32 $execute0_lowered;
	[smem:$0x3FD2] =	sst s26  }
0x2d: {  	s5 =	sshll.u32 s27, $0x1;
	_ =	strace $0x8000004C;
	[dreg:$0x1] =	wrdreg $0xFFFFFFFF  }
0x2e: {  	s28 =	simm.s32 $_size_execute0_lowered;
	s3 =	sadd.s32 s3, s5;
	[dreg:$0x0] =	wrdreg $0x0  }
0x2f: {  	s5 =	sshll.u32 s28, $0x1;
	[dreg:$0x2] =	wrdreg s3  }
0x30: {  	[dreg:$0x3] =	wrdreg s5  }
0x31: {  	[dreg:$0x4] =	wrdreg $0xC0  }
0x32: {  	_ =	task [dreg:s23], $0x5FFFF  }
0x33: {  	[dreg:$0x1] =	wrdreg $0xFFFFFFFF  }
0x34: {  	[dreg:$0x0] =	wrdreg $0x60  }
0x35: {  	[dreg:$0x2] =	wrdreg s25  }
0x36: {  	[dreg:$0x3] =	wrdreg $0xA  }
0x37: {  	_ =	task.clear_ibuf [dreg:s23], $0x4FFFF;
	_ =	strace $0x9000004C  }
0x38: {  	s29 =	simm.s32 $0xA;
	_ =	strace $0x8000004E  }
0x39: {  	_ =	swait.ge [sflag:s29], $0x1  }
0x3a: {  	[sflag:s29] =	ssyncadd.s32 $0xFFFFFFFF  }
0x3b: {  	_ =	strace $0x9000004E  }
0x3c: {  	_ =	sfence  }
0x3d: {  	s30 =	sld [smem:$0x0];
	_ =	sdelay $0x2  }
0x3e: {  	s31 =	sshll.u32 s1, $0xD;
	s1 =	sshrl.u32 s1, $0x2  }
0x3f: {  	s4 =	sand.u32 $0x4000, s31;
	s1 =	sadd.s32 s1, s30  }
0x40: {  	s0 =	sor.u32 s4, s0;
	s1 =	sshll.u32 s1, $0x11  }
0x41: {  	s0 =	sor.u32 s1, s0  }
0x42: {  	s0 =	sadd.s32 $0x8F2B, s0  }
0x43: {  	[sflag:s0] =	ssyncadd.remote.s32 $0x1  }
0x44: {  	_ =	sfence.sel $0xFFFF  }
0x45: {  	[dreg:$0x0] =	wrdreg $0xFFFFFFFF;
	(pc) =	sbr.abs _section_cstart, $3  }
0x46: {  	[dreg:$0x1] =	wrdreg $0xFFFFFFFF  }
0x47: {  	_ =	task.clear_ibuf [dreg:s23], $0x2FFFF;
	_ =	strace $0x9FFFFFFF  }
0x48: {  	(tm) =	ssettm $0x7FFFFFFF  }
0x49: {  	_ =	shalt  }
tec
execute0_lowered:
.L_overlay_start_1:
0x0: {  	(tag) =	ssettag $0x1  }
0x1: {  	s2 =	stileid.u32  }
0x2: {  	s0 =	srdreg.scid;
	s7 =	rddreg [dreg:$0x0]  }
0x3: {  	_ =	strace $0x8000004D;
	s31 =	simm.s32 $0x2;
	s16 =	simm.s32 $0x0  }
0x4: {  	s9 =	simm.s32 $0x200000;
	s1 =	sshll.u32 s2, $0x2;
	s0 =	sshll.u32 s0, $0x6  }
0x5: {  	s10 =	simm.s32 $0x0;
	s17 =	simm.s32 $0x0;
	s0 =	sor.u32 s1, s0  }
0x6: {  	s19 =	simm.s32 $0x0;
	s18 =	simm.s32 $0x0;
	s1 =	sand.u32 $0x78, s0  }
0x7: {  	s11 =	simm.s32 $0x0;
	s2 =	sand.u32 $0x1, s2;
	s0 =	ssub.s32 $0x800, s1  }
0x8: {  	s12 =	simm.s32 $0x0;
	s3 =	ssub.s32 $0x2, s2;
	s4 =	sand.u32 $0x78, s0  }
0x9: {  	s5 =	sshrl.u32 s3, $0x1;
	p0 =	sne.s32 s4, $0x0;
	s4 =	simm.s32 $0x1  }
0xa: {  	s3 =	sand.u32 $0x1, s3;
	s0 =	sshrl.u32 s0, $0x7;
	s4 =	simm.s32 @!p0 $0x0  }
.Ltmp0:
0xb: {  	s3 =	sadd.s32 s3, s5;
	s0 =	sadd.s32 s4, s0;
	(pc) =	sbr.rel .LBB1_1-.Ltmp0, $4  }
0xc: {  	s15 =	simm.s32 $0x0;
	s5 =	simm.s32 $0x1;
	s0 =	smul.u32 s0, s3  }
0xd: {  	s25 =	simm.s32 $0x0;
	s14 =	smov.u32 s2;
	[sflag:s5] =	ssyncpa.u1 $0x0  }
0xe: {  	s13 =	smov.u32 s1;
	[sflag:s31] =	ssyncpa.u1 $0x0;
	s6 =	sshll.u32 s0, $0x2  }
0xf: {  	s4 =	sadd.s32 $0x6A00, s7;
	s7 =	sadd.s32 $0xC0EC00, s7;
	s8 =	sor.u32 $0x1, s6  }
.LBB1_7:
0x10: {  	s0 =	sadd.s32 $0x100, s11  }
0x11: {  	s3 =	sadd.s32 $0x8, s12;
	s20 =	smov.u32 s12;
	p1 =	sgt.s32 s0, $0x3FF  }
0x12: {  	s20 =	smov.u32 @p1 s3  }
0x13: {  	s21 =	smov.u32 s13;
	s3 =	sadd.s32 $0x80, s13;
	p2 =	sgt.s32 s20, $0x7  }
0x14: {  	s21 =	smov.u32 @p2 s3  }
0x15: {  	s22 =	smov.u32 s14;
	s3 =	sadd.s32 $0x2, s14;
	p3 =	sgt.s32 s21, $0x7FF  }
0x16: {  	p0 =	slt.u32 s15, $0x2;
	s22 =	smov.u32 @p3 s3  }
0x17: {  	s16 =	smov.u32 s11;
	s0 =	simm.s32 @p1 $0x0;
	p1 =	sgt.s32 s22, $0x1  }
0x18: {  	s17 =	smov.u32 s12;
	s22 =	smov.u32 @p1 s2;
	p1 =	sne.s32 s15, s8  }
.Ltmp1:
0x19: {  	s19 =	smov.u32 s13;
	s18 =	smov.u32 s14;
	(pc) =	sbr.rel @!p1 .LBB1_8-.Ltmp1, $4  }
0x1a: {  	s10 =	sadd.s32 $0x4000, s10;
	s11 =	smov.u32 s0;
	s3 =	simm.s32 @!p0 $0x2  }
0x1b: {  	s20 =	simm.s32 @p2 $0x0;
	s21 =	smov.u32 @p3 s1;
	_ =	swait.ge @!p0 [sflag:s3], $0x4000  }
0x1c: {  	s12 =	smov.u32 s20;
	s13 =	smov.u32 s21;
	[sflag:s3] =	ssyncset.done @!p0 $0x0  }
0x1d: {  	s15 =	sadd.s32 $0x1, s15;
	[sflag:s3] =	ssyncadd.s32 @!p0 $0xFFFFC000;
	s14 =	smov.u32 s22  }
.LBB1_1:
0x1e: {  	p0 =	sge.u32 s15, s6  }
0x1f: {  	s31 =	sadd.s32 $0xFFFFFFFF, s15;
	s0 =	sxor.u32 @!p0 $0xFFFFFFFF, s15  }
0x20: {  	s3 =	sshll.u32 @!p0 s12, $0x7;
	s20 =	sand.u32 @!p0 $0x78, s11;
	s21 =	sshll.u32 @!p0 s14, $0x15  }
0x21: {  	s22 =	sand.u32 @!p0 $0x380, s11;
	s0 =	sshll.u32 @!p0 s0, $0xE;
	s3 =	sand.u32 @!p0 $0x380, s3  }
0x22: {  	s21 =	sadd.s32 @!p0 s4, s21;
	s3 =	sor.u32 @!p0 s20, s3;
	s20 =	sshll.u32 @!p0 s13, $0xA  }
0x23: {  	s0 =	sand.u32 @!p0 $0x4000, s0;
	s20 =	sadd.s32 @!p0 s20, s21;
	s21 =	sand.u32 @!p0 $0x7, s11  }
0x24: {  	s3 =	sshrl.u32 @!p0 s3, $0x3;
	s20 =	sadd.s32 @!p0 s22, s20;
	s21 =	sshll.u32 @!p0 s21, $0x12  }
0x25: {  	s3 =	sadd.s32 @!p0 s3, s20;
	s20 =	sor.u32 @!p0 $0x800, s21;
	s21 =	simm.s32 @!p0 $0x2000  }
0x26: {  	[tilespmem:s0], [sflag:$0x1] =	stream.strided.gather @!p0 [hbm4b:s3+s20], $0x4000, s21, s20, $0x38;
	[tilespmem:$0x10000] =	vst v63  }
0x27: {  	p0 =	sge.u32 s31, s6  }
.Ltmp2:
0x28: {  	_ = 	snop;
	(pc) =	sbr.rel @p0 .LBB1_7-.Ltmp2, $1  }
0x29: {  	_ =	sdelay $0x3  }
0x2a: {  	s0 =	sshll.u32 s10, $0x2;
	_ =	swait.ge [sflag:s5], $0x4000;
	s3 =	sshll.u32 s15, $0xE  }
0x2b: {  	p0 =	por $0x0, $0x0;
	s26 =	simm.s32 $0x0;
	s27 =	simm.s32 $0x0  }
0x2c: {  	s0 =	sand.u32 $0x10000, s0;
	[sflag:s5] =	ssyncset.done $0x0;
	s23 =	sand.u32 $0x4000, s3  }
0x2d: {  	s0 =	sshrl.u32 s0, $0x2;
	[sflag:s5] =	ssyncadd.s32 $0xFFFFC000;
	s20 =	sor.u32 $0x8000, s23  }
0x2e: {  	s21 =	sor.u32 $0x40, s0;
	s22 =	sor.u32 $0x8410, s0;
	s24 =	sadd.s32 $0x8400, s0  }
.LBB1_3:
0x2f: {  	v1 =	vld [tilespmem:s21+$0xFFFFFFD0]  }
0x30: {  	v2 =	vld [tilespmem:s21+$0x430]  }
0x31: {  	s0 =	sshll.u32 s27, $0xB;
	v4 =	vld [tilespmem:s21+$0xFFFFFFE0]  }
0x32: {  	v7 =	vld [tilespmem:s21+$0xFFFFFFF0];
	v0 =	vmov s0  }
0x33: {  	v8 =	vld [tilespmem:s21+$0x0]  }
0x34: {  	v9 =	vld [tilespmem:s21+$0x10];
	s0 =	sand.u32 $0x300, s25  }
0x35: {  	s3 =	sand.u32 $0x80, s25;
	v10 =	vld [tilespmem:s21+$0x20];
	s0 =	sadd.s32 s0, s23  }
0x36: {  	v11 =	vld [tilespmem:s21+$0x30];
	s0 =	sadd.s32 s3, s0;
	s3 =	simm.s32 $0x1;
	[tilespmem:s22+$0x60] =	vst v2  }
0x37: {  	s3 =	simm.s32 @!p0 $0x0;
	[tilespmem:s22+$0xFFFFFC00] =	vst v1;
	v3 =	vld.idx.msk [tilespmem:v0+s0+$0x400 ss:$0x1], $0xffff;
	s0 =	sshll.u32 s26, $0x2  }
0x38: {  	v6 =	vld [tilespmem:s21+$0x3D0];
	s3 =	sshll.u32 s3, $0x9;
	[tilespmem:s22+$0xFFFFFC10] =	vst v4;
	s0 =	sand.u32 $0xFFFFFC00, s0  }
0x39: {  	v5 =	vld [tilespmem:s21+$0x3E0];
	[tilespmem:s22+$0xFFFFFC20] =	vst v7;
	s0 =	sor.u32 s3, s0  }
0x3a: {  	[tilespmem:s22+$0xFFFFFC30] =	vst v8;
	v4 =	vld [tilespmem:s21+$0x400];
	s0 =	sshrl.u32 s0, $0x2  }
0x3b: {  	[tilespmem:s22+$0xFFFFFC40] =	vst v9;
	v1 =	vld [tilespmem:s21+$0x410];
	s28 =	sadd.s32 s0, s24  }
0x3c: {  	[tilespmem:s28+$0x0] =	vst v3;
	v3 =	vld [tilespmem:s21+$0x3F0]  }
0x3d: {  	s31 =	simm.s32 $0x100;
	[tilespmem:s22+$0xFFFFFC50] =	vst v10;
	v2 =	vld [tilespmem:s21+$0x420];
	s3 =	simm.s32 $0x80  }
0x3e: {  	s29 =	sadd.s32 $0x80, s21;
	s30 =	smov.u32 s22;
	v7 =	vld [tilespmem:s21+$0xFFFFFFC0];
	[tilespmem:s22+$0xFFFFFC60] =	vst v11;
	s0 =	sand.u32 $0x300, s3  }
.LBB1_4:
0x3f: {  	p1 =	sne.s32 s31, $0x380;
	v8 =	vld [tilespmem:s29+$0xFFFFFFD0];
	s3 =	sand.u32 $0x80, s3;
	s0 =	sadd.s32 s0, s23;
	[tilespmem:s30+$0x0] =	vst v6  }
0x40: {  	s0 =	sadd.s32 s3, s0;
	v6 =	vld [tilespmem:s29+$0x430];
	[tilespmem:s30+$0x10] =	vst v5;
	s3 =	smov.u32 s31  }
0x41: {  	v5 =	vld.idx.msk [tilespmem:v0+s0+$0x400 ss:$0x1], $0xffff;
	[tilespmem:s30+$0x20] =	vst v3  }
0x42: {  	v3 =	vld [tilespmem:s29+$0xFFFFFFE0];
	[tilespmem:s30+$0x30] =	vst v4  }
0x43: {  	v4 =	vld [tilespmem:s29+$0xFFFFFFF0];
	[tilespmem:s30+$0xFFFFFBF0] =	vst v7  }
0x44: {  	v7 =	vld [tilespmem:s29+$0x0];
	[tilespmem:s30+$0x40] =	vst v1  }
0x45: {  	v1 =	vld [tilespmem:s29+$0x10];
	[tilespmem:s30+$0x50] =	vst v2;
	s30 =	sadd.s32 $0x800, s30  }
0x46: {  	s28 =	sadd.s32 $0x800, s28;
	v2 =	vld [tilespmem:s29+$0x20];
	[tilespmem:s30+$0x60] =	vst v6  }
0x47: {  	v9 =	vld [tilespmem:s29+$0x30];
	[tilespmem:s28+$0x0] =	vst v5  }
0x48: {  	[tilespmem:s30+$0xFFFFFC00] =	vst v8;
	v6 =	vld [tilespmem:s29+$0x3D0]  }
0x49: {  	[tilespmem:s30+$0xFFFFFC10] =	vst v3;
	v5 =	vld [tilespmem:s29+$0x3E0]  }
.Ltmp3:
0x4a: {  	[tilespmem:s30+$0xFFFFFC20] =	vst v4;
	v3 =	vld [tilespmem:s29+$0x3F0];
	(pc) =	sbr.rel @p1 .LBB1_4-.Ltmp3, $4  }
0x4b: {  	[tilespmem:s30+$0xFFFFFC30] =	vst v7;
	v4 =	vld [tilespmem:s29+$0x400]  }
0x4c: {  	[tilespmem:s30+$0xFFFFFC40] =	vst v1;
	v1 =	vld [tilespmem:s29+$0x410]  }
0x4d: {  	[tilespmem:s30+$0xFFFFFC50] =	vst v2;
	v2 =	vld [tilespmem:s29+$0x420]  }
0x4e: {  	s31 =	sadd.s32 $0x80, s31;
	s0 =	sand.u32 $0x300, s3;
	v7 =	vld [tilespmem:s29+$0xFFFFFFC0];
	[tilespmem:s30+$0xFFFFFC60] =	vst v9;
	s29 =	sadd.s32 $0x80, s29  }
0x4f: {  	[tilespmem:s30+$0x0] =	vst v6  }
0x50: {  	[tilespmem:s30+$0x10] =	vst v5  }
0x51: {  	v49 =	vld [tilespmem:s29+$0x430];
	[tilespmem:s30+$0x20] =	vst v3  }
0x52: {  	v50 =	vld [tilespmem:s29+$0xFFFFFFD0];
	[tilespmem:s30+$0x30] =	vst v4  }
0x53: {  	v51 =	vld [tilespmem:s29+$0xFFFFFFE0];
	[tilespmem:s30+$0x40] =	vst v1  }
0x54: {  	v52 =	vld [tilespmem:s29+$0xFFFFFFF0];
	[tilespmem:s30+$0x50] =	vst v2  }
0x55: {  	v53 =	vld [tilespmem:s29+$0x0];
	[tilespmem:s30+$0xFFFFFBF0] =	vst v7;
	s30 =	sadd.s32 $0x800, s30  }
0x56: {  	v54 =	vld [tilespmem:s29+$0x10];
	[tilespmem:s30+$0x60] =	vst v49  }
0x57: {  	v55 =	vld [tilespmem:s29+$0x20];
	[tilespmem:s30+$0xFFFFFC00] =	vst v50  }
0x58: {  	v56 =	vld [tilespmem:s29+$0x30];
	[tilespmem:s30+$0xFFFFFC10] =	vst v51  }
0x59: {  	v57 =	vld [tilespmem:s29+$0x3D0];
	[tilespmem:s30+$0xFFFFFC20] =	vst v52  }
0x5a: {  	v58 =	vld [tilespmem:s29+$0x3E0];
	[tilespmem:s30+$0xFFFFFC30] =	vst v53  }
0x5b: {  	v59 =	vld [tilespmem:s29+$0x3F0];
	[tilespmem:s30+$0xFFFFFC40] =	vst v54  }
0x5c: {  	v60 =	vld [tilespmem:s29+$0x400];
	[tilespmem:s30+$0xFFFFFC50] =	vst v55  }
0x5d: {  	v61 =	vld [tilespmem:s29+$0xFFFFFFC0];
	[tilespmem:s30+$0xFFFFFC60] =	vst v56  }
0x5e: {  	s3 =	sand.u32 $0x80, s3;
	s0 =	sadd.s32 s0, s23;
	v62 =	vld [tilespmem:s29+$0x410];
	[tilespmem:s30+$0x0] =	vst v57  }
0x5f: {  	v63 =	vld [tilespmem:s29+$0x420];
	s27 =	sadd.s32 $0x1, s27;
	s0 =	sadd.s32 s3, s0;
	[tilespmem:s30+$0x10] =	vst v58  }
0x60: {  	p1 =	sne.s32 s27, $0x8;
	v0 =	vld.idx.msk [tilespmem:v0+s0+$0x400 ss:$0x1], $0xffff;
	[tilespmem:s30+$0x20] =	vst v59  }
.Ltmp4:
0x61: {  	[tilespmem:s30+$0x30] =	vst v60;
	(pc) =	sbr.rel @p1 .LBB1_3-.Ltmp4, $4  }
0x62: {  	[tilespmem:s30+$0xFFFFFBF0] =	vst v61  }
0x63: {  	[tilespmem:s30+$0x40] =	vst v62  }
0x64: {  	s31 =	sadd.s32 $0x800, s28;
	s21 =	sadd.s32 $0x800, s21;
	[tilespmem:s30+$0x50] =	vst v63  }
0x65: {  	s26 =	sadd.s32 $0x80, s26;
	p0 =	por !p0, !p0;
	s22 =	sadd.s32 $0x80, s22;
	[tilespmem:s31+$0x0] =	vst v0  }
0x66: {  	s0 =	sshll.u32 s19, $0x7  }
0x67: {  	s3 =	sand.u32 $0x78, s16;
	s18 =	sshll.u32 s18, $0x15;
	s17 =	sshll.u32 s17, $0x12  }
0x68: {  	s30 =	sand.u32 $0x7, s16;
	s19 =	sand.u32 $0x380, s0;
	s0 =	sand.u32 $0x3FC00, s0  }
.Ltmp5:
0x69: {  	s18 =	sadd.s32 s7, s18;
	s3 =	sor.u32 s19, s3;
	(pc) =	sbr.rel .LBB1_7-.Ltmp5, $4  }
0x6a: {  	s0 =	sadd.s32 s16, s0;
	s17 =	sadd.s32 s17, s18;
	s3 =	sshrl.u32 s3, $0x3  }
0x6b: {  	s16 =	sshll.u32 s30, $0x12;
	s0 =	sand.u32 $0x3FF80, s0;
	s3 =	sadd.s32 s3, s17  }
0x6c: {  	s31 =	sor.u32 $0x800, s16;
	s0 =	sadd.s32 s0, s3  }
0x6d: {  	[hbm4b:s0+s31] =	stream.strided.scatter [tilespmem:s20], [sflag:$0x2], $0x4000, s9, s31, $0x38;
	[tilespmem:$0x10000] =	vst v63  }
.LBB1_8:
0x6e: {  	_ =	sfence.sel $0x180000  }
0x6f: {  	s0 =	simm.s32 $0x1;
	[bflag:$0x0] =	sbarrier.arrive $0xFFFF  }
0x70: {  	s30 =	simm.s32 $0x2;
	[sflag:s0] =	ssyncpa.u1 $0x1  }
0x71: {  	[sflag:s30] =	ssyncpa.u1 $0x1  }
0x72: {  	_ =	strace $0x9000004D  }
0x73: {  	s31 =	stileid.u32;
	[bflag:$0x2] =	sbarrier.arrive $0xFFFF  }
0x74: {  	p0 =	sne.s32 s31, $0x0;
	s0 =	rddreg [dreg:$0x1]  }
0x75: {  	s0 =	sadd.s32 @!p0 $0x100000, s0  }
0x76: {  	[sflag:s0] =	ssyncadd.tile.s32 @!p0 $0x1;
	_ =	shalt  }
.Lfunc_end1:
_tile_overlayer_lowered:
.L_overlay_start_2:
0x77: {  	(tag) =	ssettag $0x2  }
0x78: {  	s0 =	rddreg [dreg:$0x0];
	s2 =	stileid.u32  }
0x79: {  	s1 =	rddreg [dreg:$0x1];
	p0 =	sne.s32 s2, $0x0  }
0x7a: {  	s3 =	rddreg [dreg:$0x2];
	[bflag:$0x3] =	sbarrier.arrive $0xFFFF;
	s2 =	simm.s32 @!p0 $0x1C01  }
0x7b: {  	[timem:s3], [sflag:s2] =	dma.local @!p0 [hbm:s0], s1  }
0x7c: {  	s0 =	simm.s32 @!p0 $0x1  }
0x7d: {  	_ =	swait.ge @!p0 [sflag:s0], s1  }
0x7e: {  	s1 =	ssub.s32 @!p0 $0x0, s1;
	[sflag:s0] =	ssyncset.done @!p0 $0x0  }
0x7f: {  	[sflag:s0] =	ssyncadd.s32 @!p0 s1  }
0x80: {  	[bflag:$0x3] =	sbarrier.arrive $0xFFFF  }
0x81: {  	_ =	shalt  }

// kernel: sparse-core-data-format-call.4.cloned.1.call-start
scs
called_computation.4_lowered:
.L_overlay_start_0:
0x0: {  	s2 =	sld [smem:$0x3FD9]  }
0x1: {  	s3 =	sld [smem:$0x3FFE];
	_ =	sdelay $0x1  }
0x2: {  	s1 =	srdreg.scid  }
0x3: {  	s0 =	sand.u32 $0x1, s1  }
0x4: {  	s15 =	sshll.u32 s0, $0xA;
	s2 =	sadd.s32 s3, s2  }
0x5: {  	s2 =	sadd.s32 s2, s15  }
0x6: {  	[smem:$0x3FBD] =	sst s2  }
0x7: {  	_ = 	snop  }
0x8: {  	s2 =	sld [smem:$0x3FD0];
	_ =	sdelay $0x2  }
0x9: {  	s16 =	simm.s32 $0xB;
	s4 =	simm.s32 $0x10  }
0xa: {  	[smem:s4], [sflag:s16] =	dma.local [hbm:s2], $0x1  }
0xb: {  	_ =	swait.eq [sflag:s16], $0x1  }
0xc: {  	[sflag:s16] =	ssyncset.done $0x0  }
0xd: {  	[sflag:s16] =	ssyncadd.s32 $0xFFFFFFFF  }
0xe: {  	s17 =	sld [smem:$0x12];
	(tm) =	ssettm $0x1  }
0xf: {  	s18 =	sld [smem:$0x3FFB];
	_ =	sdelay $0x3  }
0x10: {  	_ =	strace s18  }
0x11: {  	s3 =	sld [smem:$0x3FFC];
	_ =	sdelay $0x3  }
0x12: {  	_ =	strace s3  }
0x13: {  	s3 =	sld [smem:$0x3FFD];
	_ =	sdelay $0x3  }
0x14: {  	_ =	strace s3  }
0x15: {  	_ =	strace $0x8FFFFFFF  }
0x16: {  	s19 =	sld [smem:$0x3FDB];
	_ =	sdelay $0x1  }
0x17: {  	s20 =	simm.s32 $_scs_section_size  }
0x18: {  	s5 =	simm.s32 $_size__tile_overlayer_lowered;
	s6 =	simm.s32 $_tile_overlayer_lowered  }
0x19: {  	s23 =	simm.s32 $0x1BFF;
	s22 =	sshll.u32 s6, $0x1;
	s3 =	sadd.s32 s20, s19  }
0x1a: {  	s7 =	simm.s32 $0x0;
	s21 =	sshll.u32 s5, $0x1;
	s5 =	sadd.s32 s22, s3  }
0x1b: {  	[timem:s7], [sflag:s23] =	dma.local [hbm:s5], s21  }
0x1c: {  	_ =	swait.ge [sflag:s23], s21  }
0x1d: {  	s4 =	ssub.s32 $0x0, s21;
	[sflag:s23] =	ssyncset.done $0x0  }
0x1e: {  	[sflag:s23] =	ssyncadd.s32 s4;
	_ =	sdelay $0x1  }
0x1f: {  	s24 =	simm.s32 $0x1B8B  }
0x20: {  	_ =	swait.ge [sflag:s24], $0x1  }
0x21: {  	[sflag:s24] =	ssyncset.done $0x0  }
0x22: {  	s26 =	simm.s32 $0x1B8E;
	s25 =	sld [smem:$0x3FFE];
	[sflag:s24] =	ssyncadd.s32 $0xFFFFFFFF  }
0x23: {  	s27 =	simm.s32 $execute0_lowered;
	[smem:$0x3FD2] =	sst s26  }
0x24: {  	s5 =	sshll.u32 s27, $0x1;
	_ =	strace $0x80000046;
	[dreg:$0x1] =	wrdreg $0xFFFFFFFF  }
0x25: {  	s28 =	simm.s32 $_size_execute0_lowered;
	s3 =	sadd.s32 s3, s5;
	[dreg:$0x0] =	wrdreg $0x0  }
0x26: {  	s5 =	sshll.u32 s28, $0x1;
	[dreg:$0x2] =	wrdreg s3  }
0x27: {  	[dreg:$0x3] =	wrdreg s5  }
0x28: {  	[dreg:$0x4] =	wrdreg $0xC0  }
0x29: {  	_ =	task [dreg:s7], $0x5FFFF  }
0x2a: {  	[dreg:$0x1] =	wrdreg $0xFFFFFFFF  }
0x2b: {  	[dreg:$0x0] =	wrdreg $0x60  }
0x2c: {  	[dreg:$0x2] =	wrdreg s17  }
0x2d: {  	[dreg:$0x3] =	wrdreg s25  }
0x2e: {  	[dreg:$0x4] =	wrdreg $0xA  }
0x2f: {  	_ =	task.clear_ibuf [dreg:s7], $0x5FFFF;
	_ =	strace $0x90000046  }
0x30: {  	s29 =	simm.s32 $0xA;
	_ =	strace $0x80000048  }
0x31: {  	_ =	swait.ge [sflag:s29], $0x1  }
0x32: {  	[sflag:s29] =	ssyncadd.s32 $0xFFFFFFFF  }
0x33: {  	_ =	strace $0x90000048  }
0x34: {  	_ =	sfence  }
0x35: {  	s30 =	sld [smem:$0x0];
	_ =	sdelay $0x2  }
0x36: {  	s31 =	sshll.u32 s1, $0xD;
	s1 =	sshrl.u32 s1, $0x2  }
0x37: {  	s3 =	sand.u32 $0x4000, s31;
	s1 =	sadd.s32 s1, s30  }
0x38: {  	s0 =	sor.u32 s3, s0;
	s1 =	sshll.u32 s1, $0x11  }
0x39: {  	s0 =	sor.u32 s1, s0  }
0x3a: {  	s0 =	sadd.s32 $0x8F2B, s0  }
0x3b: {  	[sflag:s0] =	ssyncadd.remote.s32 $0x1  }
0x3c: {  	_ =	sfence.sel $0xFFFF  }
0x3d: {  	[dreg:$0x0] =	wrdreg $0xFFFFFFFF;
	(pc) =	sbr.abs _section_cstart, $3  }
0x3e: {  	[dreg:$0x1] =	wrdreg $0xFFFFFFFF  }
0x3f: {  	_ =	task.clear_ibuf [dreg:s7], $0x2FFFF;
	_ =	strace $0x9FFFFFFF  }
0x40: {  	(tm) =	ssettm $0x7FFFFFFF  }
0x41: {  	_ =	shalt  }
tec
execute0_lowered:
.L_overlay_start_1:
0x0: {  	(tag) =	ssettag $0x1  }
0x1: {  	s1 =	srdreg.scid;
	s2 =	rddreg [dreg:$0x0]  }
0x2: {  	s0 =	stileid.u32;
	s5 =	rddreg [dreg:$0x1]  }
0x3: {  	s31 =	simm.s32 $0x2;
	s17 =	simm.s32 $0x0;
	s10 =	simm.s32 $0x80  }
0x4: {  	s11 =	simm.s32 $0x400;
	s12 =	simm.s32 $0x0;
	s18 =	simm.s32 $0x0  }
0x5: {  	s19 =	simm.s32 $0x0;
	s16 =	simm.s32 $0x0;
	s1 =	sshll.u32 s1, $0x7  }
0x6: {  	s3 =	sand.u32 $0x1, s0;
	s5 =	sadd.s32 $0x6A00, s5;
	s4 =	sand.u32 $0x80, s1  }
0x7: {  	s6 =	ssub.s32 $0x2, s3;
	s1 =	rddreg [dreg:$0x2];
	s7 =	ssub.s32 $0x4000, s4  }
0x8: {  	s8 =	sshrl.u32 s6, $0x1;
	s6 =	sand.u32 $0x1, s6;
	s9 =	sshrl.u32 s7, $0x7  }
.Ltmp0:
0x9: {  	s7 =	sshrl.u32 s7, $0x8;
	s9 =	sand.u32 $0x1, s9;
	(pc) =	sbr.rel .LBB1_1-.Ltmp0, $4  }
0xa: {  	_ =	strace $0x80000047;
	s8 =	sadd.s32 s6, s8;
	s7 =	sadd.s32 s7, s9  }
0xb: {  	s15 =	smov.u32 s3;
	s6 =	simm.s32 $0x1;
	s7 =	smul.u32 s8, s7  }
0xc: {  	s13 =	smov.u32 s4;
	[sflag:s6] =	ssyncpa.u1 $0x0;
	s8 =	sshrl.u32 s0, $0x1  }
0xd: {  	[sflag:s31] =	ssyncpa.u1 $0x0;
	s14 =	smov.u32 s8;
	s9 =	sadd.s32 $0x1, s7  }
.LBB1_4:
0xe: {  	_ =	sdelay $0x3  }
0xf: {  	[tilespmem:v0+s21+$0xFFFFFFA0 ss:$0x1] =	vst.idx.msk $0xffff, v6  }
0x10: {  	v56 =	vld.idx.msk [tilespmem:v1+s22+$0x30 ss:$0x1], $0xffff;
	[tilespmem:v0+s21+$0xFFFFFFB0 ss:$0x1] =	vst.idx.msk $0xffff, v4  }
0x11: {  	v57 =	vld.idx.msk [tilespmem:v1+s22+$0xFFFFFFC0 ss:$0x1], $0xffff;
	[tilespmem:v0+s21+$0xFFFFFFC0 ss:$0x1] =	vst.idx.msk $0xffff, v2  }
0x12: {  	v58 =	vld.idx.msk [tilespmem:v1+s22+$0xFFFFFFD0 ss:$0x1], $0xffff;
	[tilespmem:v0+s21+$0xFFFFFFD0 ss:$0x1] =	vst.idx.msk $0xffff, v3  }
0x13: {  	v59 =	vld.idx.msk [tilespmem:v1+s22+$0xFFFFFFE0 ss:$0x1], $0xffff;
	[tilespmem:v0+s21+$0xFFFFFFE0 ss:$0x1] =	vst.idx.msk $0xffff, v5  }
0x14: {  	v60 =	vld.idx.msk [tilespmem:v1+s22+$0xFFFFFFF0 ss:$0x1], $0xffff;
	[tilespmem:v0+s21+$0xFFFFFFF0 ss:$0x1] =	vst.idx.msk $0xffff, v7  }
0x15: {  	v61 =	vld.idx.msk [tilespmem:v1+s22+$0x0 ss:$0x1], $0xffff;
	[tilespmem:v0+s22+$0x0 ss:$0x1] =	vst.idx.msk $0xffff, v56  }
0x16: {  	v62 =	vld.idx.msk [tilespmem:v1+s22+$0x10 ss:$0x1], $0xffff;
	[tilespmem:v0+s22+$0xFFFFFF90 ss:$0x1] =	vst.idx.msk $0xffff, v57  }
0x17: {  	v63 =	vld.idx.msk [tilespmem:v1+s22+$0x20 ss:$0x1], $0xffff;
	[tilespmem:v0+s22+$0xFFFFFFA0 ss:$0x1] =	vst.idx.msk $0xffff, v58  }
0x18: {  	[tilespmem:v0+s22+$0xFFFFFFB0 ss:$0x1] =	vst.idx.msk $0xffff, v59  }
0x19: {  	s19 =	sshll.u32 s19, $0x15;
	[tilespmem:v0+s22+$0xFFFFFFC0 ss:$0x1] =	vst.idx.msk $0xffff, v60  }
0x1a: {  	s17 =	sshll.u32 s17, $0x7;
	s18 =	sshll.u32 s18, $0x4;
	s19 =	sadd.s32 s5, s19;
	[tilespmem:v0+s22+$0xFFFFFFD0 ss:$0x1] =	vst.idx.msk $0xffff, v61  }
0x1b: {  	s18 =	sand.u32 $0x70, s18;
	s17 =	sadd.s32 s17, s19;
	[tilespmem:v0+s22+$0xFFFFFFE0 ss:$0x1] =	vst.idx.msk $0xffff, v62  }
0x1c: {  	s17 =	sadd.s32 s18, s17;
	[tilespmem:v0+s22+$0xFFFFFFF0 ss:$0x1] =	vst.idx.msk $0xffff, v63  }
0x1d: {  	[hbm4b:s17+s10] =	stream.strided.scatter [tilespmem:s20], [sflag:$0x2], $0x4000, s11, s10, $0x38;
	[tilespmem:$0x10000] =	vst v63  }
.LBB1_5:
0x1e: {  	s20 =	sadd.s32 $0x100, s13  }
0x1f: {  	s17 =	sadd.s32 $0x8, s14;
	s21 =	smov.u32 s14;
	p1 =	sgt.s32 s20, $0x3FFF  }
0x20: {  	s21 =	smov.u32 @p1 s17  }
0x21: {  	s23 =	smov.u32 s15;
	s17 =	sadd.s32 $0x2, s15;
	p2 =	sgt.s32 s21, $0x7  }
0x22: {  	s23 =	smov.u32 @p2 s17  }
0x23: {  	s20 =	smov.u32 @p1 s4;
	p1 =	sgt.s32 s23, $0x1  }
0x24: {  	p0 =	slt.u32 s16, $0x2;
	s23 =	smov.u32 @p1 s3;
	p1 =	sne.s32 s16, s9  }
.Ltmp1:
0x25: {  	s22 =	simm.s32 @!p0 $0x2;
	(pc) =	sbr.rel @!p1 .LBB1_6-.Ltmp1, $4  }
0x26: {  	s18 =	smov.u32 s14;
	s19 =	smov.u32 s15;
	_ =	swait.ge @!p0 [sflag:s22], $0x4000  }
0x27: {  	s12 =	sadd.s32 $0x4000, s12;
	[sflag:s22] =	ssyncset.done @!p0 $0x0;
	s21 =	smov.u32 @p2 s8  }
0x28: {  	s17 =	smov.u32 s13;
	[sflag:s22] =	ssyncadd.s32 @!p0 $0xFFFFC000;
	s13 =	smov.u32 s20  }
0x29: {  	s14 =	smov.u32 s21;
	s16 =	sadd.s32 $0x1, s16;
	s15 =	smov.u32 s23  }
.LBB1_1:
0x2a: {  	p0 =	sge.u32 s16, s7  }
0x2b: {  	s31 =	sadd.s32 $0xFFFFFFFF, s16;
	s20 =	sxor.u32 @!p0 $0xFFFFFFFF, s16;
	s21 =	sshll.u32 @!p0 s15, $0x15  }
0x2c: {  	s22 =	sshll.u32 @!p0 s14, $0x12;
	s23 =	sshll.u32 @!p0 s13, $0x4;
	s21 =	sadd.s32 @!p0 s2, s21  }
0x2d: {  	s20 =	sshll.u32 @!p0 s20, $0xE;
	s23 =	sand.u32 @!p0 $0x3FFF0, s23;
	s21 =	sadd.s32 @!p0 s22, s21  }
0x2e: {  	s20 =	sand.u32 @!p0 $0x4000, s20;
	s22 =	simm.s32 @!p0 $0x0;
	s21 =	sadd.s32 @!p0 s23, s21  }
0x2f: {  	[tilespmem:s20], [sflag:$0x1] =	stream.linear.gather @!p0 [hbm4b:s21+s22], $0x4000, $0x38;
	[tilespmem:$0x10000] =	vst v63  }
0x30: {  	p0 =	sge.u32 s31, s7  }
.Ltmp2:
0x31: {  	_ = 	snop;
	(pc) =	sbr.rel @p0 .LBB1_5-.Ltmp2, $1  }
0x32: {  	_ =	sdelay $0x3  }
0x33: {  	s20 =	sand.u32 $0x4000, s12  }
0x34: {  	s21 =	sor.u32 $0x40, s20  }
0x35: {  	v1 =	vmov s21;
	_ =	sdelay $0x1  }
0x36: {  	_ =	swait.ge [sflag:s6], $0x4000  }
0x37: {  	[sflag:s6] =	ssyncset.done $0x0  }
0x38: {  	[sflag:s6] =	ssyncadd.s32 $0xFFFFC000;
	s21 =	simm.s32 $0x0  }
0x39: {  	s20 =	sor.u32 $0x8070, s20;
	v7 =	vld.idx.msk [tilespmem:v1+s21+$0x30 ss:$0x1], $0xffff  }
0x3a: {  	v0 =	vmov s20;
	v8 =	vld.idx.msk [tilespmem:v1+s21+$0xFFFFFFC0 ss:$0x1], $0xffff  }
0x3b: {  	v6 =	vld.idx.msk [tilespmem:v1+s21+$0xFFFFFFD0 ss:$0x1], $0xffff  }
0x3c: {  	v4 =	vld.idx.msk [tilespmem:v1+s21+$0xFFFFFFE0 ss:$0x1], $0xffff  }
0x3d: {  	v2 =	vld.idx.msk [tilespmem:v1+s21+$0xFFFFFFF0 ss:$0x1], $0xffff  }
0x3e: {  	s31 =	sshll.u32 s16, $0xE;
	v3 =	vld.idx.msk [tilespmem:v1+s21+$0x0 ss:$0x1], $0xffff  }
0x3f: {  	s20 =	sand.u32 $0x4000, s31;
	v5 =	vld.idx.msk [tilespmem:v1+s21+$0x10 ss:$0x1], $0xffff;
	[tilespmem:v0+s21+$0x0 ss:$0x1] =	vst.idx.msk $0xffff, v7  }
0x40: {  	s22 =	simm.s32 $0x80;
	s23 =	simm.s32 $0x400;
	s20 =	sor.u32 $0x8000, s20;
	[tilespmem:v0+s21+$0xFFFFFF90 ss:$0x1] =	vst.idx.msk $0xffff, v8;
	v7 =	vld.idx.msk [tilespmem:v1+s21+$0x20 ss:$0x1], $0xffff  }
.LBB1_3:
0x41: {  	p0 =	sne.s32 s23, $0xFE00;
	v8 =	vld.idx.msk [tilespmem:v1+s22+$0x30 ss:$0x1], $0xffff;
	[tilespmem:v0+s21+$0xFFFFFFA0 ss:$0x1] =	vst.idx.msk $0xffff, v6  }
0x42: {  	v9 =	vld.idx.msk [tilespmem:v1+s22+$0xFFFFFFC0 ss:$0x1], $0xffff;
	[tilespmem:v0+s21+$0xFFFFFFB0 ss:$0x1] =	vst.idx.msk $0xffff, v4  }
0x43: {  	v6 =	vld.idx.msk [tilespmem:v1+s22+$0xFFFFFFD0 ss:$0x1], $0xffff;
	[tilespmem:v0+s21+$0xFFFFFFC0 ss:$0x1] =	vst.idx.msk $0xffff, v2  }
.Ltmp3:
0x44: {  	v4 =	vld.idx.msk [tilespmem:v1+s22+$0xFFFFFFE0 ss:$0x1], $0xffff;
	[tilespmem:v0+s21+$0xFFFFFFD0 ss:$0x1] =	vst.idx.msk $0xffff, v3;
	(pc) =	sbr.rel @p0 .LBB1_3-.Ltmp3, $4  }
0x45: {  	v2 =	vld.idx.msk [tilespmem:v1+s22+$0xFFFFFFF0 ss:$0x1], $0xffff;
	[tilespmem:v0+s21+$0xFFFFFFE0 ss:$0x1] =	vst.idx.msk $0xffff, v5  }
0x46: {  	v3 =	vld.idx.msk [tilespmem:v1+s22+$0x0 ss:$0x1], $0xffff;
	[tilespmem:v0+s21+$0xFFFFFFF0 ss:$0x1] =	vst.idx.msk $0xffff, v7;
	s21 =	smov.u32 s22  }
0x47: {  	v5 =	vld.idx.msk [tilespmem:v1+s21+$0x10 ss:$0x1], $0xffff;
	[tilespmem:v0+s21+$0x0 ss:$0x1] =	vst.idx.msk $0xffff, v8  }
0x48: {  	s22 =	sshra.s32 s23, $0x2;
	s23 =	sadd.s32 $0x200, s23;
	[tilespmem:v0+s21+$0xFFFFFF90 ss:$0x1] =	vst.idx.msk $0xffff, v9;
	v7 =	vld.idx.msk [tilespmem:v1+s21+$0x20 ss:$0x1], $0xffff  }
.Ltmp4:
0x49: {  	_ = 	snop;
	(pc) =	sbr.rel .LBB1_4-.Ltmp4, $1  }
0x4a: {  	_ =	sdelay $0x3  }
.LBB1_6:
0x4b: {  	_ =	sfence.sel $0x180000  }
0x4c: {  	s2 =	simm.s32 $0x1;
	[bflag:$0x0] =	sbarrier.arrive $0xFFFF  }
0x4d: {  	s31 =	simm.s32 $0x2;
	[sflag:s2] =	ssyncpa.u1 $0x1  }
0x4e: {  	[sflag:s31] =	ssyncpa.u1 $0x1  }
0x4f: {  	p0 =	sne.s32 s0, $0x0;
	_ =	strace $0x90000047  }
0x50: {  	s0 =	sadd.s32 @!p0 $0x100000, s1;
	[bflag:$0x2] =	sbarrier.arrive $0xFFFF  }
0x51: {  	[sflag:s0] =	ssyncadd.tile.s32 @!p0 $0x1;
	_ =	shalt  }
.Lfunc_end1:
_tile_overlayer_lowered:
.L_overlay_start_2:
0x52: {  	(tag) =	ssettag $0x2  }
0x53: {  	s0 =	rddreg [dreg:$0x0];
	s2 =	stileid.u32  }
0x54: {  	s1 =	rddreg [dreg:$0x1];
	p0 =	sne.s32 s2, $0x0  }
0x55: {  	s3 =	rddreg [dreg:$0x2];
	[bflag:$0x3] =	sbarrier.arrive $0xFFFF;
	s2 =	simm.s32 @!p0 $0x1C01  }
0x56: {  	[timem:s3], [sflag:s2] =	dma.local @!p0 [hbm:s0], s1  }
0x57: {  	s0 =	simm.s32 @!p0 $0x1  }
0x58: {  	_ =	swait.ge @!p0 [sflag:s0], s1  }
0x59: {  	s1 =	ssub.s32 @!p0 $0x0, s1;
	[sflag:s0] =	ssyncset.done @!p0 $0x0  }
0x5a: {  	[sflag:s0] =	ssyncadd.s32 @!p0 s1  }
0x5b: {  	[bflag:$0x3] =	sbarrier.arrive $0xFFFF  }
0x5c: {  	_ =	shalt  }

// kernel: sparse-core-data-format-call.cloned.1.call-start
scs
called_computation_lowered:
.L_overlay_start_0:
0x0: {  	s2 =	sld [smem:$0x3FD9]  }
0x1: {  	s3 =	sld [smem:$0x3FFE];
	_ =	sdelay $0x1  }
0x2: {  	s1 =	srdreg.scid  }
0x3: {  	s0 =	sand.u32 $0x1, s1  }
0x4: {  	s15 =	sshll.u32 s0, $0xA;
	s2 =	sadd.s32 s3, s2  }
0x5: {  	s2 =	sadd.s32 s2, s15  }
0x6: {  	[smem:$0x3FBD] =	sst s2  }
0x7: {  	_ = 	snop  }
0x8: {  	s2 =	sld [smem:$0x3FD0];
	_ =	sdelay $0x2  }
0x9: {  	s16 =	simm.s32 $0xB;
	s4 =	simm.s32 $0x10  }
0xa: {  	[smem:s4], [sflag:s16] =	dma.local [hbm:s2], $0x1  }
0xb: {  	_ =	swait.eq [sflag:s16], $0x1  }
0xc: {  	[sflag:s16] =	ssyncset.done $0x0  }
0xd: {  	[sflag:s16] =	ssyncadd.s32 $0xFFFFFFFF  }
0xe: {  	s17 =	sld [smem:$0x12];
	(tm) =	ssettm $0x1  }
0xf: {  	s18 =	sld [smem:$0x3FFB];
	_ =	sdelay $0x3  }
0x10: {  	_ =	strace s18  }
0x11: {  	s3 =	sld [smem:$0x3FFC];
	_ =	sdelay $0x3  }
0x12: {  	_ =	strace s3  }
0x13: {  	s3 =	sld [smem:$0x3FFD];
	_ =	sdelay $0x3  }
0x14: {  	_ =	strace s3  }
0x15: {  	_ =	strace $0x8FFFFFFF  }
0x16: {  	s19 =	sld [smem:$0x3FDB];
	_ =	sdelay $0x1  }
0x17: {  	s20 =	simm.s32 $_scs_section_size  }
0x18: {  	s5 =	simm.s32 $_size__tile_overlayer_lowered;
	s6 =	simm.s32 $_tile_overlayer_lowered  }
0x19: {  	s23 =	simm.s32 $0x1BFF;
	s22 =	sshll.u32 s6, $0x1;
	s3 =	sadd.s32 s20, s19  }
0x1a: {  	s7 =	simm.s32 $0x0;
	s21 =	sshll.u32 s5, $0x1;
	s5 =	sadd.s32 s22, s3  }
0x1b: {  	[timem:s7], [sflag:s23] =	dma.local [hbm:s5], s21  }
0x1c: {  	_ =	swait.ge [sflag:s23], s21  }
0x1d: {  	s4 =	ssub.s32 $0x0, s21;
	[sflag:s23] =	ssyncset.done $0x0  }
0x1e: {  	[sflag:s23] =	ssyncadd.s32 s4;
	_ =	sdelay $0x1  }
0x1f: {  	s24 =	simm.s32 $0x1B8B  }
0x20: {  	_ =	swait.ge [sflag:s24], $0x1  }
0x21: {  	[sflag:s24] =	ssyncset.done $0x0  }
0x22: {  	s26 =	simm.s32 $0x1B8E;
	s25 =	sld [smem:$0x3FFE];
	[sflag:s24] =	ssyncadd.s32 $0xFFFFFFFF  }
0x23: {  	s27 =	simm.s32 $execute0_lowered;
	[smem:$0x3FD2] =	sst s26  }
0x24: {  	s5 =	sshll.u32 s27, $0x1;
	_ =	strace $0x80000055;
	[dreg:$0x1] =	wrdreg $0xFFFFFFFF  }
0x25: {  	s28 =	simm.s32 $_size_execute0_lowered;
	s3 =	sadd.s32 s3, s5;
	[dreg:$0x0] =	wrdreg $0x0  }
0x26: {  	s5 =	sshll.u32 s28, $0x1;
	[dreg:$0x2] =	wrdreg s3  }
0x27: {  	[dreg:$0x3] =	wrdreg s5  }
0x28: {  	[dreg:$0x4] =	wrdreg $0xC0  }
0x29: {  	_ =	task [dreg:s7], $0x5FFFF  }
0x2a: {  	[dreg:$0x1] =	wrdreg $0xFFFFFFFF  }
0x2b: {  	[dreg:$0x0] =	wrdreg $0x60  }
0x2c: {  	[dreg:$0x2] =	wrdreg s25  }
0x2d: {  	[dreg:$0x3] =	wrdreg s17  }
0x2e: {  	[dreg:$0x4] =	wrdreg $0x9  }
0x2f: {  	_ =	task.clear_ibuf [dreg:s7], $0x5FFFF;
	_ =	strace $0x90000055  }
0x30: {  	s29 =	simm.s32 $0x9;
	_ =	strace $0x80000057  }
0x31: {  	_ =	swait.ge [sflag:s29], $0x1  }
0x32: {  	[sflag:s29] =	ssyncadd.s32 $0xFFFFFFFF  }
0x33: {  	_ =	strace $0x90000057  }
0x34: {  	_ =	sfence  }
0x35: {  	s30 =	sld [smem:$0x0];
	_ =	sdelay $0x2  }
0x36: {  	s31 =	sshll.u32 s1, $0xD;
	s1 =	sshrl.u32 s1, $0x2  }
0x37: {  	s3 =	sand.u32 $0x4000, s31;
	s1 =	sadd.s32 s1, s30  }
0x38: {  	s0 =	sor.u32 s3, s0;
	s1 =	sshll.u32 s1, $0x11  }
0x39: {  	s0 =	sor.u32 s1, s0  }
0x3a: {  	s0 =	sadd.s32 $0x8F2B, s0  }
0x3b: {  	[sflag:s0] =	ssyncadd.remote.s32 $0x1  }
0x3c: {  	_ =	sfence.sel $0xFFFF  }
0x3d: {  	[dreg:$0x0] =	wrdreg $0xFFFFFFFF;
	(pc) =	sbr.abs _section_cstart, $3  }
0x3e: {  	[dreg:$0x1] =	wrdreg $0xFFFFFFFF  }
0x3f: {  	_ =	task.clear_ibuf [dreg:s7], $0x2FFFF;
	_ =	strace $0x9FFFFFFF  }
0x40: {  	(tm) =	ssettm $0x7FFFFFFF  }
0x41: {  	_ =	shalt  }
tec
execute0_lowered:
.L_overlay_start_1:
0x0: {  	(tag) =	ssettag $0x1  }
0x1: {  	s1 =	rddreg [dreg:$0x0]  }
0x2: {  	s2 =	rddreg [dreg:$0x1]  }
0x3: {  	s3 =	srdreg.scid;
	s0 =	rddreg [dreg:$0x2]  }
0x4: {  	_ =	strace $0x80000056;
	s5 =	simm.s32 $0x1;
	s8 =	simm.s32 $0x2  }
0x5: {  	s13 =	simm.s32 $0x0;
	p0 =	por $0x0, $0x0;
	s9 =	simm.s32 $0x800  }
.Ltmp0:
0x6: {  	s14 =	simm.s32 $0x0;
	s3 =	sand.u32 $0x1, s3;
	(pc) =	sbr.rel .LBB1_1-.Ltmp0, $4  }
0x7: {  	s11 =	stileid.u32;
	s12 =	simm.s32 $0x0;
	s6 =	ssub.s32 $0x80, s3  }
0x8: {  	s4 =	sadd.s32 $0x446A00, s1;
	[sflag:s5] =	ssyncpa.u1 $0x0;
	s7 =	sshrl.u32 s6, $0x1  }
0x9: {  	s1 =	stileid.u32;
	[sflag:s8] =	ssyncpa.u1 $0x0;
	s6 =	ssub.s32 s6, s7  }
0xa: {  	s8 =	simm.s32 $0x80;
	s10 =	smov.u32 s3;
	s7 =	sadd.s32 $0x1, s6  }
.LBB1_4:
0xb: {  	_ =	sdelay $0x3  }
0xc: {  	[tilespmem:v0+s16+$0xFFFFFFA0 ss:$0x1] =	vst.idx.msk $0xffff, v6  }
0xd: {  	v56 =	vld.idx.msk [tilespmem:v1+s17+$0x30 ss:$0x1], $0xffff;
	[tilespmem:v0+s16+$0xFFFFFFB0 ss:$0x1] =	vst.idx.msk $0xffff, v4  }
0xe: {  	v57 =	vld.idx.msk [tilespmem:v1+s17+$0xFFFFFFC0 ss:$0x1], $0xffff;
	[tilespmem:v0+s16+$0xFFFFFFC0 ss:$0x1] =	vst.idx.msk $0xffff, v2  }
0xf: {  	v58 =	vld.idx.msk [tilespmem:v1+s17+$0xFFFFFFD0 ss:$0x1], $0xffff;
	[tilespmem:v0+s16+$0xFFFFFFD0 ss:$0x1] =	vst.idx.msk $0xffff, v3  }
0x10: {  	v59 =	vld.idx.msk [tilespmem:v1+s17+$0xFFFFFFE0 ss:$0x1], $0xffff;
	[tilespmem:v0+s16+$0xFFFFFFE0 ss:$0x1] =	vst.idx.msk $0xffff, v5  }
0x11: {  	v60 =	vld.idx.msk [tilespmem:v1+s17+$0xFFFFFFF0 ss:$0x1], $0xffff;
	[tilespmem:v0+s16+$0xFFFFFFF0 ss:$0x1] =	vst.idx.msk $0xffff, v7  }
0x12: {  	v61 =	vld.idx.msk [tilespmem:v1+s17+$0x0 ss:$0x1], $0xffff;
	[tilespmem:v0+s17+$0x0 ss:$0x1] =	vst.idx.msk $0xffff, v56  }
0x13: {  	v62 =	vld.idx.msk [tilespmem:v1+s17+$0x10 ss:$0x1], $0xffff;
	[tilespmem:v0+s17+$0xFFFFFF90 ss:$0x1] =	vst.idx.msk $0xffff, v57  }
0x14: {  	v63 =	vld.idx.msk [tilespmem:v1+s17+$0x20 ss:$0x1], $0xffff;
	[tilespmem:v0+s17+$0xFFFFFFA0 ss:$0x1] =	vst.idx.msk $0xffff, v58  }
0x15: {  	[tilespmem:v0+s17+$0xFFFFFFB0 ss:$0x1] =	vst.idx.msk $0xffff, v59  }
0x16: {  	s14 =	sshll.u32 s14, $0x4;
	[tilespmem:v0+s17+$0xFFFFFFC0 ss:$0x1] =	vst.idx.msk $0xffff, v60  }
0x17: {  	s14 =	sand.u32 $0xF0, s14;
	[tilespmem:v0+s17+$0xFFFFFFD0 ss:$0x1] =	vst.idx.msk $0xffff, v61  }
0x18: {  	s13 =	sshll.u32 s13, $0xF;
	s14 =	sadd.s32 s2, s14;
	[tilespmem:v0+s17+$0xFFFFFFE0 ss:$0x1] =	vst.idx.msk $0xffff, v62  }
0x19: {  	s13 =	sadd.s32 s13, s14;
	[tilespmem:v0+s17+$0xFFFFFFF0 ss:$0x1] =	vst.idx.msk $0xffff, v63  }
0x1a: {  	[hbm4b:s13+s8] =	stream.strided.scatter [tilespmem:s15], [sflag:$0x2], $0x4000, s9, s8, $0x38;
	[tilespmem:$0x10000] =	vst v63  }
.LBB1_5:
0x1b: {  	s15 =	sadd.s32 $0x2, s10  }
0x1c: {  	s13 =	sadd.s32 $0x10, s11;
	s17 =	smov.u32 s11;
	p2 =	sgt.s32 s15, $0x7F  }
0x1d: {  	s17 =	smov.u32 @p2 s13  }
0x1e: {  	s15 =	smov.u32 @p2 s3;
	p2 =	sgt.s32 s17, $0xF  }
0x1f: {  	s17 =	smov.u32 @p2 s1;
	p2 =	sne.s32 s12, s7  }
.Ltmp1:
0x20: {  	p1 =	slt.u32 s12, $0x2;
	(pc) =	sbr.rel @!p2 .LBB1_6-.Ltmp1, $4  }
0x21: {  	s16 =	simm.s32 @!p1 $0x2  }
0x22: {  	s14 =	smov.u32 s11;
	p0 =	por !p0, !p0;
	_ =	swait.ge @!p1 [sflag:s16], $0x4000  }
0x23: {  	s13 =	smov.u32 s10;
	[sflag:s16] =	ssyncset.done @!p1 $0x0;
	s10 =	smov.u32 s15  }
0x24: {  	s12 =	sadd.s32 $0x1, s12;
	[sflag:s16] =	ssyncadd.s32 @!p1 $0xFFFFC000;
	s11 =	smov.u32 s17  }
.LBB1_1:
0x25: {  	p1 =	sge.u32 s12, s6  }
0x26: {  	s31 =	sadd.s32 $0xFFFFFFFF, s12;
	s15 =	sxor.u32 @!p1 $0xFFFFFFFF, s12;
	s16 =	sshll.u32 @!p1 s11, $0x12  }
0x27: {  	s17 =	sshll.u32 @!p1 s10, $0xB;
	s15 =	sshll.u32 @!p1 s15, $0xE;
	s16 =	sadd.s32 @!p1 s4, s16  }
0x28: {  	s15 =	sand.u32 @!p1 $0x4000, s15;
	s16 =	sadd.s32 @!p1 s17, s16;
	s17 =	simm.s32 @!p1 $0x0  }
0x29: {  	[tilespmem:s15], [sflag:$0x1] =	stream.linear.gather @!p1 [hbm4b:s16+s17], $0x4000, $0x38;
	[tilespmem:$0x10000] =	vst v63  }
0x2a: {  	p1 =	sge.u32 s31, s6  }
.Ltmp2:
0x2b: {  	_ = 	snop;
	(pc) =	sbr.rel @p1 .LBB1_5-.Ltmp2, $1  }
0x2c: {  	_ =	sdelay $0x3  }
0x2d: {  	s15 =	simm.s32 $0x1  }
0x2e: {  	s15 =	simm.s32 @!p0 $0x0  }
0x2f: {  	s15 =	sshll.u32 s15, $0xE  }
0x30: {  	s16 =	sor.u32 $0x40, s15  }
0x31: {  	v1 =	vmov s16;
	_ =	sdelay $0x1  }
0x32: {  	_ =	swait.ge [sflag:s5], $0x4000  }
0x33: {  	[sflag:s5] =	ssyncset.done $0x0  }
0x34: {  	[sflag:s5] =	ssyncadd.s32 $0xFFFFC000;
	s16 =	simm.s32 $0x0  }
0x35: {  	s15 =	sor.u32 $0x8070, s15;
	v7 =	vld.idx.msk [tilespmem:v1+s16+$0x30 ss:$0x1], $0xffff  }
0x36: {  	v0 =	vmov s15;
	v8 =	vld.idx.msk [tilespmem:v1+s16+$0xFFFFFFC0 ss:$0x1], $0xffff  }
0x37: {  	v6 =	vld.idx.msk [tilespmem:v1+s16+$0xFFFFFFD0 ss:$0x1], $0xffff  }
0x38: {  	v4 =	vld.idx.msk [tilespmem:v1+s16+$0xFFFFFFE0 ss:$0x1], $0xffff  }
0x39: {  	v2 =	vld.idx.msk [tilespmem:v1+s16+$0xFFFFFFF0 ss:$0x1], $0xffff  }
0x3a: {  	s31 =	sshll.u32 s12, $0xE;
	v3 =	vld.idx.msk [tilespmem:v1+s16+$0x0 ss:$0x1], $0xffff  }
0x3b: {  	s15 =	sand.u32 $0x4000, s31;
	v5 =	vld.idx.msk [tilespmem:v1+s16+$0x10 ss:$0x1], $0xffff;
	[tilespmem:v0+s16+$0x0 ss:$0x1] =	vst.idx.msk $0xffff, v7  }
0x3c: {  	s17 =	simm.s32 $0x80;
	s18 =	simm.s32 $0x400;
	s15 =	sor.u32 $0x8000, s15;
	[tilespmem:v0+s16+$0xFFFFFF90 ss:$0x1] =	vst.idx.msk $0xffff, v8;
	v7 =	vld.idx.msk [tilespmem:v1+s16+$0x20 ss:$0x1], $0xffff  }
.LBB1_3:
0x3d: {  	p1 =	sne.s32 s18, $0xFE00;
	v8 =	vld.idx.msk [tilespmem:v1+s17+$0x30 ss:$0x1], $0xffff;
	[tilespmem:v0+s16+$0xFFFFFFA0 ss:$0x1] =	vst.idx.msk $0xffff, v6  }
0x3e: {  	v9 =	vld.idx.msk [tilespmem:v1+s17+$0xFFFFFFC0 ss:$0x1], $0xffff;
	[tilespmem:v0+s16+$0xFFFFFFB0 ss:$0x1] =	vst.idx.msk $0xffff, v4  }
0x3f: {  	v6 =	vld.idx.msk [tilespmem:v1+s17+$0xFFFFFFD0 ss:$0x1], $0xffff;
	[tilespmem:v0+s16+$0xFFFFFFC0 ss:$0x1] =	vst.idx.msk $0xffff, v2  }
.Ltmp3:
0x40: {  	v4 =	vld.idx.msk [tilespmem:v1+s17+$0xFFFFFFE0 ss:$0x1], $0xffff;
	[tilespmem:v0+s16+$0xFFFFFFD0 ss:$0x1] =	vst.idx.msk $0xffff, v3;
	(pc) =	sbr.rel @p1 .LBB1_3-.Ltmp3, $4  }
0x41: {  	v2 =	vld.idx.msk [tilespmem:v1+s17+$0xFFFFFFF0 ss:$0x1], $0xffff;
	[tilespmem:v0+s16+$0xFFFFFFE0 ss:$0x1] =	vst.idx.msk $0xffff, v5  }
0x42: {  	v3 =	vld.idx.msk [tilespmem:v1+s17+$0x0 ss:$0x1], $0xffff;
	[tilespmem:v0+s16+$0xFFFFFFF0 ss:$0x1] =	vst.idx.msk $0xffff, v7;
	s16 =	smov.u32 s17  }
0x43: {  	v5 =	vld.idx.msk [tilespmem:v1+s16+$0x10 ss:$0x1], $0xffff;
	[tilespmem:v0+s16+$0x0 ss:$0x1] =	vst.idx.msk $0xffff, v8  }
0x44: {  	s17 =	sshra.s32 s18, $0x2;
	s18 =	sadd.s32 $0x200, s18;
	[tilespmem:v0+s16+$0xFFFFFF90 ss:$0x1] =	vst.idx.msk $0xffff, v9;
	v7 =	vld.idx.msk [tilespmem:v1+s16+$0x20 ss:$0x1], $0xffff  }
.Ltmp4:
0x45: {  	_ = 	snop;
	(pc) =	sbr.rel .LBB1_4-.Ltmp4, $1  }
0x46: {  	_ =	sdelay $0x3  }
.LBB1_6:
0x47: {  	_ =	sfence.sel $0x180000  }
0x48: {  	s2 =	simm.s32 $0x1;
	[bflag:$0x0] =	sbarrier.arrive $0xFFFF  }
0x49: {  	s31 =	simm.s32 $0x2;
	[sflag:s2] =	ssyncpa.u1 $0x1  }
0x4a: {  	[sflag:s31] =	ssyncpa.u1 $0x1  }
0x4b: {  	p0 =	sne.s32 s1, $0x0;
	_ =	strace $0x90000056  }
0x4c: {  	s0 =	sadd.s32 @!p0 $0x100000, s0;
	[bflag:$0x2] =	sbarrier.arrive $0xFFFF  }
0x4d: {  	[sflag:s0] =	ssyncadd.tile.s32 @!p0 $0x1;
	_ =	shalt  }
.Lfunc_end1:
_tile_overlayer_lowered:
.L_overlay_start_2:
0x4e: {  	(tag) =	ssettag $0x2  }
0x4f: {  	s0 =	rddreg [dreg:$0x0];
	s2 =	stileid.u32  }
0x50: {  	s1 =	rddreg [dreg:$0x1];
	p0 =	sne.s32 s2, $0x0  }
0x51: {  	s3 =	rddreg [dreg:$0x2];
	[bflag:$0x3] =	sbarrier.arrive $0xFFFF;
	s2 =	simm.s32 @!p0 $0x1C01  }
0x52: {  	[timem:s3], [sflag:s2] =	dma.local @!p0 [hbm:s0], s1  }
0x53: {  	s0 =	simm.s32 @!p0 $0x1  }
0x54: {  	_ =	swait.ge @!p0 [sflag:s0], s1  }
0x55: {  	s1 =	ssub.s32 @!p0 $0x0, s1;
	[sflag:s0] =	ssyncset.done @!p0 $0x0  }
0x56: {  	[sflag:s0] =	ssyncadd.s32 @!p0 s1  }
0x57: {  	[bflag:$0x3] =	sbarrier.arrive $0xFFFF  }
0x58: {  	_ =	shalt  }

</sc_bundles>
